<compile_context>
chip_gen: v7x
topology: tpu7x:2x2x1
jax: 0.10.2.dev20260603
libtpu: 0.0.44.dev20260713+nightly
codegen_flags: <defaults>
</compile_context>

<pallas_src>
import functools

import jax
import jax.numpy as jnp
from jax import lax
from jax.experimental import pallas as pl
from jax.experimental.pallas import tpu as pltpu
from jax.experimental.pallas import tpu_sc as plsc

NC = 2
NS = 16
NW = NC * NS
LANES = 16
CB = 1024


def _mesh():
  return plsc.VectorSubcoreMesh(core_axis_name="c", subcore_axis_name="s",
                                num_cores=NC, num_subcores=NS)


def _zero_flat(acc_v, nwords):
  z = jnp.zeros((LANES,), jnp.float32)
  def zb(i, _):
    acc_v[pl.ds(i * LANES, LANES)] = z
    return 0
  lax.fori_loop(0, nwords // LANES, zb, 0)


def _make_deg(NP, EP, TT):
  EC = EP // NW
  CBD = 640
  assert EC % CBD == 0 and CBD % 8 == 0
  NCH = EC // CBD

  @functools.partial(
      pl.kernel,
      out_type=jax.ShapeDtypeStruct((NW * TT * NP,), jnp.float32),
      mesh=_mesh(),
      compiler_params=pltpu.CompilerParams(needs_layout_passes=False),
      scratch_types=[
          pltpu.VMEM((TT * NP,), jnp.float32),
          pltpu.VMEM((CBD,), jnp.int32),
          pltpu.VMEM((TT * CBD,), jnp.float32),
      ],
  )
  def deg_kernel(row_hbm, w_hbm, out_hbm, acc_v, row_cb, w_cb):
    c = lax.axis_index("c")
    s = lax.axis_index("s")
    wid = c * NS + s
    ebase = wid * EC
    _zero_flat(acc_v, TT * NP)
    iota = lax.iota(jnp.int32, 16)
    c4 = iota // 4
    trep = iota % 4
    tcb = trep * CBD
    tnp = trep * NP

    def chunk(j, _):
      pltpu.sync_copy(row_hbm.at[pl.ds(ebase + j * CBD, CBD)], row_cb)
      for t in range(TT):
        pltpu.sync_copy(w_hbm.at[pl.ds(t * EP + ebase + j * CBD, CBD)],
                        w_cb.at[pl.ds(t * CBD, CBD)])

      def group(g, _):
        erep = jnp.broadcast_to(g * 4, (16,)) + c4
        rrep = plsc.load_gather(row_cb, [erep])
        wv = plsc.load_gather(w_cb, [tcb + erep])
        plsc.addupdate_scatter(acc_v, [tnp + rrep], wv)
        return 0

      lax.fori_loop(0, CBD // 4, group, 0)
      return 0

    lax.fori_loop(0, NCH, chunk, 0)
    pltpu.sync_copy(acc_v, out_hbm.at[pl.ds(wid * TT * NP, TT * NP)])

  return deg_kernel


def _make_spmm(NP, EP, D, TT):
  LPW = D // NW
  NCH = EP // CB

  @functools.partial(
      pl.kernel,
      out_type=jax.ShapeDtypeStruct((TT * D * NP,), jnp.float32),
      mesh=_mesh(),
      compiler_params=pltpu.CompilerParams(needs_layout_passes=False),
      scratch_types=[
          pltpu.VMEM((LPW * NP,), jnp.float32),
          pltpu.VMEM((LPW * NP,), jnp.float32),
          pltpu.VMEM((NP,), jnp.float32),
          pltpu.VMEM((CB,), jnp.int32),
          pltpu.VMEM((CB,), jnp.int32),
          pltpu.VMEM((CB,), jnp.float32),
      ],
  )
  def spmm_kernel(xT_hbm, row_hbm, col_hbm, w_hbm, dis_hbm, out_hbm,
                  acc_v, xT_v, dis_v, row_cb, col_cb, w_cb):
    c = lax.axis_index("c")
    s = lax.axis_index("s")
    wid = c * NS + s
    iota = lax.iota(jnp.int32, 16)
    c4 = iota // 4
    lnp = (iota % 4) * NP

    for t in range(TT):
      slab = (t * D + LPW * wid) * NP
      pltpu.sync_copy(xT_hbm.at[pl.ds(slab, LPW * NP)], xT_v)
      pltpu.sync_copy(dis_hbm.at[pl.ds(t * NP, NP)], dis_v)
      _zero_flat(acc_v, LPW * NP)

      def chunk(j, _):
        pltpu.sync_copy(row_hbm.at[pl.ds(j * CB, CB)], row_cb)
        pltpu.sync_copy(col_hbm.at[pl.ds(j * CB, CB)], col_cb)
        pltpu.sync_copy(w_hbm.at[pl.ds(t * EP + j * CB, CB)], w_cb)

        def group(g, _):
          base = g * 32
          for u in range(8):
            erep = jnp.broadcast_to(base + u * 4, (16,)) + c4
            rrep = plsc.load_gather(row_cb, [erep])
            crep = plsc.load_gather(col_cb, [erep])
            wrep = plsc.load_gather(w_cb, [erep])
            drep = plsc.load_gather(dis_v, [rrep])
            vals = plsc.load_gather(xT_v, [lnp + rrep])
            msg = vals * (wrep * drep)
            plsc.addupdate_scatter(acc_v, [lnp + crep], msg)
          return 0

        lax.fori_loop(0, CB // 32, group, 0)
        return 0

      lax.fori_loop(0, NCH, chunk, 0)
      pltpu.sync_copy(acc_v, out_hbm.at[pl.ds(slab, LPW * NP)])

  return spmm_kernel


def _prep_body(degp_ref, dis_ref):
  deg = jnp.sum(degp_ref[...], axis=0)
  dis_ref[...] = jnp.where(deg > 0, lax.rsqrt(jnp.maximum(deg, 1e-30)), 0.0)


def _step_body(x_ref, lx_ref, lh_ref, h_ref, c_ref, dis_ref, w4_ref, b_ref,
               wc_ref, hn_ref, cn_ref):
  disr = dis_ref[...]
  lx = lx_ref[...] * (-disr)
  lh = lh_ref[...] * (-disr)
  h = h_ref[...]
  cc = c_ref[...]
  z = (jnp.dot(x_ref[...], w4_ref[0], preferred_element_type=jnp.float32)
       + jnp.dot(lx, w4_ref[1], preferred_element_type=jnp.float32)
       + jnp.dot(h, w4_ref[2], preferred_element_type=jnp.float32)
       + jnp.dot(lh, w4_ref[3], preferred_element_type=jnp.float32)
       + b_ref[...])
  dh = h.shape[1]
  zi, zf, zc, zo = (z[:, 0:dh], z[:, dh:2 * dh], z[:, 2 * dh:3 * dh],
                    z[:, 3 * dh:4 * dh])
  gi = jax.nn.sigmoid(zi + wc_ref[0:1] * cc)
  gf = jax.nn.sigmoid(zf + wc_ref[1:2] * cc)
  cn = gf * cc + gi * jnp.tanh(zc)
  go = jax.nn.sigmoid(zo + wc_ref[2:3] * cn)
  hn = go * jnp.tanh(cn)
  cn_ref[...] = cn
  hn_ref[...] = hn


def _pool_body(h_ref, b_ref, clsw_ref, clsb_ref, out_ref, *, G):
  n = h_ref.shape[0]
  gids = lax.broadcasted_iota(jnp.int32, (n, G), 1)
  onehot = (b_ref[...] == gids).astype(jnp.float32)
  sums = lax.dot_general(onehot, h_ref[...], (((0,), (0,)), ((), ())),
                         preferred_element_type=jnp.float32)
  cnt = jnp.sum(onehot, axis=0)
  pooled = sums / jnp.maximum(cnt, 1.0)[:, None]
  out_ref[...] = (jnp.dot(pooled, clsw_ref[...],
                          preferred_element_type=jnp.float32) + clsb_ref[...])


def kernel(x, edge_index, edge_attr, batch, conv_x_W, conv_x_b, conv_h_W,
           conv_h_b, w_c, b_gate, cls_W, cls_b):
  T, N, D = x.shape
  E = edge_index.shape[1]
  G = 16
  DH = conv_x_W.shape[-1]
  DO = cls_W.shape[1]
  EPU = NW * CB
  EP = ((E + EPU - 1) // EPU) * EPU
  NP = ((N + 127) // 128) * 128 + 8

  epad = EP - E
  row = jnp.pad(edge_index[0], (0, epad))
  col = jnp.pad(edge_index[1], (0, epad))
  w_flat = jnp.pad(edge_attr, ((0, 0), (0, epad))).reshape(-1)

  degp = _make_deg(NP, EP, T)(row, w_flat)

  dis = pl.pallas_call(
      _prep_body,
      out_shape=jax.ShapeDtypeStruct((T, NP), jnp.float32),
  )(degp.reshape(NW, T, NP))
  dis_flat = dis.reshape(-1)

  xT = jnp.pad(x.transpose(0, 2, 1), ((0, 0), (0, 0), (0, NP - N)))
  lxT = _make_spmm(NP, EP, D, T)(xT.reshape(-1), row, col, w_flat, dis_flat)
  lx = lxT.reshape(T, D, NP).transpose(0, 2, 1)
  disC = dis.T

  spmm1 = _make_spmm(NP, EP, D, 1)

  wx0 = jnp.transpose(conv_x_W[:, 0], (1, 0, 2)).reshape(D, 4 * DH)
  wx1 = jnp.transpose(conv_x_W[:, 1], (1, 0, 2)).reshape(D, 4 * DH)
  wh0 = jnp.transpose(conv_h_W[:, 0], (1, 0, 2)).reshape(DH, 4 * DH)
  wh1 = jnp.transpose(conv_h_W[:, 1], (1, 0, 2)).reshape(DH, 4 * DH)
  w4 = jnp.stack([wx0, wx1, wh0, wh1])
  bias = (conv_x_b + conv_h_b + b_gate).reshape(1, 4 * DH)

  R = 2000
  step_call = pl.pallas_call(
      _step_body,
      grid=(N // R,),
      in_specs=[
          pl.BlockSpec((R, D), lambda i: (i, 0)),
          pl.BlockSpec((R, D), lambda i: (i, 0)),
          pl.BlockSpec((R, DH), lambda i: (i, 0)),
          pl.BlockSpec((R, DH), lambda i: (i, 0)),
          pl.BlockSpec((R, DH), lambda i: (i, 0)),
          pl.BlockSpec((R, 1), lambda i: (i, 0)),
          pl.BlockSpec((4, D, 4 * DH), lambda i: (0, 0, 0)),
          pl.BlockSpec((1, 4 * DH), lambda i: (0, 0)),
          pl.BlockSpec((3, DH), lambda i: (0, 0)),
      ],
      out_specs=[
          pl.BlockSpec((R, DH), lambda i: (i, 0)),
          pl.BlockSpec((R, DH), lambda i: (i, 0)),
      ],
      out_shape=[
          jax.ShapeDtypeStruct((N, DH), jnp.float32),
          jax.ShapeDtypeStruct((N, DH), jnp.float32),
      ],
  )

  H = jnp.zeros((N, DH), jnp.float32)
  C = jnp.zeros((N, DH), jnp.float32)
  zero_lh = jnp.zeros((NP, DH), jnp.float32)
  for t in range(T):
    if t == 0:
      lh = zero_lh
    else:
      ht = jnp.pad(H.T, ((0, 0), (0, NP - N)))
      lh = spmm1(ht.reshape(-1), row, col, w_flat[t * EP:(t + 1) * EP],
                 dis_flat[t * NP:(t + 1) * NP]).reshape(DH, NP).T
    H, C = step_call(x[t], lx[t], lh, H, C, disC[:, t:t + 1], w4, bias, w_c)

  out = pl.pallas_call(
      functools.partial(_pool_body, G=G),
      out_shape=jax.ShapeDtypeStruct((G, DO), jnp.float32),
  )(H, batch.reshape(N, 1), cls_W, cls_b.reshape(1, DO))
  return out

# --- scband reference (transcript-rebuilt; emitter-appended) ---
"""Pipeline reference for scband-graph-sequence-model-69191923138562 (READ-ONLY COPY).

The authoritative reference and input builder live on the scoring server;
editing this copy changes nothing except your own understanding.
"""

import jax, jax.numpy as jnp
import numpy as np

N = 10000
E = 320000
T = 4
D_IN = 128
D_H = 128
D_OUT = 10
G = 16


def setup_inputs(seed: int = 0):
    key = jax.random.key(seed)
    ks = jax.random.split(key, 10)
    x = jax.random.normal(ks[0], (T, N, D_IN), dtype=jnp.float32)
    edge_index = jax.random.randint(ks[1], (2, E), 0, N, dtype=jnp.int32)
    edge_attr = jax.random.uniform(ks[2], (T, E), dtype=jnp.float32)
    batch = jnp.sort(jax.random.randint(ks[3], (N,), 0, G, dtype=jnp.int32))
    # GConvLSTM params: 4 gates (i, f, c, o); each gate has ChebConv(K=2) on X and on H
    conv_x_W = jax.random.normal(ks[4], (4, 2, D_IN, D_H), dtype=jnp.float32) * 0.05
    conv_x_b = jnp.zeros((4, D_H), dtype=jnp.float32)
    conv_h_W = jax.random.normal(ks[5], (4, 2, D_H, D_H), dtype=jnp.float32) * 0.05
    conv_h_b = jnp.zeros((4, D_H), dtype=jnp.float32)
    w_c = jax.random.normal(ks[6], (3, D_H), dtype=jnp.float32) * 0.05  # peephole w_c_i, w_c_f, w_c_o
    b_gate = jnp.zeros((4, D_H), dtype=jnp.float32)  # b_i, b_f, b_c, b_o
    cls_W = jax.random.normal(ks[7], (D_H, D_OUT), dtype=jnp.float32) * 0.05
    cls_b = jnp.zeros((D_OUT,), dtype=jnp.float32)
    return {"x": x, "edge_index": edge_index, "edge_attr": edge_attr, "batch": batch,
            "conv_x_W": conv_x_W, "conv_x_b": conv_x_b, "conv_h_W": conv_h_W, "conv_h_b": conv_h_b,
            "w_c": w_c, "b_gate": b_gate, "cls_W": cls_W, "cls_b": cls_b}


def _lap_norm(row, col, w):
    # ChebConv.__norm__ with normalization='sym', lambda_max=2.0:
    # L_hat = 2L/lambda_max - I  => off-diagonal weights -d_i^{-1/2} w d_j^{-1/2}, diag 0
    deg = jnp.zeros((N,), dtype=w.dtype).at[row].add(w)
    dis = jnp.where(deg > 0, 1.0 / jnp.sqrt(deg), 0.0)
    return -dis[row] * w * dis[col]


def _cheb(xin, row, col, norm, W, b):
    # K=2 Chebyshev conv: Tx_0 = x, Tx_1 = L_hat x
    out = xin @ W[0]
    tx1 = jnp.zeros((xin.shape[0], W.shape[-1]), dtype=xin.dtype).at[col].add(norm[:, None] * xin[row])
    return out + tx1 @ W[1] + b


def reference(x, edge_index, edge_attr, batch, conv_x_W, conv_x_b, conv_h_W, conv_h_b, w_c, b_gate, cls_W, cls_b):
    row, col = edge_index[0], edge_index[1]
    H = jnp.zeros((N, D_H), dtype=jnp.float32)
    C = jnp.zeros((N, D_H), dtype=jnp.float32)
    for t in range(T):
        xt = x[t]
        norm = _lap_norm(row, col, edge_attr[t])
        def gx(g):
            return _cheb(xt, row, col, norm, conv_x_W[g], conv_x_b[g])
        def gh(g):
            return _cheb(H, row, col, norm, conv_h_W[g], conv_h_b[g])
        I = jax.nn.sigmoid(gx(0) + gh(0) + w_c[0] * C + b_gate[0])
        F = jax.nn.sigmoid(gx(1) + gh(1) + w_c[1] * C + b_gate[1])
        Tg = jnp.tanh(gx(2) + gh(2) + b_gate[2])
        C = F * C + I * Tg
        O = jax.nn.sigmoid(gx(3) + gh(3) + w_c[2] * C + b_gate[3])
        H = O * jnp.tanh(C)
    # global_mean_pool over batch ids
    sums = jnp.zeros((G, D_H), dtype=jnp.float32).at[batch].add(H)
    cnt = jnp.zeros((G,), dtype=jnp.float32).at[batch].add(1.0)
    pooled = sums / jnp.maximum(cnt, 1.0)[:, None]
    return pooled @ cls_W + cls_b

if __name__ == "__main__":
    import jax
    _d = setup_inputs()
    print(jax.jit(kernel)(*tuple(_d.values())))

</pallas_src>

<mosaic_0001>
#map = affine_map<(d0, d1) -> (0)>
module attributes {stable_mosaic.version = 14 : i64} {
  func.func @deg_kernel(%arg0: i32, %arg1: i32, %arg2: memref<327680xi32, #tpu.memory_space<hbm>>, %arg3: memref<1310720xf32, #tpu.memory_space<hbm>>, %arg4: memref<1295360xf32, #tpu.memory_space<hbm>>, %arg5: memref<40480xf32, #tpu.memory_space<vmem>>, %arg6: memref<640xi32, #tpu.memory_space<vmem>>, %arg7: memref<2560xf32, #tpu.memory_space<vmem>>) attributes {dimension_semantics = [#tpu.dimension_semantics<core_parallel>, #tpu.dimension_semantics<subcore_parallel>], iteration_bounds = array<i64: 2, 16>, scalar_prefetch = 0 : i64, scratch_operands = 3 : i64, tpu.core_type = #tpu.core_type<sc_vector_subcore>, window_params = [{transform_indices = #map}, {transform_indices = #map}, {transform_indices = #map}]} {
    %mul3A = arith.constant 16 : i32
    %mul3A_0 = arith.muli %arg0, %mul3A : i32
    %add3A = arith.addi %mul3A_0, %arg1 : i32
    %mul3A_1 = arith.constant 10240 : i32
    %mul3A_2 = arith.muli %add3A, %mul3A_1 : i32
    %broadcast_in_dim3A = arith.constant 0.000000e+00 : f32
    %broadcast_in_dim3A_3 = vector.broadcast %broadcast_in_dim3A : f32 to vector<16xf32>
    %scan3A = arith.constant 0 : i32
    %scan3A_4 = arith.constant 0 : i32
    %scan3A_5 = arith.constant 2530 : i32
    %scan3A_6 = arith.addi %scan3A_4, %scan3A_5 : i32
    %scan3A_7 = arith.constant 1 : i32
    %scan3A_8 = scf.for %scan3A_70 = %scan3A_4 to %scan3A_6 step %scan3A_7 iter_args(%scan3A_71 = %scan3A) -> (i32)  : i32 {
      %mul3A_72 = arith.constant 16 : i32
      %mul3A_73 = arith.muli %scan3A_70, %mul3A_72 : i32
      %swap3A = arith.index_cast %mul3A_73 : i32 to index
      %swap3A_74 = tpu.vector_load %arg5[%swap3A] {strides = array<i32>} : memref<40480xf32, #tpu.memory_space<vmem>>, vector<16xf32>,
      tpu.vector_store %arg5[%swap3A], %broadcast_in_dim3A_3 {strides = array<i32>} : memref<40480xf32, #tpu.memory_space<vmem>>, vector<16xf32>,
      %scan3A_75 = arith.constant 0 : i32
      scf.yield %scan3A_75 : i32
    }
    %scan3A_9 = arith.constant 2530 : i32
    %iota3A = tpu.iota {dimensions = array<i32: 0>} : vector<16xi32>
    %jit3A = arith.constant 4 : i32
    %div3A = vector.broadcast %jit3A : i32 to vector<16xi32>
    %div3A_10 = arith.divsi %iota3A, %div3A : vector<16xi32>
    %sign3A = arith.constant 0 : i32
    %sign3A_11 = vector.broadcast %sign3A : i32 to vector<16xi32>
    %sign3A_12 = arith.cmpi sgt, %iota3A, %sign3A_11 : vector<16xi32>
    %sign3A_13 = arith.extui %sign3A_12 : vector<16xi1> to vector<16xi32>
    %sign3A_14 = arith.constant 0 : i32
    %sign3A_15 = vector.broadcast %sign3A_14 : i32 to vector<16xi32>
    %sign3A_16 = arith.cmpi slt, %iota3A, %sign3A_15 : vector<16xi32>
    %sign3A_17 = arith.extui %sign3A_16 : vector<16xi1> to vector<16xi32>
    %sign3A_18 = arith.subi %sign3A_13, %sign3A_17 : vector<16xi32>
    %sign3A_19 = arith.constant 0 : i32
    %sign3A_20 = arith.cmpi sgt, %jit3A, %sign3A_19 : i32
    %sign3A_21 = arith.extui %sign3A_20 : i1 to i32
    %sign3A_22 = arith.constant 0 : i32
    %sign3A_23 = arith.cmpi slt, %jit3A, %sign3A_22 : i32
    %sign3A_24 = arith.extui %sign3A_23 : i1 to i32
    %sign3A_25 = arith.subi %sign3A_21, %sign3A_24 : i32
    %ne3A = vector.broadcast %sign3A_25 : i32 to vector<16xi32>
    %ne3A_26 = arith.cmpi ne, %sign3A_18, %ne3A : vector<16xi32>
    %rem3A = vector.broadcast %jit3A : i32 to vector<16xi32>
    %rem3A_27 = arith.remsi %iota3A, %rem3A : vector<16xi32>
    %ne3A_28 = arith.constant 0 : i32
    %ne3A_29 = vector.broadcast %ne3A_28 : i32 to vector<16xi32>
    %ne3A_30 = arith.cmpi ne, %rem3A_27, %ne3A_29 : vector<16xi32>
    %and3A = arith.andi %ne3A_26, %ne3A_30 : vector<16xi1>
    %sub3A = arith.constant 1 : i32
    %sub3A_31 = vector.broadcast %sub3A : i32 to vector<16xi32>
    %sub3A_32 = arith.subi %div3A_10, %sub3A_31 : vector<16xi32>
    %select_n3A = arith.select %and3A, %sub3A_32, %div3A_10 : vector<16xi1>, vector<16xi32>
    %jit3A_33 = arith.constant 4 : i32
    %eq3A = arith.constant 0 : i32
    %eq3A_34 = arith.cmpi eq, %jit3A_33, %eq3A : i32
    %jit3A_35 = arith.constant 1 : i32
    %select_n3A_36 = arith.select %eq3A_34, %jit3A_35, %jit3A_33 : i32
    %rem3A_37 = vector.broadcast %select_n3A_36 : i32 to vector<16xi32>
    %rem3A_38 = arith.remsi %iota3A, %rem3A_37 : vector<16xi32>
    %ne3A_39 = arith.constant 0 : i32
    %ne3A_40 = vector.broadcast %ne3A_39 : i32 to vector<16xi32>
    %ne3A_41 = arith.cmpi ne, %rem3A_38, %ne3A_40 : vector<16xi32>
    %lt3A = arith.constant 0 : i32
    %lt3A_42 = vector.broadcast %lt3A : i32 to vector<16xi32>
    %lt3A_43 = arith.cmpi slt, %rem3A_38, %lt3A_42 : vector<16xi32>
    %lt3A_44 = arith.constant 0 : i32
    %lt3A_45 = arith.cmpi slt, %select_n3A_36, %lt3A_44 : i32
    %ne3A_46 = vector.broadcast %lt3A_45 : i1 to vector<16xi1>
    %ne3A_47 = vector.broadcast %ne3A_46 : vector<16xi1> to vector<16xi1>
    %ne3A_48 = arith.xori %lt3A_43, %ne3A_47 : vector<16xi1>
    %and3A_49 = arith.andi %ne3A_48, %ne3A_41 : vector<16xi1>
    %add3A_50 = vector.broadcast %select_n3A_36 : i32 to vector<16xi32>
    %add3A_51 = arith.addi %rem3A_38, %add3A_50 : vector<16xi32>
    %select_n3A_52 = arith.select %and3A_49, %add3A_51, %rem3A_38 : vector<16xi1>, vector<16xi32>
    %mul3A_53 = arith.constant 640 : i32
    %mul3A_54 = vector.broadcast %mul3A_53 : i32 to vector<16xi32>
    %mul3A_55 = arith.muli %select_n3A_52, %mul3A_54 : vector<16xi32>
    %mul3A_56 = arith.constant 10120 : i32
    %mul3A_57 = vector.broadcast %mul3A_56 : i32 to vector<16xi32>
    %mul3A_58 = arith.muli %select_n3A_52, %mul3A_57 : vector<16xi32>
    %scan3A_59 = arith.constant 0 : i32
    %scan3A_60 = arith.constant 0 : i32
    %scan3A_61 = arith.constant 16 : i32
    %scan3A_62 = arith.addi %scan3A_60, %scan3A_61 : i32
    %scan3A_63 = arith.constant 1 : i32
    %scan3A_64 = scf.for %scan3A_70 = %scan3A_60 to %scan3A_62 step %scan3A_63 iter_args(%scan3A_71 = %scan3A_59) -> (i32)  : i32 {
      %mul3A_72 = arith.constant 640 : i32
      %mul3A_73 = arith.muli %scan3A_70, %mul3A_72 : i32
      %add3A_74 = arith.addi %mul3A_2, %mul3A_73 : i32
      "tpu.region"() ({
        %run_scoped3A = tpu.sem_alloc : memref<!tpu.dma_semaphore, #tpu.memory_space<semaphore_mem>>
        %dma_start3A = tpu.memref_slice %arg2[%add3A_74] : memref<327680xi32, #tpu.memory_space<hbm>> -> memref<640xi32, #tpu.memory_space<hbm>>
        %dma_start3A_103 = tpu.memref_slice %arg2[%add3A_74] : memref<327680xi32, #tpu.memory_space<hbm>> -> memref<640xi32, #tpu.memory_space<hbm>>
        tpu.enqueue_dma source(%dma_start3A_103 : memref<640xi32, #tpu.memory_space<hbm>>) target(%arg6 : memref<640xi32, #tpu.memory_space<vmem>>) target_semaphore(%run_scoped3A : memref<!tpu.dma_semaphore, #tpu.memory_space<semaphore_mem>>)
        %dma_wait3A = tpu.memref_slice %arg2[%add3A_74] : memref<327680xi32, #tpu.memory_space<hbm>> -> memref<640xi32, #tpu.memory_space<hbm>>
        %dma_wait3A_104 = tpu.memref_slice %arg2[%add3A_74] : memref<327680xi32, #tpu.memory_space<hbm>> -> memref<640xi32, #tpu.memory_space<hbm>>
        tpu.wait_dma2 semaphore(%run_scoped3A : memref<!tpu.dma_semaphore, #tpu.memory_space<semaphore_mem>>) src(%dma_wait3A_104 : memref<640xi32, #tpu.memory_space<hbm>>) dst(%arg6 : memref<640xi32, #tpu.memory_space<vmem>>)
        tpu.yield
      }) : () -> ()
      %add3A_75 = arith.constant 0 : i32
      %add3A_76 = arith.addi %add3A_75, %mul3A_2 : i32
      %mul3A_77 = arith.constant 640 : i32
      %mul3A_78 = arith.muli %scan3A_70, %mul3A_77 : i32
      %add3A_79 = arith.addi %add3A_76, %mul3A_78 : i32
      "tpu.region"() ({
        %run_scoped3A = tpu.sem_alloc : memref<!tpu.dma_semaphore, #tpu.memory_space<semaphore_mem>>
        %dma_start3A = arith.constant 0 : i32
        %dma_start3A_103 = tpu.memref_slice %arg7[%dma_start3A] : memref<2560xf32, #tpu.memory_space<vmem>> -> memref<640xf32, #tpu.memory_space<vmem>>
        %dma_start3A_104 = tpu.memref_slice %arg3[%add3A_79] : memref<1310720xf32, #tpu.memory_space<hbm>> -> memref<640xf32, #tpu.memory_space<hbm>>
        %dma_start3A_105 = arith.constant 0 : i32
        %dma_start3A_106 = tpu.memref_slice %arg7[%dma_start3A_105] : memref<2560xf32, #tpu.memory_space<vmem>> -> memref<640xf32, #tpu.memory_space<vmem>>
        %dma_start3A_107 = tpu.memref_slice %arg3[%add3A_79] : memref<1310720xf32, #tpu.memory_space<hbm>> -> memref<640xf32, #tpu.memory_space<hbm>>
        tpu.enqueue_dma source(%dma_start3A_107 : memref<640xf32, #tpu.memory_space<hbm>>) target(%dma_start3A_106 : memref<640xf32, #tpu.memory_space<vmem>>) target_semaphore(%run_scoped3A : memref<!tpu.dma_semaphore, #tpu.memory_space<semaphore_mem>>)
        %dma_wait3A = arith.constant 0 : i32
        %dma_wait3A_108 = tpu.memref_slice %arg7[%dma_wait3A] : memref<2560xf32, #tpu.memory_space<vmem>> -> memref<640xf32, #tpu.memory_space<vmem>>
        %dma_wait3A_109 = tpu.memref_slice %arg3[%add3A_79] : memref<1310720xf32, #tpu.memory_space<hbm>> -> memref<640xf32, #tpu.memory_space<hbm>>
        %dma_wait3A_110 = arith.constant 0 : i32
        %dma_wait3A_111 = tpu.memref_slice %arg7[%dma_wait3A_110] : memref<2560xf32, #tpu.memory_space<vmem>> -> memref<640xf32, #tpu.memory_space<vmem>>
        %dma_wait3A_112 = tpu.memref_slice %arg3[%add3A_79] : memref<1310720xf32, #tpu.memory_space<hbm>> -> memref<640xf32, #tpu.memory_space<hbm>>
        tpu.wait_dma2 semaphore(%run_scoped3A : memref<!tpu.dma_semaphore, #tpu.memory_space<semaphore_mem>>) src(%dma_wait3A_112 : memref<640xf32, #tpu.memory_space<hbm>>) dst(%dma_wait3A_111 : memref<640xf32, #tpu.memory_space<vmem>>)
        tpu.yield
      }) : () -> ()
      %add3A_80 = arith.constant 327680 : i32
      %add3A_81 = arith.addi %add3A_80, %mul3A_2 : i32
      %mul3A_82 = arith.constant 640 : i32
      %mul3A_83 = arith.muli %scan3A_70, %mul3A_82 : i32
      %add3A_84 = arith.addi %add3A_81, %mul3A_83 : i32
      "tpu.region"() ({
        %run_scoped3A = tpu.sem_alloc : memref<!tpu.dma_semaphore, #tpu.memory_space<semaphore_mem>>
        %dma_start3A = arith.constant 640 : i32
        %dma_start3A_103 = tpu.memref_slice %arg7[%dma_start3A] : memref<2560xf32, #tpu.memory_space<vmem>> -> memref<640xf32, #tpu.memory_space<vmem>>
        %dma_start3A_104 = tpu.memref_slice %arg3[%add3A_84] : memref<1310720xf32, #tpu.memory_space<hbm>> -> memref<640xf32, #tpu.memory_space<hbm>>
        %dma_start3A_105 = arith.constant 640 : i32
        %dma_start3A_106 = tpu.memref_slice %arg7[%dma_start3A_105] : memref<2560xf32, #tpu.memory_space<vmem>> -> memref<640xf32, #tpu.memory_space<vmem>>
        %dma_start3A_107 = tpu.memref_slice %arg3[%add3A_84] : memref<1310720xf32, #tpu.memory_space<hbm>> -> memref<640xf32, #tpu.memory_space<hbm>>
        tpu.enqueue_dma source(%dma_start3A_107 : memref<640xf32, #tpu.memory_space<hbm>>) target(%dma_start3A_106 : memref<640xf32, #tpu.memory_space<vmem>>) target_semaphore(%run_scoped3A : memref<!tpu.dma_semaphore, #tpu.memory_space<semaphore_mem>>)
        %dma_wait3A = arith.constant 640 : i32
        %dma_wait3A_108 = tpu.memref_slice %arg7[%dma_wait3A] : memref<2560xf32, #tpu.memory_space<vmem>> -> memref<640xf32, #tpu.memory_space<vmem>>
        %dma_wait3A_109 = tpu.memref_slice %arg3[%add3A_84] : memref<1310720xf32, #tpu.memory_space<hbm>> -> memref<640xf32, #tpu.memory_space<hbm>>
        %dma_wait3A_110 = arith.constant 640 : i32
        %dma_wait3A_111 = tpu.memref_slice %arg7[%dma_wait3A_110] : memref<2560xf32, #tpu.memory_space<vmem>> -> memref<640xf32, #tpu.memory_space<vmem>>
        %dma_wait3A_112 = tpu.memref_slice %arg3[%add3A_84] : memref<1310720xf32, #tpu.memory_space<hbm>> -> memref<640xf32, #tpu.memory_space<hbm>>
        tpu.wait_dma2 semaphore(%run_scoped3A : memref<!tpu.dma_semaphore, #tpu.memory_space<semaphore_mem>>) src(%dma_wait3A_112 : memref<640xf32, #tpu.memory_space<hbm>>) dst(%dma_wait3A_111 : memref<640xf32, #tpu.memory_space<vmem>>)
        tpu.yield
      }) : () -> ()
      %add3A_85 = arith.constant 655360 : i32
      %add3A_86 = arith.addi %add3A_85, %mul3A_2 : i32
      %mul3A_87 = arith.constant 640 : i32
      %mul3A_88 = arith.muli %scan3A_70, %mul3A_87 : i32
      %add3A_89 = arith.addi %add3A_86, %mul3A_88 : i32
      "tpu.region"() ({
        %run_scoped3A = tpu.sem_alloc : memref<!tpu.dma_semaphore, #tpu.memory_space<semaphore_mem>>
        %dma_start3A = arith.constant 1280 : i32
        %dma_start3A_103 = tpu.memref_slice %arg7[%dma_start3A] : memref<2560xf32, #tpu.memory_space<vmem>> -> memref<640xf32, #tpu.memory_space<vmem>>
        %dma_start3A_104 = tpu.memref_slice %arg3[%add3A_89] : memref<1310720xf32, #tpu.memory_space<hbm>> -> memref<640xf32, #tpu.memory_space<hbm>>
        %dma_start3A_105 = arith.constant 1280 : i32
        %dma_start3A_106 = tpu.memref_slice %arg7[%dma_start3A_105] : memref<2560xf32, #tpu.memory_space<vmem>> -> memref<640xf32, #tpu.memory_space<vmem>>
        %dma_start3A_107 = tpu.memref_slice %arg3[%add3A_89] : memref<1310720xf32, #tpu.memory_space<hbm>> -> memref<640xf32, #tpu.memory_space<hbm>>
        tpu.enqueue_dma source(%dma_start3A_107 : memref<640xf32, #tpu.memory_space<hbm>>) target(%dma_start3A_106 : memref<640xf32, #tpu.memory_space<vmem>>) target_semaphore(%run_scoped3A : memref<!tpu.dma_semaphore, #tpu.memory_space<semaphore_mem>>)
        %dma_wait3A = arith.constant 1280 : i32
        %dma_wait3A_108 = tpu.memref_slice %arg7[%dma_wait3A] : memref<2560xf32, #tpu.memory_space<vmem>> -> memref<640xf32, #tpu.memory_space<vmem>>
        %dma_wait3A_109 = tpu.memref_slice %arg3[%add3A_89] : memref<1310720xf32, #tpu.memory_space<hbm>> -> memref<640xf32, #tpu.memory_space<hbm>>
        %dma_wait3A_110 = arith.constant 1280 : i32
        %dma_wait3A_111 = tpu.memref_slice %arg7[%dma_wait3A_110] : memref<2560xf32, #tpu.memory_space<vmem>> -> memref<640xf32, #tpu.memory_space<vmem>>
        %dma_wait3A_112 = tpu.memref_slice %arg3[%add3A_89] : memref<1310720xf32, #tpu.memory_space<hbm>> -> memref<640xf32, #tpu.memory_space<hbm>>
        tpu.wait_dma2 semaphore(%run_scoped3A : memref<!tpu.dma_semaphore, #tpu.memory_space<semaphore_mem>>) src(%dma_wait3A_112 : memref<640xf32, #tpu.memory_space<hbm>>) dst(%dma_wait3A_111 : memref<640xf32, #tpu.memory_space<vmem>>)
        tpu.yield
      }) : () -> ()
      %add3A_90 = arith.constant 983040 : i32
      %add3A_91 = arith.addi %add3A_90, %mul3A_2 : i32
      %mul3A_92 = arith.constant 640 : i32
      %mul3A_93 = arith.muli %scan3A_70, %mul3A_92 : i32
      %add3A_94 = arith.addi %add3A_91, %mul3A_93 : i32
      "tpu.region"() ({
        %run_scoped3A = tpu.sem_alloc : memref<!tpu.dma_semaphore, #tpu.memory_space<semaphore_mem>>
        %dma_start3A = arith.constant 1920 : i32
        %dma_start3A_103 = tpu.memref_slice %arg7[%dma_start3A] : memref<2560xf32, #tpu.memory_space<vmem>> -> memref<640xf32, #tpu.memory_space<vmem>>
        %dma_start3A_104 = tpu.memref_slice %arg3[%add3A_94] : memref<1310720xf32, #tpu.memory_space<hbm>> -> memref<640xf32, #tpu.memory_space<hbm>>
        %dma_start3A_105 = arith.constant 1920 : i32
        %dma_start3A_106 = tpu.memref_slice %arg7[%dma_start3A_105] : memref<2560xf32, #tpu.memory_space<vmem>> -> memref<640xf32, #tpu.memory_space<vmem>>
        %dma_start3A_107 = tpu.memref_slice %arg3[%add3A_94] : memref<1310720xf32, #tpu.memory_space<hbm>> -> memref<640xf32, #tpu.memory_space<hbm>>
        tpu.enqueue_dma source(%dma_start3A_107 : memref<640xf32, #tpu.memory_space<hbm>>) target(%dma_start3A_106 : memref<640xf32, #tpu.memory_space<vmem>>) target_semaphore(%run_scoped3A : memref<!tpu.dma_semaphore, #tpu.memory_space<semaphore_mem>>)
        %dma_wait3A = arith.constant 1920 : i32
        %dma_wait3A_108 = tpu.memref_slice %arg7[%dma_wait3A] : memref<2560xf32, #tpu.memory_space<vmem>> -> memref<640xf32, #tpu.memory_space<vmem>>
        %dma_wait3A_109 = tpu.memref_slice %arg3[%add3A_94] : memref<1310720xf32, #tpu.memory_space<hbm>> -> memref<640xf32, #tpu.memory_space<hbm>>
        %dma_wait3A_110 = arith.constant 1920 : i32
        %dma_wait3A_111 = tpu.memref_slice %arg7[%dma_wait3A_110] : memref<2560xf32, #tpu.memory_space<vmem>> -> memref<640xf32, #tpu.memory_space<vmem>>
        %dma_wait3A_112 = tpu.memref_slice %arg3[%add3A_94] : memref<1310720xf32, #tpu.memory_space<hbm>> -> memref<640xf32, #tpu.memory_space<hbm>>
        tpu.wait_dma2 semaphore(%run_scoped3A : memref<!tpu.dma_semaphore, #tpu.memory_space<semaphore_mem>>) src(%dma_wait3A_112 : memref<640xf32, #tpu.memory_space<hbm>>) dst(%dma_wait3A_111 : memref<640xf32, #tpu.memory_space<vmem>>)
        tpu.yield
      }) : () -> ()
      %scan3A_95 = arith.constant 0 : i32
      %scan3A_96 = arith.constant 0 : i32
      %scan3A_97 = arith.constant 160 : i32
      %scan3A_98 = arith.addi %scan3A_96, %scan3A_97 : i32
      %scan3A_99 = arith.constant 1 : i32
      %scan3A_100 = scf.for %scan3A_103 = %scan3A_96 to %scan3A_98 step %scan3A_99 iter_args(%scan3A_104 = %scan3A_95) -> (i32)  : i32 {
        %mul3A_105 = arith.constant 4 : i32
        %mul3A_106 = arith.muli %scan3A_103, %mul3A_105 : i32
        %broadcast_in_dim3A_107 = vector.broadcast %mul3A_106 : i32 to vector<16xi32>
        %add3A_108 = arith.addi %broadcast_in_dim3A_107, %select_n3A : vector<16xi32>
        %gather3A = tpu.vector_load_idx %arg6[%add3A_108] : memref<640xi32, #tpu.memory_space<vmem>>[vector<16xi32>], vector<16xi32>,
        %add3A_109 = arith.addi %mul3A_55, %add3A_108 : vector<16xi32>
        %gather3A_110 = tpu.vector_load_idx %arg7[%add3A_109] : memref<2560xf32, #tpu.memory_space<vmem>>[vector<16xi32>], vector<16xf32>,
        %add3A_111 = arith.addi %mul3A_58, %gather3A : vector<16xi32>
        tpu.vector_store_idx %arg5[%add3A_111], %gather3A_110 {add = true} : memref<40480xf32, #tpu.memory_space<vmem>>[vector<16xi32>], vector<16xf32>,
        %scan3A_112 = arith.constant 0 : i32
        scf.yield %scan3A_112 : i32
      }
      %scan3A_101 = arith.constant 160 : i32
      %scan3A_102 = arith.constant 0 : i32
      scf.yield %scan3A_102 : i32
    }
    %scan3A_65 = arith.constant 16 : i32
    %mul3A_66 = arith.constant 4 : i32
    %mul3A_67 = arith.muli %add3A, %mul3A_66 : i32
    %mul3A_68 = arith.constant 10120 : i32
    %mul3A_69 = arith.muli %mul3A_67, %mul3A_68 : i32
    "tpu.region"() ({
      %run_scoped3A = tpu.sem_alloc : memref<!tpu.dma_semaphore, #tpu.memory_space<semaphore_mem>>
      %dma_start3A = tpu.memref_slice %arg4[%mul3A_69] : memref<1295360xf32, #tpu.memory_space<hbm>> -> memref<40480xf32, #tpu.memory_space<hbm>>
      %dma_start3A_70 = tpu.memref_slice %arg4[%mul3A_69] : memref<1295360xf32, #tpu.memory_space<hbm>> -> memref<40480xf32, #tpu.memory_space<hbm>>
      tpu.enqueue_dma source(%arg5 : memref<40480xf32, #tpu.memory_space<vmem>>) target(%dma_start3A_70 : memref<40480xf32, #tpu.memory_space<hbm>>) target_semaphore(%run_scoped3A : memref<!tpu.dma_semaphore, #tpu.memory_space<semaphore_mem>>)
      %dma_wait3A = tpu.memref_slice %arg4[%mul3A_69] : memref<1295360xf32, #tpu.memory_space<hbm>> -> memref<40480xf32, #tpu.memory_space<hbm>>
      %dma_wait3A_71 = tpu.memref_slice %arg4[%mul3A_69] : memref<1295360xf32, #tpu.memory_space<hbm>> -> memref<40480xf32, #tpu.memory_space<hbm>>
      tpu.wait_dma2 semaphore(%run_scoped3A : memref<!tpu.dma_semaphore, #tpu.memory_space<semaphore_mem>>) src(%arg5 : memref<40480xf32, #tpu.memory_space<vmem>>) dst(%dma_wait3A_71 : memref<40480xf32, #tpu.memory_space<hbm>>)
      tpu.yield
    }) : () -> ()
    return
  }
}

#map = affine_map<(d0, d1) -> (0)>
module attributes {stable_mosaic.version = 14 : i64} {
  func.func @spmm_kernel(%arg0: i32, %arg1: i32, %arg2: memref<1295360xf32, #tpu.memory_space<hbm>>, %arg3: memref<327680xi32, #tpu.memory_space<hbm>>, %arg4: memref<327680xi32, #tpu.memory_space<hbm>>, %arg5: memref<327680xf32, #tpu.memory_space<hbm>>, %arg6: memref<10120xf32, #tpu.memory_space<hbm>>, %arg7: memref<1295360xf32, #tpu.memory_space<hbm>>, %arg8: memref<40480xf32, #tpu.memory_space<vmem>>, %arg9: memref<40480xf32, #tpu.memory_space<vmem>>, %arg10: memref<10120xf32, #tpu.memory_space<vmem>>, %arg11: memref<1024xi32, #tpu.memory_space<vmem>>, %arg12: memref<1024xi32, #tpu.memory_space<vmem>>, %arg13: memref<1024xf32, #tpu.memory_space<vmem>>) attributes {dimension_semantics = [#tpu.dimension_semantics<core_parallel>, #tpu.dimension_semantics<subcore_parallel>], iteration_bounds = array<i64: 2, 16>, scalar_prefetch = 0 : i64, scratch_operands = 6 : i64, tpu.core_type = #tpu.core_type<sc_vector_subcore>, window_params = [{transform_indices = #map}, {transform_indices = #map}, {transform_indices = #map}, {transform_indices = #map}, {transform_indices = #map}, {transform_indices = #map}]} {
    %mul3A = arith.constant 16 : i32
    %mul3A_0 = arith.muli %arg0, %mul3A : i32
    %add3A = arith.addi %mul3A_0, %arg1 : i32
    %iota3A = tpu.iota {dimensions = array<i32: 0>} : vector<16xi32>
    %jit3A = arith.constant 4 : i32
    %div3A = vector.broadcast %jit3A : i32 to vector<16xi32>
    %div3A_1 = arith.divsi %iota3A, %div3A : vector<16xi32>
    %sign3A = arith.constant 0 : i32
    %sign3A_2 = vector.broadcast %sign3A : i32 to vector<16xi32>
    %sign3A_3 = arith.cmpi sgt, %iota3A, %sign3A_2 : vector<16xi32>
    %sign3A_4 = arith.extui %sign3A_3 : vector<16xi1> to vector<16xi32>
    %sign3A_5 = arith.constant 0 : i32
    %sign3A_6 = vector.broadcast %sign3A_5 : i32 to vector<16xi32>
    %sign3A_7 = arith.cmpi slt, %iota3A, %sign3A_6 : vector<16xi32>
    %sign3A_8 = arith.extui %sign3A_7 : vector<16xi1> to vector<16xi32>
    %sign3A_9 = arith.subi %sign3A_4, %sign3A_8 : vector<16xi32>
    %sign3A_10 = arith.constant 0 : i32
    %sign3A_11 = arith.cmpi sgt, %jit3A, %sign3A_10 : i32
    %sign3A_12 = arith.extui %sign3A_11 : i1 to i32
    %sign3A_13 = arith.constant 0 : i32
    %sign3A_14 = arith.cmpi slt, %jit3A, %sign3A_13 : i32
    %sign3A_15 = arith.extui %sign3A_14 : i1 to i32
    %sign3A_16 = arith.subi %sign3A_12, %sign3A_15 : i32
    %ne3A = vector.broadcast %sign3A_16 : i32 to vector<16xi32>
    %ne3A_17 = arith.cmpi ne, %sign3A_9, %ne3A : vector<16xi32>
    %rem3A = vector.broadcast %jit3A : i32 to vector<16xi32>
    %rem3A_18 = arith.remsi %iota3A, %rem3A : vector<16xi32>
    %ne3A_19 = arith.constant 0 : i32
    %ne3A_20 = vector.broadcast %ne3A_19 : i32 to vector<16xi32>
    %ne3A_21 = arith.cmpi ne, %rem3A_18, %ne3A_20 : vector<16xi32>
    %and3A = arith.andi %ne3A_17, %ne3A_21 : vector<16xi1>
    %sub3A = arith.constant 1 : i32
    %sub3A_22 = vector.broadcast %sub3A : i32 to vector<16xi32>
    %sub3A_23 = arith.subi %div3A_1, %sub3A_22 : vector<16xi32>
    %select_n3A = arith.select %and3A, %sub3A_23, %div3A_1 : vector<16xi1>, vector<16xi32>
    %jit3A_24 = arith.constant 4 : i32
    %eq3A = arith.constant 0 : i32
    %eq3A_25 = arith.cmpi eq, %jit3A_24, %eq3A : i32
    %jit3A_26 = arith.constant 1 : i32
    %select_n3A_27 = arith.select %eq3A_25, %jit3A_26, %jit3A_24 : i32
    %rem3A_28 = vector.broadcast %select_n3A_27 : i32 to vector<16xi32>
    %rem3A_29 = arith.remsi %iota3A, %rem3A_28 : vector<16xi32>
    %ne3A_30 = arith.constant 0 : i32
    %ne3A_31 = vector.broadcast %ne3A_30 : i32 to vector<16xi32>
    %ne3A_32 = arith.cmpi ne, %rem3A_29, %ne3A_31 : vector<16xi32>
    %lt3A = arith.constant 0 : i32
    %lt3A_33 = vector.broadcast %lt3A : i32 to vector<16xi32>
    %lt3A_34 = arith.cmpi slt, %rem3A_29, %lt3A_33 : vector<16xi32>
    %lt3A_35 = arith.constant 0 : i32
    %lt3A_36 = arith.cmpi slt, %select_n3A_27, %lt3A_35 : i32
    %ne3A_37 = vector.broadcast %lt3A_36 : i1 to vector<16xi1>
    %ne3A_38 = vector.broadcast %ne3A_37 : vector<16xi1> to vector<16xi1>
    %ne3A_39 = arith.xori %lt3A_34, %ne3A_38 : vector<16xi1>
    %and3A_40 = arith.andi %ne3A_39, %ne3A_32 : vector<16xi1>
    %add3A_41 = vector.broadcast %select_n3A_27 : i32 to vector<16xi32>
    %add3A_42 = arith.addi %rem3A_29, %add3A_41 : vector<16xi32>
    %select_n3A_43 = arith.select %and3A_40, %add3A_42, %rem3A_29 : vector<16xi1>, vector<16xi32>
    %mul3A_44 = arith.constant 10120 : i32
    %mul3A_45 = vector.broadcast %mul3A_44 : i32 to vector<16xi32>
    %mul3A_46 = arith.muli %select_n3A_43, %mul3A_45 : vector<16xi32>
    %mul3A_47 = arith.constant 4 : i32
    %mul3A_48 = arith.muli %mul3A_47, %add3A : i32
    %add3A_49 = arith.constant 0 : i32
    %add3A_50 = arith.addi %add3A_49, %mul3A_48 : i32
    %mul3A_51 = arith.constant 10120 : i32
    %mul3A_52 = arith.muli %add3A_50, %mul3A_51 : i32
    "tpu.region"() ({
      %run_scoped3A = tpu.sem_alloc : memref<!tpu.dma_semaphore, #tpu.memory_space<semaphore_mem>>
      %dma_start3A = tpu.memref_slice %arg2[%mul3A_52] : memref<1295360xf32, #tpu.memory_space<hbm>> -> memref<40480xf32, #tpu.memory_space<hbm>>
      %dma_start3A_67 = tpu.memref_slice %arg2[%mul3A_52] : memref<1295360xf32, #tpu.memory_space<hbm>> -> memref<40480xf32, #tpu.memory_space<hbm>>
      tpu.enqueue_dma source(%dma_start3A_67 : memref<40480xf32, #tpu.memory_space<hbm>>) target(%arg9 : memref<40480xf32, #tpu.memory_space<vmem>>) target_semaphore(%run_scoped3A : memref<!tpu.dma_semaphore, #tpu.memory_space<semaphore_mem>>)
      %dma_wait3A = tpu.memref_slice %arg2[%mul3A_52] : memref<1295360xf32, #tpu.memory_space<hbm>> -> memref<40480xf32, #tpu.memory_space<hbm>>
      %dma_wait3A_68 = tpu.memref_slice %arg2[%mul3A_52] : memref<1295360xf32, #tpu.memory_space<hbm>> -> memref<40480xf32, #tpu.memory_space<hbm>>
      tpu.wait_dma2 semaphore(%run_scoped3A : memref<!tpu.dma_semaphore, #tpu.memory_space<semaphore_mem>>) src(%dma_wait3A_68 : memref<40480xf32, #tpu.memory_space<hbm>>) dst(%arg9 : memref<40480xf32, #tpu.memory_space<vmem>>)
      tpu.yield
    }) : () -> ()
    "tpu.region"() ({
      %run_scoped3A = tpu.sem_alloc : memref<!tpu.dma_semaphore, #tpu.memory_space<semaphore_mem>>
      %dma_start3A = arith.constant 0 : i32
      %dma_start3A_67 = tpu.memref_slice %arg6[%dma_start3A] : memref<10120xf32, #tpu.memory_space<hbm>> -> memref<10120xf32, #tpu.memory_space<hbm>>
      %dma_start3A_68 = arith.constant 0 : i32
      %dma_start3A_69 = tpu.memref_slice %arg6[%dma_start3A_68] : memref<10120xf32, #tpu.memory_space<hbm>> -> memref<10120xf32, #tpu.memory_space<hbm>>
      tpu.enqueue_dma source(%dma_start3A_69 : memref<10120xf32, #tpu.memory_space<hbm>>) target(%arg10 : memref<10120xf32, #tpu.memory_space<vmem>>) target_semaphore(%run_scoped3A : memref<!tpu.dma_semaphore, #tpu.memory_space<semaphore_mem>>)
      %dma_wait3A = arith.constant 0 : i32
      %dma_wait3A_70 = tpu.memref_slice %arg6[%dma_wait3A] : memref<10120xf32, #tpu.memory_space<hbm>> -> memref<10120xf32, #tpu.memory_space<hbm>>
      %dma_wait3A_71 = arith.constant 0 : i32
      %dma_wait3A_72 = tpu.memref_slice %arg6[%dma_wait3A_71] : memref<10120xf32, #tpu.memory_space<hbm>> -> memref<10120xf32, #tpu.memory_space<hbm>>
      tpu.wait_dma2 semaphore(%run_scoped3A : memref<!tpu.dma_semaphore, #tpu.memory_space<semaphore_mem>>) src(%dma_wait3A_72 : memref<10120xf32, #tpu.memory_space<hbm>>) dst(%arg10 : memref<10120xf32, #tpu.memory_space<vmem>>)
      tpu.yield
    }) : () -> ()
    %broadcast_in_dim3A = arith.constant 0.000000e+00 : f32
    %broadcast_in_dim3A_53 = vector.broadcast %broadcast_in_dim3A : f32 to vector<16xf32>
    %scan3A = arith.constant 0 : i32
    %scan3A_54 = arith.constant 0 : i32
    %scan3A_55 = arith.constant 2530 : i32
    %scan3A_56 = arith.addi %scan3A_54, %scan3A_55 : i32
    %scan3A_57 = arith.constant 1 : i32
    %scan3A_58 = scf.for %scan3A_67 = %scan3A_54 to %scan3A_56 step %scan3A_57 iter_args(%scan3A_68 = %scan3A) -> (i32)  : i32 {
      %mul3A_69 = arith.constant 16 : i32
      %mul3A_70 = arith.muli %scan3A_67, %mul3A_69 : i32
      %swap3A = arith.index_cast %mul3A_70 : i32 to index
      %swap3A_71 = tpu.vector_load %arg8[%swap3A] {strides = array<i32>} : memref<40480xf32, #tpu.memory_space<vmem>>, vector<16xf32>,
      tpu.vector_store %arg8[%swap3A], %broadcast_in_dim3A_53 {strides = array<i32>} : memref<40480xf32, #tpu.memory_space<vmem>>, vector<16xf32>,
      %scan3A_72 = arith.constant 0 : i32
      scf.yield %scan3A_72 : i32
    }
    %scan3A_59 = arith.constant 2530 : i32
    %scan3A_60 = arith.constant 0 : i32
    %scan3A_61 = arith.constant 0 : i32
    %scan3A_62 = arith.constant 320 : i32
    %scan3A_63 = arith.addi %scan3A_61, %scan3A_62 : i32
    %scan3A_64 = arith.constant 1 : i32
    %scan3A_65 = scf.for %scan3A_67 = %scan3A_61 to %scan3A_63 step %scan3A_64 iter_args(%scan3A_68 = %scan3A_60) -> (i32)  : i32 {
      %mul3A_69 = arith.constant 1024 : i32
      %mul3A_70 = arith.muli %scan3A_67, %mul3A_69 : i32
      "tpu.region"() ({
        %run_scoped3A = tpu.sem_alloc : memref<!tpu.dma_semaphore, #tpu.memory_space<semaphore_mem>>
        %dma_start3A = tpu.memref_slice %arg3[%mul3A_70] : memref<327680xi32, #tpu.memory_space<hbm>> -> memref<1024xi32, #tpu.memory_space<hbm>>
        %dma_start3A_85 = tpu.memref_slice %arg3[%mul3A_70] : memref<327680xi32, #tpu.memory_space<hbm>> -> memref<1024xi32, #tpu.memory_space<hbm>>
        tpu.enqueue_dma source(%dma_start3A_85 : memref<1024xi32, #tpu.memory_space<hbm>>) target(%arg11 : memref<1024xi32, #tpu.memory_space<vmem>>) target_semaphore(%run_scoped3A : memref<!tpu.dma_semaphore, #tpu.memory_space<semaphore_mem>>)
        %dma_wait3A = tpu.memref_slice %arg3[%mul3A_70] : memref<327680xi32, #tpu.memory_space<hbm>> -> memref<1024xi32, #tpu.memory_space<hbm>>
        %dma_wait3A_86 = tpu.memref_slice %arg3[%mul3A_70] : memref<327680xi32, #tpu.memory_space<hbm>> -> memref<1024xi32, #tpu.memory_space<hbm>>
        tpu.wait_dma2 semaphore(%run_scoped3A : memref<!tpu.dma_semaphore, #tpu.memory_space<semaphore_mem>>) src(%dma_wait3A_86 : memref<1024xi32, #tpu.memory_space<hbm>>) dst(%arg11 : memref<1024xi32, #tpu.memory_space<vmem>>)
        tpu.yield
      }) : () -> ()
      %mul3A_71 = arith.constant 1024 : i32
      %mul3A_72 = arith.muli %scan3A_67, %mul3A_71 : i32
      "tpu.region"() ({
        %run_scoped3A = tpu.sem_alloc : memref<!tpu.dma_semaphore, #tpu.memory_space<semaphore_mem>>
        %dma_start3A = tpu.memref_slice %arg4[%mul3A_72] : memref<327680xi32, #tpu.memory_space<hbm>> -> memref<1024xi32, #tpu.memory_space<hbm>>
        %dma_start3A_85 = tpu.memref_slice %arg4[%mul3A_72] : memref<327680xi32, #tpu.memory_space<hbm>> -> memref<1024xi32, #tpu.memory_space<hbm>>
        tpu.enqueue_dma source(%dma_start3A_85 : memref<1024xi32, #tpu.memory_space<hbm>>) target(%arg12 : memref<1024xi32, #tpu.memory_space<vmem>>) target_semaphore(%run_scoped3A : memref<!tpu.dma_semaphore, #tpu.memory_space<semaphore_mem>>)
        %dma_wait3A = tpu.memref_slice %arg4[%mul3A_72] : memref<327680xi32, #tpu.memory_space<hbm>> -> memref<1024xi32, #tpu.memory_space<hbm>>
        %dma_wait3A_86 = tpu.memref_slice %arg4[%mul3A_72] : memref<327680xi32, #tpu.memory_space<hbm>> -> memref<1024xi32, #tpu.memory_space<hbm>>
        tpu.wait_dma2 semaphore(%run_scoped3A : memref<!tpu.dma_semaphore, #tpu.memory_space<semaphore_mem>>) src(%dma_wait3A_86 : memref<1024xi32, #tpu.memory_space<hbm>>) dst(%arg12 : memref<1024xi32, #tpu.memory_space<vmem>>)
        tpu.yield
      }) : () -> ()
      %mul3A_73 = arith.constant 1024 : i32
      %mul3A_74 = arith.muli %scan3A_67, %mul3A_73 : i32
      %add3A_75 = arith.constant 0 : i32
      %add3A_76 = arith.addi %add3A_75, %mul3A_74 : i32
      "tpu.region"() ({
        %run_scoped3A = tpu.sem_alloc : memref<!tpu.dma_semaphore, #tpu.memory_space<semaphore_mem>>
        %dma_start3A = tpu.memref_slice %arg5[%add3A_76] : memref<327680xf32, #tpu.memory_space<hbm>> -> memref<1024xf32, #tpu.memory_space<hbm>>
        %dma_start3A_85 = tpu.memref_slice %arg5[%add3A_76] : memref<327680xf32, #tpu.memory_space<hbm>> -> memref<1024xf32, #tpu.memory_space<hbm>>
        tpu.enqueue_dma source(%dma_start3A_85 : memref<1024xf32, #tpu.memory_space<hbm>>) target(%arg13 : memref<1024xf32, #tpu.memory_space<vmem>>) target_semaphore(%run_scoped3A : memref<!tpu.dma_semaphore, #tpu.memory_space<semaphore_mem>>)
        %dma_wait3A = tpu.memref_slice %arg5[%add3A_76] : memref<327680xf32, #tpu.memory_space<hbm>> -> memref<1024xf32, #tpu.memory_space<hbm>>
        %dma_wait3A_86 = tpu.memref_slice %arg5[%add3A_76] : memref<327680xf32, #tpu.memory_space<hbm>> -> memref<1024xf32, #tpu.memory_space<hbm>>
        tpu.wait_dma2 semaphore(%run_scoped3A : memref<!tpu.dma_semaphore, #tpu.memory_space<semaphore_mem>>) src(%dma_wait3A_86 : memref<1024xf32, #tpu.memory_space<hbm>>) dst(%arg13 : memref<1024xf32, #tpu.memory_space<vmem>>)
        tpu.yield
      }) : () -> ()
      %scan3A_77 = arith.constant 0 : i32
      %scan3A_78 = arith.constant 0 : i32
      %scan3A_79 = arith.constant 32 : i32
      %scan3A_80 = arith.addi %scan3A_78, %scan3A_79 : i32
      %scan3A_81 = arith.constant 1 : i32
      %scan3A_82 = scf.for %scan3A_85 = %scan3A_78 to %scan3A_80 step %scan3A_81 iter_args(%scan3A_86 = %scan3A_77) -> (i32)  : i32 {
        %mul3A_87 = arith.constant 32 : i32
        %mul3A_88 = arith.muli %scan3A_85, %mul3A_87 : i32
        %add3A_89 = arith.constant 0 : i32
        %add3A_90 = arith.addi %mul3A_88, %add3A_89 : i32
        %broadcast_in_dim3A_91 = vector.broadcast %add3A_90 : i32 to vector<16xi32>
        %add3A_92 = arith.addi %broadcast_in_dim3A_91, %select_n3A : vector<16xi32>
        %gather3A = tpu.vector_load_idx %arg11[%add3A_92] : memref<1024xi32, #tpu.memory_space<vmem>>[vector<16xi32>], vector<16xi32>,
        %gather3A_93 = tpu.vector_load_idx %arg12[%add3A_92] : memref<1024xi32, #tpu.memory_space<vmem>>[vector<16xi32>], vector<16xi32>,
        %gather3A_94 = tpu.vector_load_idx %arg13[%add3A_92] : memref<1024xf32, #tpu.memory_space<vmem>>[vector<16xi32>], vector<16xf32>,
        %gather3A_95 = tpu.vector_load_idx %arg10[%gather3A] : memref<10120xf32, #tpu.memory_space<vmem>>[vector<16xi32>], vector<16xf32>,
        %add3A_96 = arith.addi %mul3A_46, %gather3A : vector<16xi32>
        %gather3A_97 = tpu.vector_load_idx %arg9[%add3A_96] : memref<40480xf32, #tpu.memory_space<vmem>>[vector<16xi32>], vector<16xf32>,
        %mul3A_98 = arith.mulf %gather3A_94, %gather3A_95 : vector<16xf32>
        %mul3A_99 = arith.mulf %gather3A_97, %mul3A_98 : vector<16xf32>
        %add3A_100 = arith.addi %mul3A_46, %gather3A_93 : vector<16xi32>
        tpu.vector_store_idx %arg8[%add3A_100], %mul3A_99 {add = true} : memref<40480xf32, #tpu.memory_space<vmem>>[vector<16xi32>], vector<16xf32>,
        %add3A_101 = arith.constant 4 : i32
        %add3A_102 = arith.addi %mul3A_88, %add3A_101 : i32
        %broadcast_in_dim3A_103 = vector.broadcast %add3A_102 : i32 to vector<16xi32>
        %add3A_104 = arith.addi %broadcast_in_dim3A_103, %select_n3A : vector<16xi32>
        %gather3A_105 = tpu.vector_load_idx %arg11[%add3A_104] : memref<1024xi32, #tpu.memory_space<vmem>>[vector<16xi32>], vector<16xi32>,
        %gather3A_106 = tpu.vector_load_idx %arg12[%add3A_104] : memref<1024xi32, #tpu.memory_space<vmem>>[vector<16xi32>], vector<16xi32>,
        %gather3A_107 = tpu.vector_load_idx %arg13[%add3A_104] : memref<1024xf32, #tpu.memory_space<vmem>>[vector<16xi32>], vector<16xf32>,
        %gather3A_108 = tpu.vector_load_idx %arg10[%gather3A_105] : memref<10120xf32, #tpu.memory_space<vmem>>[vector<16xi32>], vector<16xf32>,
        %add3A_109 = arith.addi %mul3A_46, %gather3A_105 : vector<16xi32>
        %gather3A_110 = tpu.vector_load_idx %arg9[%add3A_109] : memref<40480xf32, #tpu.memory_space<vmem>>[vector<16xi32>], vector<16xf32>,
        %mul3A_111 = arith.mulf %gather3A_107, %gather3A_108 : vector<16xf32>
        %mul3A_112 = arith.mulf %gather3A_110, %mul3A_111 : vector<16xf32>
        %add3A_113 = arith.addi %mul3A_46, %gather3A_106 : vector<16xi32>
        tpu.vector_store_idx %arg8[%add3A_113], %mul3A_112 {add = true} : memref<40480xf32, #tpu.memory_space<vmem>>[vector<16xi32>], vector<16xf32>,
        %add3A_114 = arith.constant 8 : i32
        %add3A_115 = arith.addi %mul3A_88, %add3A_114 : i32
        %broadcast_in_dim3A_116 = vector.broadcast %add3A_115 : i32 to vector<16xi32>
        %add3A_117 = arith.addi %broadcast_in_dim3A_116, %select_n3A : vector<16xi32>
        %gather3A_118 = tpu.vector_load_idx %arg11[%add3A_117] : memref<1024xi32, #tpu.memory_space<vmem>>[vector<16xi32>], vector<16xi32>,
        %gather3A_119 = tpu.vector_load_idx %arg12[%add3A_117] : memref<1024xi32, #tpu.memory_space<vmem>>[vector<16xi32>], vector<16xi32>,
        %gather3A_120 = tpu.vector_load_idx %arg13[%add3A_117] : memref<1024xf32, #tpu.memory_space<vmem>>[vector<16xi32>], vector<16xf32>,
        %gather3A_121 = tpu.vector_load_idx %arg10[%gather3A_118] : memref<10120xf32, #tpu.memory_space<vmem>>[vector<16xi32>], vector<16xf32>,
        %add3A_122 = arith.addi %mul3A_46, %gather3A_118 : vector<16xi32>
        %gather3A_123 = tpu.vector_load_idx %arg9[%add3A_122] : memref<40480xf32, #tpu.memory_space<vmem>>[vector<16xi32>], vector<16xf32>,
        %mul3A_124 = arith.mulf %gather3A_120, %gather3A_121 : vector<16xf32>
        %mul3A_125 = arith.mulf %gather3A_123, %mul3A_124 : vector<16xf32>
        %add3A_126 = arith.addi %mul3A_46, %gather3A_119 : vector<16xi32>
        tpu.vector_store_idx %arg8[%add3A_126], %mul3A_125 {add = true} : memref<40480xf32, #tpu.memory_space<vmem>>[vector<16xi32>], vector<16xf32>,
        %add3A_127 = arith.constant 12 : i32
        %add3A_128 = arith.addi %mul3A_88, %add3A_127 : i32
        %broadcast_in_dim3A_129 = vector.broadcast %add3A_128 : i32 to vector<16xi32>
        %add3A_130 = arith.addi %broadcast_in_dim3A_129, %select_n3A : vector<16xi32>
        %gather3A_131 = tpu.vector_load_idx %arg11[%add3A_130] : memref<1024xi32, #tpu.memory_space<vmem>>[vector<16xi32>], vector<16xi32>,
        %gather3A_132 = tpu.vector_load_idx %arg12[%add3A_130] : memref<1024xi32, #tpu.memory_space<vmem>>[vector<16xi32>], vector<16xi32>,
        %gather3A_133 = tpu.vector_load_idx %arg13[%add3A_130] : memref<1024xf32, #tpu.memory_space<vmem>>[vector<16xi32>], vector<16xf32>,
        %gather3A_134 = tpu.vector_load_idx %arg10[%gather3A_131] : memref<10120xf32, #tpu.memory_space<vmem>>[vector<16xi32>], vector<16xf32>,
        %add3A_135 = arith.addi %mul3A_46, %gather3A_131 : vector<16xi32>
        %gather3A_136 = tpu.vector_load_idx %arg9[%add3A_135] : memref<40480xf32, #tpu.memory_space<vmem>>[vector<16xi32>], vector<16xf32>,
        %mul3A_137 = arith.mulf %gather3A_133, %gather3A_134 : vector<16xf32>
        %mul3A_138 = arith.mulf %gather3A_136, %mul3A_137 : vector<16xf32>
        %add3A_139 = arith.addi %mul3A_46, %gather3A_132 : vector<16xi32>
        tpu.vector_store_idx %arg8[%add3A_139], %mul3A_138 {add = true} : memref<40480xf32, #tpu.memory_space<vmem>>[vector<16xi32>], vector<16xf32>,
        %add3A_140 = arith.constant 16 : i32
        %add3A_141 = arith.addi %mul3A_88, %add3A_140 : i32
        %broadcast_in_dim3A_142 = vector.broadcast %add3A_141 : i32 to vector<16xi32>
        %add3A_143 = arith.addi %broadcast_in_dim3A_142, %select_n3A : vector<16xi32>
        %gather3A_144 = tpu.vector_load_idx %arg11[%add3A_143] : memref<1024xi32, #tpu.memory_space<vmem>>[vector<16xi32>], vector<16xi32>,
        %gather3A_145 = tpu.vector_load_idx %arg12[%add3A_143] : memref<1024xi32, #tpu.memory_space<vmem>>[vector<16xi32>], vector<16xi32>,
        %gather3A_146 = tpu.vector_load_idx %arg13[%add3A_143] : memref<1024xf32, #tpu.memory_space<vmem>>[vector<16xi32>], vector<16xf32>,
        %gather3A_147 = tpu.vector_load_idx %arg10[%gather3A_144] : memref<10120xf32, #tpu.memory_space<vmem>>[vector<16xi32>], vector<16xf32>,
        %add3A_148 = arith.addi %mul3A_46, %gather3A_144 : vector<16xi32>
        %gather3A_149 = tpu.vector_load_idx %arg9[%add3A_148] : memref<40480xf32, #tpu.memory_space<vmem>>[vector<16xi32>], vector<16xf32>,
        %mul3A_150 = arith.mulf %gather3A_146, %gather3A_147 : vector<16xf32>
        %mul3A_151 = arith.mulf %gather3A_149, %mul3A_150 : vector<16xf32>
        %add3A_152 = arith.addi %mul3A_46, %gather3A_145 : vector<16xi32>
        tpu.vector_store_idx %arg8[%add3A_152], %mul3A_151 {add = true} : memref<40480xf32, #tpu.memory_space<vmem>>[vector<16xi32>], vector<16xf32>,
        %add3A_153 = arith.constant 20 : i32
        %add3A_154 = arith.addi %mul3A_88, %add3A_153 : i32
        %broadcast_in_dim3A_155 = vector.broadcast %add3A_154 : i32 to vector<16xi32>
        %add3A_156 = arith.addi %broadcast_in_dim3A_155, %select_n3A : vector<16xi32>
        %gather3A_157 = tpu.vector_load_idx %arg11[%add3A_156] : memref<1024xi32, #tpu.memory_space<vmem>>[vector<16xi32>], vector<16xi32>,
        %gather3A_158 = tpu.vector_load_idx %arg12[%add3A_156] : memref<1024xi32, #tpu.memory_space<vmem>>[vector<16xi32>], vector<16xi32>,
        %gather3A_159 = tpu.vector_load_idx %arg13[%add3A_156] : memref<1024xf32, #tpu.memory_space<vmem>>[vector<16xi32>], vector<16xf32>,
        %gather3A_160 = tpu.vector_load_idx %arg10[%gather3A_157] : memref<10120xf32, #tpu.memory_space<vmem>>[vector<16xi32>], vector<16xf32>,
        %add3A_161 = arith.addi %mul3A_46, %gather3A_157 : vector<16xi32>
        %gather3A_162 = tpu.vector_load_idx %arg9[%add3A_161] : memref<40480xf32, #tpu.memory_space<vmem>>[vector<16xi32>], vector<16xf32>,
        %mul3A_163 = arith.mulf %gather3A_159, %gather3A_160 : vector<16xf32>
        %mul3A_164 = arith.mulf %gather3A_162, %mul3A_163 : vector<16xf32>
        %add3A_165 = arith.addi %mul3A_46, %gather3A_158 : vector<16xi32>
        tpu.vector_store_idx %arg8[%add3A_165], %mul3A_164 {add = true} : memref<40480xf32, #tpu.memory_space<vmem>>[vector<16xi32>], vector<16xf32>,
        %add3A_166 = arith.constant 24 : i32
        %add3A_167 = arith.addi %mul3A_88, %add3A_166 : i32
        %broadcast_in_dim3A_168 = vector.broadcast %add3A_167 : i32 to vector<16xi32>
        %add3A_169 = arith.addi %broadcast_in_dim3A_168, %select_n3A : vector<16xi32>
        %gather3A_170 = tpu.vector_load_idx %arg11[%add3A_169] : memref<1024xi32, #tpu.memory_space<vmem>>[vector<16xi32>], vector<16xi32>,
        %gather3A_171 = tpu.vector_load_idx %arg12[%add3A_169] : memref<1024xi32, #tpu.memory_space<vmem>>[vector<16xi32>], vector<16xi32>,
        %gather3A_172 = tpu.vector_load_idx %arg13[%add3A_169] : memref<1024xf32, #tpu.memory_space<vmem>>[vector<16xi32>], vector<16xf32>,
        %gather3A_173 = tpu.vector_load_idx %arg10[%gather3A_170] : memref<10120xf32, #tpu.memory_space<vmem>>[vector<16xi32>], vector<16xf32>,
        %add3A_174 = arith.addi %mul3A_46, %gather3A_170 : vector<16xi32>
        %gather3A_175 = tpu.vector_load_idx %arg9[%add3A_174] : memref<40480xf32, #tpu.memory_space<vmem>>[vector<16xi32>], vector<16xf32>,
        %mul3A_176 = arith.mulf %gather3A_172, %gather3A_173 : vector<16xf32>
        %mul3A_177 = arith.mulf %gather3A_175, %mul3A_176 : vector<16xf32>
        %add3A_178 = arith.addi %mul3A_46, %gather3A_171 : vector<16xi32>
        tpu.vector_store_idx %arg8[%add3A_178], %mul3A_177 {add = true} : memref<40480xf32, #tpu.memory_space<vmem>>[vector<16xi32>], vector<16xf32>,
        %add3A_179 = arith.constant 28 : i32
        %add3A_180 = arith.addi %mul3A_88, %add3A_179 : i32
        %broadcast_in_dim3A_181 = vector.broadcast %add3A_180 : i32 to vector<16xi32>
        %add3A_182 = arith.addi %broadcast_in_dim3A_181, %select_n3A : vector<16xi32>
        %gather3A_183 = tpu.vector_load_idx %arg11[%add3A_182] : memref<1024xi32, #tpu.memory_space<vmem>>[vector<16xi32>], vector<16xi32>,
        %gather3A_184 = tpu.vector_load_idx %arg12[%add3A_182] : memref<1024xi32, #tpu.memory_space<vmem>>[vector<16xi32>], vector<16xi32>,
        %gather3A_185 = tpu.vector_load_idx %arg13[%add3A_182] : memref<1024xf32, #tpu.memory_space<vmem>>[vector<16xi32>], vector<16xf32>,
        %gather3A_186 = tpu.vector_load_idx %arg10[%gather3A_183] : memref<10120xf32, #tpu.memory_space<vmem>>[vector<16xi32>], vector<16xf32>,
        %add3A_187 = arith.addi %mul3A_46, %gather3A_183 : vector<16xi32>
        %gather3A_188 = tpu.vector_load_idx %arg9[%add3A_187] : memref<40480xf32, #tpu.memory_space<vmem>>[vector<16xi32>], vector<16xf32>,
        %mul3A_189 = arith.mulf %gather3A_185, %gather3A_186 : vector<16xf32>
        %mul3A_190 = arith.mulf %gather3A_188, %mul3A_189 : vector<16xf32>
        %add3A_191 = arith.addi %mul3A_46, %gather3A_184 : vector<16xi32>
        tpu.vector_store_idx %arg8[%add3A_191], %mul3A_190 {add = true} : memref<40480xf32, #tpu.memory_space<vmem>>[vector<16xi32>], vector<16xf32>,
        %scan3A_192 = arith.constant 0 : i32
        scf.yield %scan3A_192 : i32
      }
      %scan3A_83 = arith.constant 32 : i32
      %scan3A_84 = arith.constant 0 : i32
      scf.yield %scan3A_84 : i32
    }
    %scan3A_66 = arith.constant 320 : i32
    "tpu.region"() ({
      %run_scoped3A = tpu.sem_alloc : memref<!tpu.dma_semaphore, #tpu.memory_space<semaphore_mem>>
      %dma_start3A = tpu.memref_slice %arg7[%mul3A_52] : memref<1295360xf32, #tpu.memory_space<hbm>> -> memref<40480xf32, #tpu.memory_space<hbm>>
      %dma_start3A_67 = tpu.memref_slice %arg7[%mul3A_52] : memref<1295360xf32, #tpu.memory_space<hbm>> -> memref<40480xf32, #tpu.memory_space<hbm>>
      tpu.enqueue_dma source(%arg8 : memref<40480xf32, #tpu.memory_space<vmem>>) target(%dma_start3A_67 : memref<40480xf32, #tpu.memory_space<hbm>>) target_semaphore(%run_scoped3A : memref<!tpu.dma_semaphore, #tpu.memory_space<semaphore_mem>>)
      %dma_wait3A = tpu.memref_slice %arg7[%mul3A_52] : memref<1295360xf32, #tpu.memory_space<hbm>> -> memref<40480xf32, #tpu.memory_space<hbm>>
      %dma_wait3A_68 = tpu.memref_slice %arg7[%mul3A_52] : memref<1295360xf32, #tpu.memory_space<hbm>> -> memref<40480xf32, #tpu.memory_space<hbm>>
      tpu.wait_dma2 semaphore(%run_scoped3A : memref<!tpu.dma_semaphore, #tpu.memory_space<semaphore_mem>>) src(%arg8 : memref<40480xf32, #tpu.memory_space<vmem>>) dst(%dma_wait3A_68 : memref<40480xf32, #tpu.memory_space<hbm>>)
      tpu.yield
    }) : () -> ()
    return
  }
}

#map = affine_map<(d0, d1) -> (0)>
module attributes {stable_mosaic.version = 14 : i64} {
  func.func @spmm_kernel(%arg0: i32, %arg1: i32, %arg2: memref<1295360xf32, #tpu.memory_space<hbm>>, %arg3: memref<327680xi32, #tpu.memory_space<hbm>>, %arg4: memref<327680xi32, #tpu.memory_space<hbm>>, %arg5: memref<327680xf32, #tpu.memory_space<hbm>>, %arg6: memref<10120xf32, #tpu.memory_space<hbm>>, %arg7: memref<1295360xf32, #tpu.memory_space<hbm>>, %arg8: memref<40480xf32, #tpu.memory_space<vmem>>, %arg9: memref<40480xf32, #tpu.memory_space<vmem>>, %arg10: memref<10120xf32, #tpu.memory_space<vmem>>, %arg11: memref<1024xi32, #tpu.memory_space<vmem>>, %arg12: memref<1024xi32, #tpu.memory_space<vmem>>, %arg13: memref<1024xf32, #tpu.memory_space<vmem>>) attributes {dimension_semantics = [#tpu.dimension_semantics<core_parallel>, #tpu.dimension_semantics<subcore_parallel>], iteration_bounds = array<i64: 2, 16>, scalar_prefetch = 0 : i64, scratch_operands = 6 : i64, tpu.core_type = #tpu.core_type<sc_vector_subcore>, window_params = [{transform_indices = #map}, {transform_indices = #map}, {transform_indices = #map}, {transform_indices = #map}, {transform_indices = #map}, {transform_indices = #map}]} {
    %mul3A = arith.constant 16 : i32
    %mul3A_0 = arith.muli %arg0, %mul3A : i32
    %add3A = arith.addi %mul3A_0, %arg1 : i32
    %iota3A = tpu.iota {dimensions = array<i32: 0>} : vector<16xi32>
    %jit3A = arith.constant 4 : i32
    %div3A = vector.broadcast %jit3A : i32 to vector<16xi32>
    %div3A_1 = arith.divsi %iota3A, %div3A : vector<16xi32>
    %sign3A = arith.constant 0 : i32
    %sign3A_2 = vector.broadcast %sign3A : i32 to vector<16xi32>
    %sign3A_3 = arith.cmpi sgt, %iota3A, %sign3A_2 : vector<16xi32>
    %sign3A_4 = arith.extui %sign3A_3 : vector<16xi1> to vector<16xi32>
    %sign3A_5 = arith.constant 0 : i32
    %sign3A_6 = vector.broadcast %sign3A_5 : i32 to vector<16xi32>
    %sign3A_7 = arith.cmpi slt, %iota3A, %sign3A_6 : vector<16xi32>
    %sign3A_8 = arith.extui %sign3A_7 : vector<16xi1> to vector<16xi32>
    %sign3A_9 = arith.subi %sign3A_4, %sign3A_8 : vector<16xi32>
    %sign3A_10 = arith.constant 0 : i32
    %sign3A_11 = arith.cmpi sgt, %jit3A, %sign3A_10 : i32
    %sign3A_12 = arith.extui %sign3A_11 : i1 to i32
    %sign3A_13 = arith.constant 0 : i32
    %sign3A_14 = arith.cmpi slt, %jit3A, %sign3A_13 : i32
    %sign3A_15 = arith.extui %sign3A_14 : i1 to i32
    %sign3A_16 = arith.subi %sign3A_12, %sign3A_15 : i32
    %ne3A = vector.broadcast %sign3A_16 : i32 to vector<16xi32>
    %ne3A_17 = arith.cmpi ne, %sign3A_9, %ne3A : vector<16xi32>
    %rem3A = vector.broadcast %jit3A : i32 to vector<16xi32>
    %rem3A_18 = arith.remsi %iota3A, %rem3A : vector<16xi32>
    %ne3A_19 = arith.constant 0 : i32
    %ne3A_20 = vector.broadcast %ne3A_19 : i32 to vector<16xi32>
    %ne3A_21 = arith.cmpi ne, %rem3A_18, %ne3A_20 : vector<16xi32>
    %and3A = arith.andi %ne3A_17, %ne3A_21 : vector<16xi1>
    %sub3A = arith.constant 1 : i32
    %sub3A_22 = vector.broadcast %sub3A : i32 to vector<16xi32>
    %sub3A_23 = arith.subi %div3A_1, %sub3A_22 : vector<16xi32>
    %select_n3A = arith.select %and3A, %sub3A_23, %div3A_1 : vector<16xi1>, vector<16xi32>
    %jit3A_24 = arith.constant 4 : i32
    %eq3A = arith.constant 0 : i32
    %eq3A_25 = arith.cmpi eq, %jit3A_24, %eq3A : i32
    %jit3A_26 = arith.constant 1 : i32
    %select_n3A_27 = arith.select %eq3A_25, %jit3A_26, %jit3A_24 : i32
    %rem3A_28 = vector.broadcast %select_n3A_27 : i32 to vector<16xi32>
    %rem3A_29 = arith.remsi %iota3A, %rem3A_28 : vector<16xi32>
    %ne3A_30 = arith.constant 0 : i32
    %ne3A_31 = vector.broadcast %ne3A_30 : i32 to vector<16xi32>
    %ne3A_32 = arith.cmpi ne, %rem3A_29, %ne3A_31 : vector<16xi32>
    %lt3A = arith.constant 0 : i32
    %lt3A_33 = vector.broadcast %lt3A : i32 to vector<16xi32>
    %lt3A_34 = arith.cmpi slt, %rem3A_29, %lt3A_33 : vector<16xi32>
    %lt3A_35 = arith.constant 0 : i32
    %lt3A_36 = arith.cmpi slt, %select_n3A_27, %lt3A_35 : i32
    %ne3A_37 = vector.broadcast %lt3A_36 : i1 to vector<16xi1>
    %ne3A_38 = vector.broadcast %ne3A_37 : vector<16xi1> to vector<16xi1>
    %ne3A_39 = arith.xori %lt3A_34, %ne3A_38 : vector<16xi1>
    %and3A_40 = arith.andi %ne3A_39, %ne3A_32 : vector<16xi1>
    %add3A_41 = vector.broadcast %select_n3A_27 : i32 to vector<16xi32>
    %add3A_42 = arith.addi %rem3A_29, %add3A_41 : vector<16xi32>
    %select_n3A_43 = arith.select %and3A_40, %add3A_42, %rem3A_29 : vector<16xi1>, vector<16xi32>
    %mul3A_44 = arith.constant 10120 : i32
    %mul3A_45 = vector.broadcast %mul3A_44 : i32 to vector<16xi32>
    %mul3A_46 = arith.muli %select_n3A_43, %mul3A_45 : vector<16xi32>
    %mul3A_47 = arith.constant 4 : i32
    %mul3A_48 = arith.muli %mul3A_47, %add3A : i32
    %add3A_49 = arith.constant 0 : i32
    %add3A_50 = arith.addi %add3A_49, %mul3A_48 : i32
    %mul3A_51 = arith.constant 10120 : i32
    %mul3A_52 = arith.muli %add3A_50, %mul3A_51 : i32
    "tpu.region"() ({
      %run_scoped3A = tpu.sem_alloc : memref<!tpu.dma_semaphore, #tpu.memory_space<semaphore_mem>>
      %dma_start3A = tpu.memref_slice %arg2[%mul3A_52] : memref<1295360xf32, #tpu.memory_space<hbm>> -> memref<40480xf32, #tpu.memory_space<hbm>>
      %dma_start3A_67 = tpu.memref_slice %arg2[%mul3A_52] : memref<1295360xf32, #tpu.memory_space<hbm>> -> memref<40480xf32, #tpu.memory_space<hbm>>
      tpu.enqueue_dma source(%dma_start3A_67 : memref<40480xf32, #tpu.memory_space<hbm>>) target(%arg9 : memref<40480xf32, #tpu.memory_space<vmem>>) target_semaphore(%run_scoped3A : memref<!tpu.dma_semaphore, #tpu.memory_space<semaphore_mem>>)
      %dma_wait3A = tpu.memref_slice %arg2[%mul3A_52] : memref<1295360xf32, #tpu.memory_space<hbm>> -> memref<40480xf32, #tpu.memory_space<hbm>>
      %dma_wait3A_68 = tpu.memref_slice %arg2[%mul3A_52] : memref<1295360xf32, #tpu.memory_space<hbm>> -> memref<40480xf32, #tpu.memory_space<hbm>>
      tpu.wait_dma2 semaphore(%run_scoped3A : memref<!tpu.dma_semaphore, #tpu.memory_space<semaphore_mem>>) src(%dma_wait3A_68 : memref<40480xf32, #tpu.memory_space<hbm>>) dst(%arg9 : memref<40480xf32, #tpu.memory_space<vmem>>)
      tpu.yield
    }) : () -> ()
    "tpu.region"() ({
      %run_scoped3A = tpu.sem_alloc : memref<!tpu.dma_semaphore, #tpu.memory_space<semaphore_mem>>
      %dma_start3A = arith.constant 0 : i32
      %dma_start3A_67 = tpu.memref_slice %arg6[%dma_start3A] : memref<10120xf32, #tpu.memory_space<hbm>> -> memref<10120xf32, #tpu.memory_space<hbm>>
      %dma_start3A_68 = arith.constant 0 : i32
      %dma_start3A_69 = tpu.memref_slice %arg6[%dma_start3A_68] : memref<10120xf32, #tpu.memory_space<hbm>> -> memref<10120xf32, #tpu.memory_space<hbm>>
      tpu.enqueue_dma source(%dma_start3A_69 : memref<10120xf32, #tpu.memory_space<hbm>>) target(%arg10 : memref<10120xf32, #tpu.memory_space<vmem>>) target_semaphore(%run_scoped3A : memref<!tpu.dma_semaphore, #tpu.memory_space<semaphore_mem>>)
      %dma_wait3A = arith.constant 0 : i32
      %dma_wait3A_70 = tpu.memref_slice %arg6[%dma_wait3A] : memref<10120xf32, #tpu.memory_space<hbm>> -> memref<10120xf32, #tpu.memory_space<hbm>>
      %dma_wait3A_71 = arith.constant 0 : i32
      %dma_wait3A_72 = tpu.memref_slice %arg6[%dma_wait3A_71] : memref<10120xf32, #tpu.memory_space<hbm>> -> memref<10120xf32, #tpu.memory_space<hbm>>
      tpu.wait_dma2 semaphore(%run_scoped3A : memref<!tpu.dma_semaphore, #tpu.memory_space<semaphore_mem>>) src(%dma_wait3A_72 : memref<10120xf32, #tpu.memory_space<hbm>>) dst(%arg10 : memref<10120xf32, #tpu.memory_space<vmem>>)
      tpu.yield
    }) : () -> ()
    %broadcast_in_dim3A = arith.constant 0.000000e+00 : f32
    %broadcast_in_dim3A_53 = vector.broadcast %broadcast_in_dim3A : f32 to vector<16xf32>
    %scan3A = arith.constant 0 : i32
    %scan3A_54 = arith.constant 0 : i32
    %scan3A_55 = arith.constant 2530 : i32
    %scan3A_56 = arith.addi %scan3A_54, %scan3A_55 : i32
    %scan3A_57 = arith.constant 1 : i32
    %scan3A_58 = scf.for %scan3A_67 = %scan3A_54 to %scan3A_56 step %scan3A_57 iter_args(%scan3A_68 = %scan3A) -> (i32)  : i32 {
      %mul3A_69 = arith.constant 16 : i32
      %mul3A_70 = arith.muli %scan3A_67, %mul3A_69 : i32
      %swap3A = arith.index_cast %mul3A_70 : i32 to index
      %swap3A_71 = tpu.vector_load %arg8[%swap3A] {strides = array<i32>} : memref<40480xf32, #tpu.memory_space<vmem>>, vector<16xf32>,
      tpu.vector_store %arg8[%swap3A], %broadcast_in_dim3A_53 {strides = array<i32>} : memref<40480xf32, #tpu.memory_space<vmem>>, vector<16xf32>,
      %scan3A_72 = arith.constant 0 : i32
      scf.yield %scan3A_72 : i32
    }
    %scan3A_59 = arith.constant 2530 : i32
    %scan3A_60 = arith.constant 0 : i32
    %scan3A_61 = arith.constant 0 : i32
    %scan3A_62 = arith.constant 320 : i32
    %scan3A_63 = arith.addi %scan3A_61, %scan3A_62 : i32
    %scan3A_64 = arith.constant 1 : i32
    %scan3A_65 = scf.for %scan3A_67 = %scan3A_61 to %scan3A_63 step %scan3A_64 iter_args(%scan3A_68 = %scan3A_60) -> (i32)  : i32 {
      %mul3A_69 = arith.constant 1024 : i32
      %mul3A_70 = arith.muli %scan3A_67, %mul3A_69 : i32
      "tpu.region"() ({
        %run_scoped3A = tpu.sem_alloc : memref<!tpu.dma_semaphore, #tpu.memory_space<semaphore_mem>>
        %dma_start3A = tpu.memref_slice %arg3[%mul3A_70] : memref<327680xi32, #tpu.memory_space<hbm>> -> memref<1024xi32, #tpu.memory_space<hbm>>
        %dma_start3A_85 = tpu.memref_slice %arg3[%mul3A_70] : memref<327680xi32, #tpu.memory_space<hbm>> -> memref<1024xi32, #tpu.memory_space<hbm>>
        tpu.enqueue_dma source(%dma_start3A_85 : memref<1024xi32, #tpu.memory_space<hbm>>) target(%arg11 : memref<1024xi32, #tpu.memory_space<vmem>>) target_semaphore(%run_scoped3A : memref<!tpu.dma_semaphore, #tpu.memory_space<semaphore_mem>>)
        %dma_wait3A = tpu.memref_slice %arg3[%mul3A_70] : memref<327680xi32, #tpu.memory_space<hbm>> -> memref<1024xi32, #tpu.memory_space<hbm>>
        %dma_wait3A_86 = tpu.memref_slice %arg3[%mul3A_70] : memref<327680xi32, #tpu.memory_space<hbm>> -> memref<1024xi32, #tpu.memory_space<hbm>>
        tpu.wait_dma2 semaphore(%run_scoped3A : memref<!tpu.dma_semaphore, #tpu.memory_space<semaphore_mem>>) src(%dma_wait3A_86 : memref<1024xi32, #tpu.memory_space<hbm>>) dst(%arg11 : memref<1024xi32, #tpu.memory_space<vmem>>)
        tpu.yield
      }) : () -> ()
      %mul3A_71 = arith.constant 1024 : i32
      %mul3A_72 = arith.muli %scan3A_67, %mul3A_71 : i32
      "tpu.region"() ({
        %run_scoped3A = tpu.sem_alloc : memref<!tpu.dma_semaphore, #tpu.memory_space<semaphore_mem>>
        %dma_start3A = tpu.memref_slice %arg4[%mul3A_72] : memref<327680xi32, #tpu.memory_space<hbm>> -> memref<1024xi32, #tpu.memory_space<hbm>>
        %dma_start3A_85 = tpu.memref_slice %arg4[%mul3A_72] : memref<327680xi32, #tpu.memory_space<hbm>> -> memref<1024xi32, #tpu.memory_space<hbm>>
        tpu.enqueue_dma source(%dma_start3A_85 : memref<1024xi32, #tpu.memory_space<hbm>>) target(%arg12 : memref<1024xi32, #tpu.memory_space<vmem>>) target_semaphore(%run_scoped3A : memref<!tpu.dma_semaphore, #tpu.memory_space<semaphore_mem>>)
        %dma_wait3A = tpu.memref_slice %arg4[%mul3A_72] : memref<327680xi32, #tpu.memory_space<hbm>> -> memref<1024xi32, #tpu.memory_space<hbm>>
        %dma_wait3A_86 = tpu.memref_slice %arg4[%mul3A_72] : memref<327680xi32, #tpu.memory_space<hbm>> -> memref<1024xi32, #tpu.memory_space<hbm>>
        tpu.wait_dma2 semaphore(%run_scoped3A : memref<!tpu.dma_semaphore, #tpu.memory_space<semaphore_mem>>) src(%dma_wait3A_86 : memref<1024xi32, #tpu.memory_space<hbm>>) dst(%arg12 : memref<1024xi32, #tpu.memory_space<vmem>>)
        tpu.yield
      }) : () -> ()
      %mul3A_73 = arith.constant 1024 : i32
      %mul3A_74 = arith.muli %scan3A_67, %mul3A_73 : i32
      %add3A_75 = arith.constant 0 : i32
      %add3A_76 = arith.addi %add3A_75, %mul3A_74 : i32
      "tpu.region"() ({
        %run_scoped3A = tpu.sem_alloc : memref<!tpu.dma_semaphore, #tpu.memory_space<semaphore_mem>>
        %dma_start3A = tpu.memref_slice %arg5[%add3A_76] : memref<327680xf32, #tpu.memory_space<hbm>> -> memref<1024xf32, #tpu.memory_space<hbm>>
        %dma_start3A_85 = tpu.memref_slice %arg5[%add3A_76] : memref<327680xf32, #tpu.memory_space<hbm>> -> memref<1024xf32, #tpu.memory_space<hbm>>
        tpu.enqueue_dma source(%dma_start3A_85 : memref<1024xf32, #tpu.memory_space<hbm>>) target(%arg13 : memref<1024xf32, #tpu.memory_space<vmem>>) target_semaphore(%run_scoped3A : memref<!tpu.dma_semaphore, #tpu.memory_space<semaphore_mem>>)
        %dma_wait3A = tpu.memref_slice %arg5[%add3A_76] : memref<327680xf32, #tpu.memory_space<hbm>> -> memref<1024xf32, #tpu.memory_space<hbm>>
        %dma_wait3A_86 = tpu.memref_slice %arg5[%add3A_76] : memref<327680xf32, #tpu.memory_space<hbm>> -> memref<1024xf32, #tpu.memory_space<hbm>>
        tpu.wait_dma2 semaphore(%run_scoped3A : memref<!tpu.dma_semaphore, #tpu.memory_space<semaphore_mem>>) src(%dma_wait3A_86 : memref<1024xf32, #tpu.memory_space<hbm>>) dst(%arg13 : memref<1024xf32, #tpu.memory_space<vmem>>)
        tpu.yield
      }) : () -> ()
      %scan3A_77 = arith.constant 0 : i32
      %scan3A_78 = arith.constant 0 : i32
      %scan3A_79 = arith.constant 32 : i32
      %scan3A_80 = arith.addi %scan3A_78, %scan3A_79 : i32
      %scan3A_81 = arith.constant 1 : i32
      %scan3A_82 = scf.for %scan3A_85 = %scan3A_78 to %scan3A_80 step %scan3A_81 iter_args(%scan3A_86 = %scan3A_77) -> (i32)  : i32 {
        %mul3A_87 = arith.constant 32 : i32
        %mul3A_88 = arith.muli %scan3A_85, %mul3A_87 : i32
        %add3A_89 = arith.constant 0 : i32
        %add3A_90 = arith.addi %mul3A_88, %add3A_89 : i32
        %broadcast_in_dim3A_91 = vector.broadcast %add3A_90 : i32 to vector<16xi32>
        %add3A_92 = arith.addi %broadcast_in_dim3A_91, %select_n3A : vector<16xi32>
        %gather3A = tpu.vector_load_idx %arg11[%add3A_92] : memref<1024xi32, #tpu.memory_space<vmem>>[vector<16xi32>], vector<16xi32>,
        %gather3A_93 = tpu.vector_load_idx %arg12[%add3A_92] : memref<1024xi32, #tpu.memory_space<vmem>>[vector<16xi32>], vector<16xi32>,
        %gather3A_94 = tpu.vector_load_idx %arg13[%add3A_92] : memref<1024xf32, #tpu.memory_space<vmem>>[vector<16xi32>], vector<16xf32>,
        %gather3A_95 = tpu.vector_load_idx %arg10[%gather3A] : memref<10120xf32, #tpu.memory_space<vmem>>[vector<16xi32>], vector<16xf32>,
        %add3A_96 = arith.addi %mul3A_46, %gather3A : vector<16xi32>
        %gather3A_97 = tpu.vector_load_idx %arg9[%add3A_96] : memref<40480xf32, #tpu.memory_space<vmem>>[vector<16xi32>], vector<16xf32>,
        %mul3A_98 = arith.mulf %gather3A_94, %gather3A_95 : vector<16xf32>
        %mul3A_99 = arith.mulf %gather3A_97, %mul3A_98 : vector<16xf32>
        %add3A_100 = arith.addi %mul3A_46, %gather3A_93 : vector<16xi32>
        tpu.vector_store_idx %arg8[%add3A_100], %mul3A_99 {add = true} : memref<40480xf32, #tpu.memory_space<vmem>>[vector<16xi32>], vector<16xf32>,
        %add3A_101 = arith.constant 4 : i32
        %add3A_102 = arith.addi %mul3A_88, %add3A_101 : i32
        %broadcast_in_dim3A_103 = vector.broadcast %add3A_102 : i32 to vector<16xi32>
        %add3A_104 = arith.addi %broadcast_in_dim3A_103, %select_n3A : vector<16xi32>
        %gather3A_105 = tpu.vector_load_idx %arg11[%add3A_104] : memref<1024xi32, #tpu.memory_space<vmem>>[vector<16xi32>], vector<16xi32>,
        %gather3A_106 = tpu.vector_load_idx %arg12[%add3A_104] : memref<1024xi32, #tpu.memory_space<vmem>>[vector<16xi32>], vector<16xi32>,
        %gather3A_107 = tpu.vector_load_idx %arg13[%add3A_104] : memref<1024xf32, #tpu.memory_space<vmem>>[vector<16xi32>], vector<16xf32>,
        %gather3A_108 = tpu.vector_load_idx %arg10[%gather3A_105] : memref<10120xf32, #tpu.memory_space<vmem>>[vector<16xi32>], vector<16xf32>,
        %add3A_109 = arith.addi %mul3A_46, %gather3A_105 : vector<16xi32>
        %gather3A_110 = tpu.vector_load_idx %arg9[%add3A_109] : memref<40480xf32, #tpu.memory_space<vmem>>[vector<16xi32>], vector<16xf32>,
        %mul3A_111 = arith.mulf %gather3A_107, %gather3A_108 : vector<16xf32>
        %mul3A_112 = arith.mulf %gather3A_110, %mul3A_111 : vector<16xf32>
        %add3A_113 = arith.addi %mul3A_46, %gather3A_106 : vector<16xi32>
        tpu.vector_store_idx %arg8[%add3A_113], %mul3A_112 {add = true} : memref<40480xf32, #tpu.memory_space<vmem>>[vector<16xi32>], vector<16xf32>,
        %add3A_114 = arith.constant 8 : i32
        %add3A_115 = arith.addi %mul3A_88, %add3A_114 : i32
        %broadcast_in_dim3A_116 = vector.broadcast %add3A_115 : i32 to vector<16xi32>
        %add3A_117 = arith.addi %broadcast_in_dim3A_116, %select_n3A : vector<16xi32>
        %gather3A_118 = tpu.vector_load_idx %arg11[%add3A_117] : memref<1024xi32, #tpu.memory_space<vmem>>[vector<16xi32>], vector<16xi32>,
        %gather3A_119 = tpu.vector_load_idx %arg12[%add3A_117] : memref<1024xi32, #tpu.memory_space<vmem>>[vector<16xi32>], vector<16xi32>,
        %gather3A_120 = tpu.vector_load_idx %arg13[%add3A_117] : memref<1024xf32, #tpu.memory_space<vmem>>[vector<16xi32>], vector<16xf32>,
        %gather3A_121 = tpu.vector_load_idx %arg10[%gather3A_118] : memref<10120xf32, #tpu.memory_space<vmem>>[vector<16xi32>], vector<16xf32>,
        %add3A_122 = arith.addi %mul3A_46, %gather3A_118 : vector<16xi32>
        %gather3A_123 = tpu.vector_load_idx %arg9[%add3A_122] : memref<40480xf32, #tpu.memory_space<vmem>>[vector<16xi32>], vector<16xf32>,
        %mul3A_124 = arith.mulf %gather3A_120, %gather3A_121 : vector<16xf32>
        %mul3A_125 = arith.mulf %gather3A_123, %mul3A_124 : vector<16xf32>
        %add3A_126 = arith.addi %mul3A_46, %gather3A_119 : vector<16xi32>
        tpu.vector_store_idx %arg8[%add3A_126], %mul3A_125 {add = true} : memref<40480xf32, #tpu.memory_space<vmem>>[vector<16xi32>], vector<16xf32>,
        %add3A_127 = arith.constant 12 : i32
        %add3A_128 = arith.addi %mul3A_88, %add3A_127 : i32
        %broadcast_in_dim3A_129 = vector.broadcast %add3A_128 : i32 to vector<16xi32>
        %add3A_130 = arith.addi %broadcast_in_dim3A_129, %select_n3A : vector<16xi32>
        %gather3A_131 = tpu.vector_load_idx %arg11[%add3A_130] : memref<1024xi32, #tpu.memory_space<vmem>>[vector<16xi32>], vector<16xi32>,
        %gather3A_132 = tpu.vector_load_idx %arg12[%add3A_130] : memref<1024xi32, #tpu.memory_space<vmem>>[vector<16xi32>], vector<16xi32>,
        %gather3A_133 = tpu.vector_load_idx %arg13[%add3A_130] : memref<1024xf32, #tpu.memory_space<vmem>>[vector<16xi32>], vector<16xf32>,
        %gather3A_134 = tpu.vector_load_idx %arg10[%gather3A_131] : memref<10120xf32, #tpu.memory_space<vmem>>[vector<16xi32>], vector<16xf32>,
        %add3A_135 = arith.addi %mul3A_46, %gather3A_131 : vector<16xi32>
        %gather3A_136 = tpu.vector_load_idx %arg9[%add3A_135] : memref<40480xf32, #tpu.memory_space<vmem>>[vector<16xi32>], vector<16xf32>,
        %mul3A_137 = arith.mulf %gather3A_133, %gather3A_134 : vector<16xf32>
        %mul3A_138 = arith.mulf %gather3A_136, %mul3A_137 : vector<16xf32>
        %add3A_139 = arith.addi %mul3A_46, %gather3A_132 : vector<16xi32>
        tpu.vector_store_idx %arg8[%add3A_139], %mul3A_138 {add = true} : memref<40480xf32, #tpu.memory_space<vmem>>[vector<16xi32>], vector<16xf32>,
        %add3A_140 = arith.constant 16 : i32
        %add3A_141 = arith.addi %mul3A_88, %add3A_140 : i32
        %broadcast_in_dim3A_142 = vector.broadcast %add3A_141 : i32 to vector<16xi32>
        %add3A_143 = arith.addi %broadcast_in_dim3A_142, %select_n3A : vector<16xi32>
        %gather3A_144 = tpu.vector_load_idx %arg11[%add3A_143] : memref<1024xi32, #tpu.memory_space<vmem>>[vector<16xi32>], vector<16xi32>,
        %gather3A_145 = tpu.vector_load_idx %arg12[%add3A_143] : memref<1024xi32, #tpu.memory_space<vmem>>[vector<16xi32>], vector<16xi32>,
        %gather3A_146 = tpu.vector_load_idx %arg13[%add3A_143] : memref<1024xf32, #tpu.memory_space<vmem>>[vector<16xi32>], vector<16xf32>,
        %gather3A_147 = tpu.vector_load_idx %arg10[%gather3A_144] : memref<10120xf32, #tpu.memory_space<vmem>>[vector<16xi32>], vector<16xf32>,
        %add3A_148 = arith.addi %mul3A_46, %gather3A_144 : vector<16xi32>
        %gather3A_149 = tpu.vector_load_idx %arg9[%add3A_148] : memref<40480xf32, #tpu.memory_space<vmem>>[vector<16xi32>], vector<16xf32>,
        %mul3A_150 = arith.mulf %gather3A_146, %gather3A_147 : vector<16xf32>
        %mul3A_151 = arith.mulf %gather3A_149, %mul3A_150 : vector<16xf32>
        %add3A_152 = arith.addi %mul3A_46, %gather3A_145 : vector<16xi32>
        tpu.vector_store_idx %arg8[%add3A_152], %mul3A_151 {add = true} : memref<40480xf32, #tpu.memory_space<vmem>>[vector<16xi32>], vector<16xf32>,
        %add3A_153 = arith.constant 20 : i32
        %add3A_154 = arith.addi %mul3A_88, %add3A_153 : i32
        %broadcast_in_dim3A_155 = vector.broadcast %add3A_154 : i32 to vector<16xi32>
        %add3A_156 = arith.addi %broadcast_in_dim3A_155, %select_n3A : vector<16xi32>
        %gather3A_157 = tpu.vector_load_idx %arg11[%add3A_156] : memref<1024xi32, #tpu.memory_space<vmem>>[vector<16xi32>], vector<16xi32>,
        %gather3A_158 = tpu.vector_load_idx %arg12[%add3A_156] : memref<1024xi32, #tpu.memory_space<vmem>>[vector<16xi32>], vector<16xi32>,
        %gather3A_159 = tpu.vector_load_idx %arg13[%add3A_156] : memref<1024xf32, #tpu.memory_space<vmem>>[vector<16xi32>], vector<16xf32>,
        %gather3A_160 = tpu.vector_load_idx %arg10[%gather3A_157] : memref<10120xf32, #tpu.memory_space<vmem>>[vector<16xi32>], vector<16xf32>,
        %add3A_161 = arith.addi %mul3A_46, %gather3A_157 : vector<16xi32>
        %gather3A_162 = tpu.vector_load_idx %arg9[%add3A_161] : memref<40480xf32, #tpu.memory_space<vmem>>[vector<16xi32>], vector<16xf32>,
        %mul3A_163 = arith.mulf %gather3A_159, %gather3A_160 : vector<16xf32>
        %mul3A_164 = arith.mulf %gather3A_162, %mul3A_163 : vector<16xf32>
        %add3A_165 = arith.addi %mul3A_46, %gather3A_158 : vector<16xi32>
        tpu.vector_store_idx %arg8[%add3A_165], %mul3A_164 {add = true} : memref<40480xf32, #tpu.memory_space<vmem>>[vector<16xi32>], vector<16xf32>,
        %add3A_166 = arith.constant 24 : i32
        %add3A_167 = arith.addi %mul3A_88, %add3A_166 : i32
        %broadcast_in_dim3A_168 = vector.broadcast %add3A_167 : i32 to vector<16xi32>
        %add3A_169 = arith.addi %broadcast_in_dim3A_168, %select_n3A : vector<16xi32>
        %gather3A_170 = tpu.vector_load_idx %arg11[%add3A_169] : memref<1024xi32, #tpu.memory_space<vmem>>[vector<16xi32>], vector<16xi32>,
        %gather3A_171 = tpu.vector_load_idx %arg12[%add3A_169] : memref<1024xi32, #tpu.memory_space<vmem>>[vector<16xi32>], vector<16xi32>,
        %gather3A_172 = tpu.vector_load_idx %arg13[%add3A_169] : memref<1024xf32, #tpu.memory_space<vmem>>[vector<16xi32>], vector<16xf32>,
        %gather3A_173 = tpu.vector_load_idx %arg10[%gather3A_170] : memref<10120xf32, #tpu.memory_space<vmem>>[vector<16xi32>], vector<16xf32>,
        %add3A_174 = arith.addi %mul3A_46, %gather3A_170 : vector<16xi32>
        %gather3A_175 = tpu.vector_load_idx %arg9[%add3A_174] : memref<40480xf32, #tpu.memory_space<vmem>>[vector<16xi32>], vector<16xf32>,
        %mul3A_176 = arith.mulf %gather3A_172, %gather3A_173 : vector<16xf32>
        %mul3A_177 = arith.mulf %gather3A_175, %mul3A_176 : vector<16xf32>
        %add3A_178 = arith.addi %mul3A_46, %gather3A_171 : vector<16xi32>
        tpu.vector_store_idx %arg8[%add3A_178], %mul3A_177 {add = true} : memref<40480xf32, #tpu.memory_space<vmem>>[vector<16xi32>], vector<16xf32>,
        %add3A_179 = arith.constant 28 : i32
        %add3A_180 = arith.addi %mul3A_88, %add3A_179 : i32
        %broadcast_in_dim3A_181 = vector.broadcast %add3A_180 : i32 to vector<16xi32>
        %add3A_182 = arith.addi %broadcast_in_dim3A_181, %select_n3A : vector<16xi32>
        %gather3A_183 = tpu.vector_load_idx %arg11[%add3A_182] : memref<1024xi32, #tpu.memory_space<vmem>>[vector<16xi32>], vector<16xi32>,
        %gather3A_184 = tpu.vector_load_idx %arg12[%add3A_182] : memref<1024xi32, #tpu.memory_space<vmem>>[vector<16xi32>], vector<16xi32>,
        %gather3A_185 = tpu.vector_load_idx %arg13[%add3A_182] : memref<1024xf32, #tpu.memory_space<vmem>>[vector<16xi32>], vector<16xf32>,
        %gather3A_186 = tpu.vector_load_idx %arg10[%gather3A_183] : memref<10120xf32, #tpu.memory_space<vmem>>[vector<16xi32>], vector<16xf32>,
        %add3A_187 = arith.addi %mul3A_46, %gather3A_183 : vector<16xi32>
        %gather3A_188 = tpu.vector_load_idx %arg9[%add3A_187] : memref<40480xf32, #tpu.memory_space<vmem>>[vector<16xi32>], vector<16xf32>,
        %mul3A_189 = arith.mulf %gather3A_185, %gather3A_186 : vector<16xf32>
        %mul3A_190 = arith.mulf %gather3A_188, %mul3A_189 : vector<16xf32>
        %add3A_191 = arith.addi %mul3A_46, %gather3A_184 : vector<16xi32>
        tpu.vector_store_idx %arg8[%add3A_191], %mul3A_190 {add = true} : memref<40480xf32, #tpu.memory_space<vmem>>[vector<16xi32>], vector<16xf32>,
        %scan3A_192 = arith.constant 0 : i32
        scf.yield %scan3A_192 : i32
      }
      %scan3A_83 = arith.constant 32 : i32
      %scan3A_84 = arith.constant 0 : i32
      scf.yield %scan3A_84 : i32
    }
    %scan3A_66 = arith.constant 320 : i32
    "tpu.region"() ({
      %run_scoped3A = tpu.sem_alloc : memref<!tpu.dma_semaphore, #tpu.memory_space<semaphore_mem>>
      %dma_start3A = tpu.memref_slice %arg7[%mul3A_52] : memref<1295360xf32, #tpu.memory_space<hbm>> -> memref<40480xf32, #tpu.memory_space<hbm>>
      %dma_start3A_67 = tpu.memref_slice %arg7[%mul3A_52] : memref<1295360xf32, #tpu.memory_space<hbm>> -> memref<40480xf32, #tpu.memory_space<hbm>>
      tpu.enqueue_dma source(%arg8 : memref<40480xf32, #tpu.memory_space<vmem>>) target(%dma_start3A_67 : memref<40480xf32, #tpu.memory_space<hbm>>) target_semaphore(%run_scoped3A : memref<!tpu.dma_semaphore, #tpu.memory_space<semaphore_mem>>)
      %dma_wait3A = tpu.memref_slice %arg7[%mul3A_52] : memref<1295360xf32, #tpu.memory_space<hbm>> -> memref<40480xf32, #tpu.memory_space<hbm>>
      %dma_wait3A_68 = tpu.memref_slice %arg7[%mul3A_52] : memref<1295360xf32, #tpu.memory_space<hbm>> -> memref<40480xf32, #tpu.memory_space<hbm>>
      tpu.wait_dma2 semaphore(%run_scoped3A : memref<!tpu.dma_semaphore, #tpu.memory_space<semaphore_mem>>) src(%arg8 : memref<40480xf32, #tpu.memory_space<vmem>>) dst(%dma_wait3A_68 : memref<40480xf32, #tpu.memory_space<hbm>>)
      tpu.yield
    }) : () -> ()
    return
  }
}

#map = affine_map<(d0, d1) -> (0)>
module attributes {stable_mosaic.version = 14 : i64} {
  func.func @spmm_kernel(%arg0: i32, %arg1: i32, %arg2: memref<5181440xf32, #tpu.memory_space<hbm>>, %arg3: memref<327680xi32, #tpu.memory_space<hbm>>, %arg4: memref<327680xi32, #tpu.memory_space<hbm>>, %arg5: memref<1310720xf32, #tpu.memory_space<hbm>>, %arg6: memref<40480xf32, #tpu.memory_space<hbm>>, %arg7: memref<5181440xf32, #tpu.memory_space<hbm>>, %arg8: memref<40480xf32, #tpu.memory_space<vmem>>, %arg9: memref<40480xf32, #tpu.memory_space<vmem>>, %arg10: memref<10120xf32, #tpu.memory_space<vmem>>, %arg11: memref<1024xi32, #tpu.memory_space<vmem>>, %arg12: memref<1024xi32, #tpu.memory_space<vmem>>, %arg13: memref<1024xf32, #tpu.memory_space<vmem>>) attributes {dimension_semantics = [#tpu.dimension_semantics<core_parallel>, #tpu.dimension_semantics<subcore_parallel>], iteration_bounds = array<i64: 2, 16>, scalar_prefetch = 0 : i64, scratch_operands = 6 : i64, tpu.core_type = #tpu.core_type<sc_vector_subcore>, window_params = [{transform_indices = #map}, {transform_indices = #map}, {transform_indices = #map}, {transform_indices = #map}, {transform_indices = #map}, {transform_indices = #map}]} {
    %mul3A = arith.constant 16 : i32
    %mul3A_0 = arith.muli %arg0, %mul3A : i32
    %add3A = arith.addi %mul3A_0, %arg1 : i32
    %iota3A = tpu.iota {dimensions = array<i32: 0>} : vector<16xi32>
    %jit3A = arith.constant 4 : i32
    %div3A = vector.broadcast %jit3A : i32 to vector<16xi32>
    %div3A_1 = arith.divsi %iota3A, %div3A : vector<16xi32>
    %sign3A = arith.constant 0 : i32
    %sign3A_2 = vector.broadcast %sign3A : i32 to vector<16xi32>
    %sign3A_3 = arith.cmpi sgt, %iota3A, %sign3A_2 : vector<16xi32>
    %sign3A_4 = arith.extui %sign3A_3 : vector<16xi1> to vector<16xi32>
    %sign3A_5 = arith.constant 0 : i32
    %sign3A_6 = vector.broadcast %sign3A_5 : i32 to vector<16xi32>
    %sign3A_7 = arith.cmpi slt, %iota3A, %sign3A_6 : vector<16xi32>
    %sign3A_8 = arith.extui %sign3A_7 : vector<16xi1> to vector<16xi32>
    %sign3A_9 = arith.subi %sign3A_4, %sign3A_8 : vector<16xi32>
    %sign3A_10 = arith.constant 0 : i32
    %sign3A_11 = arith.cmpi sgt, %jit3A, %sign3A_10 : i32
    %sign3A_12 = arith.extui %sign3A_11 : i1 to i32
    %sign3A_13 = arith.constant 0 : i32
    %sign3A_14 = arith.cmpi slt, %jit3A, %sign3A_13 : i32
    %sign3A_15 = arith.extui %sign3A_14 : i1 to i32
    %sign3A_16 = arith.subi %sign3A_12, %sign3A_15 : i32
    %ne3A = vector.broadcast %sign3A_16 : i32 to vector<16xi32>
    %ne3A_17 = arith.cmpi ne, %sign3A_9, %ne3A : vector<16xi32>
    %rem3A = vector.broadcast %jit3A : i32 to vector<16xi32>
    %rem3A_18 = arith.remsi %iota3A, %rem3A : vector<16xi32>
    %ne3A_19 = arith.constant 0 : i32
    %ne3A_20 = vector.broadcast %ne3A_19 : i32 to vector<16xi32>
    %ne3A_21 = arith.cmpi ne, %rem3A_18, %ne3A_20 : vector<16xi32>
    %and3A = arith.andi %ne3A_17, %ne3A_21 : vector<16xi1>
    %sub3A = arith.constant 1 : i32
    %sub3A_22 = vector.broadcast %sub3A : i32 to vector<16xi32>
    %sub3A_23 = arith.subi %div3A_1, %sub3A_22 : vector<16xi32>
    %select_n3A = arith.select %and3A, %sub3A_23, %div3A_1 : vector<16xi1>, vector<16xi32>
    %jit3A_24 = arith.constant 4 : i32
    %eq3A = arith.constant 0 : i32
    %eq3A_25 = arith.cmpi eq, %jit3A_24, %eq3A : i32
    %jit3A_26 = arith.constant 1 : i32
    %select_n3A_27 = arith.select %eq3A_25, %jit3A_26, %jit3A_24 : i32
    %rem3A_28 = vector.broadcast %select_n3A_27 : i32 to vector<16xi32>
    %rem3A_29 = arith.remsi %iota3A, %rem3A_28 : vector<16xi32>
    %ne3A_30 = arith.constant 0 : i32
    %ne3A_31 = vector.broadcast %ne3A_30 : i32 to vector<16xi32>
    %ne3A_32 = arith.cmpi ne, %rem3A_29, %ne3A_31 : vector<16xi32>
    %lt3A = arith.constant 0 : i32
    %lt3A_33 = vector.broadcast %lt3A : i32 to vector<16xi32>
    %lt3A_34 = arith.cmpi slt, %rem3A_29, %lt3A_33 : vector<16xi32>
    %lt3A_35 = arith.constant 0 : i32
    %lt3A_36 = arith.cmpi slt, %select_n3A_27, %lt3A_35 : i32
    %ne3A_37 = vector.broadcast %lt3A_36 : i1 to vector<16xi1>
    %ne3A_38 = vector.broadcast %ne3A_37 : vector<16xi1> to vector<16xi1>
    %ne3A_39 = arith.xori %lt3A_34, %ne3A_38 : vector<16xi1>
    %and3A_40 = arith.andi %ne3A_39, %ne3A_32 : vector<16xi1>
    %add3A_41 = vector.broadcast %select_n3A_27 : i32 to vector<16xi32>
    %add3A_42 = arith.addi %rem3A_29, %add3A_41 : vector<16xi32>
    %select_n3A_43 = arith.select %and3A_40, %add3A_42, %rem3A_29 : vector<16xi1>, vector<16xi32>
    %mul3A_44 = arith.constant 10120 : i32
    %mul3A_45 = vector.broadcast %mul3A_44 : i32 to vector<16xi32>
    %mul3A_46 = arith.muli %select_n3A_43, %mul3A_45 : vector<16xi32>
    %mul3A_47 = arith.constant 4 : i32
    %mul3A_48 = arith.muli %mul3A_47, %add3A : i32
    %add3A_49 = arith.constant 0 : i32
    %add3A_50 = arith.addi %add3A_49, %mul3A_48 : i32
    %mul3A_51 = arith.constant 10120 : i32
    %mul3A_52 = arith.muli %add3A_50, %mul3A_51 : i32
    "tpu.region"() ({
      %run_scoped3A = tpu.sem_alloc : memref<!tpu.dma_semaphore, #tpu.memory_space<semaphore_mem>>
      %dma_start3A = tpu.memref_slice %arg2[%mul3A_52] : memref<5181440xf32, #tpu.memory_space<hbm>> -> memref<40480xf32, #tpu.memory_space<hbm>>
      %dma_start3A_133 = tpu.memref_slice %arg2[%mul3A_52] : memref<5181440xf32, #tpu.memory_space<hbm>> -> memref<40480xf32, #tpu.memory_space<hbm>>
      tpu.enqueue_dma source(%dma_start3A_133 : memref<40480xf32, #tpu.memory_space<hbm>>) target(%arg9 : memref<40480xf32, #tpu.memory_space<vmem>>) target_semaphore(%run_scoped3A : memref<!tpu.dma_semaphore, #tpu.memory_space<semaphore_mem>>)
      %dma_wait3A = tpu.memref_slice %arg2[%mul3A_52] : memref<5181440xf32, #tpu.memory_space<hbm>> -> memref<40480xf32, #tpu.memory_space<hbm>>
      %dma_wait3A_134 = tpu.memref_slice %arg2[%mul3A_52] : memref<5181440xf32, #tpu.memory_space<hbm>> -> memref<40480xf32, #tpu.memory_space<hbm>>
      tpu.wait_dma2 semaphore(%run_scoped3A : memref<!tpu.dma_semaphore, #tpu.memory_space<semaphore_mem>>) src(%dma_wait3A_134 : memref<40480xf32, #tpu.memory_space<hbm>>) dst(%arg9 : memref<40480xf32, #tpu.memory_space<vmem>>)
      tpu.yield
    }) : () -> ()
    "tpu.region"() ({
      %run_scoped3A = tpu.sem_alloc : memref<!tpu.dma_semaphore, #tpu.memory_space<semaphore_mem>>
      %dma_start3A = arith.constant 0 : i32
      %dma_start3A_133 = tpu.memref_slice %arg6[%dma_start3A] : memref<40480xf32, #tpu.memory_space<hbm>> -> memref<10120xf32, #tpu.memory_space<hbm>>
      %dma_start3A_134 = arith.constant 0 : i32
      %dma_start3A_135 = tpu.memref_slice %arg6[%dma_start3A_134] : memref<40480xf32, #tpu.memory_space<hbm>> -> memref<10120xf32, #tpu.memory_space<hbm>>
      tpu.enqueue_dma source(%dma_start3A_135 : memref<10120xf32, #tpu.memory_space<hbm>>) target(%arg10 : memref<10120xf32, #tpu.memory_space<vmem>>) target_semaphore(%run_scoped3A : memref<!tpu.dma_semaphore, #tpu.memory_space<semaphore_mem>>)
      %dma_wait3A = arith.constant 0 : i32
      %dma_wait3A_136 = tpu.memref_slice %arg6[%dma_wait3A] : memref<40480xf32, #tpu.memory_space<hbm>> -> memref<10120xf32, #tpu.memory_space<hbm>>
      %dma_wait3A_137 = arith.constant 0 : i32
      %dma_wait3A_138 = tpu.memref_slice %arg6[%dma_wait3A_137] : memref<40480xf32, #tpu.memory_space<hbm>> -> memref<10120xf32, #tpu.memory_space<hbm>>
      tpu.wait_dma2 semaphore(%run_scoped3A : memref<!tpu.dma_semaphore, #tpu.memory_space<semaphore_mem>>) src(%dma_wait3A_138 : memref<10120xf32, #tpu.memory_space<hbm>>) dst(%arg10 : memref<10120xf32, #tpu.memory_space<vmem>>)
      tpu.yield
    }) : () -> ()
    %broadcast_in_dim3A = arith.constant 0.000000e+00 : f32
    %broadcast_in_dim3A_53 = vector.broadcast %broadcast_in_dim3A : f32 to vector<16xf32>
    %scan3A = arith.constant 0 : i32
    %scan3A_54 = arith.constant 0 : i32
    %scan3A_55 = arith.constant 2530 : i32
    %scan3A_56 = arith.addi %scan3A_54, %scan3A_55 : i32
    %scan3A_57 = arith.constant 1 : i32
    %scan3A_58 = scf.for %scan3A_133 = %scan3A_54 to %scan3A_56 step %scan3A_57 iter_args(%scan3A_134 = %scan3A) -> (i32)  : i32 {
      %mul3A_135 = arith.constant 16 : i32
      %mul3A_136 = arith.muli %scan3A_133, %mul3A_135 : i32
      %swap3A = arith.index_cast %mul3A_136 : i32 to index
      %swap3A_137 = tpu.vector_load %arg8[%swap3A] {strides = array<i32>} : memref<40480xf32, #tpu.memory_space<vmem>>, vector<16xf32>,
      tpu.vector_store %arg8[%swap3A], %broadcast_in_dim3A_53 {strides = array<i32>} : memref<40480xf32, #tpu.memory_space<vmem>>, vector<16xf32>,
      %scan3A_138 = arith.constant 0 : i32
      scf.yield %scan3A_138 : i32
    }
    %scan3A_59 = arith.constant 2530 : i32
    %scan3A_60 = arith.constant 0 : i32
    %scan3A_61 = arith.constant 0 : i32
    %scan3A_62 = arith.constant 320 : i32
    %scan3A_63 = arith.addi %scan3A_61, %scan3A_62 : i32
    %scan3A_64 = arith.constant 1 : i32
    %scan3A_65 = scf.for %scan3A_133 = %scan3A_61 to %scan3A_63 step %scan3A_64 iter_args(%scan3A_134 = %scan3A_60) -> (i32)  : i32 {
      %mul3A_135 = arith.constant 1024 : i32
      %mul3A_136 = arith.muli %scan3A_133, %mul3A_135 : i32
      "tpu.region"() ({
        %run_scoped3A = tpu.sem_alloc : memref<!tpu.dma_semaphore, #tpu.memory_space<semaphore_mem>>
        %dma_start3A = tpu.memref_slice %arg3[%mul3A_136] : memref<327680xi32, #tpu.memory_space<hbm>> -> memref<1024xi32, #tpu.memory_space<hbm>>
        %dma_start3A_151 = tpu.memref_slice %arg3[%mul3A_136] : memref<327680xi32, #tpu.memory_space<hbm>> -> memref<1024xi32, #tpu.memory_space<hbm>>
        tpu.enqueue_dma source(%dma_start3A_151 : memref<1024xi32, #tpu.memory_space<hbm>>) target(%arg11 : memref<1024xi32, #tpu.memory_space<vmem>>) target_semaphore(%run_scoped3A : memref<!tpu.dma_semaphore, #tpu.memory_space<semaphore_mem>>)
        %dma_wait3A = tpu.memref_slice %arg3[%mul3A_136] : memref<327680xi32, #tpu.memory_space<hbm>> -> memref<1024xi32, #tpu.memory_space<hbm>>
        %dma_wait3A_152 = tpu.memref_slice %arg3[%mul3A_136] : memref<327680xi32, #tpu.memory_space<hbm>> -> memref<1024xi32, #tpu.memory_space<hbm>>
        tpu.wait_dma2 semaphore(%run_scoped3A : memref<!tpu.dma_semaphore, #tpu.memory_space<semaphore_mem>>) src(%dma_wait3A_152 : memref<1024xi32, #tpu.memory_space<hbm>>) dst(%arg11 : memref<1024xi32, #tpu.memory_space<vmem>>)
        tpu.yield
      }) : () -> ()
      %mul3A_137 = arith.constant 1024 : i32
      %mul3A_138 = arith.muli %scan3A_133, %mul3A_137 : i32
      "tpu.region"() ({
        %run_scoped3A = tpu.sem_alloc : memref<!tpu.dma_semaphore, #tpu.memory_space<semaphore_mem>>
        %dma_start3A = tpu.memref_slice %arg4[%mul3A_138] : memref<327680xi32, #tpu.memory_space<hbm>> -> memref<1024xi32, #tpu.memory_space<hbm>>
        %dma_start3A_151 = tpu.memref_slice %arg4[%mul3A_138] : memref<327680xi32, #tpu.memory_space<hbm>> -> memref<1024xi32, #tpu.memory_space<hbm>>
        tpu.enqueue_dma source(%dma_start3A_151 : memref<1024xi32, #tpu.memory_space<hbm>>) target(%arg12 : memref<1024xi32, #tpu.memory_space<vmem>>) target_semaphore(%run_scoped3A : memref<!tpu.dma_semaphore, #tpu.memory_space<semaphore_mem>>)
        %dma_wait3A = tpu.memref_slice %arg4[%mul3A_138] : memref<327680xi32, #tpu.memory_space<hbm>> -> memref<1024xi32, #tpu.memory_space<hbm>>
        %dma_wait3A_152 = tpu.memref_slice %arg4[%mul3A_138] : memref<327680xi32, #tpu.memory_space<hbm>> -> memref<1024xi32, #tpu.memory_space<hbm>>
        tpu.wait_dma2 semaphore(%run_scoped3A : memref<!tpu.dma_semaphore, #tpu.memory_space<semaphore_mem>>) src(%dma_wait3A_152 : memref<1024xi32, #tpu.memory_space<hbm>>) dst(%arg12 : memref<1024xi32, #tpu.memory_space<vmem>>)
        tpu.yield
      }) : () -> ()
      %mul3A_139 = arith.constant 1024 : i32
      %mul3A_140 = arith.muli %scan3A_133, %mul3A_139 : i32
      %add3A_141 = arith.constant 0 : i32
      %add3A_142 = arith.addi %add3A_141, %mul3A_140 : i32
      "tpu.region"() ({
        %run_scoped3A = tpu.sem_alloc : memref<!tpu.dma_semaphore, #tpu.memory_space<semaphore_mem>>
        %dma_start3A = tpu.memref_slice %arg5[%add3A_142] : memref<1310720xf32, #tpu.memory_space<hbm>> -> memref<1024xf32, #tpu.memory_space<hbm>>
        %dma_start3A_151 = tpu.memref_slice %arg5[%add3A_142] : memref<1310720xf32, #tpu.memory_space<hbm>> -> memref<1024xf32, #tpu.memory_space<hbm>>
        tpu.enqueue_dma source(%dma_start3A_151 : memref<1024xf32, #tpu.memory_space<hbm>>) target(%arg13 : memref<1024xf32, #tpu.memory_space<vmem>>) target_semaphore(%run_scoped3A : memref<!tpu.dma_semaphore, #tpu.memory_space<semaphore_mem>>)
        %dma_wait3A = tpu.memref_slice %arg5[%add3A_142] : memref<1310720xf32, #tpu.memory_space<hbm>> -> memref<1024xf32, #tpu.memory_space<hbm>>
        %dma_wait3A_152 = tpu.memref_slice %arg5[%add3A_142] : memref<1310720xf32, #tpu.memory_space<hbm>> -> memref<1024xf32, #tpu.memory_space<hbm>>
        tpu.wait_dma2 semaphore(%run_scoped3A : memref<!tpu.dma_semaphore, #tpu.memory_space<semaphore_mem>>) src(%dma_wait3A_152 : memref<1024xf32, #tpu.memory_space<hbm>>) dst(%arg13 : memref<1024xf32, #tpu.memory_space<vmem>>)
        tpu.yield
      }) : () -> ()
      %scan3A_143 = arith.constant 0 : i32
      %scan3A_144 = arith.constant 0 : i32
      %scan3A_145 = arith.constant 32 : i32
      %scan3A_146 = arith.addi %scan3A_144, %scan3A_145 : i32
      %scan3A_147 = arith.constant 1 : i32
      %scan3A_148 = scf.for %scan3A_151 = %scan3A_144 to %scan3A_146 step %scan3A_147 iter_args(%scan3A_152 = %scan3A_143) -> (i32)  : i32 {
        %mul3A_153 = arith.constant 32 : i32
        %mul3A_154 = arith.muli %scan3A_151, %mul3A_153 : i32
        %add3A_155 = arith.constant 0 : i32
        %add3A_156 = arith.addi %mul3A_154, %add3A_155 : i32
        %broadcast_in_dim3A_157 = vector.broadcast %add3A_156 : i32 to vector<16xi32>
        %add3A_158 = arith.addi %broadcast_in_dim3A_157, %select_n3A : vector<16xi32>
        %gather3A = tpu.vector_load_idx %arg11[%add3A_158] : memref<1024xi32, #tpu.memory_space<vmem>>[vector<16xi32>], vector<16xi32>,
        %gather3A_159 = tpu.vector_load_idx %arg12[%add3A_158] : memref<1024xi32, #tpu.memory_space<vmem>>[vector<16xi32>], vector<16xi32>,
        %gather3A_160 = tpu.vector_load_idx %arg13[%add3A_158] : memref<1024xf32, #tpu.memory_space<vmem>>[vector<16xi32>], vector<16xf32>,
        %gather3A_161 = tpu.vector_load_idx %arg10[%gather3A] : memref<10120xf32, #tpu.memory_space<vmem>>[vector<16xi32>], vector<16xf32>,
        %add3A_162 = arith.addi %mul3A_46, %gather3A : vector<16xi32>
        %gather3A_163 = tpu.vector_load_idx %arg9[%add3A_162] : memref<40480xf32, #tpu.memory_space<vmem>>[vector<16xi32>], vector<16xf32>,
        %mul3A_164 = arith.mulf %gather3A_160, %gather3A_161 : vector<16xf32>
        %mul3A_165 = arith.mulf %gather3A_163, %mul3A_164 : vector<16xf32>
        %add3A_166 = arith.addi %mul3A_46, %gather3A_159 : vector<16xi32>
        tpu.vector_store_idx %arg8[%add3A_166], %mul3A_165 {add = true} : memref<40480xf32, #tpu.memory_space<vmem>>[vector<16xi32>], vector<16xf32>,
        %add3A_167 = arith.constant 4 : i32
        %add3A_168 = arith.addi %mul3A_154, %add3A_167 : i32
        %broadcast_in_dim3A_169 = vector.broadcast %add3A_168 : i32 to vector<16xi32>
        %add3A_170 = arith.addi %broadcast_in_dim3A_169, %select_n3A : vector<16xi32>
        %gather3A_171 = tpu.vector_load_idx %arg11[%add3A_170] : memref<1024xi32, #tpu.memory_space<vmem>>[vector<16xi32>], vector<16xi32>,
        %gather3A_172 = tpu.vector_load_idx %arg12[%add3A_170] : memref<1024xi32, #tpu.memory_space<vmem>>[vector<16xi32>], vector<16xi32>,
        %gather3A_173 = tpu.vector_load_idx %arg13[%add3A_170] : memref<1024xf32, #tpu.memory_space<vmem>>[vector<16xi32>], vector<16xf32>,
        %gather3A_174 = tpu.vector_load_idx %arg10[%gather3A_171] : memref<10120xf32, #tpu.memory_space<vmem>>[vector<16xi32>], vector<16xf32>,
        %add3A_175 = arith.addi %mul3A_46, %gather3A_171 : vector<16xi32>
        %gather3A_176 = tpu.vector_load_idx %arg9[%add3A_175] : memref<40480xf32, #tpu.memory_space<vmem>>[vector<16xi32>], vector<16xf32>,
        %mul3A_177 = arith.mulf %gather3A_173, %gather3A_174 : vector<16xf32>
        %mul3A_178 = arith.mulf %gather3A_176, %mul3A_177 : vector<16xf32>
        %add3A_179 = arith.addi %mul3A_46, %gather3A_172 : vector<16xi32>
        tpu.vector_store_idx %arg8[%add3A_179], %mul3A_178 {add = true} : memref<40480xf32, #tpu.memory_space<vmem>>[vector<16xi32>], vector<16xf32>,
        %add3A_180 = arith.constant 8 : i32
        %add3A_181 = arith.addi %mul3A_154, %add3A_180 : i32
        %broadcast_in_dim3A_182 = vector.broadcast %add3A_181 : i32 to vector<16xi32>
        %add3A_183 = arith.addi %broadcast_in_dim3A_182, %select_n3A : vector<16xi32>
        %gather3A_184 = tpu.vector_load_idx %arg11[%add3A_183] : memref<1024xi32, #tpu.memory_space<vmem>>[vector<16xi32>], vector<16xi32>,
        %gather3A_185 = tpu.vector_load_idx %arg12[%add3A_183] : memref<1024xi32, #tpu.memory_space<vmem>>[vector<16xi32>], vector<16xi32>,
        %gather3A_186 = tpu.vector_load_idx %arg13[%add3A_183] : memref<1024xf32, #tpu.memory_space<vmem>>[vector<16xi32>], vector<16xf32>,
        %gather3A_187 = tpu.vector_load_idx %arg10[%gather3A_184] : memref<10120xf32, #tpu.memory_space<vmem>>[vector<16xi32>], vector<16xf32>,
        %add3A_188 = arith.addi %mul3A_46, %gather3A_184 : vector<16xi32>
        %gather3A_189 = tpu.vector_load_idx %arg9[%add3A_188] : memref<40480xf32, #tpu.memory_space<vmem>>[vector<16xi32>], vector<16xf32>,
        %mul3A_190 = arith.mulf %gather3A_186, %gather3A_187 : vector<16xf32>
        %mul3A_191 = arith.mulf %gather3A_189, %mul3A_190 : vector<16xf32>
        %add3A_192 = arith.addi %mul3A_46, %gather3A_185 : vector<16xi32>
        tpu.vector_store_idx %arg8[%add3A_192], %mul3A_191 {add = true} : memref<40480xf32, #tpu.memory_space<vmem>>[vector<16xi32>], vector<16xf32>,
        %add3A_193 = arith.constant 12 : i32
        %add3A_194 = arith.addi %mul3A_154, %add3A_193 : i32
        %broadcast_in_dim3A_195 = vector.broadcast %add3A_194 : i32 to vector<16xi32>
        %add3A_196 = arith.addi %broadcast_in_dim3A_195, %select_n3A : vector<16xi32>
        %gather3A_197 = tpu.vector_load_idx %arg11[%add3A_196] : memref<1024xi32, #tpu.memory_space<vmem>>[vector<16xi32>], vector<16xi32>,
        %gather3A_198 = tpu.vector_load_idx %arg12[%add3A_196] : memref<1024xi32, #tpu.memory_space<vmem>>[vector<16xi32>], vector<16xi32>,
        %gather3A_199 = tpu.vector_load_idx %arg13[%add3A_196] : memref<1024xf32, #tpu.memory_space<vmem>>[vector<16xi32>], vector<16xf32>,
        %gather3A_200 = tpu.vector_load_idx %arg10[%gather3A_197] : memref<10120xf32, #tpu.memory_space<vmem>>[vector<16xi32>], vector<16xf32>,
        %add3A_201 = arith.addi %mul3A_46, %gather3A_197 : vector<16xi32>
        %gather3A_202 = tpu.vector_load_idx %arg9[%add3A_201] : memref<40480xf32, #tpu.memory_space<vmem>>[vector<16xi32>], vector<16xf32>,
        %mul3A_203 = arith.mulf %gather3A_199, %gather3A_200 : vector<16xf32>
        %mul3A_204 = arith.mulf %gather3A_202, %mul3A_203 : vector<16xf32>
        %add3A_205 = arith.addi %mul3A_46, %gather3A_198 : vector<16xi32>
        tpu.vector_store_idx %arg8[%add3A_205], %mul3A_204 {add = true} : memref<40480xf32, #tpu.memory_space<vmem>>[vector<16xi32>], vector<16xf32>,
        %add3A_206 = arith.constant 16 : i32
        %add3A_207 = arith.addi %mul3A_154, %add3A_206 : i32
        %broadcast_in_dim3A_208 = vector.broadcast %add3A_207 : i32 to vector<16xi32>
        %add3A_209 = arith.addi %broadcast_in_dim3A_208, %select_n3A : vector<16xi32>
        %gather3A_210 = tpu.vector_load_idx %arg11[%add3A_209] : memref<1024xi32, #tpu.memory_space<vmem>>[vector<16xi32>], vector<16xi32>,
        %gather3A_211 = tpu.vector_load_idx %arg12[%add3A_209] : memref<1024xi32, #tpu.memory_space<vmem>>[vector<16xi32>], vector<16xi32>,
        %gather3A_212 = tpu.vector_load_idx %arg13[%add3A_209] : memref<1024xf32, #tpu.memory_space<vmem>>[vector<16xi32>], vector<16xf32>,
        %gather3A_213 = tpu.vector_load_idx %arg10[%gather3A_210] : memref<10120xf32, #tpu.memory_space<vmem>>[vector<16xi32>], vector<16xf32>,
        %add3A_214 = arith.addi %mul3A_46, %gather3A_210 : vector<16xi32>
        %gather3A_215 = tpu.vector_load_idx %arg9[%add3A_214] : memref<40480xf32, #tpu.memory_space<vmem>>[vector<16xi32>], vector<16xf32>,
        %mul3A_216 = arith.mulf %gather3A_212, %gather3A_213 : vector<16xf32>
        %mul3A_217 = arith.mulf %gather3A_215, %mul3A_216 : vector<16xf32>
        %add3A_218 = arith.addi %mul3A_46, %gather3A_211 : vector<16xi32>
        tpu.vector_store_idx %arg8[%add3A_218], %mul3A_217 {add = true} : memref<40480xf32, #tpu.memory_space<vmem>>[vector<16xi32>], vector<16xf32>,
        %add3A_219 = arith.constant 20 : i32
        %add3A_220 = arith.addi %mul3A_154, %add3A_219 : i32
        %broadcast_in_dim3A_221 = vector.broadcast %add3A_220 : i32 to vector<16xi32>
        %add3A_222 = arith.addi %broadcast_in_dim3A_221, %select_n3A : vector<16xi32>
        %gather3A_223 = tpu.vector_load_idx %arg11[%add3A_222] : memref<1024xi32, #tpu.memory_space<vmem>>[vector<16xi32>], vector<16xi32>,
        %gather3A_224 = tpu.vector_load_idx %arg12[%add3A_222] : memref<1024xi32, #tpu.memory_space<vmem>>[vector<16xi32>], vector<16xi32>,
        %gather3A_225 = tpu.vector_load_idx %arg13[%add3A_222] : memref<1024xf32, #tpu.memory_space<vmem>>[vector<16xi32>], vector<16xf32>,
        %gather3A_226 = tpu.vector_load_idx %arg10[%gather3A_223] : memref<10120xf32, #tpu.memory_space<vmem>>[vector<16xi32>], vector<16xf32>,
        %add3A_227 = arith.addi %mul3A_46, %gather3A_223 : vector<16xi32>
        %gather3A_228 = tpu.vector_load_idx %arg9[%add3A_227] : memref<40480xf32, #tpu.memory_space<vmem>>[vector<16xi32>], vector<16xf32>,
        %mul3A_229 = arith.mulf %gather3A_225, %gather3A_226 : vector<16xf32>
        %mul3A_230 = arith.mulf %gather3A_228, %mul3A_229 : vector<16xf32>
        %add3A_231 = arith.addi %mul3A_46, %gather3A_224 : vector<16xi32>
        tpu.vector_store_idx %arg8[%add3A_231], %mul3A_230 {add = true} : memref<40480xf32, #tpu.memory_space<vmem>>[vector<16xi32>], vector<16xf32>,
        %add3A_232 = arith.constant 24 : i32
        %add3A_233 = arith.addi %mul3A_154, %add3A_232 : i32
        %broadcast_in_dim3A_234 = vector.broadcast %add3A_233 : i32 to vector<16xi32>
        %add3A_235 = arith.addi %broadcast_in_dim3A_234, %select_n3A : vector<16xi32>
        %gather3A_236 = tpu.vector_load_idx %arg11[%add3A_235] : memref<1024xi32, #tpu.memory_space<vmem>>[vector<16xi32>], vector<16xi32>,
        %gather3A_237 = tpu.vector_load_idx %arg12[%add3A_235] : memref<1024xi32, #tpu.memory_space<vmem>>[vector<16xi32>], vector<16xi32>,
        %gather3A_238 = tpu.vector_load_idx %arg13[%add3A_235] : memref<1024xf32, #tpu.memory_space<vmem>>[vector<16xi32>], vector<16xf32>,
        %gather3A_239 = tpu.vector_load_idx %arg10[%gather3A_236] : memref<10120xf32, #tpu.memory_space<vmem>>[vector<16xi32>], vector<16xf32>,
        %add3A_240 = arith.addi %mul3A_46, %gather3A_236 : vector<16xi32>
        %gather3A_241 = tpu.vector_load_idx %arg9[%add3A_240] : memref<40480xf32, #tpu.memory_space<vmem>>[vector<16xi32>], vector<16xf32>,
        %mul3A_242 = arith.mulf %gather3A_238, %gather3A_239 : vector<16xf32>
        %mul3A_243 = arith.mulf %gather3A_241, %mul3A_242 : vector<16xf32>
        %add3A_244 = arith.addi %mul3A_46, %gather3A_237 : vector<16xi32>
        tpu.vector_store_idx %arg8[%add3A_244], %mul3A_243 {add = true} : memref<40480xf32, #tpu.memory_space<vmem>>[vector<16xi32>], vector<16xf32>,
        %add3A_245 = arith.constant 28 : i32
        %add3A_246 = arith.addi %mul3A_154, %add3A_245 : i32
        %broadcast_in_dim3A_247 = vector.broadcast %add3A_246 : i32 to vector<16xi32>
        %add3A_248 = arith.addi %broadcast_in_dim3A_247, %select_n3A : vector<16xi32>
        %gather3A_249 = tpu.vector_load_idx %arg11[%add3A_248] : memref<1024xi32, #tpu.memory_space<vmem>>[vector<16xi32>], vector<16xi32>,
        %gather3A_250 = tpu.vector_load_idx %arg12[%add3A_248] : memref<1024xi32, #tpu.memory_space<vmem>>[vector<16xi32>], vector<16xi32>,
        %gather3A_251 = tpu.vector_load_idx %arg13[%add3A_248] : memref<1024xf32, #tpu.memory_space<vmem>>[vector<16xi32>], vector<16xf32>,
        %gather3A_252 = tpu.vector_load_idx %arg10[%gather3A_249] : memref<10120xf32, #tpu.memory_space<vmem>>[vector<16xi32>], vector<16xf32>,
        %add3A_253 = arith.addi %mul3A_46, %gather3A_249 : vector<16xi32>
        %gather3A_254 = tpu.vector_load_idx %arg9[%add3A_253] : memref<40480xf32, #tpu.memory_space<vmem>>[vector<16xi32>], vector<16xf32>,
        %mul3A_255 = arith.mulf %gather3A_251, %gather3A_252 : vector<16xf32>
        %mul3A_256 = arith.mulf %gather3A_254, %mul3A_255 : vector<16xf32>
        %add3A_257 = arith.addi %mul3A_46, %gather3A_250 : vector<16xi32>
        tpu.vector_store_idx %arg8[%add3A_257], %mul3A_256 {add = true} : memref<40480xf32, #tpu.memory_space<vmem>>[vector<16xi32>], vector<16xf32>,
        %scan3A_258 = arith.constant 0 : i32
        scf.yield %scan3A_258 : i32
      }
      %scan3A_149 = arith.constant 32 : i32
      %scan3A_150 = arith.constant 0 : i32
      scf.yield %scan3A_150 : i32
    }
    %scan3A_66 = arith.constant 320 : i32
    "tpu.region"() ({
      %run_scoped3A = tpu.sem_alloc : memref<!tpu.dma_semaphore, #tpu.memory_space<semaphore_mem>>
      %dma_start3A = tpu.memref_slice %arg7[%mul3A_52] : memref<5181440xf32, #tpu.memory_space<hbm>> -> memref<40480xf32, #tpu.memory_space<hbm>>
      %dma_start3A_133 = tpu.memref_slice %arg7[%mul3A_52] : memref<5181440xf32, #tpu.memory_space<hbm>> -> memref<40480xf32, #tpu.memory_space<hbm>>
      tpu.enqueue_dma source(%arg8 : memref<40480xf32, #tpu.memory_space<vmem>>) target(%dma_start3A_133 : memref<40480xf32, #tpu.memory_space<hbm>>) target_semaphore(%run_scoped3A : memref<!tpu.dma_semaphore, #tpu.memory_space<semaphore_mem>>)
      %dma_wait3A = tpu.memref_slice %arg7[%mul3A_52] : memref<5181440xf32, #tpu.memory_space<hbm>> -> memref<40480xf32, #tpu.memory_space<hbm>>
      %dma_wait3A_134 = tpu.memref_slice %arg7[%mul3A_52] : memref<5181440xf32, #tpu.memory_space<hbm>> -> memref<40480xf32, #tpu.memory_space<hbm>>
      tpu.wait_dma2 semaphore(%run_scoped3A : memref<!tpu.dma_semaphore, #tpu.memory_space<semaphore_mem>>) src(%arg8 : memref<40480xf32, #tpu.memory_space<vmem>>) dst(%dma_wait3A_134 : memref<40480xf32, #tpu.memory_space<hbm>>)
      tpu.yield
    }) : () -> ()
    %mul3A_67 = arith.constant 4 : i32
    %mul3A_68 = arith.muli %mul3A_67, %add3A : i32
    %add3A_69 = arith.constant 128 : i32
    %add3A_70 = arith.addi %add3A_69, %mul3A_68 : i32
    %mul3A_71 = arith.constant 10120 : i32
    %mul3A_72 = arith.muli %add3A_70, %mul3A_71 : i32
    "tpu.region"() ({
      %run_scoped3A = tpu.sem_alloc : memref<!tpu.dma_semaphore, #tpu.memory_space<semaphore_mem>>
      %dma_start3A = tpu.memref_slice %arg2[%mul3A_72] : memref<5181440xf32, #tpu.memory_space<hbm>> -> memref<40480xf32, #tpu.memory_space<hbm>>
      %dma_start3A_133 = tpu.memref_slice %arg2[%mul3A_72] : memref<5181440xf32, #tpu.memory_space<hbm>> -> memref<40480xf32, #tpu.memory_space<hbm>>
      tpu.enqueue_dma source(%dma_start3A_133 : memref<40480xf32, #tpu.memory_space<hbm>>) target(%arg9 : memref<40480xf32, #tpu.memory_space<vmem>>) target_semaphore(%run_scoped3A : memref<!tpu.dma_semaphore, #tpu.memory_space<semaphore_mem>>)
      %dma_wait3A = tpu.memref_slice %arg2[%mul3A_72] : memref<5181440xf32, #tpu.memory_space<hbm>> -> memref<40480xf32, #tpu.memory_space<hbm>>
      %dma_wait3A_134 = tpu.memref_slice %arg2[%mul3A_72] : memref<5181440xf32, #tpu.memory_space<hbm>> -> memref<40480xf32, #tpu.memory_space<hbm>>
      tpu.wait_dma2 semaphore(%run_scoped3A : memref<!tpu.dma_semaphore, #tpu.memory_space<semaphore_mem>>) src(%dma_wait3A_134 : memref<40480xf32, #tpu.memory_space<hbm>>) dst(%arg9 : memref<40480xf32, #tpu.memory_space<vmem>>)
      tpu.yield
    }) : () -> ()
    "tpu.region"() ({
      %run_scoped3A = tpu.sem_alloc : memref<!tpu.dma_semaphore, #tpu.memory_space<semaphore_mem>>
      %dma_start3A = arith.constant 10120 : i32
      %dma_start3A_133 = tpu.memref_slice %arg6[%dma_start3A] : memref<40480xf32, #tpu.memory_space<hbm>> -> memref<10120xf32, #tpu.memory_space<hbm>>
      %dma_start3A_134 = arith.constant 10120 : i32
      %dma_start3A_135 = tpu.memref_slice %arg6[%dma_start3A_134] : memref<40480xf32, #tpu.memory_space<hbm>> -> memref<10120xf32, #tpu.memory_space<hbm>>
      tpu.enqueue_dma source(%dma_start3A_135 : memref<10120xf32, #tpu.memory_space<hbm>>) target(%arg10 : memref<10120xf32, #tpu.memory_space<vmem>>) target_semaphore(%run_scoped3A : memref<!tpu.dma_semaphore, #tpu.memory_space<semaphore_mem>>)
      %dma_wait3A = arith.constant 10120 : i32
      %dma_wait3A_136 = tpu.memref_slice %arg6[%dma_wait3A] : memref<40480xf32, #tpu.memory_space<hbm>> -> memref<10120xf32, #tpu.memory_space<hbm>>
      %dma_wait3A_137 = arith.constant 10120 : i32
      %dma_wait3A_138 = tpu.memref_slice %arg6[%dma_wait3A_137] : memref<40480xf32, #tpu.memory_space<hbm>> -> memref<10120xf32, #tpu.memory_space<hbm>>
      tpu.wait_dma2 semaphore(%run_scoped3A : memref<!tpu.dma_semaphore, #tpu.memory_space<semaphore_mem>>) src(%dma_wait3A_138 : memref<10120xf32, #tpu.memory_space<hbm>>) dst(%arg10 : memref<10120xf32, #tpu.memory_space<vmem>>)
      tpu.yield
    }) : () -> ()
    %broadcast_in_dim3A_73 = arith.constant 0.000000e+00 : f32
    %broadcast_in_dim3A_74 = vector.broadcast %broadcast_in_dim3A_73 : f32 to vector<16xf32>
    %scan3A_75 = arith.constant 0 : i32
    %scan3A_76 = arith.constant 0 : i32
    %scan3A_77 = arith.constant 2530 : i32
    %scan3A_78 = arith.addi %scan3A_76, %scan3A_77 : i32
    %scan3A_79 = arith.constant 1 : i32
    %scan3A_80 = scf.for %scan3A_133 = %scan3A_76 to %scan3A_78 step %scan3A_79 iter_args(%scan3A_134 = %scan3A_75) -> (i32)  : i32 {
      %mul3A_135 = arith.constant 16 : i32
      %mul3A_136 = arith.muli %scan3A_133, %mul3A_135 : i32
      %swap3A = arith.index_cast %mul3A_136 : i32 to index
      %swap3A_137 = tpu.vector_load %arg8[%swap3A] {strides = array<i32>} : memref<40480xf32, #tpu.memory_space<vmem>>, vector<16xf32>,
      tpu.vector_store %arg8[%swap3A], %broadcast_in_dim3A_74 {strides = array<i32>} : memref<40480xf32, #tpu.memory_space<vmem>>, vector<16xf32>,
      %scan3A_138 = arith.constant 0 : i32
      scf.yield %scan3A_138 : i32
    }
    %scan3A_81 = arith.constant 2530 : i32
    %scan3A_82 = arith.constant 0 : i32
    %scan3A_83 = arith.constant 0 : i32
    %scan3A_84 = arith.constant 320 : i32
    %scan3A_85 = arith.addi %scan3A_83, %scan3A_84 : i32
    %scan3A_86 = arith.constant 1 : i32
    %scan3A_87 = scf.for %scan3A_133 = %scan3A_83 to %scan3A_85 step %scan3A_86 iter_args(%scan3A_134 = %scan3A_82) -> (i32)  : i32 {
      %mul3A_135 = arith.constant 1024 : i32
      %mul3A_136 = arith.muli %scan3A_133, %mul3A_135 : i32
      "tpu.region"() ({
        %run_scoped3A = tpu.sem_alloc : memref<!tpu.dma_semaphore, #tpu.memory_space<semaphore_mem>>
        %dma_start3A = tpu.memref_slice %arg3[%mul3A_136] : memref<327680xi32, #tpu.memory_space<hbm>> -> memref<1024xi32, #tpu.memory_space<hbm>>
        %dma_start3A_151 = tpu.memref_slice %arg3[%mul3A_136] : memref<327680xi32, #tpu.memory_space<hbm>> -> memref<1024xi32, #tpu.memory_space<hbm>>
        tpu.enqueue_dma source(%dma_start3A_151 : memref<1024xi32, #tpu.memory_space<hbm>>) target(%arg11 : memref<1024xi32, #tpu.memory_space<vmem>>) target_semaphore(%run_scoped3A : memref<!tpu.dma_semaphore, #tpu.memory_space<semaphore_mem>>)
        %dma_wait3A = tpu.memref_slice %arg3[%mul3A_136] : memref<327680xi32, #tpu.memory_space<hbm>> -> memref<1024xi32, #tpu.memory_space<hbm>>
        %dma_wait3A_152 = tpu.memref_slice %arg3[%mul3A_136] : memref<327680xi32, #tpu.memory_space<hbm>> -> memref<1024xi32, #tpu.memory_space<hbm>>
        tpu.wait_dma2 semaphore(%run_scoped3A : memref<!tpu.dma_semaphore, #tpu.memory_space<semaphore_mem>>) src(%dma_wait3A_152 : memref<1024xi32, #tpu.memory_space<hbm>>) dst(%arg11 : memref<1024xi32, #tpu.memory_space<vmem>>)
        tpu.yield
      }) : () -> ()
      %mul3A_137 = arith.constant 1024 : i32
      %mul3A_138 = arith.muli %scan3A_133, %mul3A_137 : i32
      "tpu.region"() ({
        %run_scoped3A = tpu.sem_alloc : memref<!tpu.dma_semaphore, #tpu.memory_space<semaphore_mem>>
        %dma_start3A = tpu.memref_slice %arg4[%mul3A_138] : memref<327680xi32, #tpu.memory_space<hbm>> -> memref<1024xi32, #tpu.memory_space<hbm>>
        %dma_start3A_151 = tpu.memref_slice %arg4[%mul3A_138] : memref<327680xi32, #tpu.memory_space<hbm>> -> memref<1024xi32, #tpu.memory_space<hbm>>
        tpu.enqueue_dma source(%dma_start3A_151 : memref<1024xi32, #tpu.memory_space<hbm>>) target(%arg12 : memref<1024xi32, #tpu.memory_space<vmem>>) target_semaphore(%run_scoped3A : memref<!tpu.dma_semaphore, #tpu.memory_space<semaphore_mem>>)
        %dma_wait3A = tpu.memref_slice %arg4[%mul3A_138] : memref<327680xi32, #tpu.memory_space<hbm>> -> memref<1024xi32, #tpu.memory_space<hbm>>
        %dma_wait3A_152 = tpu.memref_slice %arg4[%mul3A_138] : memref<327680xi32, #tpu.memory_space<hbm>> -> memref<1024xi32, #tpu.memory_space<hbm>>
        tpu.wait_dma2 semaphore(%run_scoped3A : memref<!tpu.dma_semaphore, #tpu.memory_space<semaphore_mem>>) src(%dma_wait3A_152 : memref<1024xi32, #tpu.memory_space<hbm>>) dst(%arg12 : memref<1024xi32, #tpu.memory_space<vmem>>)
        tpu.yield
      }) : () -> ()
      %mul3A_139 = arith.constant 1024 : i32
      %mul3A_140 = arith.muli %scan3A_133, %mul3A_139 : i32
      %add3A_141 = arith.constant 327680 : i32
      %add3A_142 = arith.addi %add3A_141, %mul3A_140 : i32
      "tpu.region"() ({
        %run_scoped3A = tpu.sem_alloc : memref<!tpu.dma_semaphore, #tpu.memory_space<semaphore_mem>>
        %dma_start3A = tpu.memref_slice %arg5[%add3A_142] : memref<1310720xf32, #tpu.memory_space<hbm>> -> memref<1024xf32, #tpu.memory_space<hbm>>
        %dma_start3A_151 = tpu.memref_slice %arg5[%add3A_142] : memref<1310720xf32, #tpu.memory_space<hbm>> -> memref<1024xf32, #tpu.memory_space<hbm>>
        tpu.enqueue_dma source(%dma_start3A_151 : memref<1024xf32, #tpu.memory_space<hbm>>) target(%arg13 : memref<1024xf32, #tpu.memory_space<vmem>>) target_semaphore(%run_scoped3A : memref<!tpu.dma_semaphore, #tpu.memory_space<semaphore_mem>>)
        %dma_wait3A = tpu.memref_slice %arg5[%add3A_142] : memref<1310720xf32, #tpu.memory_space<hbm>> -> memref<1024xf32, #tpu.memory_space<hbm>>
        %dma_wait3A_152 = tpu.memref_slice %arg5[%add3A_142] : memref<1310720xf32, #tpu.memory_space<hbm>> -> memref<1024xf32, #tpu.memory_space<hbm>>
        tpu.wait_dma2 semaphore(%run_scoped3A : memref<!tpu.dma_semaphore, #tpu.memory_space<semaphore_mem>>) src(%dma_wait3A_152 : memref<1024xf32, #tpu.memory_space<hbm>>) dst(%arg13 : memref<1024xf32, #tpu.memory_space<vmem>>)
        tpu.yield
      }) : () -> ()
      %scan3A_143 = arith.constant 0 : i32
      %scan3A_144 = arith.constant 0 : i32
      %scan3A_145 = arith.constant 32 : i32
      %scan3A_146 = arith.addi %scan3A_144, %scan3A_145 : i32
      %scan3A_147 = arith.constant 1 : i32
      %scan3A_148 = scf.for %scan3A_151 = %scan3A_144 to %scan3A_146 step %scan3A_147 iter_args(%scan3A_152 = %scan3A_143) -> (i32)  : i32 {
        %mul3A_153 = arith.constant 32 : i32
        %mul3A_154 = arith.muli %scan3A_151, %mul3A_153 : i32
        %add3A_155 = arith.constant 0 : i32
        %add3A_156 = arith.addi %mul3A_154, %add3A_155 : i32
        %broadcast_in_dim3A_157 = vector.broadcast %add3A_156 : i32 to vector<16xi32>
        %add3A_158 = arith.addi %broadcast_in_dim3A_157, %select_n3A : vector<16xi32>
        %gather3A = tpu.vector_load_idx %arg11[%add3A_158] : memref<1024xi32, #tpu.memory_space<vmem>>[vector<16xi32>], vector<16xi32>,
        %gather3A_159 = tpu.vector_load_idx %arg12[%add3A_158] : memref<1024xi32, #tpu.memory_space<vmem>>[vector<16xi32>], vector<16xi32>,
        %gather3A_160 = tpu.vector_load_idx %arg13[%add3A_158] : memref<1024xf32, #tpu.memory_space<vmem>>[vector<16xi32>], vector<16xf32>,
        %gather3A_161 = tpu.vector_load_idx %arg10[%gather3A] : memref<10120xf32, #tpu.memory_space<vmem>>[vector<16xi32>], vector<16xf32>,
        %add3A_162 = arith.addi %mul3A_46, %gather3A : vector<16xi32>
        %gather3A_163 = tpu.vector_load_idx %arg9[%add3A_162] : memref<40480xf32, #tpu.memory_space<vmem>>[vector<16xi32>], vector<16xf32>,
        %mul3A_164 = arith.mulf %gather3A_160, %gather3A_161 : vector<16xf32>
        %mul3A_165 = arith.mulf %gather3A_163, %mul3A_164 : vector<16xf32>
        %add3A_166 = arith.addi %mul3A_46, %gather3A_159 : vector<16xi32>
        tpu.vector_store_idx %arg8[%add3A_166], %mul3A_165 {add = true} : memref<40480xf32, #tpu.memory_space<vmem>>[vector<16xi32>], vector<16xf32>,
        %add3A_167 = arith.constant 4 : i32
        %add3A_168 = arith.addi %mul3A_154, %add3A_167 : i32
        %broadcast_in_dim3A_169 = vector.broadcast %add3A_168 : i32 to vector<16xi32>
        %add3A_170 = arith.addi %broadcast_in_dim3A_169, %select_n3A : vector<16xi32>
        %gather3A_171 = tpu.vector_load_idx %arg11[%add3A_170] : memref<1024xi32, #tpu.memory_space<vmem>>[vector<16xi32>], vector<16xi32>,
        %gather3A_172 = tpu.vector_load_idx %arg12[%add3A_170] : memref<1024xi32, #tpu.memory_space<vmem>>[vector<16xi32>], vector<16xi32>,
        %gather3A_173 = tpu.vector_load_idx %arg13[%add3A_170] : memref<1024xf32, #tpu.memory_space<vmem>>[vector<16xi32>], vector<16xf32>,
        %gather3A_174 = tpu.vector_load_idx %arg10[%gather3A_171] : memref<10120xf32, #tpu.memory_space<vmem>>[vector<16xi32>], vector<16xf32>,
        %add3A_175 = arith.addi %mul3A_46, %gather3A_171 : vector<16xi32>
        %gather3A_176 = tpu.vector_load_idx %arg9[%add3A_175] : memref<40480xf32, #tpu.memory_space<vmem>>[vector<16xi32>], vector<16xf32>,
        %mul3A_177 = arith.mulf %gather3A_173, %gather3A_174 : vector<16xf32>
        %mul3A_178 = arith.mulf %gather3A_176, %mul3A_177 : vector<16xf32>
        %add3A_179 = arith.addi %mul3A_46, %gather3A_172 : vector<16xi32>
        tpu.vector_store_idx %arg8[%add3A_179], %mul3A_178 {add = true} : memref<40480xf32, #tpu.memory_space<vmem>>[vector<16xi32>], vector<16xf32>,
        %add3A_180 = arith.constant 8 : i32
        %add3A_181 = arith.addi %mul3A_154, %add3A_180 : i32
        %broadcast_in_dim3A_182 = vector.broadcast %add3A_181 : i32 to vector<16xi32>
        %add3A_183 = arith.addi %broadcast_in_dim3A_182, %select_n3A : vector<16xi32>
        %gather3A_184 = tpu.vector_load_idx %arg11[%add3A_183] : memref<1024xi32, #tpu.memory_space<vmem>>[vector<16xi32>], vector<16xi32>,
        %gather3A_185 = tpu.vector_load_idx %arg12[%add3A_183] : memref<1024xi32, #tpu.memory_space<vmem>>[vector<16xi32>], vector<16xi32>,
        %gather3A_186 = tpu.vector_load_idx %arg13[%add3A_183] : memref<1024xf32, #tpu.memory_space<vmem>>[vector<16xi32>], vector<16xf32>,
        %gather3A_187 = tpu.vector_load_idx %arg10[%gather3A_184] : memref<10120xf32, #tpu.memory_space<vmem>>[vector<16xi32>], vector<16xf32>,
        %add3A_188 = arith.addi %mul3A_46, %gather3A_184 : vector<16xi32>
        %gather3A_189 = tpu.vector_load_idx %arg9[%add3A_188] : memref<40480xf32, #tpu.memory_space<vmem>>[vector<16xi32>], vector<16xf32>,
        %mul3A_190 = arith.mulf %gather3A_186, %gather3A_187 : vector<16xf32>
        %mul3A_191 = arith.mulf %gather3A_189, %mul3A_190 : vector<16xf32>
        %add3A_192 = arith.addi %mul3A_46, %gather3A_185 : vector<16xi32>
        tpu.vector_store_idx %arg8[%add3A_192], %mul3A_191 {add = true} : memref<40480xf32, #tpu.memory_space<vmem>>[vector<16xi32>], vector<16xf32>,
        %add3A_193 = arith.constant 12 : i32
        %add3A_194 = arith.addi %mul3A_154, %add3A_193 : i32
        %broadcast_in_dim3A_195 = vector.broadcast %add3A_194 : i32 to vector<16xi32>
        %add3A_196 = arith.addi %broadcast_in_dim3A_195, %select_n3A : vector<16xi32>
        %gather3A_197 = tpu.vector_load_idx %arg11[%add3A_196] : memref<1024xi32, #tpu.memory_space<vmem>>[vector<16xi32>], vector<16xi32>,
        %gather3A_198 = tpu.vector_load_idx %arg12[%add3A_196] : memref<1024xi32, #tpu.memory_space<vmem>>[vector<16xi32>], vector<16xi32>,
        %gather3A_199 = tpu.vector_load_idx %arg13[%add3A_196] : memref<1024xf32, #tpu.memory_space<vmem>>[vector<16xi32>], vector<16xf32>,
        %gather3A_200 = tpu.vector_load_idx %arg10[%gather3A_197] : memref<10120xf32, #tpu.memory_space<vmem>>[vector<16xi32>], vector<16xf32>,
        %add3A_201 = arith.addi %mul3A_46, %gather3A_197 : vector<16xi32>
        %gather3A_202 = tpu.vector_load_idx %arg9[%add3A_201] : memref<40480xf32, #tpu.memory_space<vmem>>[vector<16xi32>], vector<16xf32>,
        %mul3A_203 = arith.mulf %gather3A_199, %gather3A_200 : vector<16xf32>
        %mul3A_204 = arith.mulf %gather3A_202, %mul3A_203 : vector<16xf32>
        %add3A_205 = arith.addi %mul3A_46, %gather3A_198 : vector<16xi32>
        tpu.vector_store_idx %arg8[%add3A_205], %mul3A_204 {add = true} : memref<40480xf32, #tpu.memory_space<vmem>>[vector<16xi32>], vector<16xf32>,
        %add3A_206 = arith.constant 16 : i32
        %add3A_207 = arith.addi %mul3A_154, %add3A_206 : i32
        %broadcast_in_dim3A_208 = vector.broadcast %add3A_207 : i32 to vector<16xi32>
        %add3A_209 = arith.addi %broadcast_in_dim3A_208, %select_n3A : vector<16xi32>
        %gather3A_210 = tpu.vector_load_idx %arg11[%add3A_209] : memref<1024xi32, #tpu.memory_space<vmem>>[vector<16xi32>], vector<16xi32>,
        %gather3A_211 = tpu.vector_load_idx %arg12[%add3A_209] : memref<1024xi32, #tpu.memory_space<vmem>>[vector<16xi32>], vector<16xi32>,
        %gather3A_212 = tpu.vector_load_idx %arg13[%add3A_209] : memref<1024xf32, #tpu.memory_space<vmem>>[vector<16xi32>], vector<16xf32>,
        %gather3A_213 = tpu.vector_load_idx %arg10[%gather3A_210] : memref<10120xf32, #tpu.memory_space<vmem>>[vector<16xi32>], vector<16xf32>,
        %add3A_214 = arith.addi %mul3A_46, %gather3A_210 : vector<16xi32>
        %gather3A_215 = tpu.vector_load_idx %arg9[%add3A_214] : memref<40480xf32, #tpu.memory_space<vmem>>[vector<16xi32>], vector<16xf32>,
        %mul3A_216 = arith.mulf %gather3A_212, %gather3A_213 : vector<16xf32>
        %mul3A_217 = arith.mulf %gather3A_215, %mul3A_216 : vector<16xf32>
        %add3A_218 = arith.addi %mul3A_46, %gather3A_211 : vector<16xi32>
        tpu.vector_store_idx %arg8[%add3A_218], %mul3A_217 {add = true} : memref<40480xf32, #tpu.memory_space<vmem>>[vector<16xi32>], vector<16xf32>,
        %add3A_219 = arith.constant 20 : i32
        %add3A_220 = arith.addi %mul3A_154, %add3A_219 : i32
        %broadcast_in_dim3A_221 = vector.broadcast %add3A_220 : i32 to vector<16xi32>
        %add3A_222 = arith.addi %broadcast_in_dim3A_221, %select_n3A : vector<16xi32>
        %gather3A_223 = tpu.vector_load_idx %arg11[%add3A_222] : memref<1024xi32, #tpu.memory_space<vmem>>[vector<16xi32>], vector<16xi32>,
        %gather3A_224 = tpu.vector_load_idx %arg12[%add3A_222] : memref<1024xi32, #tpu.memory_space<vmem>>[vector<16xi32>], vector<16xi32>,
        %gather3A_225 = tpu.vector_load_idx %arg13[%add3A_222] : memref<1024xf32, #tpu.memory_space<vmem>>[vector<16xi32>], vector<16xf32>,
        %gather3A_226 = tpu.vector_load_idx %arg10[%gather3A_223] : memref<10120xf32, #tpu.memory_space<vmem>>[vector<16xi32>], vector<16xf32>,
        %add3A_227 = arith.addi %mul3A_46, %gather3A_223 : vector<16xi32>
        %gather3A_228 = tpu.vector_load_idx %arg9[%add3A_227] : memref<40480xf32, #tpu.memory_space<vmem>>[vector<16xi32>], vector<16xf32>,
        %mul3A_229 = arith.mulf %gather3A_225, %gather3A_226 : vector<16xf32>
        %mul3A_230 = arith.mulf %gather3A_228, %mul3A_229 : vector<16xf32>
        %add3A_231 = arith.addi %mul3A_46, %gather3A_224 : vector<16xi32>
        tpu.vector_store_idx %arg8[%add3A_231], %mul3A_230 {add = true} : memref<40480xf32, #tpu.memory_space<vmem>>[vector<16xi32>], vector<16xf32>,
        %add3A_232 = arith.constant 24 : i32
        %add3A_233 = arith.addi %mul3A_154, %add3A_232 : i32
        %broadcast_in_dim3A_234 = vector.broadcast %add3A_233 : i32 to vector<16xi32>
        %add3A_235 = arith.addi %broadcast_in_dim3A_234, %select_n3A : vector<16xi32>
        %gather3A_236 = tpu.vector_load_idx %arg11[%add3A_235] : memref<1024xi32, #tpu.memory_space<vmem>>[vector<16xi32>], vector<16xi32>,
        %gather3A_237 = tpu.vector_load_idx %arg12[%add3A_235] : memref<1024xi32, #tpu.memory_space<vmem>>[vector<16xi32>], vector<16xi32>,
        %gather3A_238 = tpu.vector_load_idx %arg13[%add3A_235] : memref<1024xf32, #tpu.memory_space<vmem>>[vector<16xi32>], vector<16xf32>,
        %gather3A_239 = tpu.vector_load_idx %arg10[%gather3A_236] : memref<10120xf32, #tpu.memory_space<vmem>>[vector<16xi32>], vector<16xf32>,
        %add3A_240 = arith.addi %mul3A_46, %gather3A_236 : vector<16xi32>
        %gather3A_241 = tpu.vector_load_idx %arg9[%add3A_240] : memref<40480xf32, #tpu.memory_space<vmem>>[vector<16xi32>], vector<16xf32>,
        %mul3A_242 = arith.mulf %gather3A_238, %gather3A_239 : vector<16xf32>
        %mul3A_243 = arith.mulf %gather3A_241, %mul3A_242 : vector<16xf32>
        %add3A_244 = arith.addi %mul3A_46, %gather3A_237 : vector<16xi32>
        tpu.vector_store_idx %arg8[%add3A_244], %mul3A_243 {add = true} : memref<40480xf32, #tpu.memory_space<vmem>>[vector<16xi32>], vector<16xf32>,
        %add3A_245 = arith.constant 28 : i32
        %add3A_246 = arith.addi %mul3A_154, %add3A_245 : i32
        %broadcast_in_dim3A_247 = vector.broadcast %add3A_246 : i32 to vector<16xi32>
        %add3A_248 = arith.addi %broadcast_in_dim3A_247, %select_n3A : vector<16xi32>
        %gather3A_249 = tpu.vector_load_idx %arg11[%add3A_248] : memref<1024xi32, #tpu.memory_space<vmem>>[vector<16xi32>], vector<16xi32>,
        %gather3A_250 = tpu.vector_load_idx %arg12[%add3A_248] : memref<1024xi32, #tpu.memory_space<vmem>>[vector<16xi32>], vector<16xi32>,
        %gather3A_251 = tpu.vector_load_idx %arg13[%add3A_248] : memref<1024xf32, #tpu.memory_space<vmem>>[vector<16xi32>], vector<16xf32>,
        %gather3A_252 = tpu.vector_load_idx %arg10[%gather3A_249] : memref<10120xf32, #tpu.memory_space<vmem>>[vector<16xi32>], vector<16xf32>,
        %add3A_253 = arith.addi %mul3A_46, %gather3A_249 : vector<16xi32>
        %gather3A_254 = tpu.vector_load_idx %arg9[%add3A_253] : memref<40480xf32, #tpu.memory_space<vmem>>[vector<16xi32>], vector<16xf32>,
        %mul3A_255 = arith.mulf %gather3A_251, %gather3A_252 : vector<16xf32>
        %mul3A_256 = arith.mulf %gather3A_254, %mul3A_255 : vector<16xf32>
        %add3A_257 = arith.addi %mul3A_46, %gather3A_250 : vector<16xi32>
        tpu.vector_store_idx %arg8[%add3A_257], %mul3A_256 {add = true} : memref<40480xf32, #tpu.memory_space<vmem>>[vector<16xi32>], vector<16xf32>,
        %scan3A_258 = arith.constant 0 : i32
        scf.yield %scan3A_258 : i32
      }
      %scan3A_149 = arith.constant 32 : i32
      %scan3A_150 = arith.constant 0 : i32
      scf.yield %scan3A_150 : i32
    }
    %scan3A_88 = arith.constant 320 : i32
    "tpu.region"() ({
      %run_scoped3A = tpu.sem_alloc : memref<!tpu.dma_semaphore, #tpu.memory_space<semaphore_mem>>
      %dma_start3A = tpu.memref_slice %arg7[%mul3A_72] : memref<5181440xf32, #tpu.memory_space<hbm>> -> memref<40480xf32, #tpu.memory_space<hbm>>
      %dma_start3A_133 = tpu.memref_slice %arg7[%mul3A_72] : memref<5181440xf32, #tpu.memory_space<hbm>> -> memref<40480xf32, #tpu.memory_space<hbm>>
      tpu.enqueue_dma source(%arg8 : memref<40480xf32, #tpu.memory_space<vmem>>) target(%dma_start3A_133 : memref<40480xf32, #tpu.memory_space<hbm>>) target_semaphore(%run_scoped3A : memref<!tpu.dma_semaphore, #tpu.memory_space<semaphore_mem>>)
      %dma_wait3A = tpu.memref_slice %arg7[%mul3A_72] : memref<5181440xf32, #tpu.memory_space<hbm>> -> memref<40480xf32, #tpu.memory_space<hbm>>
      %dma_wait3A_134 = tpu.memref_slice %arg7[%mul3A_72] : memref<5181440xf32, #tpu.memory_space<hbm>> -> memref<40480xf32, #tpu.memory_space<hbm>>
      tpu.wait_dma2 semaphore(%run_scoped3A : memref<!tpu.dma_semaphore, #tpu.memory_space<semaphore_mem>>) src(%arg8 : memref<40480xf32, #tpu.memory_space<vmem>>) dst(%dma_wait3A_134 : memref<40480xf32, #tpu.memory_space<hbm>>)
      tpu.yield
    }) : () -> ()
    %mul3A_89 = arith.constant 4 : i32
    %mul3A_90 = arith.muli %mul3A_89, %add3A : i32
    %add3A_91 = arith.constant 256 : i32
    %add3A_92 = arith.addi %add3A_91, %mul3A_90 : i32
    %mul3A_93 = arith.constant 10120 : i32
    %mul3A_94 = arith.muli %add3A_92, %mul3A_93 : i32
    "tpu.region"() ({
      %run_scoped3A = tpu.sem_alloc : memref<!tpu.dma_semaphore, #tpu.memory_space<semaphore_mem>>
      %dma_start3A = tpu.memref_slice %arg2[%mul3A_94] : memref<5181440xf32, #tpu.memory_space<hbm>> -> memref<40480xf32, #tpu.memory_space<hbm>>
      %dma_start3A_133 = tpu.memref_slice %arg2[%mul3A_94] : memref<5181440xf32, #tpu.memory_space<hbm>> -> memref<40480xf32, #tpu.memory_space<hbm>>
      tpu.enqueue_dma source(%dma_start3A_133 : memref<40480xf32, #tpu.memory_space<hbm>>) target(%arg9 : memref<40480xf32, #tpu.memory_space<vmem>>) target_semaphore(%run_scoped3A : memref<!tpu.dma_semaphore, #tpu.memory_space<semaphore_mem>>)
      %dma_wait3A = tpu.memref_slice %arg2[%mul3A_94] : memref<5181440xf32, #tpu.memory_space<hbm>> -> memref<40480xf32, #tpu.memory_space<hbm>>
      %dma_wait3A_134 = tpu.memref_slice %arg2[%mul3A_94] : memref<5181440xf32, #tpu.memory_space<hbm>> -> memref<40480xf32, #tpu.memory_space<hbm>>
      tpu.wait_dma2 semaphore(%run_scoped3A : memref<!tpu.dma_semaphore, #tpu.memory_space<semaphore_mem>>) src(%dma_wait3A_134 : memref<40480xf32, #tpu.memory_space<hbm>>) dst(%arg9 : memref<40480xf32, #tpu.memory_space<vmem>>)
      tpu.yield
    }) : () -> ()
    "tpu.region"() ({
      %run_scoped3A = tpu.sem_alloc : memref<!tpu.dma_semaphore, #tpu.memory_space<semaphore_mem>>
      %dma_start3A = arith.constant 20240 : i32
      %dma_start3A_133 = tpu.memref_slice %arg6[%dma_start3A] : memref<40480xf32, #tpu.memory_space<hbm>> -> memref<10120xf32, #tpu.memory_space<hbm>>
      %dma_start3A_134 = arith.constant 20240 : i32
      %dma_start3A_135 = tpu.memref_slice %arg6[%dma_start3A_134] : memref<40480xf32, #tpu.memory_space<hbm>> -> memref<10120xf32, #tpu.memory_space<hbm>>
      tpu.enqueue_dma source(%dma_start3A_135 : memref<10120xf32, #tpu.memory_space<hbm>>) target(%arg10 : memref<10120xf32, #tpu.memory_space<vmem>>) target_semaphore(%run_scoped3A : memref<!tpu.dma_semaphore, #tpu.memory_space<semaphore_mem>>)
      %dma_wait3A = arith.constant 20240 : i32
      %dma_wait3A_136 = tpu.memref_slice %arg6[%dma_wait3A] : memref<40480xf32, #tpu.memory_space<hbm>> -> memref<10120xf32, #tpu.memory_space<hbm>>
      %dma_wait3A_137 = arith.constant 20240 : i32
      %dma_wait3A_138 = tpu.memref_slice %arg6[%dma_wait3A_137] : memref<40480xf32, #tpu.memory_space<hbm>> -> memref<10120xf32, #tpu.memory_space<hbm>>
      tpu.wait_dma2 semaphore(%run_scoped3A : memref<!tpu.dma_semaphore, #tpu.memory_space<semaphore_mem>>) src(%dma_wait3A_138 : memref<10120xf32, #tpu.memory_space<hbm>>) dst(%arg10 : memref<10120xf32, #tpu.memory_space<vmem>>)
      tpu.yield
    }) : () -> ()
    %broadcast_in_dim3A_95 = arith.constant 0.000000e+00 : f32
    %broadcast_in_dim3A_96 = vector.broadcast %broadcast_in_dim3A_95 : f32 to vector<16xf32>
    %scan3A_97 = arith.constant 0 : i32
    %scan3A_98 = arith.constant 0 : i32
    %scan3A_99 = arith.constant 2530 : i32
    %scan3A_100 = arith.addi %scan3A_98, %scan3A_99 : i32
    %scan3A_101 = arith.constant 1 : i32
    %scan3A_102 = scf.for %scan3A_133 = %scan3A_98 to %scan3A_100 step %scan3A_101 iter_args(%scan3A_134 = %scan3A_97) -> (i32)  : i32 {
      %mul3A_135 = arith.constant 16 : i32
      %mul3A_136 = arith.muli %scan3A_133, %mul3A_135 : i32
      %swap3A = arith.index_cast %mul3A_136 : i32 to index
      %swap3A_137 = tpu.vector_load %arg8[%swap3A] {strides = array<i32>} : memref<40480xf32, #tpu.memory_space<vmem>>, vector<16xf32>,
      tpu.vector_store %arg8[%swap3A], %broadcast_in_dim3A_96 {strides = array<i32>} : memref<40480xf32, #tpu.memory_space<vmem>>, vector<16xf32>,
      %scan3A_138 = arith.constant 0 : i32
      scf.yield %scan3A_138 : i32
    }
    %scan3A_103 = arith.constant 2530 : i32
    %scan3A_104 = arith.constant 0 : i32
    %scan3A_105 = arith.constant 0 : i32
    %scan3A_106 = arith.constant 320 : i32
    %scan3A_107 = arith.addi %scan3A_105, %scan3A_106 : i32
    %scan3A_108 = arith.constant 1 : i32
    %scan3A_109 = scf.for %scan3A_133 = %scan3A_105 to %scan3A_107 step %scan3A_108 iter_args(%scan3A_134 = %scan3A_104) -> (i32)  : i32 {
      %mul3A_135 = arith.constant 1024 : i32
      %mul3A_136 = arith.muli %scan3A_133, %mul3A_135 : i32
      "tpu.region"() ({
        %run_scoped3A = tpu.sem_alloc : memref<!tpu.dma_semaphore, #tpu.memory_space<semaphore_mem>>
        %dma_start3A = tpu.memref_slice %arg3[%mul3A_136] : memref<327680xi32, #tpu.memory_space<hbm>> -> memref<1024xi32, #tpu.memory_space<hbm>>
        %dma_start3A_151 = tpu.memref_slice %arg3[%mul3A_136] : memref<327680xi32, #tpu.memory_space<hbm>> -> memref<1024xi32, #tpu.memory_space<hbm>>
        tpu.enqueue_dma source(%dma_start3A_151 : memref<1024xi32, #tpu.memory_space<hbm>>) target(%arg11 : memref<1024xi32, #tpu.memory_space<vmem>>) target_semaphore(%run_scoped3A : memref<!tpu.dma_semaphore, #tpu.memory_space<semaphore_mem>>)
        %dma_wait3A = tpu.memref_slice %arg3[%mul3A_136] : memref<327680xi32, #tpu.memory_space<hbm>> -> memref<1024xi32, #tpu.memory_space<hbm>>
        %dma_wait3A_152 = tpu.memref_slice %arg3[%mul3A_136] : memref<327680xi32, #tpu.memory_space<hbm>> -> memref<1024xi32, #tpu.memory_space<hbm>>
        tpu.wait_dma2 semaphore(%run_scoped3A : memref<!tpu.dma_semaphore, #tpu.memory_space<semaphore_mem>>) src(%dma_wait3A_152 : memref<1024xi32, #tpu.memory_space<hbm>>) dst(%arg11 : memref<1024xi32, #tpu.memory_space<vmem>>)
        tpu.yield
      }) : () -> ()
      %mul3A_137 = arith.constant 1024 : i32
      %mul3A_138 = arith.muli %scan3A_133, %mul3A_137 : i32
      "tpu.region"() ({
        %run_scoped3A = tpu.sem_alloc : memref<!tpu.dma_semaphore, #tpu.memory_space<semaphore_mem>>
        %dma_start3A = tpu.memref_slice %arg4[%mul3A_138] : memref<327680xi32, #tpu.memory_space<hbm>> -> memref<1024xi32, #tpu.memory_space<hbm>>
        %dma_start3A_151 = tpu.memref_slice %arg4[%mul3A_138] : memref<327680xi32, #tpu.memory_space<hbm>> -> memref<1024xi32, #tpu.memory_space<hbm>>
        tpu.enqueue_dma source(%dma_start3A_151 : memref<1024xi32, #tpu.memory_space<hbm>>) target(%arg12 : memref<1024xi32, #tpu.memory_space<vmem>>) target_semaphore(%run_scoped3A : memref<!tpu.dma_semaphore, #tpu.memory_space<semaphore_mem>>)
        %dma_wait3A = tpu.memref_slice %arg4[%mul3A_138] : memref<327680xi32, #tpu.memory_space<hbm>> -> memref<1024xi32, #tpu.memory_space<hbm>>
        %dma_wait3A_152 = tpu.memref_slice %arg4[%mul3A_138] : memref<327680xi32, #tpu.memory_space<hbm>> -> memref<1024xi32, #tpu.memory_space<hbm>>
        tpu.wait_dma2 semaphore(%run_scoped3A : memref<!tpu.dma_semaphore, #tpu.memory_space<semaphore_mem>>) src(%dma_wait3A_152 : memref<1024xi32, #tpu.memory_space<hbm>>) dst(%arg12 : memref<1024xi32, #tpu.memory_space<vmem>>)
        tpu.yield
      }) : () -> ()
      %mul3A_139 = arith.constant 1024 : i32
      %mul3A_140 = arith.muli %scan3A_133, %mul3A_139 : i32
      %add3A_141 = arith.constant 655360 : i32
      %add3A_142 = arith.addi %add3A_141, %mul3A_140 : i32
      "tpu.region"() ({
        %run_scoped3A = tpu.sem_alloc : memref<!tpu.dma_semaphore, #tpu.memory_space<semaphore_mem>>
        %dma_start3A = tpu.memref_slice %arg5[%add3A_142] : memref<1310720xf32, #tpu.memory_space<hbm>> -> memref<1024xf32, #tpu.memory_space<hbm>>
        %dma_start3A_151 = tpu.memref_slice %arg5[%add3A_142] : memref<1310720xf32, #tpu.memory_space<hbm>> -> memref<1024xf32, #tpu.memory_space<hbm>>
        tpu.enqueue_dma source(%dma_start3A_151 : memref<1024xf32, #tpu.memory_space<hbm>>) target(%arg13 : memref<1024xf32, #tpu.memory_space<vmem>>) target_semaphore(%run_scoped3A : memref<!tpu.dma_semaphore, #tpu.memory_space<semaphore_mem>>)
        %dma_wait3A = tpu.memref_slice %arg5[%add3A_142] : memref<1310720xf32, #tpu.memory_space<hbm>> -> memref<1024xf32, #tpu.memory_space<hbm>>
        %dma_wait3A_152 = tpu.memref_slice %arg5[%add3A_142] : memref<1310720xf32, #tpu.memory_space<hbm>> -> memref<1024xf32, #tpu.memory_space<hbm>>
        tpu.wait_dma2 semaphore(%run_scoped3A : memref<!tpu.dma_semaphore, #tpu.memory_space<semaphore_mem>>) src(%dma_wait3A_152 : memref<1024xf32, #tpu.memory_space<hbm>>) dst(%arg13 : memref<1024xf32, #tpu.memory_space<vmem>>)
        tpu.yield
      }) : () -> ()
      %scan3A_143 = arith.constant 0 : i32
      %scan3A_144 = arith.constant 0 : i32
      %scan3A_145 = arith.constant 32 : i32
      %scan3A_146 = arith.addi %scan3A_144, %scan3A_145 : i32
      %scan3A_147 = arith.constant 1 : i32
      %scan3A_148 = scf.for %scan3A_151 = %scan3A_144 to %scan3A_146 step %scan3A_147 iter_args(%scan3A_152 = %scan3A_143) -> (i32)  : i32 {
        %mul3A_153 = arith.constant 32 : i32
        %mul3A_154 = arith.muli %scan3A_151, %mul3A_153 : i32
        %add3A_155 = arith.constant 0 : i32
        %add3A_156 = arith.addi %mul3A_154, %add3A_155 : i32
        %broadcast_in_dim3A_157 = vector.broadcast %add3A_156 : i32 to vector<16xi32>
        %add3A_158 = arith.addi %broadcast_in_dim3A_157, %select_n3A : vector<16xi32>
        %gather3A = tpu.vector_load_idx %arg11[%add3A_158] : memref<1024xi32, #tpu.memory_space<vmem>>[vector<16xi32>], vector<16xi32>,
        %gather3A_159 = tpu.vector_load_idx %arg12[%add3A_158] : memref<1024xi32, #tpu.memory_space<vmem>>[vector<16xi32>], vector<16xi32>,
        %gather3A_160 = tpu.vector_load_idx %arg13[%add3A_158] : memref<1024xf32, #tpu.memory_space<vmem>>[vector<16xi32>], vector<16xf32>,
        %gather3A_161 = tpu.vector_load_idx %arg10[%gather3A] : memref<10120xf32, #tpu.memory_space<vmem>>[vector<16xi32>], vector<16xf32>,
        %add3A_162 = arith.addi %mul3A_46, %gather3A : vector<16xi32>
        %gather3A_163 = tpu.vector_load_idx %arg9[%add3A_162] : memref<40480xf32, #tpu.memory_space<vmem>>[vector<16xi32>], vector<16xf32>,
        %mul3A_164 = arith.mulf %gather3A_160, %gather3A_161 : vector<16xf32>
        %mul3A_165 = arith.mulf %gather3A_163, %mul3A_164 : vector<16xf32>
        %add3A_166 = arith.addi %mul3A_46, %gather3A_159 : vector<16xi32>
        tpu.vector_store_idx %arg8[%add3A_166], %mul3A_165 {add = true} : memref<40480xf32, #tpu.memory_space<vmem>>[vector<16xi32>], vector<16xf32>,
        %add3A_167 = arith.constant 4 : i32
        %add3A_168 = arith.addi %mul3A_154, %add3A_167 : i32
        %broadcast_in_dim3A_169 = vector.broadcast %add3A_168 : i32 to vector<16xi32>
        %add3A_170 = arith.addi %broadcast_in_dim3A_169, %select_n3A : vector<16xi32>
        %gather3A_171 = tpu.vector_load_idx %arg11[%add3A_170] : memref<1024xi32, #tpu.memory_space<vmem>>[vector<16xi32>], vector<16xi32>,
        %gather3A_172 = tpu.vector_load_idx %arg12[%add3A_170] : memref<1024xi32, #tpu.memory_space<vmem>>[vector<16xi32>], vector<16xi32>,
        %gather3A_173 = tpu.vector_load_idx %arg13[%add3A_170] : memref<1024xf32, #tpu.memory_space<vmem>>[vector<16xi32>], vector<16xf32>,
        %gather3A_174 = tpu.vector_load_idx %arg10[%gather3A_171] : memref<10120xf32, #tpu.memory_space<vmem>>[vector<16xi32>], vector<16xf32>,
        %add3A_175 = arith.addi %mul3A_46, %gather3A_171 : vector<16xi32>
        %gather3A_176 = tpu.vector_load_idx %arg9[%add3A_175] : memref<40480xf32, #tpu.memory_space<vmem>>[vector<16xi32>], vector<16xf32>,
        %mul3A_177 = arith.mulf %gather3A_173, %gather3A_174 : vector<16xf32>
        %mul3A_178 = arith.mulf %gather3A_176, %mul3A_177 : vector<16xf32>
        %add3A_179 = arith.addi %mul3A_46, %gather3A_172 : vector<16xi32>
        tpu.vector_store_idx %arg8[%add3A_179], %mul3A_178 {add = true} : memref<40480xf32, #tpu.memory_space<vmem>>[vector<16xi32>], vector<16xf32>,
        %add3A_180 = arith.constant 8 : i32
        %add3A_181 = arith.addi %mul3A_154, %add3A_180 : i32
        %broadcast_in_dim3A_182 = vector.broadcast %add3A_181 : i32 to vector<16xi32>
        %add3A_183 = arith.addi %broadcast_in_dim3A_182, %select_n3A : vector<16xi32>
        %gather3A_184 = tpu.vector_load_idx %arg11[%add3A_183] : memref<1024xi32, #tpu.memory_space<vmem>>[vector<16xi32>], vector<16xi32>,
        %gather3A_185 = tpu.vector_load_idx %arg12[%add3A_183] : memref<1024xi32, #tpu.memory_space<vmem>>[vector<16xi32>], vector<16xi32>,
        %gather3A_186 = tpu.vector_load_idx %arg13[%add3A_183] : memref<1024xf32, #tpu.memory_space<vmem>>[vector<16xi32>], vector<16xf32>,
        %gather3A_187 = tpu.vector_load_idx %arg10[%gather3A_184] : memref<10120xf32, #tpu.memory_space<vmem>>[vector<16xi32>], vector<16xf32>,
        %add3A_188 = arith.addi %mul3A_46, %gather3A_184 : vector<16xi32>
        %gather3A_189 = tpu.vector_load_idx %arg9[%add3A_188] : memref<40480xf32, #tpu.memory_space<vmem>>[vector<16xi32>], vector<16xf32>,
        %mul3A_190 = arith.mulf %gather3A_186, %gather3A_187 : vector<16xf32>
        %mul3A_191 = arith.mulf %gather3A_189, %mul3A_190 : vector<16xf32>
        %add3A_192 = arith.addi %mul3A_46, %gather3A_185 : vector<16xi32>
        tpu.vector_store_idx %arg8[%add3A_192], %mul3A_191 {add = true} : memref<40480xf32, #tpu.memory_space<vmem>>[vector<16xi32>], vector<16xf32>,
        %add3A_193 = arith.constant 12 : i32
        %add3A_194 = arith.addi %mul3A_154, %add3A_193 : i32
        %broadcast_in_dim3A_195 = vector.broadcast %add3A_194 : i32 to vector<16xi32>
        %add3A_196 = arith.addi %broadcast_in_dim3A_195, %select_n3A : vector<16xi32>
        %gather3A_197 = tpu.vector_load_idx %arg11[%add3A_196] : memref<1024xi32, #tpu.memory_space<vmem>>[vector<16xi32>], vector<16xi32>,
        %gather3A_198 = tpu.vector_load_idx %arg12[%add3A_196] : memref<1024xi32, #tpu.memory_space<vmem>>[vector<16xi32>], vector<16xi32>,
        %gather3A_199 = tpu.vector_load_idx %arg13[%add3A_196] : memref<1024xf32, #tpu.memory_space<vmem>>[vector<16xi32>], vector<16xf32>,
        %gather3A_200 = tpu.vector_load_idx %arg10[%gather3A_197] : memref<10120xf32, #tpu.memory_space<vmem>>[vector<16xi32>], vector<16xf32>,
        %add3A_201 = arith.addi %mul3A_46, %gather3A_197 : vector<16xi32>
        %gather3A_202 = tpu.vector_load_idx %arg9[%add3A_201] : memref<40480xf32, #tpu.memory_space<vmem>>[vector<16xi32>], vector<16xf32>,
        %mul3A_203 = arith.mulf %gather3A_199, %gather3A_200 : vector<16xf32>
        %mul3A_204 = arith.mulf %gather3A_202, %mul3A_203 : vector<16xf32>
        %add3A_205 = arith.addi %mul3A_46, %gather3A_198 : vector<16xi32>
        tpu.vector_store_idx %arg8[%add3A_205], %mul3A_204 {add = true} : memref<40480xf32, #tpu.memory_space<vmem>>[vector<16xi32>], vector<16xf32>,
        %add3A_206 = arith.constant 16 : i32
        %add3A_207 = arith.addi %mul3A_154, %add3A_206 : i32
        %broadcast_in_dim3A_208 = vector.broadcast %add3A_207 : i32 to vector<16xi32>
        %add3A_209 = arith.addi %broadcast_in_dim3A_208, %select_n3A : vector<16xi32>
        %gather3A_210 = tpu.vector_load_idx %arg11[%add3A_209] : memref<1024xi32, #tpu.memory_space<vmem>>[vector<16xi32>], vector<16xi32>,
        %gather3A_211 = tpu.vector_load_idx %arg12[%add3A_209] : memref<1024xi32, #tpu.memory_space<vmem>>[vector<16xi32>], vector<16xi32>,
        %gather3A_212 = tpu.vector_load_idx %arg13[%add3A_209] : memref<1024xf32, #tpu.memory_space<vmem>>[vector<16xi32>], vector<16xf32>,
        %gather3A_213 = tpu.vector_load_idx %arg10[%gather3A_210] : memref<10120xf32, #tpu.memory_space<vmem>>[vector<16xi32>], vector<16xf32>,
        %add3A_214 = arith.addi %mul3A_46, %gather3A_210 : vector<16xi32>
        %gather3A_215 = tpu.vector_load_idx %arg9[%add3A_214] : memref<40480xf32, #tpu.memory_space<vmem>>[vector<16xi32>], vector<16xf32>,
        %mul3A_216 = arith.mulf %gather3A_212, %gather3A_213 : vector<16xf32>
        %mul3A_217 = arith.mulf %gather3A_215, %mul3A_216 : vector<16xf32>
        %add3A_218 = arith.addi %mul3A_46, %gather3A_211 : vector<16xi32>
        tpu.vector_store_idx %arg8[%add3A_218], %mul3A_217 {add = true} : memref<40480xf32, #tpu.memory_space<vmem>>[vector<16xi32>], vector<16xf32>,
        %add3A_219 = arith.constant 20 : i32
        %add3A_220 = arith.addi %mul3A_154, %add3A_219 : i32
        %broadcast_in_dim3A_221 = vector.broadcast %add3A_220 : i32 to vector<16xi32>
        %add3A_222 = arith.addi %broadcast_in_dim3A_221, %select_n3A : vector<16xi32>
        %gather3A_223 = tpu.vector_load_idx %arg11[%add3A_222] : memref<1024xi32, #tpu.memory_space<vmem>>[vector<16xi32>], vector<16xi32>,
        %gather3A_224 = tpu.vector_load_idx %arg12[%add3A_222] : memref<1024xi32, #tpu.memory_space<vmem>>[vector<16xi32>], vector<16xi32>,
        %gather3A_225 = tpu.vector_load_idx %arg13[%add3A_222] : memref<1024xf32, #tpu.memory_space<vmem>>[vector<16xi32>], vector<16xf32>,
        %gather3A_226 = tpu.vector_load_idx %arg10[%gather3A_223] : memref<10120xf32, #tpu.memory_space<vmem>>[vector<16xi32>], vector<16xf32>,
        %add3A_227 = arith.addi %mul3A_46, %gather3A_223 : vector<16xi32>
        %gather3A_228 = tpu.vector_load_idx %arg9[%add3A_227] : memref<40480xf32, #tpu.memory_space<vmem>>[vector<16xi32>], vector<16xf32>,
        %mul3A_229 = arith.mulf %gather3A_225, %gather3A_226 : vector<16xf32>
        %mul3A_230 = arith.mulf %gather3A_228, %mul3A_229 : vector<16xf32>
        %add3A_231 = arith.addi %mul3A_46, %gather3A_224 : vector<16xi32>
        tpu.vector_store_idx %arg8[%add3A_231], %mul3A_230 {add = true} : memref<40480xf32, #tpu.memory_space<vmem>>[vector<16xi32>], vector<16xf32>,
        %add3A_232 = arith.constant 24 : i32
        %add3A_233 = arith.addi %mul3A_154, %add3A_232 : i32
        %broadcast_in_dim3A_234 = vector.broadcast %add3A_233 : i32 to vector<16xi32>
        %add3A_235 = arith.addi %broadcast_in_dim3A_234, %select_n3A : vector<16xi32>
        %gather3A_236 = tpu.vector_load_idx %arg11[%add3A_235] : memref<1024xi32, #tpu.memory_space<vmem>>[vector<16xi32>], vector<16xi32>,
        %gather3A_237 = tpu.vector_load_idx %arg12[%add3A_235] : memref<1024xi32, #tpu.memory_space<vmem>>[vector<16xi32>], vector<16xi32>,
        %gather3A_238 = tpu.vector_load_idx %arg13[%add3A_235] : memref<1024xf32, #tpu.memory_space<vmem>>[vector<16xi32>], vector<16xf32>,
        %gather3A_239 = tpu.vector_load_idx %arg10[%gather3A_236] : memref<10120xf32, #tpu.memory_space<vmem>>[vector<16xi32>], vector<16xf32>,
        %add3A_240 = arith.addi %mul3A_46, %gather3A_236 : vector<16xi32>
        %gather3A_241 = tpu.vector_load_idx %arg9[%add3A_240] : memref<40480xf32, #tpu.memory_space<vmem>>[vector<16xi32>], vector<16xf32>,
        %mul3A_242 = arith.mulf %gather3A_238, %gather3A_239 : vector<16xf32>
        %mul3A_243 = arith.mulf %gather3A_241, %mul3A_242 : vector<16xf32>
        %add3A_244 = arith.addi %mul3A_46, %gather3A_237 : vector<16xi32>
        tpu.vector_store_idx %arg8[%add3A_244], %mul3A_243 {add = true} : memref<40480xf32, #tpu.memory_space<vmem>>[vector<16xi32>], vector<16xf32>,
        %add3A_245 = arith.constant 28 : i32
        %add3A_246 = arith.addi %mul3A_154, %add3A_245 : i32
        %broadcast_in_dim3A_247 = vector.broadcast %add3A_246 : i32 to vector<16xi32>
        %add3A_248 = arith.addi %broadcast_in_dim3A_247, %select_n3A : vector<16xi32>
        %gather3A_249 = tpu.vector_load_idx %arg11[%add3A_248] : memref<1024xi32, #tpu.memory_space<vmem>>[vector<16xi32>], vector<16xi32>,
        %gather3A_250 = tpu.vector_load_idx %arg12[%add3A_248] : memref<1024xi32, #tpu.memory_space<vmem>>[vector<16xi32>], vector<16xi32>,
        %gather3A_251 = tpu.vector_load_idx %arg13[%add3A_248] : memref<1024xf32, #tpu.memory_space<vmem>>[vector<16xi32>], vector<16xf32>,
        %gather3A_252 = tpu.vector_load_idx %arg10[%gather3A_249] : memref<10120xf32, #tpu.memory_space<vmem>>[vector<16xi32>], vector<16xf32>,
        %add3A_253 = arith.addi %mul3A_46, %gather3A_249 : vector<16xi32>
        %gather3A_254 = tpu.vector_load_idx %arg9[%add3A_253] : memref<40480xf32, #tpu.memory_space<vmem>>[vector<16xi32>], vector<16xf32>,
        %mul3A_255 = arith.mulf %gather3A_251, %gather3A_252 : vector<16xf32>
        %mul3A_256 = arith.mulf %gather3A_254, %mul3A_255 : vector<16xf32>
        %add3A_257 = arith.addi %mul3A_46, %gather3A_250 : vector<16xi32>
        tpu.vector_store_idx %arg8[%add3A_257], %mul3A_256 {add = true} : memref<40480xf32, #tpu.memory_space<vmem>>[vector<16xi32>], vector<16xf32>,
        %scan3A_258 = arith.constant 0 : i32
        scf.yield %scan3A_258 : i32
      }
      %scan3A_149 = arith.constant 32 : i32
      %scan3A_150 = arith.constant 0 : i32
      scf.yield %scan3A_150 : i32
    }
    %scan3A_110 = arith.constant 320 : i32
    "tpu.region"() ({
      %run_scoped3A = tpu.sem_alloc : memref<!tpu.dma_semaphore, #tpu.memory_space<semaphore_mem>>
      %dma_start3A = tpu.memref_slice %arg7[%mul3A_94] : memref<5181440xf32, #tpu.memory_space<hbm>> -> memref<40480xf32, #tpu.memory_space<hbm>>
      %dma_start3A_133 = tpu.memref_slice %arg7[%mul3A_94] : memref<5181440xf32, #tpu.memory_space<hbm>> -> memref<40480xf32, #tpu.memory_space<hbm>>
      tpu.enqueue_dma source(%arg8 : memref<40480xf32, #tpu.memory_space<vmem>>) target(%dma_start3A_133 : memref<40480xf32, #tpu.memory_space<hbm>>) target_semaphore(%run_scoped3A : memref<!tpu.dma_semaphore, #tpu.memory_space<semaphore_mem>>)
      %dma_wait3A = tpu.memref_slice %arg7[%mul3A_94] : memref<5181440xf32, #tpu.memory_space<hbm>> -> memref<40480xf32, #tpu.memory_space<hbm>>
      %dma_wait3A_134 = tpu.memref_slice %arg7[%mul3A_94] : memref<5181440xf32, #tpu.memory_space<hbm>> -> memref<40480xf32, #tpu.memory_space<hbm>>
      tpu.wait_dma2 semaphore(%run_scoped3A : memref<!tpu.dma_semaphore, #tpu.memory_space<semaphore_mem>>) src(%arg8 : memref<40480xf32, #tpu.memory_space<vmem>>) dst(%dma_wait3A_134 : memref<40480xf32, #tpu.memory_space<hbm>>)
      tpu.yield
    }) : () -> ()
    %mul3A_111 = arith.constant 4 : i32
    %mul3A_112 = arith.muli %mul3A_111, %add3A : i32
    %add3A_113 = arith.constant 384 : i32
    %add3A_114 = arith.addi %add3A_113, %mul3A_112 : i32
    %mul3A_115 = arith.constant 10120 : i32
    %mul3A_116 = arith.muli %add3A_114, %mul3A_115 : i32
    "tpu.region"() ({
      %run_scoped3A = tpu.sem_alloc : memref<!tpu.dma_semaphore, #tpu.memory_space<semaphore_mem>>
      %dma_start3A = tpu.memref_slice %arg2[%mul3A_116] : memref<5181440xf32, #tpu.memory_space<hbm>> -> memref<40480xf32, #tpu.memory_space<hbm>>
      %dma_start3A_133 = tpu.memref_slice %arg2[%mul3A_116] : memref<5181440xf32, #tpu.memory_space<hbm>> -> memref<40480xf32, #tpu.memory_space<hbm>>
      tpu.enqueue_dma source(%dma_start3A_133 : memref<40480xf32, #tpu.memory_space<hbm>>) target(%arg9 : memref<40480xf32, #tpu.memory_space<vmem>>) target_semaphore(%run_scoped3A : memref<!tpu.dma_semaphore, #tpu.memory_space<semaphore_mem>>)
      %dma_wait3A = tpu.memref_slice %arg2[%mul3A_116] : memref<5181440xf32, #tpu.memory_space<hbm>> -> memref<40480xf32, #tpu.memory_space<hbm>>
      %dma_wait3A_134 = tpu.memref_slice %arg2[%mul3A_116] : memref<5181440xf32, #tpu.memory_space<hbm>> -> memref<40480xf32, #tpu.memory_space<hbm>>
      tpu.wait_dma2 semaphore(%run_scoped3A : memref<!tpu.dma_semaphore, #tpu.memory_space<semaphore_mem>>) src(%dma_wait3A_134 : memref<40480xf32, #tpu.memory_space<hbm>>) dst(%arg9 : memref<40480xf32, #tpu.memory_space<vmem>>)
      tpu.yield
    }) : () -> ()
    "tpu.region"() ({
      %run_scoped3A = tpu.sem_alloc : memref<!tpu.dma_semaphore, #tpu.memory_space<semaphore_mem>>
      %dma_start3A = arith.constant 30360 : i32
      %dma_start3A_133 = tpu.memref_slice %arg6[%dma_start3A] : memref<40480xf32, #tpu.memory_space<hbm>> -> memref<10120xf32, #tpu.memory_space<hbm>>
      %dma_start3A_134 = arith.constant 30360 : i32
      %dma_start3A_135 = tpu.memref_slice %arg6[%dma_start3A_134] : memref<40480xf32, #tpu.memory_space<hbm>> -> memref<10120xf32, #tpu.memory_space<hbm>>
      tpu.enqueue_dma source(%dma_start3A_135 : memref<10120xf32, #tpu.memory_space<hbm>>) target(%arg10 : memref<10120xf32, #tpu.memory_space<vmem>>) target_semaphore(%run_scoped3A : memref<!tpu.dma_semaphore, #tpu.memory_space<semaphore_mem>>)
      %dma_wait3A = arith.constant 30360 : i32
      %dma_wait3A_136 = tpu.memref_slice %arg6[%dma_wait3A] : memref<40480xf32, #tpu.memory_space<hbm>> -> memref<10120xf32, #tpu.memory_space<hbm>>
      %dma_wait3A_137 = arith.constant 30360 : i32
      %dma_wait3A_138 = tpu.memref_slice %arg6[%dma_wait3A_137] : memref<40480xf32, #tpu.memory_space<hbm>> -> memref<10120xf32, #tpu.memory_space<hbm>>
      tpu.wait_dma2 semaphore(%run_scoped3A : memref<!tpu.dma_semaphore, #tpu.memory_space<semaphore_mem>>) src(%dma_wait3A_138 : memref<10120xf32, #tpu.memory_space<hbm>>) dst(%arg10 : memref<10120xf32, #tpu.memory_space<vmem>>)
      tpu.yield
    }) : () -> ()
    %broadcast_in_dim3A_117 = arith.constant 0.000000e+00 : f32
    %broadcast_in_dim3A_118 = vector.broadcast %broadcast_in_dim3A_117 : f32 to vector<16xf32>
    %scan3A_119 = arith.constant 0 : i32
    %scan3A_120 = arith.constant 0 : i32
    %scan3A_121 = arith.constant 2530 : i32
    %scan3A_122 = arith.addi %scan3A_120, %scan3A_121 : i32
    %scan3A_123 = arith.constant 1 : i32
    %scan3A_124 = scf.for %scan3A_133 = %scan3A_120 to %scan3A_122 step %scan3A_123 iter_args(%scan3A_134 = %scan3A_119) -> (i32)  : i32 {
      %mul3A_135 = arith.constant 16 : i32
      %mul3A_136 = arith.muli %scan3A_133, %mul3A_135 : i32
      %swap3A = arith.index_cast %mul3A_136 : i32 to index
      %swap3A_137 = tpu.vector_load %arg8[%swap3A] {strides = array<i32>} : memref<40480xf32, #tpu.memory_space<vmem>>, vector<16xf32>,
      tpu.vector_store %arg8[%swap3A], %broadcast_in_dim3A_118 {strides = array<i32>} : memref<40480xf32, #tpu.memory_space<vmem>>, vector<16xf32>,
      %scan3A_138 = arith.constant 0 : i32
      scf.yield %scan3A_138 : i32
    }
    %scan3A_125 = arith.constant 2530 : i32
    %scan3A_126 = arith.constant 0 : i32
    %scan3A_127 = arith.constant 0 : i32
    %scan3A_128 = arith.constant 320 : i32
    %scan3A_129 = arith.addi %scan3A_127, %scan3A_128 : i32
    %scan3A_130 = arith.constant 1 : i32
    %scan3A_131 = scf.for %scan3A_133 = %scan3A_127 to %scan3A_129 step %scan3A_130 iter_args(%scan3A_134 = %scan3A_126) -> (i32)  : i32 {
      %mul3A_135 = arith.constant 1024 : i32
      %mul3A_136 = arith.muli %scan3A_133, %mul3A_135 : i32
      "tpu.region"() ({
        %run_scoped3A = tpu.sem_alloc : memref<!tpu.dma_semaphore, #tpu.memory_space<semaphore_mem>>
        %dma_start3A = tpu.memref_slice %arg3[%mul3A_136] : memref<327680xi32, #tpu.memory_space<hbm>> -> memref<1024xi32, #tpu.memory_space<hbm>>
        %dma_start3A_151 = tpu.memref_slice %arg3[%mul3A_136] : memref<327680xi32, #tpu.memory_space<hbm>> -> memref<1024xi32, #tpu.memory_space<hbm>>
        tpu.enqueue_dma source(%dma_start3A_151 : memref<1024xi32, #tpu.memory_space<hbm>>) target(%arg11 : memref<1024xi32, #tpu.memory_space<vmem>>) target_semaphore(%run_scoped3A : memref<!tpu.dma_semaphore, #tpu.memory_space<semaphore_mem>>)
        %dma_wait3A = tpu.memref_slice %arg3[%mul3A_136] : memref<327680xi32, #tpu.memory_space<hbm>> -> memref<1024xi32, #tpu.memory_space<hbm>>
        %dma_wait3A_152 = tpu.memref_slice %arg3[%mul3A_136] : memref<327680xi32, #tpu.memory_space<hbm>> -> memref<1024xi32, #tpu.memory_space<hbm>>
        tpu.wait_dma2 semaphore(%run_scoped3A : memref<!tpu.dma_semaphore, #tpu.memory_space<semaphore_mem>>) src(%dma_wait3A_152 : memref<1024xi32, #tpu.memory_space<hbm>>) dst(%arg11 : memref<1024xi32, #tpu.memory_space<vmem>>)
        tpu.yield
      }) : () -> ()
      %mul3A_137 = arith.constant 1024 : i32
      %mul3A_138 = arith.muli %scan3A_133, %mul3A_137 : i32
      "tpu.region"() ({
        %run_scoped3A = tpu.sem_alloc : memref<!tpu.dma_semaphore, #tpu.memory_space<semaphore_mem>>
        %dma_start3A = tpu.memref_slice %arg4[%mul3A_138] : memref<327680xi32, #tpu.memory_space<hbm>> -> memref<1024xi32, #tpu.memory_space<hbm>>
        %dma_start3A_151 = tpu.memref_slice %arg4[%mul3A_138] : memref<327680xi32, #tpu.memory_space<hbm>> -> memref<1024xi32, #tpu.memory_space<hbm>>
        tpu.enqueue_dma source(%dma_start3A_151 : memref<1024xi32, #tpu.memory_space<hbm>>) target(%arg12 : memref<1024xi32, #tpu.memory_space<vmem>>) target_semaphore(%run_scoped3A : memref<!tpu.dma_semaphore, #tpu.memory_space<semaphore_mem>>)
        %dma_wait3A = tpu.memref_slice %arg4[%mul3A_138] : memref<327680xi32, #tpu.memory_space<hbm>> -> memref<1024xi32, #tpu.memory_space<hbm>>
        %dma_wait3A_152 = tpu.memref_slice %arg4[%mul3A_138] : memref<327680xi32, #tpu.memory_space<hbm>> -> memref<1024xi32, #tpu.memory_space<hbm>>
        tpu.wait_dma2 semaphore(%run_scoped3A : memref<!tpu.dma_semaphore, #tpu.memory_space<semaphore_mem>>) src(%dma_wait3A_152 : memref<1024xi32, #tpu.memory_space<hbm>>) dst(%arg12 : memref<1024xi32, #tpu.memory_space<vmem>>)
        tpu.yield
      }) : () -> ()
      %mul3A_139 = arith.constant 1024 : i32
      %mul3A_140 = arith.muli %scan3A_133, %mul3A_139 : i32
      %add3A_141 = arith.constant 983040 : i32
      %add3A_142 = arith.addi %add3A_141, %mul3A_140 : i32
      "tpu.region"() ({
        %run_scoped3A = tpu.sem_alloc : memref<!tpu.dma_semaphore, #tpu.memory_space<semaphore_mem>>
        %dma_start3A = tpu.memref_slice %arg5[%add3A_142] : memref<1310720xf32, #tpu.memory_space<hbm>> -> memref<1024xf32, #tpu.memory_space<hbm>>
        %dma_start3A_151 = tpu.memref_slice %arg5[%add3A_142] : memref<1310720xf32, #tpu.memory_space<hbm>> -> memref<1024xf32, #tpu.memory_space<hbm>>
        tpu.enqueue_dma source(%dma_start3A_151 : memref<1024xf32, #tpu.memory_space<hbm>>) target(%arg13 : memref<1024xf32, #tpu.memory_space<vmem>>) target_semaphore(%run_scoped3A : memref<!tpu.dma_semaphore, #tpu.memory_space<semaphore_mem>>)
        %dma_wait3A = tpu.memref_slice %arg5[%add3A_142] : memref<1310720xf32, #tpu.memory_space<hbm>> -> memref<1024xf32, #tpu.memory_space<hbm>>
        %dma_wait3A_152 = tpu.memref_slice %arg5[%add3A_142] : memref<1310720xf32, #tpu.memory_space<hbm>> -> memref<1024xf32, #tpu.memory_space<hbm>>
        tpu.wait_dma2 semaphore(%run_scoped3A : memref<!tpu.dma_semaphore, #tpu.memory_space<semaphore_mem>>) src(%dma_wait3A_152 : memref<1024xf32, #tpu.memory_space<hbm>>) dst(%arg13 : memref<1024xf32, #tpu.memory_space<vmem>>)
        tpu.yield
      }) : () -> ()
      %scan3A_143 = arith.constant 0 : i32
      %scan3A_144 = arith.constant 0 : i32
      %scan3A_145 = arith.constant 32 : i32
      %scan3A_146 = arith.addi %scan3A_144, %scan3A_145 : i32
      %scan3A_147 = arith.constant 1 : i32
      %scan3A_148 = scf.for %scan3A_151 = %scan3A_144 to %scan3A_146 step %scan3A_147 iter_args(%scan3A_152 = %scan3A_143) -> (i32)  : i32 {
        %mul3A_153 = arith.constant 32 : i32
        %mul3A_154 = arith.muli %scan3A_151, %mul3A_153 : i32
        %add3A_155 = arith.constant 0 : i32
        %add3A_156 = arith.addi %mul3A_154, %add3A_155 : i32
        %broadcast_in_dim3A_157 = vector.broadcast %add3A_156 : i32 to vector<16xi32>
        %add3A_158 = arith.addi %broadcast_in_dim3A_157, %select_n3A : vector<16xi32>
        %gather3A = tpu.vector_load_idx %arg11[%add3A_158] : memref<1024xi32, #tpu.memory_space<vmem>>[vector<16xi32>], vector<16xi32>,
        %gather3A_159 = tpu.vector_load_idx %arg12[%add3A_158] : memref<1024xi32, #tpu.memory_space<vmem>>[vector<16xi32>], vector<16xi32>,
        %gather3A_160 = tpu.vector_load_idx %arg13[%add3A_158] : memref<1024xf32, #tpu.memory_space<vmem>>[vector<16xi32>], vector<16xf32>,
        %gather3A_161 = tpu.vector_load_idx %arg10[%gather3A] : memref<10120xf32, #tpu.memory_space<vmem>>[vector<16xi32>], vector<16xf32>,
        %add3A_162 = arith.addi %mul3A_46, %gather3A : vector<16xi32>
        %gather3A_163 = tpu.vector_load_idx %arg9[%add3A_162] : memref<40480xf32, #tpu.memory_space<vmem>>[vector<16xi32>], vector<16xf32>,
        %mul3A_164 = arith.mulf %gather3A_160, %gather3A_161 : vector<16xf32>
        %mul3A_165 = arith.mulf %gather3A_163, %mul3A_164 : vector<16xf32>
        %add3A_166 = arith.addi %mul3A_46, %gather3A_159 : vector<16xi32>
        tpu.vector_store_idx %arg8[%add3A_166], %mul3A_165 {add = true} : memref<40480xf32, #tpu.memory_space<vmem>>[vector<16xi32>], vector<16xf32>,
        %add3A_167 = arith.constant 4 : i32
        %add3A_168 = arith.addi %mul3A_154, %add3A_167 : i32
        %broadcast_in_dim3A_169 = vector.broadcast %add3A_168 : i32 to vector<16xi32>
        %add3A_170 = arith.addi %broadcast_in_dim3A_169, %select_n3A : vector<16xi32>
        %gather3A_171 = tpu.vector_load_idx %arg11[%add3A_170] : memref<1024xi32, #tpu.memory_space<vmem>>[vector<16xi32>], vector<16xi32>,
        %gather3A_172 = tpu.vector_load_idx %arg12[%add3A_170] : memref<1024xi32, #tpu.memory_space<vmem>>[vector<16xi32>], vector<16xi32>,
        %gather3A_173 = tpu.vector_load_idx %arg13[%add3A_170] : memref<1024xf32, #tpu.memory_space<vmem>>[vector<16xi32>], vector<16xf32>,
        %gather3A_174 = tpu.vector_load_idx %arg10[%gather3A_171] : memref<10120xf32, #tpu.memory_space<vmem>>[vector<16xi32>], vector<16xf32>,
        %add3A_175 = arith.addi %mul3A_46, %gather3A_171 : vector<16xi32>
        %gather3A_176 = tpu.vector_load_idx %arg9[%add3A_175] : memref<40480xf32, #tpu.memory_space<vmem>>[vector<16xi32>], vector<16xf32>,
        %mul3A_177 = arith.mulf %gather3A_173, %gather3A_174 : vector<16xf32>
        %mul3A_178 = arith.mulf %gather3A_176, %mul3A_177 : vector<16xf32>
        %add3A_179 = arith.addi %mul3A_46, %gather3A_172 : vector<16xi32>
        tpu.vector_store_idx %arg8[%add3A_179], %mul3A_178 {add = true} : memref<40480xf32, #tpu.memory_space<vmem>>[vector<16xi32>], vector<16xf32>,
        %add3A_180 = arith.constant 8 : i32
        %add3A_181 = arith.addi %mul3A_154, %add3A_180 : i32
        %broadcast_in_dim3A_182 = vector.broadcast %add3A_181 : i32 to vector<16xi32>
        %add3A_183 = arith.addi %broadcast_in_dim3A_182, %select_n3A : vector<16xi32>
        %gather3A_184 = tpu.vector_load_idx %arg11[%add3A_183] : memref<1024xi32, #tpu.memory_space<vmem>>[vector<16xi32>], vector<16xi32>,
        %gather3A_185 = tpu.vector_load_idx %arg12[%add3A_183] : memref<1024xi32, #tpu.memory_space<vmem>>[vector<16xi32>], vector<16xi32>,
        %gather3A_186 = tpu.vector_load_idx %arg13[%add3A_183] : memref<1024xf32, #tpu.memory_space<vmem>>[vector<16xi32>], vector<16xf32>,
        %gather3A_187 = tpu.vector_load_idx %arg10[%gather3A_184] : memref<10120xf32, #tpu.memory_space<vmem>>[vector<16xi32>], vector<16xf32>,
        %add3A_188 = arith.addi %mul3A_46, %gather3A_184 : vector<16xi32>
        %gather3A_189 = tpu.vector_load_idx %arg9[%add3A_188] : memref<40480xf32, #tpu.memory_space<vmem>>[vector<16xi32>], vector<16xf32>,
        %mul3A_190 = arith.mulf %gather3A_186, %gather3A_187 : vector<16xf32>
        %mul3A_191 = arith.mulf %gather3A_189, %mul3A_190 : vector<16xf32>
        %add3A_192 = arith.addi %mul3A_46, %gather3A_185 : vector<16xi32>
        tpu.vector_store_idx %arg8[%add3A_192], %mul3A_191 {add = true} : memref<40480xf32, #tpu.memory_space<vmem>>[vector<16xi32>], vector<16xf32>,
        %add3A_193 = arith.constant 12 : i32
        %add3A_194 = arith.addi %mul3A_154, %add3A_193 : i32
        %broadcast_in_dim3A_195 = vector.broadcast %add3A_194 : i32 to vector<16xi32>
        %add3A_196 = arith.addi %broadcast_in_dim3A_195, %select_n3A : vector<16xi32>
        %gather3A_197 = tpu.vector_load_idx %arg11[%add3A_196] : memref<1024xi32, #tpu.memory_space<vmem>>[vector<16xi32>], vector<16xi32>,
        %gather3A_198 = tpu.vector_load_idx %arg12[%add3A_196] : memref<1024xi32, #tpu.memory_space<vmem>>[vector<16xi32>], vector<16xi32>,
        %gather3A_199 = tpu.vector_load_idx %arg13[%add3A_196] : memref<1024xf32, #tpu.memory_space<vmem>>[vector<16xi32>], vector<16xf32>,
        %gather3A_200 = tpu.vector_load_idx %arg10[%gather3A_197] : memref<10120xf32, #tpu.memory_space<vmem>>[vector<16xi32>], vector<16xf32>,
        %add3A_201 = arith.addi %mul3A_46, %gather3A_197 : vector<16xi32>
        %gather3A_202 = tpu.vector_load_idx %arg9[%add3A_201] : memref<40480xf32, #tpu.memory_space<vmem>>[vector<16xi32>], vector<16xf32>,
        %mul3A_203 = arith.mulf %gather3A_199, %gather3A_200 : vector<16xf32>
        %mul3A_204 = arith.mulf %gather3A_202, %mul3A_203 : vector<16xf32>
        %add3A_205 = arith.addi %mul3A_46, %gather3A_198 : vector<16xi32>
        tpu.vector_store_idx %arg8[%add3A_205], %mul3A_204 {add = true} : memref<40480xf32, #tpu.memory_space<vmem>>[vector<16xi32>], vector<16xf32>,
        %add3A_206 = arith.constant 16 : i32
        %add3A_207 = arith.addi %mul3A_154, %add3A_206 : i32
        %broadcast_in_dim3A_208 = vector.broadcast %add3A_207 : i32 to vector<16xi32>
        %add3A_209 = arith.addi %broadcast_in_dim3A_208, %select_n3A : vector<16xi32>
        %gather3A_210 = tpu.vector_load_idx %arg11[%add3A_209] : memref<1024xi32, #tpu.memory_space<vmem>>[vector<16xi32>], vector<16xi32>,
        %gather3A_211 = tpu.vector_load_idx %arg12[%add3A_209] : memref<1024xi32, #tpu.memory_space<vmem>>[vector<16xi32>], vector<16xi32>,
        %gather3A_212 = tpu.vector_load_idx %arg13[%add3A_209] : memref<1024xf32, #tpu.memory_space<vmem>>[vector<16xi32>], vector<16xf32>,
        %gather3A_213 = tpu.vector_load_idx %arg10[%gather3A_210] : memref<10120xf32, #tpu.memory_space<vmem>>[vector<16xi32>], vector<16xf32>,
        %add3A_214 = arith.addi %mul3A_46, %gather3A_210 : vector<16xi32>
        %gather3A_215 = tpu.vector_load_idx %arg9[%add3A_214] : memref<40480xf32, #tpu.memory_space<vmem>>[vector<16xi32>], vector<16xf32>,
        %mul3A_216 = arith.mulf %gather3A_212, %gather3A_213 : vector<16xf32>
        %mul3A_217 = arith.mulf %gather3A_215, %mul3A_216 : vector<16xf32>
        %add3A_218 = arith.addi %mul3A_46, %gather3A_211 : vector<16xi32>
        tpu.vector_store_idx %arg8[%add3A_218], %mul3A_217 {add = true} : memref<40480xf32, #tpu.memory_space<vmem>>[vector<16xi32>], vector<16xf32>,
        %add3A_219 = arith.constant 20 : i32
        %add3A_220 = arith.addi %mul3A_154, %add3A_219 : i32
        %broadcast_in_dim3A_221 = vector.broadcast %add3A_220 : i32 to vector<16xi32>
        %add3A_222 = arith.addi %broadcast_in_dim3A_221, %select_n3A : vector<16xi32>
        %gather3A_223 = tpu.vector_load_idx %arg11[%add3A_222] : memref<1024xi32, #tpu.memory_space<vmem>>[vector<16xi32>], vector<16xi32>,
        %gather3A_224 = tpu.vector_load_idx %arg12[%add3A_222] : memref<1024xi32, #tpu.memory_space<vmem>>[vector<16xi32>], vector<16xi32>,
        %gather3A_225 = tpu.vector_load_idx %arg13[%add3A_222] : memref<1024xf32, #tpu.memory_space<vmem>>[vector<16xi32>], vector<16xf32>,
        %gather3A_226 = tpu.vector_load_idx %arg10[%gather3A_223] : memref<10120xf32, #tpu.memory_space<vmem>>[vector<16xi32>], vector<16xf32>,
        %add3A_227 = arith.addi %mul3A_46, %gather3A_223 : vector<16xi32>
        %gather3A_228 = tpu.vector_load_idx %arg9[%add3A_227] : memref<40480xf32, #tpu.memory_space<vmem>>[vector<16xi32>], vector<16xf32>,
        %mul3A_229 = arith.mulf %gather3A_225, %gather3A_226 : vector<16xf32>
        %mul3A_230 = arith.mulf %gather3A_228, %mul3A_229 : vector<16xf32>
        %add3A_231 = arith.addi %mul3A_46, %gather3A_224 : vector<16xi32>
        tpu.vector_store_idx %arg8[%add3A_231], %mul3A_230 {add = true} : memref<40480xf32, #tpu.memory_space<vmem>>[vector<16xi32>], vector<16xf32>,
        %add3A_232 = arith.constant 24 : i32
        %add3A_233 = arith.addi %mul3A_154, %add3A_232 : i32
        %broadcast_in_dim3A_234 = vector.broadcast %add3A_233 : i32 to vector<16xi32>
        %add3A_235 = arith.addi %broadcast_in_dim3A_234, %select_n3A : vector<16xi32>
        %gather3A_236 = tpu.vector_load_idx %arg11[%add3A_235] : memref<1024xi32, #tpu.memory_space<vmem>>[vector<16xi32>], vector<16xi32>,
        %gather3A_237 = tpu.vector_load_idx %arg12[%add3A_235] : memref<1024xi32, #tpu.memory_space<vmem>>[vector<16xi32>], vector<16xi32>,
        %gather3A_238 = tpu.vector_load_idx %arg13[%add3A_235] : memref<1024xf32, #tpu.memory_space<vmem>>[vector<16xi32>], vector<16xf32>,
        %gather3A_239 = tpu.vector_load_idx %arg10[%gather3A_236] : memref<10120xf32, #tpu.memory_space<vmem>>[vector<16xi32>], vector<16xf32>,
        %add3A_240 = arith.addi %mul3A_46, %gather3A_236 : vector<16xi32>
        %gather3A_241 = tpu.vector_load_idx %arg9[%add3A_240] : memref<40480xf32, #tpu.memory_space<vmem>>[vector<16xi32>], vector<16xf32>,
        %mul3A_242 = arith.mulf %gather3A_238, %gather3A_239 : vector<16xf32>
        %mul3A_243 = arith.mulf %gather3A_241, %mul3A_242 : vector<16xf32>
        %add3A_244 = arith.addi %mul3A_46, %gather3A_237 : vector<16xi32>
        tpu.vector_store_idx %arg8[%add3A_244], %mul3A_243 {add = true} : memref<40480xf32, #tpu.memory_space<vmem>>[vector<16xi32>], vector<16xf32>,
        %add3A_245 = arith.constant 28 : i32
        %add3A_246 = arith.addi %mul3A_154, %add3A_245 : i32
        %broadcast_in_dim3A_247 = vector.broadcast %add3A_246 : i32 to vector<16xi32>
        %add3A_248 = arith.addi %broadcast_in_dim3A_247, %select_n3A : vector<16xi32>
        %gather3A_249 = tpu.vector_load_idx %arg11[%add3A_248] : memref<1024xi32, #tpu.memory_space<vmem>>[vector<16xi32>], vector<16xi32>,
        %gather3A_250 = tpu.vector_load_idx %arg12[%add3A_248] : memref<1024xi32, #tpu.memory_space<vmem>>[vector<16xi32>], vector<16xi32>,
        %gather3A_251 = tpu.vector_load_idx %arg13[%add3A_248] : memref<1024xf32, #tpu.memory_space<vmem>>[vector<16xi32>], vector<16xf32>,
        %gather3A_252 = tpu.vector_load_idx %arg10[%gather3A_249] : memref<10120xf32, #tpu.memory_space<vmem>>[vector<16xi32>], vector<16xf32>,
        %add3A_253 = arith.addi %mul3A_46, %gather3A_249 : vector<16xi32>
        %gather3A_254 = tpu.vector_load_idx %arg9[%add3A_253] : memref<40480xf32, #tpu.memory_space<vmem>>[vector<16xi32>], vector<16xf32>,
        %mul3A_255 = arith.mulf %gather3A_251, %gather3A_252 : vector<16xf32>
        %mul3A_256 = arith.mulf %gather3A_254, %mul3A_255 : vector<16xf32>
        %add3A_257 = arith.addi %mul3A_46, %gather3A_250 : vector<16xi32>
        tpu.vector_store_idx %arg8[%add3A_257], %mul3A_256 {add = true} : memref<40480xf32, #tpu.memory_space<vmem>>[vector<16xi32>], vector<16xf32>,
        %scan3A_258 = arith.constant 0 : i32
        scf.yield %scan3A_258 : i32
      }
      %scan3A_149 = arith.constant 32 : i32
      %scan3A_150 = arith.constant 0 : i32
      scf.yield %scan3A_150 : i32
    }
    %scan3A_132 = arith.constant 320 : i32
    "tpu.region"() ({
      %run_scoped3A = tpu.sem_alloc : memref<!tpu.dma_semaphore, #tpu.memory_space<semaphore_mem>>
      %dma_start3A = tpu.memref_slice %arg7[%mul3A_116] : memref<5181440xf32, #tpu.memory_space<hbm>> -> memref<40480xf32, #tpu.memory_space<hbm>>
      %dma_start3A_133 = tpu.memref_slice %arg7[%mul3A_116] : memref<5181440xf32, #tpu.memory_space<hbm>> -> memref<40480xf32, #tpu.memory_space<hbm>>
      tpu.enqueue_dma source(%arg8 : memref<40480xf32, #tpu.memory_space<vmem>>) target(%dma_start3A_133 : memref<40480xf32, #tpu.memory_space<hbm>>) target_semaphore(%run_scoped3A : memref<!tpu.dma_semaphore, #tpu.memory_space<semaphore_mem>>)
      %dma_wait3A = tpu.memref_slice %arg7[%mul3A_116] : memref<5181440xf32, #tpu.memory_space<hbm>> -> memref<40480xf32, #tpu.memory_space<hbm>>
      %dma_wait3A_134 = tpu.memref_slice %arg7[%mul3A_116] : memref<5181440xf32, #tpu.memory_space<hbm>> -> memref<40480xf32, #tpu.memory_space<hbm>>
      tpu.wait_dma2 semaphore(%run_scoped3A : memref<!tpu.dma_semaphore, #tpu.memory_space<semaphore_mem>>) src(%arg8 : memref<40480xf32, #tpu.memory_space<vmem>>) dst(%dma_wait3A_134 : memref<40480xf32, #tpu.memory_space<hbm>>)
      tpu.yield
    }) : () -> ()
    return
  }
}

#map = affine_map<(d0, d1) -> (0)>
module attributes {stable_mosaic.version = 14 : i64} {
  func.func @spmm_kernel(%arg0: i32, %arg1: i32, %arg2: memref<1295360xf32, #tpu.memory_space<hbm>>, %arg3: memref<327680xi32, #tpu.memory_space<hbm>>, %arg4: memref<327680xi32, #tpu.memory_space<hbm>>, %arg5: memref<327680xf32, #tpu.memory_space<hbm>>, %arg6: memref<10120xf32, #tpu.memory_space<hbm>>, %arg7: memref<1295360xf32, #tpu.memory_space<hbm>>, %arg8: memref<40480xf32, #tpu.memory_space<vmem>>, %arg9: memref<40480xf32, #tpu.memory_space<vmem>>, %arg10: memref<10120xf32, #tpu.memory_space<vmem>>, %arg11: memref<1024xi32, #tpu.memory_space<vmem>>, %arg12: memref<1024xi32, #tpu.memory_space<vmem>>, %arg13: memref<1024xf32, #tpu.memory_space<vmem>>) attributes {dimension_semantics = [#tpu.dimension_semantics<core_parallel>, #tpu.dimension_semantics<subcore_parallel>], iteration_bounds = array<i64: 2, 16>, scalar_prefetch = 0 : i64, scratch_operands = 6 : i64, tpu.core_type = #tpu.core_type<sc_vector_subcore>, window_params = [{transform_indices = #map}, {transform_indices = #map}, {transform_indices = #map}, {transform_indices = #map}, {transform_indices = #map}, {transform_indices = #map}]} {
    %mul3A = arith.constant 16 : i32
    %mul3A_0 = arith.muli %arg0, %mul3A : i32
    %add3A = arith.addi %mul3A_0, %arg1 : i32
    %iota3A = tpu.iota {dimensions = array<i32: 0>} : vector<16xi32>
    %jit3A = arith.constant 4 : i32
    %div3A = vector.broadcast %jit3A : i32 to vector<16xi32>
    %div3A_1 = arith.divsi %iota3A, %div3A : vector<16xi32>
    %sign3A = arith.constant 0 : i32
    %sign3A_2 = vector.broadcast %sign3A : i32 to vector<16xi32>
    %sign3A_3 = arith.cmpi sgt, %iota3A, %sign3A_2 : vector<16xi32>
    %sign3A_4 = arith.extui %sign3A_3 : vector<16xi1> to vector<16xi32>
    %sign3A_5 = arith.constant 0 : i32
    %sign3A_6 = vector.broadcast %sign3A_5 : i32 to vector<16xi32>
    %sign3A_7 = arith.cmpi slt, %iota3A, %sign3A_6 : vector<16xi32>
    %sign3A_8 = arith.extui %sign3A_7 : vector<16xi1> to vector<16xi32>
    %sign3A_9 = arith.subi %sign3A_4, %sign3A_8 : vector<16xi32>
    %sign3A_10 = arith.constant 0 : i32
    %sign3A_11 = arith.cmpi sgt, %jit3A, %sign3A_10 : i32
    %sign3A_12 = arith.extui %sign3A_11 : i1 to i32
    %sign3A_13 = arith.constant 0 : i32
    %sign3A_14 = arith.cmpi slt, %jit3A, %sign3A_13 : i32
    %sign3A_15 = arith.extui %sign3A_14 : i1 to i32
    %sign3A_16 = arith.subi %sign3A_12, %sign3A_15 : i32
    %ne3A = vector.broadcast %sign3A_16 : i32 to vector<16xi32>
    %ne3A_17 = arith.cmpi ne, %sign3A_9, %ne3A : vector<16xi32>
    %rem3A = vector.broadcast %jit3A : i32 to vector<16xi32>
    %rem3A_18 = arith.remsi %iota3A, %rem3A : vector<16xi32>
    %ne3A_19 = arith.constant 0 : i32
    %ne3A_20 = vector.broadcast %ne3A_19 : i32 to vector<16xi32>
    %ne3A_21 = arith.cmpi ne, %rem3A_18, %ne3A_20 : vector<16xi32>
    %and3A = arith.andi %ne3A_17, %ne3A_21 : vector<16xi1>
    %sub3A = arith.constant 1 : i32
    %sub3A_22 = vector.broadcast %sub3A : i32 to vector<16xi32>
    %sub3A_23 = arith.subi %div3A_1, %sub3A_22 : vector<16xi32>
    %select_n3A = arith.select %and3A, %sub3A_23, %div3A_1 : vector<16xi1>, vector<16xi32>
    %jit3A_24 = arith.constant 4 : i32
    %eq3A = arith.constant 0 : i32
    %eq3A_25 = arith.cmpi eq, %jit3A_24, %eq3A : i32
    %jit3A_26 = arith.constant 1 : i32
    %select_n3A_27 = arith.select %eq3A_25, %jit3A_26, %jit3A_24 : i32
    %rem3A_28 = vector.broadcast %select_n3A_27 : i32 to vector<16xi32>
    %rem3A_29 = arith.remsi %iota3A, %rem3A_28 : vector<16xi32>
    %ne3A_30 = arith.constant 0 : i32
    %ne3A_31 = vector.broadcast %ne3A_30 : i32 to vector<16xi32>
    %ne3A_32 = arith.cmpi ne, %rem3A_29, %ne3A_31 : vector<16xi32>
    %lt3A = arith.constant 0 : i32
    %lt3A_33 = vector.broadcast %lt3A : i32 to vector<16xi32>
    %lt3A_34 = arith.cmpi slt, %rem3A_29, %lt3A_33 : vector<16xi32>
    %lt3A_35 = arith.constant 0 : i32
    %lt3A_36 = arith.cmpi slt, %select_n3A_27, %lt3A_35 : i32
    %ne3A_37 = vector.broadcast %lt3A_36 : i1 to vector<16xi1>
    %ne3A_38 = vector.broadcast %ne3A_37 : vector<16xi1> to vector<16xi1>
    %ne3A_39 = arith.xori %lt3A_34, %ne3A_38 : vector<16xi1>
    %and3A_40 = arith.andi %ne3A_39, %ne3A_32 : vector<16xi1>
    %add3A_41 = vector.broadcast %select_n3A_27 : i32 to vector<16xi32>
    %add3A_42 = arith.addi %rem3A_29, %add3A_41 : vector<16xi32>
    %select_n3A_43 = arith.select %and3A_40, %add3A_42, %rem3A_29 : vector<16xi1>, vector<16xi32>
    %mul3A_44 = arith.constant 10120 : i32
    %mul3A_45 = vector.broadcast %mul3A_44 : i32 to vector<16xi32>
    %mul3A_46 = arith.muli %select_n3A_43, %mul3A_45 : vector<16xi32>
    %mul3A_47 = arith.constant 4 : i32
    %mul3A_48 = arith.muli %mul3A_47, %add3A : i32
    %add3A_49 = arith.constant 0 : i32
    %add3A_50 = arith.addi %add3A_49, %mul3A_48 : i32
    %mul3A_51 = arith.constant 10120 : i32
    %mul3A_52 = arith.muli %add3A_50, %mul3A_51 : i32
    "tpu.region"() ({
      %run_scoped3A = tpu.sem_alloc : memref<!tpu.dma_semaphore, #tpu.memory_space<semaphore_mem>>
      %dma_start3A = tpu.memref_slice %arg2[%mul3A_52] : memref<1295360xf32, #tpu.memory_space<hbm>> -> memref<40480xf32, #tpu.memory_space<hbm>>
      %dma_start3A_67 = tpu.memref_slice %arg2[%mul3A_52] : memref<1295360xf32, #tpu.memory_space<hbm>> -> memref<40480xf32, #tpu.memory_space<hbm>>
      tpu.enqueue_dma source(%dma_start3A_67 : memref<40480xf32, #tpu.memory_space<hbm>>) target(%arg9 : memref<40480xf32, #tpu.memory_space<vmem>>) target_semaphore(%run_scoped3A : memref<!tpu.dma_semaphore, #tpu.memory_space<semaphore_mem>>)
      %dma_wait3A = tpu.memref_slice %arg2[%mul3A_52] : memref<1295360xf32, #tpu.memory_space<hbm>> -> memref<40480xf32, #tpu.memory_space<hbm>>
      %dma_wait3A_68 = tpu.memref_slice %arg2[%mul3A_52] : memref<1295360xf32, #tpu.memory_space<hbm>> -> memref<40480xf32, #tpu.memory_space<hbm>>
      tpu.wait_dma2 semaphore(%run_scoped3A : memref<!tpu.dma_semaphore, #tpu.memory_space<semaphore_mem>>) src(%dma_wait3A_68 : memref<40480xf32, #tpu.memory_space<hbm>>) dst(%arg9 : memref<40480xf32, #tpu.memory_space<vmem>>)
      tpu.yield
    }) : () -> ()
    "tpu.region"() ({
      %run_scoped3A = tpu.sem_alloc : memref<!tpu.dma_semaphore, #tpu.memory_space<semaphore_mem>>
      %dma_start3A = arith.constant 0 : i32
      %dma_start3A_67 = tpu.memref_slice %arg6[%dma_start3A] : memref<10120xf32, #tpu.memory_space<hbm>> -> memref<10120xf32, #tpu.memory_space<hbm>>
      %dma_start3A_68 = arith.constant 0 : i32
      %dma_start3A_69 = tpu.memref_slice %arg6[%dma_start3A_68] : memref<10120xf32, #tpu.memory_space<hbm>> -> memref<10120xf32, #tpu.memory_space<hbm>>
      tpu.enqueue_dma source(%dma_start3A_69 : memref<10120xf32, #tpu.memory_space<hbm>>) target(%arg10 : memref<10120xf32, #tpu.memory_space<vmem>>) target_semaphore(%run_scoped3A : memref<!tpu.dma_semaphore, #tpu.memory_space<semaphore_mem>>)
      %dma_wait3A = arith.constant 0 : i32
      %dma_wait3A_70 = tpu.memref_slice %arg6[%dma_wait3A] : memref<10120xf32, #tpu.memory_space<hbm>> -> memref<10120xf32, #tpu.memory_space<hbm>>
      %dma_wait3A_71 = arith.constant 0 : i32
      %dma_wait3A_72 = tpu.memref_slice %arg6[%dma_wait3A_71] : memref<10120xf32, #tpu.memory_space<hbm>> -> memref<10120xf32, #tpu.memory_space<hbm>>
      tpu.wait_dma2 semaphore(%run_scoped3A : memref<!tpu.dma_semaphore, #tpu.memory_space<semaphore_mem>>) src(%dma_wait3A_72 : memref<10120xf32, #tpu.memory_space<hbm>>) dst(%arg10 : memref<10120xf32, #tpu.memory_space<vmem>>)
      tpu.yield
    }) : () -> ()
    %broadcast_in_dim3A = arith.constant 0.000000e+00 : f32
    %broadcast_in_dim3A_53 = vector.broadcast %broadcast_in_dim3A : f32 to vector<16xf32>
    %scan3A = arith.constant 0 : i32
    %scan3A_54 = arith.constant 0 : i32
    %scan3A_55 = arith.constant 2530 : i32
    %scan3A_56 = arith.addi %scan3A_54, %scan3A_55 : i32
    %scan3A_57 = arith.constant 1 : i32
    %scan3A_58 = scf.for %scan3A_67 = %scan3A_54 to %scan3A_56 step %scan3A_57 iter_args(%scan3A_68 = %scan3A) -> (i32)  : i32 {
      %mul3A_69 = arith.constant 16 : i32
      %mul3A_70 = arith.muli %scan3A_67, %mul3A_69 : i32
      %swap3A = arith.index_cast %mul3A_70 : i32 to index
      %swap3A_71 = tpu.vector_load %arg8[%swap3A] {strides = array<i32>} : memref<40480xf32, #tpu.memory_space<vmem>>, vector<16xf32>,
      tpu.vector_store %arg8[%swap3A], %broadcast_in_dim3A_53 {strides = array<i32>} : memref<40480xf32, #tpu.memory_space<vmem>>, vector<16xf32>,
      %scan3A_72 = arith.constant 0 : i32
      scf.yield %scan3A_72 : i32
    }
    %scan3A_59 = arith.constant 2530 : i32
    %scan3A_60 = arith.constant 0 : i32
    %scan3A_61 = arith.constant 0 : i32
    %scan3A_62 = arith.constant 320 : i32
    %scan3A_63 = arith.addi %scan3A_61, %scan3A_62 : i32
    %scan3A_64 = arith.constant 1 : i32
    %scan3A_65 = scf.for %scan3A_67 = %scan3A_61 to %scan3A_63 step %scan3A_64 iter_args(%scan3A_68 = %scan3A_60) -> (i32)  : i32 {
      %mul3A_69 = arith.constant 1024 : i32
      %mul3A_70 = arith.muli %scan3A_67, %mul3A_69 : i32
      "tpu.region"() ({
        %run_scoped3A = tpu.sem_alloc : memref<!tpu.dma_semaphore, #tpu.memory_space<semaphore_mem>>
        %dma_start3A = tpu.memref_slice %arg3[%mul3A_70] : memref<327680xi32, #tpu.memory_space<hbm>> -> memref<1024xi32, #tpu.memory_space<hbm>>
        %dma_start3A_85 = tpu.memref_slice %arg3[%mul3A_70] : memref<327680xi32, #tpu.memory_space<hbm>> -> memref<1024xi32, #tpu.memory_space<hbm>>
        tpu.enqueue_dma source(%dma_start3A_85 : memref<1024xi32, #tpu.memory_space<hbm>>) target(%arg11 : memref<1024xi32, #tpu.memory_space<vmem>>) target_semaphore(%run_scoped3A : memref<!tpu.dma_semaphore, #tpu.memory_space<semaphore_mem>>)
        %dma_wait3A = tpu.memref_slice %arg3[%mul3A_70] : memref<327680xi32, #tpu.memory_space<hbm>> -> memref<1024xi32, #tpu.memory_space<hbm>>
        %dma_wait3A_86 = tpu.memref_slice %arg3[%mul3A_70] : memref<327680xi32, #tpu.memory_space<hbm>> -> memref<1024xi32, #tpu.memory_space<hbm>>
        tpu.wait_dma2 semaphore(%run_scoped3A : memref<!tpu.dma_semaphore, #tpu.memory_space<semaphore_mem>>) src(%dma_wait3A_86 : memref<1024xi32, #tpu.memory_space<hbm>>) dst(%arg11 : memref<1024xi32, #tpu.memory_space<vmem>>)
        tpu.yield
      }) : () -> ()
      %mul3A_71 = arith.constant 1024 : i32
      %mul3A_72 = arith.muli %scan3A_67, %mul3A_71 : i32
      "tpu.region"() ({
        %run_scoped3A = tpu.sem_alloc : memref<!tpu.dma_semaphore, #tpu.memory_space<semaphore_mem>>
        %dma_start3A = tpu.memref_slice %arg4[%mul3A_72] : memref<327680xi32, #tpu.memory_space<hbm>> -> memref<1024xi32, #tpu.memory_space<hbm>>
        %dma_start3A_85 = tpu.memref_slice %arg4[%mul3A_72] : memref<327680xi32, #tpu.memory_space<hbm>> -> memref<1024xi32, #tpu.memory_space<hbm>>
        tpu.enqueue_dma source(%dma_start3A_85 : memref<1024xi32, #tpu.memory_space<hbm>>) target(%arg12 : memref<1024xi32, #tpu.memory_space<vmem>>) target_semaphore(%run_scoped3A : memref<!tpu.dma_semaphore, #tpu.memory_space<semaphore_mem>>)
        %dma_wait3A = tpu.memref_slice %arg4[%mul3A_72] : memref<327680xi32, #tpu.memory_space<hbm>> -> memref<1024xi32, #tpu.memory_space<hbm>>
        %dma_wait3A_86 = tpu.memref_slice %arg4[%mul3A_72] : memref<327680xi32, #tpu.memory_space<hbm>> -> memref<1024xi32, #tpu.memory_space<hbm>>
        tpu.wait_dma2 semaphore(%run_scoped3A : memref<!tpu.dma_semaphore, #tpu.memory_space<semaphore_mem>>) src(%dma_wait3A_86 : memref<1024xi32, #tpu.memory_space<hbm>>) dst(%arg12 : memref<1024xi32, #tpu.memory_space<vmem>>)
        tpu.yield
      }) : () -> ()
      %mul3A_73 = arith.constant 1024 : i32
      %mul3A_74 = arith.muli %scan3A_67, %mul3A_73 : i32
      %add3A_75 = arith.constant 0 : i32
      %add3A_76 = arith.addi %add3A_75, %mul3A_74 : i32
      "tpu.region"() ({
        %run_scoped3A = tpu.sem_alloc : memref<!tpu.dma_semaphore, #tpu.memory_space<semaphore_mem>>
        %dma_start3A = tpu.memref_slice %arg5[%add3A_76] : memref<327680xf32, #tpu.memory_space<hbm>> -> memref<1024xf32, #tpu.memory_space<hbm>>
        %dma_start3A_85 = tpu.memref_slice %arg5[%add3A_76] : memref<327680xf32, #tpu.memory_space<hbm>> -> memref<1024xf32, #tpu.memory_space<hbm>>
        tpu.enqueue_dma source(%dma_start3A_85 : memref<1024xf32, #tpu.memory_space<hbm>>) target(%arg13 : memref<1024xf32, #tpu.memory_space<vmem>>) target_semaphore(%run_scoped3A : memref<!tpu.dma_semaphore, #tpu.memory_space<semaphore_mem>>)
        %dma_wait3A = tpu.memref_slice %arg5[%add3A_76] : memref<327680xf32, #tpu.memory_space<hbm>> -> memref<1024xf32, #tpu.memory_space<hbm>>
        %dma_wait3A_86 = tpu.memref_slice %arg5[%add3A_76] : memref<327680xf32, #tpu.memory_space<hbm>> -> memref<1024xf32, #tpu.memory_space<hbm>>
        tpu.wait_dma2 semaphore(%run_scoped3A : memref<!tpu.dma_semaphore, #tpu.memory_space<semaphore_mem>>) src(%dma_wait3A_86 : memref<1024xf32, #tpu.memory_space<hbm>>) dst(%arg13 : memref<1024xf32, #tpu.memory_space<vmem>>)
        tpu.yield
      }) : () -> ()
      %scan3A_77 = arith.constant 0 : i32
      %scan3A_78 = arith.constant 0 : i32
      %scan3A_79 = arith.constant 32 : i32
      %scan3A_80 = arith.addi %scan3A_78, %scan3A_79 : i32
      %scan3A_81 = arith.constant 1 : i32
      %scan3A_82 = scf.for %scan3A_85 = %scan3A_78 to %scan3A_80 step %scan3A_81 iter_args(%scan3A_86 = %scan3A_77) -> (i32)  : i32 {
        %mul3A_87 = arith.constant 32 : i32
        %mul3A_88 = arith.muli %scan3A_85, %mul3A_87 : i32
        %add3A_89 = arith.constant 0 : i32
        %add3A_90 = arith.addi %mul3A_88, %add3A_89 : i32
        %broadcast_in_dim3A_91 = vector.broadcast %add3A_90 : i32 to vector<16xi32>
        %add3A_92 = arith.addi %broadcast_in_dim3A_91, %select_n3A : vector<16xi32>
        %gather3A = tpu.vector_load_idx %arg11[%add3A_92] : memref<1024xi32, #tpu.memory_space<vmem>>[vector<16xi32>], vector<16xi32>,
        %gather3A_93 = tpu.vector_load_idx %arg12[%add3A_92] : memref<1024xi32, #tpu.memory_space<vmem>>[vector<16xi32>], vector<16xi32>,
        %gather3A_94 = tpu.vector_load_idx %arg13[%add3A_92] : memref<1024xf32, #tpu.memory_space<vmem>>[vector<16xi32>], vector<16xf32>,
        %gather3A_95 = tpu.vector_load_idx %arg10[%gather3A] : memref<10120xf32, #tpu.memory_space<vmem>>[vector<16xi32>], vector<16xf32>,
        %add3A_96 = arith.addi %mul3A_46, %gather3A : vector<16xi32>
        %gather3A_97 = tpu.vector_load_idx %arg9[%add3A_96] : memref<40480xf32, #tpu.memory_space<vmem>>[vector<16xi32>], vector<16xf32>,
        %mul3A_98 = arith.mulf %gather3A_94, %gather3A_95 : vector<16xf32>
        %mul3A_99 = arith.mulf %gather3A_97, %mul3A_98 : vector<16xf32>
        %add3A_100 = arith.addi %mul3A_46, %gather3A_93 : vector<16xi32>
        tpu.vector_store_idx %arg8[%add3A_100], %mul3A_99 {add = true} : memref<40480xf32, #tpu.memory_space<vmem>>[vector<16xi32>], vector<16xf32>,
        %add3A_101 = arith.constant 4 : i32
        %add3A_102 = arith.addi %mul3A_88, %add3A_101 : i32
        %broadcast_in_dim3A_103 = vector.broadcast %add3A_102 : i32 to vector<16xi32>
        %add3A_104 = arith.addi %broadcast_in_dim3A_103, %select_n3A : vector<16xi32>
        %gather3A_105 = tpu.vector_load_idx %arg11[%add3A_104] : memref<1024xi32, #tpu.memory_space<vmem>>[vector<16xi32>], vector<16xi32>,
        %gather3A_106 = tpu.vector_load_idx %arg12[%add3A_104] : memref<1024xi32, #tpu.memory_space<vmem>>[vector<16xi32>], vector<16xi32>,
        %gather3A_107 = tpu.vector_load_idx %arg13[%add3A_104] : memref<1024xf32, #tpu.memory_space<vmem>>[vector<16xi32>], vector<16xf32>,
        %gather3A_108 = tpu.vector_load_idx %arg10[%gather3A_105] : memref<10120xf32, #tpu.memory_space<vmem>>[vector<16xi32>], vector<16xf32>,
        %add3A_109 = arith.addi %mul3A_46, %gather3A_105 : vector<16xi32>
        %gather3A_110 = tpu.vector_load_idx %arg9[%add3A_109] : memref<40480xf32, #tpu.memory_space<vmem>>[vector<16xi32>], vector<16xf32>,
        %mul3A_111 = arith.mulf %gather3A_107, %gather3A_108 : vector<16xf32>
        %mul3A_112 = arith.mulf %gather3A_110, %mul3A_111 : vector<16xf32>
        %add3A_113 = arith.addi %mul3A_46, %gather3A_106 : vector<16xi32>
        tpu.vector_store_idx %arg8[%add3A_113], %mul3A_112 {add = true} : memref<40480xf32, #tpu.memory_space<vmem>>[vector<16xi32>], vector<16xf32>,
        %add3A_114 = arith.constant 8 : i32
        %add3A_115 = arith.addi %mul3A_88, %add3A_114 : i32
        %broadcast_in_dim3A_116 = vector.broadcast %add3A_115 : i32 to vector<16xi32>
        %add3A_117 = arith.addi %broadcast_in_dim3A_116, %select_n3A : vector<16xi32>
        %gather3A_118 = tpu.vector_load_idx %arg11[%add3A_117] : memref<1024xi32, #tpu.memory_space<vmem>>[vector<16xi32>], vector<16xi32>,
        %gather3A_119 = tpu.vector_load_idx %arg12[%add3A_117] : memref<1024xi32, #tpu.memory_space<vmem>>[vector<16xi32>], vector<16xi32>,
        %gather3A_120 = tpu.vector_load_idx %arg13[%add3A_117] : memref<1024xf32, #tpu.memory_space<vmem>>[vector<16xi32>], vector<16xf32>,
        %gather3A_121 = tpu.vector_load_idx %arg10[%gather3A_118] : memref<10120xf32, #tpu.memory_space<vmem>>[vector<16xi32>], vector<16xf32>,
        %add3A_122 = arith.addi %mul3A_46, %gather3A_118 : vector<16xi32>
        %gather3A_123 = tpu.vector_load_idx %arg9[%add3A_122] : memref<40480xf32, #tpu.memory_space<vmem>>[vector<16xi32>], vector<16xf32>,
        %mul3A_124 = arith.mulf %gather3A_120, %gather3A_121 : vector<16xf32>
        %mul3A_125 = arith.mulf %gather3A_123, %mul3A_124 : vector<16xf32>
        %add3A_126 = arith.addi %mul3A_46, %gather3A_119 : vector<16xi32>
        tpu.vector_store_idx %arg8[%add3A_126], %mul3A_125 {add = true} : memref<40480xf32, #tpu.memory_space<vmem>>[vector<16xi32>], vector<16xf32>,
        %add3A_127 = arith.constant 12 : i32
        %add3A_128 = arith.addi %mul3A_88, %add3A_127 : i32
        %broadcast_in_dim3A_129 = vector.broadcast %add3A_128 : i32 to vector<16xi32>
        %add3A_130 = arith.addi %broadcast_in_dim3A_129, %select_n3A : vector<16xi32>
        %gather3A_131 = tpu.vector_load_idx %arg11[%add3A_130] : memref<1024xi32, #tpu.memory_space<vmem>>[vector<16xi32>], vector<16xi32>,
        %gather3A_132 = tpu.vector_load_idx %arg12[%add3A_130] : memref<1024xi32, #tpu.memory_space<vmem>>[vector<16xi32>], vector<16xi32>,
        %gather3A_133 = tpu.vector_load_idx %arg13[%add3A_130] : memref<1024xf32, #tpu.memory_space<vmem>>[vector<16xi32>], vector<16xf32>,
        %gather3A_134 = tpu.vector_load_idx %arg10[%gather3A_131] : memref<10120xf32, #tpu.memory_space<vmem>>[vector<16xi32>], vector<16xf32>,
        %add3A_135 = arith.addi %mul3A_46, %gather3A_131 : vector<16xi32>
        %gather3A_136 = tpu.vector_load_idx %arg9[%add3A_135] : memref<40480xf32, #tpu.memory_space<vmem>>[vector<16xi32>], vector<16xf32>,
        %mul3A_137 = arith.mulf %gather3A_133, %gather3A_134 : vector<16xf32>
        %mul3A_138 = arith.mulf %gather3A_136, %mul3A_137 : vector<16xf32>
        %add3A_139 = arith.addi %mul3A_46, %gather3A_132 : vector<16xi32>
        tpu.vector_store_idx %arg8[%add3A_139], %mul3A_138 {add = true} : memref<40480xf32, #tpu.memory_space<vmem>>[vector<16xi32>], vector<16xf32>,
        %add3A_140 = arith.constant 16 : i32
        %add3A_141 = arith.addi %mul3A_88, %add3A_140 : i32
        %broadcast_in_dim3A_142 = vector.broadcast %add3A_141 : i32 to vector<16xi32>
        %add3A_143 = arith.addi %broadcast_in_dim3A_142, %select_n3A : vector<16xi32>
        %gather3A_144 = tpu.vector_load_idx %arg11[%add3A_143] : memref<1024xi32, #tpu.memory_space<vmem>>[vector<16xi32>], vector<16xi32>,
        %gather3A_145 = tpu.vector_load_idx %arg12[%add3A_143] : memref<1024xi32, #tpu.memory_space<vmem>>[vector<16xi32>], vector<16xi32>,
        %gather3A_146 = tpu.vector_load_idx %arg13[%add3A_143] : memref<1024xf32, #tpu.memory_space<vmem>>[vector<16xi32>], vector<16xf32>,
        %gather3A_147 = tpu.vector_load_idx %arg10[%gather3A_144] : memref<10120xf32, #tpu.memory_space<vmem>>[vector<16xi32>], vector<16xf32>,
        %add3A_148 = arith.addi %mul3A_46, %gather3A_144 : vector<16xi32>
        %gather3A_149 = tpu.vector_load_idx %arg9[%add3A_148] : memref<40480xf32, #tpu.memory_space<vmem>>[vector<16xi32>], vector<16xf32>,
        %mul3A_150 = arith.mulf %gather3A_146, %gather3A_147 : vector<16xf32>
        %mul3A_151 = arith.mulf %gather3A_149, %mul3A_150 : vector<16xf32>
        %add3A_152 = arith.addi %mul3A_46, %gather3A_145 : vector<16xi32>
        tpu.vector_store_idx %arg8[%add3A_152], %mul3A_151 {add = true} : memref<40480xf32, #tpu.memory_space<vmem>>[vector<16xi32>], vector<16xf32>,
        %add3A_153 = arith.constant 20 : i32
        %add3A_154 = arith.addi %mul3A_88, %add3A_153 : i32
        %broadcast_in_dim3A_155 = vector.broadcast %add3A_154 : i32 to vector<16xi32>
        %add3A_156 = arith.addi %broadcast_in_dim3A_155, %select_n3A : vector<16xi32>
        %gather3A_157 = tpu.vector_load_idx %arg11[%add3A_156] : memref<1024xi32, #tpu.memory_space<vmem>>[vector<16xi32>], vector<16xi32>,
        %gather3A_158 = tpu.vector_load_idx %arg12[%add3A_156] : memref<1024xi32, #tpu.memory_space<vmem>>[vector<16xi32>], vector<16xi32>,
        %gather3A_159 = tpu.vector_load_idx %arg13[%add3A_156] : memref<1024xf32, #tpu.memory_space<vmem>>[vector<16xi32>], vector<16xf32>,
        %gather3A_160 = tpu.vector_load_idx %arg10[%gather3A_157] : memref<10120xf32, #tpu.memory_space<vmem>>[vector<16xi32>], vector<16xf32>,
        %add3A_161 = arith.addi %mul3A_46, %gather3A_157 : vector<16xi32>
        %gather3A_162 = tpu.vector_load_idx %arg9[%add3A_161] : memref<40480xf32, #tpu.memory_space<vmem>>[vector<16xi32>], vector<16xf32>,
        %mul3A_163 = arith.mulf %gather3A_159, %gather3A_160 : vector<16xf32>
        %mul3A_164 = arith.mulf %gather3A_162, %mul3A_163 : vector<16xf32>
        %add3A_165 = arith.addi %mul3A_46, %gather3A_158 : vector<16xi32>
        tpu.vector_store_idx %arg8[%add3A_165], %mul3A_164 {add = true} : memref<40480xf32, #tpu.memory_space<vmem>>[vector<16xi32>], vector<16xf32>,
        %add3A_166 = arith.constant 24 : i32
        %add3A_167 = arith.addi %mul3A_88, %add3A_166 : i32
        %broadcast_in_dim3A_168 = vector.broadcast %add3A_167 : i32 to vector<16xi32>
        %add3A_169 = arith.addi %broadcast_in_dim3A_168, %select_n3A : vector<16xi32>
        %gather3A_170 = tpu.vector_load_idx %arg11[%add3A_169] : memref<1024xi32, #tpu.memory_space<vmem>>[vector<16xi32>], vector<16xi32>,
        %gather3A_171 = tpu.vector_load_idx %arg12[%add3A_169] : memref<1024xi32, #tpu.memory_space<vmem>>[vector<16xi32>], vector<16xi32>,
        %gather3A_172 = tpu.vector_load_idx %arg13[%add3A_169] : memref<1024xf32, #tpu.memory_space<vmem>>[vector<16xi32>], vector<16xf32>,
        %gather3A_173 = tpu.vector_load_idx %arg10[%gather3A_170] : memref<10120xf32, #tpu.memory_space<vmem>>[vector<16xi32>], vector<16xf32>,
        %add3A_174 = arith.addi %mul3A_46, %gather3A_170 : vector<16xi32>
        %gather3A_175 = tpu.vector_load_idx %arg9[%add3A_174] : memref<40480xf32, #tpu.memory_space<vmem>>[vector<16xi32>], vector<16xf32>,
        %mul3A_176 = arith.mulf %gather3A_172, %gather3A_173 : vector<16xf32>
        %mul3A_177 = arith.mulf %gather3A_175, %mul3A_176 : vector<16xf32>
        %add3A_178 = arith.addi %mul3A_46, %gather3A_171 : vector<16xi32>
        tpu.vector_store_idx %arg8[%add3A_178], %mul3A_177 {add = true} : memref<40480xf32, #tpu.memory_space<vmem>>[vector<16xi32>], vector<16xf32>,
        %add3A_179 = arith.constant 28 : i32
        %add3A_180 = arith.addi %mul3A_88, %add3A_179 : i32
        %broadcast_in_dim3A_181 = vector.broadcast %add3A_180 : i32 to vector<16xi32>
        %add3A_182 = arith.addi %broadcast_in_dim3A_181, %select_n3A : vector<16xi32>
        %gather3A_183 = tpu.vector_load_idx %arg11[%add3A_182] : memref<1024xi32, #tpu.memory_space<vmem>>[vector<16xi32>], vector<16xi32>,
        %gather3A_184 = tpu.vector_load_idx %arg12[%add3A_182] : memref<1024xi32, #tpu.memory_space<vmem>>[vector<16xi32>], vector<16xi32>,
        %gather3A_185 = tpu.vector_load_idx %arg13[%add3A_182] : memref<1024xf32, #tpu.memory_space<vmem>>[vector<16xi32>], vector<16xf32>,
        %gather3A_186 = tpu.vector_load_idx %arg10[%gather3A_183] : memref<10120xf32, #tpu.memory_space<vmem>>[vector<16xi32>], vector<16xf32>,
        %add3A_187 = arith.addi %mul3A_46, %gather3A_183 : vector<16xi32>
        %gather3A_188 = tpu.vector_load_idx %arg9[%add3A_187] : memref<40480xf32, #tpu.memory_space<vmem>>[vector<16xi32>], vector<16xf32>,
        %mul3A_189 = arith.mulf %gather3A_185, %gather3A_186 : vector<16xf32>
        %mul3A_190 = arith.mulf %gather3A_188, %mul3A_189 : vector<16xf32>
        %add3A_191 = arith.addi %mul3A_46, %gather3A_184 : vector<16xi32>
        tpu.vector_store_idx %arg8[%add3A_191], %mul3A_190 {add = true} : memref<40480xf32, #tpu.memory_space<vmem>>[vector<16xi32>], vector<16xf32>,
        %scan3A_192 = arith.constant 0 : i32
        scf.yield %scan3A_192 : i32
      }
      %scan3A_83 = arith.constant 32 : i32
      %scan3A_84 = arith.constant 0 : i32
      scf.yield %scan3A_84 : i32
    }
    %scan3A_66 = arith.constant 320 : i32
    "tpu.region"() ({
      %run_scoped3A = tpu.sem_alloc : memref<!tpu.dma_semaphore, #tpu.memory_space<semaphore_mem>>
      %dma_start3A = tpu.memref_slice %arg7[%mul3A_52] : memref<1295360xf32, #tpu.memory_space<hbm>> -> memref<40480xf32, #tpu.memory_space<hbm>>
      %dma_start3A_67 = tpu.memref_slice %arg7[%mul3A_52] : memref<1295360xf32, #tpu.memory_space<hbm>> -> memref<40480xf32, #tpu.memory_space<hbm>>
      tpu.enqueue_dma source(%arg8 : memref<40480xf32, #tpu.memory_space<vmem>>) target(%dma_start3A_67 : memref<40480xf32, #tpu.memory_space<hbm>>) target_semaphore(%run_scoped3A : memref<!tpu.dma_semaphore, #tpu.memory_space<semaphore_mem>>)
      %dma_wait3A = tpu.memref_slice %arg7[%mul3A_52] : memref<1295360xf32, #tpu.memory_space<hbm>> -> memref<40480xf32, #tpu.memory_space<hbm>>
      %dma_wait3A_68 = tpu.memref_slice %arg7[%mul3A_52] : memref<1295360xf32, #tpu.memory_space<hbm>> -> memref<40480xf32, #tpu.memory_space<hbm>>
      tpu.wait_dma2 semaphore(%run_scoped3A : memref<!tpu.dma_semaphore, #tpu.memory_space<semaphore_mem>>) src(%arg8 : memref<40480xf32, #tpu.memory_space<vmem>>) dst(%dma_wait3A_68 : memref<40480xf32, #tpu.memory_space<hbm>>)
      tpu.yield
    }) : () -> ()
    return
  }
}

module attributes {stable_mosaic.version = 14 : i64} {
  func.func @_prep_body(%arg0: memref<32x4x10120xf32, #tpu.memory_space<vmem>>, %arg1: memref<4x10120xf32, #tpu.memory_space<vmem>>) attributes {dimension_semantics = [], scalar_prefetch = 0 : i64, scratch_operands = 0 : i64, tpu.core_type = #tpu.core_type<tc>} {
    %get3A = arith.constant 0 : index
    %get3A_0 = arith.constant 0 : index
    %get3A_1 = arith.constant 0 : index
    %get3A_2 = vector.load %arg0[%get3A, %get3A_0, %get3A_1] : memref<32x4x10120xf32, #tpu.memory_space<vmem>>, vector<32x4x10120xf32>
    %reduce_sum3A = arith.constant dense<0.000000e+00> : vector<4x10120xf32>
    %reduce_sum3A_3 = vector.multi_reduction <add>, %get3A_2, %reduce_sum3A [0] : vector<32x4x10120xf32> to vector<4x10120xf32>
    %gt3A = arith.constant 0.000000e+00 : f32
    %gt3A_4 = vector.broadcast %gt3A : f32 to vector<4x10120xf32>
    %gt3A_5 = arith.cmpf ogt, %reduce_sum3A_3, %gt3A_4 : vector<4x10120xf32>
    %max3A = arith.constant 1.000000e-30 : f32
    %max3A_6 = vector.broadcast %max3A : f32 to vector<4x10120xf32>
    %max3A_7 = arith.maximumf %reduce_sum3A_3, %max3A_6 : vector<4x10120xf32>
    %rsqrt3A = math.rsqrt %max3A_7 : vector<4x10120xf32>
    %jit3A = arith.constant 0.000000e+00 : f32
    %broadcast_in_dim3A = vector.broadcast %jit3A : f32 to vector<4x10120xf32>
    %select_n3A = arith.select %gt3A_5, %rsqrt3A, %broadcast_in_dim3A : vector<4x10120xi1>, vector<4x10120xf32>
    %swap3A = arith.constant 0 : index
    %swap3A_8 = arith.constant 0 : index
    %swap3A_9 = vector.load %arg1[%swap3A, %swap3A_8] : memref<4x10120xf32, #tpu.memory_space<vmem>>, vector<4x10120xf32>
    tpu.vector_store %arg1[%swap3A, %swap3A_8], %select_n3A {strides = array<i32>} : memref<4x10120xf32, #tpu.memory_space<vmem>>, vector<4x10120xf32>,
    return
  }
}

module attributes {stable_mosaic.version = 14 : i64} {
  func.func @_step_body(%arg0: i32, %arg1: memref<2000x128xf32, #tpu.memory_space<vmem>>, %arg2: memref<2000x128xf32, #tpu.memory_space<vmem>>, %arg3: memref<2000x128xf32, #tpu.memory_space<vmem>>, %arg4: memref<2000x128xf32, #tpu.memory_space<vmem>>, %arg5: memref<2000x128xf32, #tpu.memory_space<vmem>>, %arg6: memref<2000x1xf32, #tpu.memory_space<vmem>>, %arg7: memref<4x128x512xf32, #tpu.memory_space<vmem>>, %arg8: memref<1x512xf32, #tpu.memory_space<vmem>>, %arg9: memref<3x128xf32, #tpu.memory_space<vmem>>, %arg10: memref<2000x128xf32, #tpu.memory_space<vmem>>, %arg11: memref<2000x128xf32, #tpu.memory_space<vmem>>) attributes {dimension_semantics = [#tpu.dimension_semantics<arbitrary>], iteration_bounds = array<i64: 5>, scalar_prefetch = 0 : i64, scratch_operands = 0 : i64, tpu.core_type = #tpu.core_type<tc>, window_params = [{transform_indices = @transform_0, window_bounds = array<i64: 2000, 128>}, {transform_indices = @transform_1, window_bounds = array<i64: 2000, 128>}, {transform_indices = @transform_2, window_bounds = array<i64: 2000, 128>}, {transform_indices = @transform_3, window_bounds = array<i64: 2000, 128>}, {transform_indices = @transform_4, window_bounds = array<i64: 2000, 128>}, {transform_indices = @transform_5, window_bounds = array<i64: 2000, 1>}, {pipeline_mode = #tpu.pipeline_mode<synchronous>, transform_indices = @transform_6, window_bounds = array<i64: 4, 128, 512>}, {pipeline_mode = #tpu.pipeline_mode<synchronous>, transform_indices = @transform_7, window_bounds = array<i64: 1, 512>}, {pipeline_mode = #tpu.pipeline_mode<synchronous>, transform_indices = @transform_8, window_bounds = array<i64: 3, 128>}, {transform_indices = @transform_9, window_bounds = array<i64: 2000, 128>}, {transform_indices = @transform_10, window_bounds = array<i64: 2000, 128>}]} {
    %get3A = arith.constant 0 : index
    %get3A_0 = arith.constant 0 : index
    %get3A_1 = vector.load %arg6[%get3A, %get3A_0] : memref<2000x1xf32, #tpu.memory_space<vmem>>, vector<2000x1xf32>
    %get3A_2 = arith.constant 0 : index
    %get3A_3 = arith.constant 0 : index
    %get3A_4 = vector.load %arg2[%get3A_2, %get3A_3] : memref<2000x128xf32, #tpu.memory_space<vmem>>, vector<2000x128xf32>
    %neg3A = arith.constant 0.000000e+00 : f32
    %neg3A_5 = vector.broadcast %neg3A : f32 to vector<2000x1xf32>
    %neg3A_6 = arith.subf %neg3A_5, %get3A_1 : vector<2000x1xf32>
    %mul3A = vector.broadcast %neg3A_6 : vector<2000x1xf32> to vector<2000x128xf32>
    %mul3A_7 = arith.mulf %get3A_4, %mul3A : vector<2000x128xf32>
    %get3A_8 = arith.constant 0 : index
    %get3A_9 = arith.constant 0 : index
    %get3A_10 = vector.load %arg3[%get3A_8, %get3A_9] : memref<2000x128xf32, #tpu.memory_space<vmem>>, vector<2000x128xf32>
    %neg3A_11 = arith.constant 0.000000e+00 : f32
    %neg3A_12 = vector.broadcast %neg3A_11 : f32 to vector<2000x1xf32>
    %neg3A_13 = arith.subf %neg3A_12, %get3A_1 : vector<2000x1xf32>
    %mul3A_14 = vector.broadcast %neg3A_13 : vector<2000x1xf32> to vector<2000x128xf32>
    %mul3A_15 = arith.mulf %get3A_10, %mul3A_14 : vector<2000x128xf32>
    %get3A_16 = arith.constant 0 : index
    %get3A_17 = arith.constant 0 : index
    %get3A_18 = vector.load %arg4[%get3A_16, %get3A_17] : memref<2000x128xf32, #tpu.memory_space<vmem>>, vector<2000x128xf32>
    %get3A_19 = arith.constant 0 : index
    %get3A_20 = arith.constant 0 : index
    %get3A_21 = vector.load %arg5[%get3A_19, %get3A_20] : memref<2000x128xf32, #tpu.memory_space<vmem>>, vector<2000x128xf32>
    %get3A_22 = arith.constant 0 : index
    %get3A_23 = arith.constant 0 : index
    %get3A_24 = vector.load %arg1[%get3A_22, %get3A_23] : memref<2000x128xf32, #tpu.memory_space<vmem>>, vector<2000x128xf32>
    %get3A_25 = arith.constant 0 : index
    %get3A_26 = arith.constant 0 : index
    %get3A_27 = arith.constant 0 : index
    %get3A_28 = vector.load %arg7[%get3A_25, %get3A_26, %get3A_27] : memref<4x128x512xf32, #tpu.memory_space<vmem>>, vector<1x128x512xf32>
    %get3A_29 = vector.shape_cast %get3A_28 : vector<1x128x512xf32> to vector<128x512xf32>
    %dot_general3A = arith.constant dense<0.000000e+00> : vector<2000x512xf32>
    %dot_general3A_30 = tpu.matmul %get3A_24, %get3A_29, %dot_general3A {dimension_numbers = #tpu.dot_dimension_numbers<[1], [0], [0], [1], [0, 0, 1, 1], [], []>, transpose_lhs_hint = false} : vector<2000x128xf32>, vector<128x512xf32>, vector<2000x512xf32> -> vector<2000x512xf32>
    %get3A_31 = arith.constant 1 : index
    %get3A_32 = arith.constant 0 : index
    %get3A_33 = arith.constant 0 : index
    %get3A_34 = vector.load %arg7[%get3A_31, %get3A_32, %get3A_33] : memref<4x128x512xf32, #tpu.memory_space<vmem>>, vector<1x128x512xf32>
    %get3A_35 = vector.shape_cast %get3A_34 : vector<1x128x512xf32> to vector<128x512xf32>
    %dot_general3A_36 = arith.constant dense<0.000000e+00> : vector<2000x512xf32>
    %dot_general3A_37 = tpu.matmul %mul3A_7, %get3A_35, %dot_general3A_36 {dimension_numbers = #tpu.dot_dimension_numbers<[1], [0], [0], [1], [0, 0, 1, 1], [], []>, transpose_lhs_hint = false} : vector<2000x128xf32>, vector<128x512xf32>, vector<2000x512xf32> -> vector<2000x512xf32>
    %add3A = arith.addf %dot_general3A_30, %dot_general3A_37 : vector<2000x512xf32>
    %get3A_38 = arith.constant 2 : index
    %get3A_39 = arith.constant 0 : index
    %get3A_40 = arith.constant 0 : index
    %get3A_41 = vector.load %arg7[%get3A_38, %get3A_39, %get3A_40] : memref<4x128x512xf32, #tpu.memory_space<vmem>>, vector<1x128x512xf32>
    %get3A_42 = vector.shape_cast %get3A_41 : vector<1x128x512xf32> to vector<128x512xf32>
    %dot_general3A_43 = arith.constant dense<0.000000e+00> : vector<2000x512xf32>
    %dot_general3A_44 = tpu.matmul %get3A_18, %get3A_42, %dot_general3A_43 {dimension_numbers = #tpu.dot_dimension_numbers<[1], [0], [0], [1], [0, 0, 1, 1], [], []>, transpose_lhs_hint = false} : vector<2000x128xf32>, vector<128x512xf32>, vector<2000x512xf32> -> vector<2000x512xf32>
    %add3A_45 = arith.addf %add3A, %dot_general3A_44 : vector<2000x512xf32>
    %get3A_46 = arith.constant 3 : index
    %get3A_47 = arith.constant 0 : index
    %get3A_48 = arith.constant 0 : index
    %get3A_49 = vector.load %arg7[%get3A_46, %get3A_47, %get3A_48] : memref<4x128x512xf32, #tpu.memory_space<vmem>>, vector<1x128x512xf32>
    %get3A_50 = vector.shape_cast %get3A_49 : vector<1x128x512xf32> to vector<128x512xf32>
    %dot_general3A_51 = arith.constant dense<0.000000e+00> : vector<2000x512xf32>
    %dot_general3A_52 = tpu.matmul %mul3A_15, %get3A_50, %dot_general3A_51 {dimension_numbers = #tpu.dot_dimension_numbers<[1], [0], [0], [1], [0, 0, 1, 1], [], []>, transpose_lhs_hint = false} : vector<2000x128xf32>, vector<128x512xf32>, vector<2000x512xf32> -> vector<2000x512xf32>
    %add3A_53 = arith.addf %add3A_45, %dot_general3A_52 : vector<2000x512xf32>
    %get3A_54 = arith.constant 0 : index
    %get3A_55 = arith.constant 0 : index
    %get3A_56 = vector.load %arg8[%get3A_54, %get3A_55] : memref<1x512xf32, #tpu.memory_space<vmem>>, vector<1x512xf32>
    %add3A_57 = vector.broadcast %get3A_56 : vector<1x512xf32> to vector<2000x512xf32>
    %add3A_58 = arith.addf %add3A_53, %add3A_57 : vector<2000x512xf32>
    %slice3A = vector.extract_strided_slice %add3A_58 {offsets = [0, 0], sizes = [2000, 128], strides = [1, 1]} : vector<2000x512xf32> to vector<2000x128xf32>
    %slice3A_59 = vector.extract_strided_slice %add3A_58 {offsets = [0, 128], sizes = [2000, 128], strides = [1, 1]} : vector<2000x512xf32> to vector<2000x128xf32>
    %slice3A_60 = vector.extract_strided_slice %add3A_58 {offsets = [0, 256], sizes = [2000, 128], strides = [1, 1]} : vector<2000x512xf32> to vector<2000x128xf32>
    %slice3A_61 = vector.extract_strided_slice %add3A_58 {offsets = [0, 384], sizes = [2000, 128], strides = [1, 1]} : vector<2000x512xf32> to vector<2000x128xf32>
    %get3A_62 = arith.constant 0 : index
    %get3A_63 = arith.constant 0 : index
    %get3A_64 = vector.load %arg9[%get3A_62, %get3A_63] : memref<3x128xf32, #tpu.memory_space<vmem>>, vector<1x128xf32>
    %mul3A_65 = vector.broadcast %get3A_64 : vector<1x128xf32> to vector<2000x128xf32>
    %mul3A_66 = arith.mulf %mul3A_65, %get3A_21 : vector<2000x128xf32>
    %add3A_67 = arith.addf %slice3A, %mul3A_66 : vector<2000x128xf32>
    %logistic3A = arith.negf %add3A_67 : vector<2000x128xf32>
    %logistic3A_68 = math.exp %logistic3A : vector<2000x128xf32>
    %logistic3A_69 = arith.constant 1.000000e+00 : f32
    %logistic3A_70 = vector.broadcast %logistic3A_69 : f32 to vector<2000x128xf32>
    %logistic3A_71 = arith.addf %logistic3A_70, %logistic3A_68 : vector<2000x128xf32>
    %logistic3A_72 = arith.divf %logistic3A_70, %logistic3A_71 : vector<2000x128xf32>
    %get3A_73 = arith.constant 1 : index
    %get3A_74 = arith.constant 0 : index
    %get3A_75 = vector.load %arg9[%get3A_73, %get3A_74] : memref<3x128xf32, #tpu.memory_space<vmem>>, vector<1x128xf32>
    %mul3A_76 = vector.broadcast %get3A_75 : vector<1x128xf32> to vector<2000x128xf32>
    %mul3A_77 = arith.mulf %mul3A_76, %get3A_21 : vector<2000x128xf32>
    %add3A_78 = arith.addf %slice3A_59, %mul3A_77 : vector<2000x128xf32>
    %logistic3A_79 = arith.negf %add3A_78 : vector<2000x128xf32>
    %logistic3A_80 = math.exp %logistic3A_79 : vector<2000x128xf32>
    %logistic3A_81 = arith.constant 1.000000e+00 : f32
    %logistic3A_82 = vector.broadcast %logistic3A_81 : f32 to vector<2000x128xf32>
    %logistic3A_83 = arith.addf %logistic3A_82, %logistic3A_80 : vector<2000x128xf32>
    %logistic3A_84 = arith.divf %logistic3A_82, %logistic3A_83 : vector<2000x128xf32>
    %mul3A_85 = arith.mulf %logistic3A_84, %get3A_21 : vector<2000x128xf32>
    %tanh3A = math.tanh %slice3A_60 : vector<2000x128xf32>
    %mul3A_86 = arith.mulf %logistic3A_72, %tanh3A : vector<2000x128xf32>
    %add3A_87 = arith.addf %mul3A_85, %mul3A_86 : vector<2000x128xf32>
    %get3A_88 = arith.constant 2 : index
    %get3A_89 = arith.constant 0 : index
    %get3A_90 = vector.load %arg9[%get3A_88, %get3A_89] : memref<3x128xf32, #tpu.memory_space<vmem>>, vector<1x128xf32>
    %mul3A_91 = vector.broadcast %get3A_90 : vector<1x128xf32> to vector<2000x128xf32>
    %mul3A_92 = arith.mulf %mul3A_91, %add3A_87 : vector<2000x128xf32>
    %add3A_93 = arith.addf %slice3A_61, %mul3A_92 : vector<2000x128xf32>
    %logistic3A_94 = arith.negf %add3A_93 : vector<2000x128xf32>
    %logistic3A_95 = math.exp %logistic3A_94 : vector<2000x128xf32>
    %logistic3A_96 = arith.constant 1.000000e+00 : f32
    %logistic3A_97 = vector.broadcast %logistic3A_96 : f32 to vector<2000x128xf32>
    %logistic3A_98 = arith.addf %logistic3A_97, %logistic3A_95 : vector<2000x128xf32>
    %logistic3A_99 = arith.divf %logistic3A_97, %logistic3A_98 : vector<2000x128xf32>
    %tanh3A_100 = math.tanh %add3A_87 : vector<2000x128xf32>
    %mul3A_101 = arith.mulf %logistic3A_99, %tanh3A_100 : vector<2000x128xf32>
    %swap3A = arith.constant 0 : index
    %swap3A_102 = arith.constant 0 : index
    %swap3A_103 = vector.load %arg11[%swap3A, %swap3A_102] : memref<2000x128xf32, #tpu.memory_space<vmem>>, vector<2000x128xf32>
    tpu.vector_store %arg11[%swap3A, %swap3A_102], %add3A_87 {strides = array<i32>} : memref<2000x128xf32, #tpu.memory_space<vmem>>, vector<2000x128xf32>,
    %swap3A_104 = arith.constant 0 : index
    %swap3A_105 = arith.constant 0 : index
    %swap3A_106 = vector.load %arg10[%swap3A_104, %swap3A_105] : memref<2000x128xf32, #tpu.memory_space<vmem>>, vector<2000x128xf32>
    tpu.vector_store %arg10[%swap3A_104, %swap3A_105], %mul3A_101 {strides = array<i32>} : memref<2000x128xf32, #tpu.memory_space<vmem>>, vector<2000x128xf32>,
    return
  }
  func.func @transform_0(%arg0: i32) -> (i32, i32) {
    %c0_i32 = arith.constant 0 : i32
    %c0_i32_0 = arith.constant 0 : i32
    return %arg0, %c0_i32 : i32, i32
  }
  func.func @transform_1(%arg0: i32) -> (i32, i32) {
    %c0_i32 = arith.constant 0 : i32
    %c0_i32_0 = arith.constant 0 : i32
    return %arg0, %c0_i32 : i32, i32
  }
  func.func @transform_2(%arg0: i32) -> (i32, i32) {
    %c0_i32 = arith.constant 0 : i32
    %c0_i32_0 = arith.constant 0 : i32
    return %arg0, %c0_i32 : i32, i32
  }
  func.func @transform_3(%arg0: i32) -> (i32, i32) {
    %c0_i32 = arith.constant 0 : i32
    %c0_i32_0 = arith.constant 0 : i32
    return %arg0, %c0_i32 : i32, i32
  }
  func.func @transform_4(%arg0: i32) -> (i32, i32) {
    %c0_i32 = arith.constant 0 : i32
    %c0_i32_0 = arith.constant 0 : i32
    return %arg0, %c0_i32 : i32, i32
  }
  func.func @transform_5(%arg0: i32) -> (i32, i32) {
    %c0_i32 = arith.constant 0 : i32
    %c0_i32_0 = arith.constant 0 : i32
    return %arg0, %c0_i32 : i32, i32
  }
  func.func @transform_6(%arg0: i32) -> (i32, i32, i32) {
    %c0_i32 = arith.constant 0 : i32
    %c0_i32_0 = arith.constant 0 : i32
    %c0_i32_1 = arith.constant 0 : i32
    %c0_i32_2 = arith.constant 0 : i32
    return %c0_i32, %c0_i32_0, %c0_i32_1 : i32, i32, i32
  }
  func.func @transform_7(%arg0: i32) -> (i32, i32) {
    %c0_i32 = arith.constant 0 : i32
    %c0_i32_0 = arith.constant 0 : i32
    %c0_i32_1 = arith.constant 0 : i32
    return %c0_i32, %c0_i32_0 : i32, i32
  }
  func.func @transform_8(%arg0: i32) -> (i32, i32) {
    %c0_i32 = arith.constant 0 : i32
    %c0_i32_0 = arith.constant 0 : i32
    %c0_i32_1 = arith.constant 0 : i32
    return %c0_i32, %c0_i32_0 : i32, i32
  }
  func.func @transform_9(%arg0: i32) -> (i32, i32) {
    %c0_i32 = arith.constant 0 : i32
    %c0_i32_0 = arith.constant 0 : i32
    return %arg0, %c0_i32 : i32, i32
  }
  func.func @transform_10(%arg0: i32) -> (i32, i32) {
    %c0_i32 = arith.constant 0 : i32
    %c0_i32_0 = arith.constant 0 : i32
    return %arg0, %c0_i32 : i32, i32
  }
}

module attributes {stable_mosaic.version = 14 : i64} {
  func.func @_step_body(%arg0: i32, %arg1: memref<2000x128xf32, #tpu.memory_space<vmem>>, %arg2: memref<2000x128xf32, #tpu.memory_space<vmem>>, %arg3: memref<2000x128xf32, #tpu.memory_space<vmem>>, %arg4: memref<2000x128xf32, #tpu.memory_space<vmem>>, %arg5: memref<2000x128xf32, #tpu.memory_space<vmem>>, %arg6: memref<2000x1xf32, #tpu.memory_space<vmem>>, %arg7: memref<4x128x512xf32, #tpu.memory_space<vmem>>, %arg8: memref<1x512xf32, #tpu.memory_space<vmem>>, %arg9: memref<3x128xf32, #tpu.memory_space<vmem>>, %arg10: memref<2000x128xf32, #tpu.memory_space<vmem>>, %arg11: memref<2000x128xf32, #tpu.memory_space<vmem>>) attributes {dimension_semantics = [#tpu.dimension_semantics<arbitrary>], iteration_bounds = array<i64: 5>, scalar_prefetch = 0 : i64, scratch_operands = 0 : i64, tpu.core_type = #tpu.core_type<tc>, window_params = [{transform_indices = @transform_0, window_bounds = array<i64: 2000, 128>}, {transform_indices = @transform_1, window_bounds = array<i64: 2000, 128>}, {transform_indices = @transform_2, window_bounds = array<i64: 2000, 128>}, {transform_indices = @transform_3, window_bounds = array<i64: 2000, 128>}, {transform_indices = @transform_4, window_bounds = array<i64: 2000, 128>}, {transform_indices = @transform_5, window_bounds = array<i64: 2000, 1>}, {pipeline_mode = #tpu.pipeline_mode<synchronous>, transform_indices = @transform_6, window_bounds = array<i64: 4, 128, 512>}, {pipeline_mode = #tpu.pipeline_mode<synchronous>, transform_indices = @transform_7, window_bounds = array<i64: 1, 512>}, {pipeline_mode = #tpu.pipeline_mode<synchronous>, transform_indices = @transform_8, window_bounds = array<i64: 3, 128>}, {transform_indices = @transform_9, window_bounds = array<i64: 2000, 128>}, {transform_indices = @transform_10, window_bounds = array<i64: 2000, 128>}]} {
    %get3A = arith.constant 0 : index
    %get3A_0 = arith.constant 0 : index
    %get3A_1 = vector.load %arg6[%get3A, %get3A_0] : memref<2000x1xf32, #tpu.memory_space<vmem>>, vector<2000x1xf32>
    %get3A_2 = arith.constant 0 : index
    %get3A_3 = arith.constant 0 : index
    %get3A_4 = vector.load %arg2[%get3A_2, %get3A_3] : memref<2000x128xf32, #tpu.memory_space<vmem>>, vector<2000x128xf32>
    %neg3A = arith.constant 0.000000e+00 : f32
    %neg3A_5 = vector.broadcast %neg3A : f32 to vector<2000x1xf32>
    %neg3A_6 = arith.subf %neg3A_5, %get3A_1 : vector<2000x1xf32>
    %mul3A = vector.broadcast %neg3A_6 : vector<2000x1xf32> to vector<2000x128xf32>
    %mul3A_7 = arith.mulf %get3A_4, %mul3A : vector<2000x128xf32>
    %get3A_8 = arith.constant 0 : index
    %get3A_9 = arith.constant 0 : index
    %get3A_10 = vector.load %arg3[%get3A_8, %get3A_9] : memref<2000x128xf32, #tpu.memory_space<vmem>>, vector<2000x128xf32>
    %neg3A_11 = arith.constant 0.000000e+00 : f32
    %neg3A_12 = vector.broadcast %neg3A_11 : f32 to vector<2000x1xf32>
    %neg3A_13 = arith.subf %neg3A_12, %get3A_1 : vector<2000x1xf32>
    %mul3A_14 = vector.broadcast %neg3A_13 : vector<2000x1xf32> to vector<2000x128xf32>
    %mul3A_15 = arith.mulf %get3A_10, %mul3A_14 : vector<2000x128xf32>
    %get3A_16 = arith.constant 0 : index
    %get3A_17 = arith.constant 0 : index
    %get3A_18 = vector.load %arg4[%get3A_16, %get3A_17] : memref<2000x128xf32, #tpu.memory_space<vmem>>, vector<2000x128xf32>
    %get3A_19 = arith.constant 0 : index
    %get3A_20 = arith.constant 0 : index
    %get3A_21 = vector.load %arg5[%get3A_19, %get3A_20] : memref<2000x128xf32, #tpu.memory_space<vmem>>, vector<2000x128xf32>
    %get3A_22 = arith.constant 0 : index
    %get3A_23 = arith.constant 0 : index
    %get3A_24 = vector.load %arg1[%get3A_22, %get3A_23] : memref<2000x128xf32, #tpu.memory_space<vmem>>, vector<2000x128xf32>
    %get3A_25 = arith.constant 0 : index
    %get3A_26 = arith.constant 0 : index
    %get3A_27 = arith.constant 0 : index
    %get3A_28 = vector.load %arg7[%get3A_25, %get3A_26, %get3A_27] : memref<4x128x512xf32, #tpu.memory_space<vmem>>, vector<1x128x512xf32>
    %get3A_29 = vector.shape_cast %get3A_28 : vector<1x128x512xf32> to vector<128x512xf32>
    %dot_general3A = arith.constant dense<0.000000e+00> : vector<2000x512xf32>
    %dot_general3A_30 = tpu.matmul %get3A_24, %get3A_29, %dot_general3A {dimension_numbers = #tpu.dot_dimension_numbers<[1], [0], [0], [1], [0, 0, 1, 1], [], []>, transpose_lhs_hint = false} : vector<2000x128xf32>, vector<128x512xf32>, vector<2000x512xf32> -> vector<2000x512xf32>
    %get3A_31 = arith.constant 1 : index
    %get3A_32 = arith.constant 0 : index
    %get3A_33 = arith.constant 0 : index
    %get3A_34 = vector.load %arg7[%get3A_31, %get3A_32, %get3A_33] : memref<4x128x512xf32, #tpu.memory_space<vmem>>, vector<1x128x512xf32>
    %get3A_35 = vector.shape_cast %get3A_34 : vector<1x128x512xf32> to vector<128x512xf32>
    %dot_general3A_36 = arith.constant dense<0.000000e+00> : vector<2000x512xf32>
    %dot_general3A_37 = tpu.matmul %mul3A_7, %get3A_35, %dot_general3A_36 {dimension_numbers = #tpu.dot_dimension_numbers<[1], [0], [0], [1], [0, 0, 1, 1], [], []>, transpose_lhs_hint = false} : vector<2000x128xf32>, vector<128x512xf32>, vector<2000x512xf32> -> vector<2000x512xf32>
    %add3A = arith.addf %dot_general3A_30, %dot_general3A_37 : vector<2000x512xf32>
    %get3A_38 = arith.constant 2 : index
    %get3A_39 = arith.constant 0 : index
    %get3A_40 = arith.constant 0 : index
    %get3A_41 = vector.load %arg7[%get3A_38, %get3A_39, %get3A_40] : memref<4x128x512xf32, #tpu.memory_space<vmem>>, vector<1x128x512xf32>
    %get3A_42 = vector.shape_cast %get3A_41 : vector<1x128x512xf32> to vector<128x512xf32>
    %dot_general3A_43 = arith.constant dense<0.000000e+00> : vector<2000x512xf32>
    %dot_general3A_44 = tpu.matmul %get3A_18, %get3A_42, %dot_general3A_43 {dimension_numbers = #tpu.dot_dimension_numbers<[1], [0], [0], [1], [0, 0, 1, 1], [], []>, transpose_lhs_hint = false} : vector<2000x128xf32>, vector<128x512xf32>, vector<2000x512xf32> -> vector<2000x512xf32>
    %add3A_45 = arith.addf %add3A, %dot_general3A_44 : vector<2000x512xf32>
    %get3A_46 = arith.constant 3 : index
    %get3A_47 = arith.constant 0 : index
    %get3A_48 = arith.constant 0 : index
    %get3A_49 = vector.load %arg7[%get3A_46, %get3A_47, %get3A_48] : memref<4x128x512xf32, #tpu.memory_space<vmem>>, vector<1x128x512xf32>
    %get3A_50 = vector.shape_cast %get3A_49 : vector<1x128x512xf32> to vector<128x512xf32>
    %dot_general3A_51 = arith.constant dense<0.000000e+00> : vector<2000x512xf32>
    %dot_general3A_52 = tpu.matmul %mul3A_15, %get3A_50, %dot_general3A_51 {dimension_numbers = #tpu.dot_dimension_numbers<[1], [0], [0], [1], [0, 0, 1, 1], [], []>, transpose_lhs_hint = false} : vector<2000x128xf32>, vector<128x512xf32>, vector<2000x512xf32> -> vector<2000x512xf32>
    %add3A_53 = arith.addf %add3A_45, %dot_general3A_52 : vector<2000x512xf32>
    %get3A_54 = arith.constant 0 : index
    %get3A_55 = arith.constant 0 : index
    %get3A_56 = vector.load %arg8[%get3A_54, %get3A_55] : memref<1x512xf32, #tpu.memory_space<vmem>>, vector<1x512xf32>
    %add3A_57 = vector.broadcast %get3A_56 : vector<1x512xf32> to vector<2000x512xf32>
    %add3A_58 = arith.addf %add3A_53, %add3A_57 : vector<2000x512xf32>
    %slice3A = vector.extract_strided_slice %add3A_58 {offsets = [0, 0], sizes = [2000, 128], strides = [1, 1]} : vector<2000x512xf32> to vector<2000x128xf32>
    %slice3A_59 = vector.extract_strided_slice %add3A_58 {offsets = [0, 128], sizes = [2000, 128], strides = [1, 1]} : vector<2000x512xf32> to vector<2000x128xf32>
    %slice3A_60 = vector.extract_strided_slice %add3A_58 {offsets = [0, 256], sizes = [2000, 128], strides = [1, 1]} : vector<2000x512xf32> to vector<2000x128xf32>
    %slice3A_61 = vector.extract_strided_slice %add3A_58 {offsets = [0, 384], sizes = [2000, 128], strides = [1, 1]} : vector<2000x512xf32> to vector<2000x128xf32>
    %get3A_62 = arith.constant 0 : index
    %get3A_63 = arith.constant 0 : index
    %get3A_64 = vector.load %arg9[%get3A_62, %get3A_63] : memref<3x128xf32, #tpu.memory_space<vmem>>, vector<1x128xf32>
    %mul3A_65 = vector.broadcast %get3A_64 : vector<1x128xf32> to vector<2000x128xf32>
    %mul3A_66 = arith.mulf %mul3A_65, %get3A_21 : vector<2000x128xf32>
    %add3A_67 = arith.addf %slice3A, %mul3A_66 : vector<2000x128xf32>
    %logistic3A = arith.negf %add3A_67 : vector<2000x128xf32>
    %logistic3A_68 = math.exp %logistic3A : vector<2000x128xf32>
    %logistic3A_69 = arith.constant 1.000000e+00 : f32
    %logistic3A_70 = vector.broadcast %logistic3A_69 : f32 to vector<2000x128xf32>
    %logistic3A_71 = arith.addf %logistic3A_70, %logistic3A_68 : vector<2000x128xf32>
    %logistic3A_72 = arith.divf %logistic3A_70, %logistic3A_71 : vector<2000x128xf32>
    %get3A_73 = arith.constant 1 : index
    %get3A_74 = arith.constant 0 : index
    %get3A_75 = vector.load %arg9[%get3A_73, %get3A_74] : memref<3x128xf32, #tpu.memory_space<vmem>>, vector<1x128xf32>
    %mul3A_76 = vector.broadcast %get3A_75 : vector<1x128xf32> to vector<2000x128xf32>
    %mul3A_77 = arith.mulf %mul3A_76, %get3A_21 : vector<2000x128xf32>
    %add3A_78 = arith.addf %slice3A_59, %mul3A_77 : vector<2000x128xf32>
    %logistic3A_79 = arith.negf %add3A_78 : vector<2000x128xf32>
    %logistic3A_80 = math.exp %logistic3A_79 : vector<2000x128xf32>
    %logistic3A_81 = arith.constant 1.000000e+00 : f32
    %logistic3A_82 = vector.broadcast %logistic3A_81 : f32 to vector<2000x128xf32>
    %logistic3A_83 = arith.addf %logistic3A_82, %logistic3A_80 : vector<2000x128xf32>
    %logistic3A_84 = arith.divf %logistic3A_82, %logistic3A_83 : vector<2000x128xf32>
    %mul3A_85 = arith.mulf %logistic3A_84, %get3A_21 : vector<2000x128xf32>
    %tanh3A = math.tanh %slice3A_60 : vector<2000x128xf32>
    %mul3A_86 = arith.mulf %logistic3A_72, %tanh3A : vector<2000x128xf32>
    %add3A_87 = arith.addf %mul3A_85, %mul3A_86 : vector<2000x128xf32>
    %get3A_88 = arith.constant 2 : index
    %get3A_89 = arith.constant 0 : index
    %get3A_90 = vector.load %arg9[%get3A_88, %get3A_89] : memref<3x128xf32, #tpu.memory_space<vmem>>, vector<1x128xf32>
    %mul3A_91 = vector.broadcast %get3A_90 : vector<1x128xf32> to vector<2000x128xf32>
    %mul3A_92 = arith.mulf %mul3A_91, %add3A_87 : vector<2000x128xf32>
    %add3A_93 = arith.addf %slice3A_61, %mul3A_92 : vector<2000x128xf32>
    %logistic3A_94 = arith.negf %add3A_93 : vector<2000x128xf32>
    %logistic3A_95 = math.exp %logistic3A_94 : vector<2000x128xf32>
    %logistic3A_96 = arith.constant 1.000000e+00 : f32
    %logistic3A_97 = vector.broadcast %logistic3A_96 : f32 to vector<2000x128xf32>
    %logistic3A_98 = arith.addf %logistic3A_97, %logistic3A_95 : vector<2000x128xf32>
    %logistic3A_99 = arith.divf %logistic3A_97, %logistic3A_98 : vector<2000x128xf32>
    %tanh3A_100 = math.tanh %add3A_87 : vector<2000x128xf32>
    %mul3A_101 = arith.mulf %logistic3A_99, %tanh3A_100 : vector<2000x128xf32>
    %swap3A = arith.constant 0 : index
    %swap3A_102 = arith.constant 0 : index
    %swap3A_103 = vector.load %arg11[%swap3A, %swap3A_102] : memref<2000x128xf32, #tpu.memory_space<vmem>>, vector<2000x128xf32>
    tpu.vector_store %arg11[%swap3A, %swap3A_102], %add3A_87 {strides = array<i32>} : memref<2000x128xf32, #tpu.memory_space<vmem>>, vector<2000x128xf32>,
    %swap3A_104 = arith.constant 0 : index
    %swap3A_105 = arith.constant 0 : index
    %swap3A_106 = vector.load %arg10[%swap3A_104, %swap3A_105] : memref<2000x128xf32, #tpu.memory_space<vmem>>, vector<2000x128xf32>
    tpu.vector_store %arg10[%swap3A_104, %swap3A_105], %mul3A_101 {strides = array<i32>} : memref<2000x128xf32, #tpu.memory_space<vmem>>, vector<2000x128xf32>,
    return
  }
  func.func @transform_0(%arg0: i32) -> (i32, i32) {
    %c0_i32 = arith.constant 0 : i32
    %c0_i32_0 = arith.constant 0 : i32
    return %arg0, %c0_i32 : i32, i32
  }
  func.func @transform_1(%arg0: i32) -> (i32, i32) {
    %c0_i32 = arith.constant 0 : i32
    %c0_i32_0 = arith.constant 0 : i32
    return %arg0, %c0_i32 : i32, i32
  }
  func.func @transform_2(%arg0: i32) -> (i32, i32) {
    %c0_i32 = arith.constant 0 : i32
    %c0_i32_0 = arith.constant 0 : i32
    return %arg0, %c0_i32 : i32, i32
  }
  func.func @transform_3(%arg0: i32) -> (i32, i32) {
    %c0_i32 = arith.constant 0 : i32
    %c0_i32_0 = arith.constant 0 : i32
    return %arg0, %c0_i32 : i32, i32
  }
  func.func @transform_4(%arg0: i32) -> (i32, i32) {
    %c0_i32 = arith.constant 0 : i32
    %c0_i32_0 = arith.constant 0 : i32
    return %arg0, %c0_i32 : i32, i32
  }
  func.func @transform_5(%arg0: i32) -> (i32, i32) {
    %c0_i32 = arith.constant 0 : i32
    %c0_i32_0 = arith.constant 0 : i32
    return %arg0, %c0_i32 : i32, i32
  }
  func.func @transform_6(%arg0: i32) -> (i32, i32, i32) {
    %c0_i32 = arith.constant 0 : i32
    %c0_i32_0 = arith.constant 0 : i32
    %c0_i32_1 = arith.constant 0 : i32
    %c0_i32_2 = arith.constant 0 : i32
    return %c0_i32, %c0_i32_0, %c0_i32_1 : i32, i32, i32
  }
  func.func @transform_7(%arg0: i32) -> (i32, i32) {
    %c0_i32 = arith.constant 0 : i32
    %c0_i32_0 = arith.constant 0 : i32
    %c0_i32_1 = arith.constant 0 : i32
    return %c0_i32, %c0_i32_0 : i32, i32
  }
  func.func @transform_8(%arg0: i32) -> (i32, i32) {
    %c0_i32 = arith.constant 0 : i32
    %c0_i32_0 = arith.constant 0 : i32
    %c0_i32_1 = arith.constant 0 : i32
    return %c0_i32, %c0_i32_0 : i32, i32
  }
  func.func @transform_9(%arg0: i32) -> (i32, i32) {
    %c0_i32 = arith.constant 0 : i32
    %c0_i32_0 = arith.constant 0 : i32
    return %arg0, %c0_i32 : i32, i32
  }
  func.func @transform_10(%arg0: i32) -> (i32, i32) {
    %c0_i32 = arith.constant 0 : i32
    %c0_i32_0 = arith.constant 0 : i32
    return %arg0, %c0_i32 : i32, i32
  }
}

module attributes {stable_mosaic.version = 14 : i64} {
  func.func @_step_body(%arg0: i32, %arg1: memref<2000x128xf32, #tpu.memory_space<vmem>>, %arg2: memref<2000x128xf32, #tpu.memory_space<vmem>>, %arg3: memref<2000x128xf32, #tpu.memory_space<vmem>>, %arg4: memref<2000x128xf32, #tpu.memory_space<vmem>>, %arg5: memref<2000x128xf32, #tpu.memory_space<vmem>>, %arg6: memref<2000x1xf32, #tpu.memory_space<vmem>>, %arg7: memref<4x128x512xf32, #tpu.memory_space<vmem>>, %arg8: memref<1x512xf32, #tpu.memory_space<vmem>>, %arg9: memref<3x128xf32, #tpu.memory_space<vmem>>, %arg10: memref<2000x128xf32, #tpu.memory_space<vmem>>, %arg11: memref<2000x128xf32, #tpu.memory_space<vmem>>) attributes {dimension_semantics = [#tpu.dimension_semantics<arbitrary>], iteration_bounds = array<i64: 5>, scalar_prefetch = 0 : i64, scratch_operands = 0 : i64, tpu.core_type = #tpu.core_type<tc>, window_params = [{transform_indices = @transform_0, window_bounds = array<i64: 2000, 128>}, {transform_indices = @transform_1, window_bounds = array<i64: 2000, 128>}, {transform_indices = @transform_2, window_bounds = array<i64: 2000, 128>}, {transform_indices = @transform_3, window_bounds = array<i64: 2000, 128>}, {transform_indices = @transform_4, window_bounds = array<i64: 2000, 128>}, {transform_indices = @transform_5, window_bounds = array<i64: 2000, 1>}, {pipeline_mode = #tpu.pipeline_mode<synchronous>, transform_indices = @transform_6, window_bounds = array<i64: 4, 128, 512>}, {pipeline_mode = #tpu.pipeline_mode<synchronous>, transform_indices = @transform_7, window_bounds = array<i64: 1, 512>}, {pipeline_mode = #tpu.pipeline_mode<synchronous>, transform_indices = @transform_8, window_bounds = array<i64: 3, 128>}, {transform_indices = @transform_9, window_bounds = array<i64: 2000, 128>}, {transform_indices = @transform_10, window_bounds = array<i64: 2000, 128>}]} {
    %get3A = arith.constant 0 : index
    %get3A_0 = arith.constant 0 : index
    %get3A_1 = vector.load %arg6[%get3A, %get3A_0] : memref<2000x1xf32, #tpu.memory_space<vmem>>, vector<2000x1xf32>
    %get3A_2 = arith.constant 0 : index
    %get3A_3 = arith.constant 0 : index
    %get3A_4 = vector.load %arg2[%get3A_2, %get3A_3] : memref<2000x128xf32, #tpu.memory_space<vmem>>, vector<2000x128xf32>
    %neg3A = arith.constant 0.000000e+00 : f32
    %neg3A_5 = vector.broadcast %neg3A : f32 to vector<2000x1xf32>
    %neg3A_6 = arith.subf %neg3A_5, %get3A_1 : vector<2000x1xf32>
    %mul3A = vector.broadcast %neg3A_6 : vector<2000x1xf32> to vector<2000x128xf32>
    %mul3A_7 = arith.mulf %get3A_4, %mul3A : vector<2000x128xf32>
    %get3A_8 = arith.constant 0 : index
    %get3A_9 = arith.constant 0 : index
    %get3A_10 = vector.load %arg3[%get3A_8, %get3A_9] : memref<2000x128xf32, #tpu.memory_space<vmem>>, vector<2000x128xf32>
    %neg3A_11 = arith.constant 0.000000e+00 : f32
    %neg3A_12 = vector.broadcast %neg3A_11 : f32 to vector<2000x1xf32>
    %neg3A_13 = arith.subf %neg3A_12, %get3A_1 : vector<2000x1xf32>
    %mul3A_14 = vector.broadcast %neg3A_13 : vector<2000x1xf32> to vector<2000x128xf32>
    %mul3A_15 = arith.mulf %get3A_10, %mul3A_14 : vector<2000x128xf32>
    %get3A_16 = arith.constant 0 : index
    %get3A_17 = arith.constant 0 : index
    %get3A_18 = vector.load %arg4[%get3A_16, %get3A_17] : memref<2000x128xf32, #tpu.memory_space<vmem>>, vector<2000x128xf32>
    %get3A_19 = arith.constant 0 : index
    %get3A_20 = arith.constant 0 : index
    %get3A_21 = vector.load %arg5[%get3A_19, %get3A_20] : memref<2000x128xf32, #tpu.memory_space<vmem>>, vector<2000x128xf32>
    %get3A_22 = arith.constant 0 : index
    %get3A_23 = arith.constant 0 : index
    %get3A_24 = vector.load %arg1[%get3A_22, %get3A_23] : memref<2000x128xf32, #tpu.memory_space<vmem>>, vector<2000x128xf32>
    %get3A_25 = arith.constant 0 : index
    %get3A_26 = arith.constant 0 : index
    %get3A_27 = arith.constant 0 : index
    %get3A_28 = vector.load %arg7[%get3A_25, %get3A_26, %get3A_27] : memref<4x128x512xf32, #tpu.memory_space<vmem>>, vector<1x128x512xf32>
    %get3A_29 = vector.shape_cast %get3A_28 : vector<1x128x512xf32> to vector<128x512xf32>
    %dot_general3A = arith.constant dense<0.000000e+00> : vector<2000x512xf32>
    %dot_general3A_30 = tpu.matmul %get3A_24, %get3A_29, %dot_general3A {dimension_numbers = #tpu.dot_dimension_numbers<[1], [0], [0], [1], [0, 0, 1, 1], [], []>, transpose_lhs_hint = false} : vector<2000x128xf32>, vector<128x512xf32>, vector<2000x512xf32> -> vector<2000x512xf32>
    %get3A_31 = arith.constant 1 : index
    %get3A_32 = arith.constant 0 : index
    %get3A_33 = arith.constant 0 : index
    %get3A_34 = vector.load %arg7[%get3A_31, %get3A_32, %get3A_33] : memref<4x128x512xf32, #tpu.memory_space<vmem>>, vector<1x128x512xf32>
    %get3A_35 = vector.shape_cast %get3A_34 : vector<1x128x512xf32> to vector<128x512xf32>
    %dot_general3A_36 = arith.constant dense<0.000000e+00> : vector<2000x512xf32>
    %dot_general3A_37 = tpu.matmul %mul3A_7, %get3A_35, %dot_general3A_36 {dimension_numbers = #tpu.dot_dimension_numbers<[1], [0], [0], [1], [0, 0, 1, 1], [], []>, transpose_lhs_hint = false} : vector<2000x128xf32>, vector<128x512xf32>, vector<2000x512xf32> -> vector<2000x512xf32>
    %add3A = arith.addf %dot_general3A_30, %dot_general3A_37 : vector<2000x512xf32>
    %get3A_38 = arith.constant 2 : index
    %get3A_39 = arith.constant 0 : index
    %get3A_40 = arith.constant 0 : index
    %get3A_41 = vector.load %arg7[%get3A_38, %get3A_39, %get3A_40] : memref<4x128x512xf32, #tpu.memory_space<vmem>>, vector<1x128x512xf32>
    %get3A_42 = vector.shape_cast %get3A_41 : vector<1x128x512xf32> to vector<128x512xf32>
    %dot_general3A_43 = arith.constant dense<0.000000e+00> : vector<2000x512xf32>
    %dot_general3A_44 = tpu.matmul %get3A_18, %get3A_42, %dot_general3A_43 {dimension_numbers = #tpu.dot_dimension_numbers<[1], [0], [0], [1], [0, 0, 1, 1], [], []>, transpose_lhs_hint = false} : vector<2000x128xf32>, vector<128x512xf32>, vector<2000x512xf32> -> vector<2000x512xf32>
    %add3A_45 = arith.addf %add3A, %dot_general3A_44 : vector<2000x512xf32>
    %get3A_46 = arith.constant 3 : index
    %get3A_47 = arith.constant 0 : index
    %get3A_48 = arith.constant 0 : index
    %get3A_49 = vector.load %arg7[%get3A_46, %get3A_47, %get3A_48] : memref<4x128x512xf32, #tpu.memory_space<vmem>>, vector<1x128x512xf32>
    %get3A_50 = vector.shape_cast %get3A_49 : vector<1x128x512xf32> to vector<128x512xf32>
    %dot_general3A_51 = arith.constant dense<0.000000e+00> : vector<2000x512xf32>
    %dot_general3A_52 = tpu.matmul %mul3A_15, %get3A_50, %dot_general3A_51 {dimension_numbers = #tpu.dot_dimension_numbers<[1], [0], [0], [1], [0, 0, 1, 1], [], []>, transpose_lhs_hint = false} : vector<2000x128xf32>, vector<128x512xf32>, vector<2000x512xf32> -> vector<2000x512xf32>
    %add3A_53 = arith.addf %add3A_45, %dot_general3A_52 : vector<2000x512xf32>
    %get3A_54 = arith.constant 0 : index
    %get3A_55 = arith.constant 0 : index
    %get3A_56 = vector.load %arg8[%get3A_54, %get3A_55] : memref<1x512xf32, #tpu.memory_space<vmem>>, vector<1x512xf32>
    %add3A_57 = vector.broadcast %get3A_56 : vector<1x512xf32> to vector<2000x512xf32>
    %add3A_58 = arith.addf %add3A_53, %add3A_57 : vector<2000x512xf32>
    %slice3A = vector.extract_strided_slice %add3A_58 {offsets = [0, 0], sizes = [2000, 128], strides = [1, 1]} : vector<2000x512xf32> to vector<2000x128xf32>
    %slice3A_59 = vector.extract_strided_slice %add3A_58 {offsets = [0, 128], sizes = [2000, 128], strides = [1, 1]} : vector<2000x512xf32> to vector<2000x128xf32>
    %slice3A_60 = vector.extract_strided_slice %add3A_58 {offsets = [0, 256], sizes = [2000, 128], strides = [1, 1]} : vector<2000x512xf32> to vector<2000x128xf32>
    %slice3A_61 = vector.extract_strided_slice %add3A_58 {offsets = [0, 384], sizes = [2000, 128], strides = [1, 1]} : vector<2000x512xf32> to vector<2000x128xf32>
    %get3A_62 = arith.constant 0 : index
    %get3A_63 = arith.constant 0 : index
    %get3A_64 = vector.load %arg9[%get3A_62, %get3A_63] : memref<3x128xf32, #tpu.memory_space<vmem>>, vector<1x128xf32>
    %mul3A_65 = vector.broadcast %get3A_64 : vector<1x128xf32> to vector<2000x128xf32>
    %mul3A_66 = arith.mulf %mul3A_65, %get3A_21 : vector<2000x128xf32>
    %add3A_67 = arith.addf %slice3A, %mul3A_66 : vector<2000x128xf32>
    %logistic3A = arith.negf %add3A_67 : vector<2000x128xf32>
    %logistic3A_68 = math.exp %logistic3A : vector<2000x128xf32>
    %logistic3A_69 = arith.constant 1.000000e+00 : f32
    %logistic3A_70 = vector.broadcast %logistic3A_69 : f32 to vector<2000x128xf32>
    %logistic3A_71 = arith.addf %logistic3A_70, %logistic3A_68 : vector<2000x128xf32>
    %logistic3A_72 = arith.divf %logistic3A_70, %logistic3A_71 : vector<2000x128xf32>
    %get3A_73 = arith.constant 1 : index
    %get3A_74 = arith.constant 0 : index
    %get3A_75 = vector.load %arg9[%get3A_73, %get3A_74] : memref<3x128xf32, #tpu.memory_space<vmem>>, vector<1x128xf32>
    %mul3A_76 = vector.broadcast %get3A_75 : vector<1x128xf32> to vector<2000x128xf32>
    %mul3A_77 = arith.mulf %mul3A_76, %get3A_21 : vector<2000x128xf32>
    %add3A_78 = arith.addf %slice3A_59, %mul3A_77 : vector<2000x128xf32>
    %logistic3A_79 = arith.negf %add3A_78 : vector<2000x128xf32>
    %logistic3A_80 = math.exp %logistic3A_79 : vector<2000x128xf32>
    %logistic3A_81 = arith.constant 1.000000e+00 : f32
    %logistic3A_82 = vector.broadcast %logistic3A_81 : f32 to vector<2000x128xf32>
    %logistic3A_83 = arith.addf %logistic3A_82, %logistic3A_80 : vector<2000x128xf32>
    %logistic3A_84 = arith.divf %logistic3A_82, %logistic3A_83 : vector<2000x128xf32>
    %mul3A_85 = arith.mulf %logistic3A_84, %get3A_21 : vector<2000x128xf32>
    %tanh3A = math.tanh %slice3A_60 : vector<2000x128xf32>
    %mul3A_86 = arith.mulf %logistic3A_72, %tanh3A : vector<2000x128xf32>
    %add3A_87 = arith.addf %mul3A_85, %mul3A_86 : vector<2000x128xf32>
    %get3A_88 = arith.constant 2 : index
    %get3A_89 = arith.constant 0 : index
    %get3A_90 = vector.load %arg9[%get3A_88, %get3A_89] : memref<3x128xf32, #tpu.memory_space<vmem>>, vector<1x128xf32>
    %mul3A_91 = vector.broadcast %get3A_90 : vector<1x128xf32> to vector<2000x128xf32>
    %mul3A_92 = arith.mulf %mul3A_91, %add3A_87 : vector<2000x128xf32>
    %add3A_93 = arith.addf %slice3A_61, %mul3A_92 : vector<2000x128xf32>
    %logistic3A_94 = arith.negf %add3A_93 : vector<2000x128xf32>
    %logistic3A_95 = math.exp %logistic3A_94 : vector<2000x128xf32>
    %logistic3A_96 = arith.constant 1.000000e+00 : f32
    %logistic3A_97 = vector.broadcast %logistic3A_96 : f32 to vector<2000x128xf32>
    %logistic3A_98 = arith.addf %logistic3A_97, %logistic3A_95 : vector<2000x128xf32>
    %logistic3A_99 = arith.divf %logistic3A_97, %logistic3A_98 : vector<2000x128xf32>
    %tanh3A_100 = math.tanh %add3A_87 : vector<2000x128xf32>
    %mul3A_101 = arith.mulf %logistic3A_99, %tanh3A_100 : vector<2000x128xf32>
    %swap3A = arith.constant 0 : index
    %swap3A_102 = arith.constant 0 : index
    %swap3A_103 = vector.load %arg11[%swap3A, %swap3A_102] : memref<2000x128xf32, #tpu.memory_space<vmem>>, vector<2000x128xf32>
    tpu.vector_store %arg11[%swap3A, %swap3A_102], %add3A_87 {strides = array<i32>} : memref<2000x128xf32, #tpu.memory_space<vmem>>, vector<2000x128xf32>,
    %swap3A_104 = arith.constant 0 : index
    %swap3A_105 = arith.constant 0 : index
    %swap3A_106 = vector.load %arg10[%swap3A_104, %swap3A_105] : memref<2000x128xf32, #tpu.memory_space<vmem>>, vector<2000x128xf32>
    tpu.vector_store %arg10[%swap3A_104, %swap3A_105], %mul3A_101 {strides = array<i32>} : memref<2000x128xf32, #tpu.memory_space<vmem>>, vector<2000x128xf32>,
    return
  }
  func.func @transform_0(%arg0: i32) -> (i32, i32) {
    %c0_i32 = arith.constant 0 : i32
    %c0_i32_0 = arith.constant 0 : i32
    return %arg0, %c0_i32 : i32, i32
  }
  func.func @transform_1(%arg0: i32) -> (i32, i32) {
    %c0_i32 = arith.constant 0 : i32
    %c0_i32_0 = arith.constant 0 : i32
    return %arg0, %c0_i32 : i32, i32
  }
  func.func @transform_2(%arg0: i32) -> (i32, i32) {
    %c0_i32 = arith.constant 0 : i32
    %c0_i32_0 = arith.constant 0 : i32
    return %arg0, %c0_i32 : i32, i32
  }
  func.func @transform_3(%arg0: i32) -> (i32, i32) {
    %c0_i32 = arith.constant 0 : i32
    %c0_i32_0 = arith.constant 0 : i32
    return %arg0, %c0_i32 : i32, i32
  }
  func.func @transform_4(%arg0: i32) -> (i32, i32) {
    %c0_i32 = arith.constant 0 : i32
    %c0_i32_0 = arith.constant 0 : i32
    return %arg0, %c0_i32 : i32, i32
  }
  func.func @transform_5(%arg0: i32) -> (i32, i32) {
    %c0_i32 = arith.constant 0 : i32
    %c0_i32_0 = arith.constant 0 : i32
    return %arg0, %c0_i32 : i32, i32
  }
  func.func @transform_6(%arg0: i32) -> (i32, i32, i32) {
    %c0_i32 = arith.constant 0 : i32
    %c0_i32_0 = arith.constant 0 : i32
    %c0_i32_1 = arith.constant 0 : i32
    %c0_i32_2 = arith.constant 0 : i32
    return %c0_i32, %c0_i32_0, %c0_i32_1 : i32, i32, i32
  }
  func.func @transform_7(%arg0: i32) -> (i32, i32) {
    %c0_i32 = arith.constant 0 : i32
    %c0_i32_0 = arith.constant 0 : i32
    %c0_i32_1 = arith.constant 0 : i32
    return %c0_i32, %c0_i32_0 : i32, i32
  }
  func.func @transform_8(%arg0: i32) -> (i32, i32) {
    %c0_i32 = arith.constant 0 : i32
    %c0_i32_0 = arith.constant 0 : i32
    %c0_i32_1 = arith.constant 0 : i32
    return %c0_i32, %c0_i32_0 : i32, i32
  }
  func.func @transform_9(%arg0: i32) -> (i32, i32) {
    %c0_i32 = arith.constant 0 : i32
    %c0_i32_0 = arith.constant 0 : i32
    return %arg0, %c0_i32 : i32, i32
  }
  func.func @transform_10(%arg0: i32) -> (i32, i32) {
    %c0_i32 = arith.constant 0 : i32
    %c0_i32_0 = arith.constant 0 : i32
    return %arg0, %c0_i32 : i32, i32
  }
}

module attributes {stable_mosaic.version = 14 : i64} {
  func.func @_pool_body(%arg0: memref<10000x128xf32, #tpu.memory_space<vmem>>, %arg1: memref<10000x1xi32, #tpu.memory_space<vmem>>, %arg2: memref<128x10xf32, #tpu.memory_space<vmem>>, %arg3: memref<1x10xf32, #tpu.memory_space<vmem>>, %arg4: memref<16x10xf32, #tpu.memory_space<vmem>>) attributes {dimension_semantics = [], scalar_prefetch = 0 : i64, scratch_operands = 0 : i64, tpu.core_type = #tpu.core_type<tc>} {
    %iota3A = tpu.iota {dimensions = array<i32: 1>} : vector<10000x16xi32>
    %get3A = arith.constant 0 : index
    %get3A_0 = arith.constant 0 : index
    %get3A_1 = vector.load %arg1[%get3A, %get3A_0] : memref<10000x1xi32, #tpu.memory_space<vmem>>, vector<10000x1xi32>
    %eq3A = vector.broadcast %get3A_1 : vector<10000x1xi32> to vector<10000x16xi32>
    %eq3A_2 = arith.cmpi eq, %eq3A, %iota3A : vector<10000x16xi32>
    %convert_element_type3A = arith.extui %eq3A_2 : vector<10000x16xi1> to vector<10000x16xi32>
    %convert_element_type3A_3 = arith.sitofp %convert_element_type3A : vector<10000x16xi32> to vector<10000x16xf32>
    %get3A_4 = arith.constant 0 : index
    %get3A_5 = arith.constant 0 : index
    %get3A_6 = vector.load %arg0[%get3A_4, %get3A_5] : memref<10000x128xf32, #tpu.memory_space<vmem>>, vector<10000x128xf32>
    %dot_general3A = arith.constant dense<0.000000e+00> : vector<16x128xf32>
    %dot_general3A_7 = tpu.matmul %convert_element_type3A_3, %get3A_6, %dot_general3A {dimension_numbers = #tpu.dot_dimension_numbers<[0], [0], [1], [1], [0, 1, 1, 1], [], []>, transpose_lhs_hint = false} : vector<10000x16xf32>, vector<10000x128xf32>, vector<16x128xf32> -> vector<16x128xf32>
    %reduce_sum3A = arith.constant dense<0.000000e+00> : vector<16xf32>
    %reduce_sum3A_8 = vector.multi_reduction <add>, %convert_element_type3A_3, %reduce_sum3A [0] : vector<10000x16xf32> to vector<16xf32>
    %max3A = arith.constant 1.000000e+00 : f32
    %max3A_9 = vector.broadcast %max3A : f32 to vector<16xf32>
    %max3A_10 = arith.maximumf %reduce_sum3A_8, %max3A_9 : vector<16xf32>
    %broadcast_in_dim3A = vector.shape_cast %max3A_10 : vector<16xf32> to vector<16x1xf32>
    %div3A = vector.broadcast %broadcast_in_dim3A : vector<16x1xf32> to vector<16x128xf32>
    %div3A_11 = arith.divf %dot_general3A_7, %div3A : vector<16x128xf32>
    %get3A_12 = arith.constant 0 : index
    %get3A_13 = arith.constant 0 : index
    %get3A_14 = vector.load %arg2[%get3A_12, %get3A_13] : memref<128x10xf32, #tpu.memory_space<vmem>>, vector<128x10xf32>
    %dot_general3A_15 = arith.constant dense<0.000000e+00> : vector<16x10xf32>
    %dot_general3A_16 = tpu.matmul %div3A_11, %get3A_14, %dot_general3A_15 {dimension_numbers = #tpu.dot_dimension_numbers<[1], [0], [0], [1], [0, 0, 1, 1], [], []>, transpose_lhs_hint = false} : vector<16x128xf32>, vector<128x10xf32>, vector<16x10xf32> -> vector<16x10xf32>
    %get3A_17 = arith.constant 0 : index
    %get3A_18 = arith.constant 0 : index
    %get3A_19 = vector.load %arg3[%get3A_17, %get3A_18] : memref<1x10xf32, #tpu.memory_space<vmem>>, vector<1x10xf32>
    %add3A = vector.broadcast %get3A_19 : vector<1x10xf32> to vector<16x10xf32>
    %add3A_20 = arith.addf %dot_general3A_16, %add3A : vector<16x10xf32>
    %swap3A = arith.constant 0 : index
    %swap3A_21 = arith.constant 0 : index
    %swap3A_22 = vector.load %arg4[%swap3A, %swap3A_21] : memref<16x10xf32, #tpu.memory_space<vmem>>, vector<16x10xf32>
    tpu.vector_store %arg4[%swap3A, %swap3A_21], %add3A_20 {strides = array<i32>} : memref<16x10xf32, #tpu.memory_space<vmem>>, vector<16x10xf32>,
    return
  }
}

</mosaic_0001>

<sc_bundles>
// kernel: kernel.13.cloned.1.call-start
scs
__scs_entry_jumppad:
0x0: {  	(pc) =	sbr.rel $0x88, $3  }
0x1: {  	(tag) =	ssettag $0x0;
	lr =	simm.s32 $0x1  }
0x2: {  	[smem:$0x3F95] =	sst lr;
	_ =	strace $0xD0000000  }
0x3: {  	_ = 	snop  }
0x4: {  	_ = 	snop  }
0x5: {  	_ = 	snop  }
0x6: {  	_ = 	snop  }
0x7: {  	_ = 	snop  }
__scs_overlays_trampoline_lowered:
0x8: {  	[smem:$0x3FA4] =	sst s0  }
0x9: {  	[smem:$0x3FA5] =	sst s1  }
0xa: {  	[smem:$0x3FA6] =	sst s2  }
0xb: {  	[smem:$0x3FA7] =	sst s3  }
0xc: {  	[smem:$0x3FA8] =	sst s4  }
0xd: {  	[smem:$0x3FA9] =	sst s5  }
0xe: {  	[smem:$0x3FAA] =	sst s6  }
0xf: {  	[smem:$0x3FAB] =	sst s7  }
0x10: {  	[smem:$0x3FAC] =	sst s8  }
0x11: {  	[smem:$0x3FAD] =	sst s9;
	s0 =	simm.s32 @!p0 $0x0  }
0x12: {  	s1 =	sld [smem:$0x3F93];
	s0 =	simm.s32 @p0 $0x1  }
0x13: {  	[smem:$0x3FAE] =	sst s0;
	s0 =	simm.s32 @!p1 $0x0  }
0x14: {  	s2 =	sld [smem:$0x3F92];
	s0 =	simm.s32 @p1 $0x1  }
0x15: {  	[smem:$0x3FAF] =	sst s0;
	s0 =	simm.s32 @!p2 $0x0  }
0x16: {  	s3 =	sld [smem:$0x3FDB];
	s0 =	simm.s32 @p2 $0x1  }
0x17: {  	s4 =	simm.s32 $0x1BF5;
	[smem:$0x3FB1] =	sst s0  }
0x18: {  	s0 =	sld [smem:$0x3F94];
	_ =	swait.ge [sflag:s4], $0x0  }
0x19: {  	s7 =	sld [smem:$0x3F95]  }
0x1a: {  	s8 =	sadd.s32 $0xFFFFE003, lr  }
0x1b: {  	s9 =	sadd.s32 $0xFFFFFEF7, lr;
	s5 =	simm.s32 $0xFFFFFFFF;
	p2 =	slt.u32 s8, $0xFFFFF086  }
0x1c: {  	p1 =	slt.u32 s9, $0xF7A;
	s5 =	simm.s32 @!p2 $0x0  }
0x1d: {  	s5 =	simm.s32 @p1 $0x1;
	p0 =	seq.s32 s7, s2  }
0x1e: {  	s7 =	smul.u32 @!p0 $0xF7A, s2;
	p2 =	seq.s32 @!p0 s5, $0x0  }
0x1f: {  	s9 =	smul.u32 $0xF7A, s1;
	s8 =	simm.s32 @!p0 $0x1BF5;
	p2 =	por !p2, p0  }
0x20: {  	[sflag:s8] =	ssyncset.s32 @!p0 $0xFFFFF086;
	s6 =	sadd.s32 @!p0 s3, s7;
	s7 =	simm.s32 @!p0 $0x108  }
0x21: {  	s3 =	sadd.s32 s3, s9;
	s6 =	sadd.s32 @!p0 $0x88, s6;
	s7 =	simm.s32 @p2 $0x1082  }
0x22: {  	[simem:s7], [sflag:s8] =	dma.local @!p0 [hbm:s6], $0xF7A  }
0x23: {  	s9 =	sor.u32 $0xD0000000, s2;
	s6 =	simm.s32 $0x108;
	_ =	swait.ge @!p0 [sflag:s8], $0x0  }
0x24: {  	s3 =	sadd.s32 $0x88, s3;
	s6 =	simm.s32 @!p1 $0x1082;
	[sflag:s4] =	ssyncset.s32 $0xFFFFF086  }
0x25: {  	[simem:s6], [sflag:s4] =	dma.local [hbm:s3], $0xF7A  }
0x26: {  	[smem:$0x3F95] =	sst s1;
	(tag) =	ssettag s2;
	_ =	strace s9  }
0x27: {  	s1 =	sld [smem:$0x3FA5]  }
0x28: {  	s2 =	sld [smem:$0x3FA6]  }
0x29: {  	s4 =	sld [smem:$0x3FA8]  }
0x2a: {  	p0 =	seq.s32 s5, $0x0;
	s5 =	sld [smem:$0x3FA9]  }
0x2b: {  	s6 =	sld [smem:$0x3FAA]  }
0x2c: {  	s7 =	sld [smem:$0x3FAB]  }
0x2d: {  	s3 =	simm.s32 $0x108;
	s8 =	sld [smem:$0x3FAC]  }
0x2e: {  	s3 =	simm.s32 @!p0 $0x1082;
	s9 =	sld [smem:$0x3FAD]  }
0x2f: {  	lr =	sadd.s32 s0, s3;
	s0 =	sld [smem:$0x3FA4]  }
0x30: {  	s3 =	sld [smem:$0x3FA7]  }
0x31: {  	[smem:$0x3FB0] =	sst s10  }
0x32: {  	s10 =	sld [smem:$0x3FAE];
	_ =	sdelay $0x3  }
0x33: {  	p0 =	seq.s32 s10, $0x1;
	s10 =	sld [smem:$0x3FB0];
	_ =	sdelay $0x3  }
0x34: {  	[smem:$0x3FB0] =	sst s10  }
0x35: {  	s10 =	sld [smem:$0x3FAF];
	_ =	sdelay $0x3  }
0x36: {  	p1 =	seq.s32 s10, $0x1;
	s10 =	sld [smem:$0x3FB0];
	_ =	sdelay $0x3  }
0x37: {  	[smem:$0x3FB0] =	sst s10  }
0x38: {  	s10 =	sld [smem:$0x3FB1]  }
0x39: {  	_ = 	snop;
	(pc) =	sbr.ind lr, $3  }
0x3a: {  	_ = 	snop  }
0x3b: {  	_ = 	snop  }
0x3c: {  	p2 =	seq.s32 s10, $0x1;
	s10 =	sld [smem:$0x3FB0]  }
0x3d: {  	_ =	shalt  }
0x3e: {  	_ =	shalt  }
0x3f: {  	_ =	shalt  }
0x40: {  	_ =	shalt  }
0x41: {  	_ =	shalt  }
0x42: {  	_ =	shalt  }
0x43: {  	_ =	shalt  }
0x44: {  	_ =	shalt  }
0x45: {  	_ =	shalt  }
0x46: {  	_ =	shalt  }
0x47: {  	_ =	shalt  }
0x48: {  	_ =	shalt  }
0x49: {  	_ =	shalt  }
0x4a: {  	_ =	shalt  }
0x4b: {  	_ =	shalt  }
0x4c: {  	_ =	shalt  }
0x4d: {  	_ =	shalt  }
0x4e: {  	_ =	shalt  }
0x4f: {  	_ =	shalt  }
0x50: {  	_ =	shalt  }
0x51: {  	_ =	shalt  }
0x52: {  	_ =	shalt  }
0x53: {  	_ =	shalt  }
0x54: {  	_ =	shalt  }
0x55: {  	_ =	shalt  }
0x56: {  	_ =	shalt  }
0x57: {  	_ =	shalt  }
0x58: {  	_ =	shalt  }
0x59: {  	_ =	shalt  }
0x5a: {  	_ =	shalt  }
0x5b: {  	_ =	shalt  }
0x5c: {  	_ =	shalt  }
0x5d: {  	_ =	shalt  }
0x5e: {  	_ =	shalt  }
0x5f: {  	_ =	shalt  }
0x60: {  	_ =	shalt  }
0x61: {  	_ =	shalt  }
0x62: {  	_ =	shalt  }
0x63: {  	_ =	shalt  }
0x64: {  	_ =	shalt  }
0x65: {  	_ =	shalt  }
0x66: {  	_ =	shalt  }
0x67: {  	_ =	shalt  }
0x68: {  	_ =	shalt  }
0x69: {  	_ =	shalt  }
0x6a: {  	_ =	shalt  }
0x6b: {  	_ =	shalt  }
0x6c: {  	_ =	shalt  }
0x6d: {  	_ =	shalt  }
0x6e: {  	_ =	shalt  }
0x6f: {  	_ =	shalt  }
0x70: {  	_ =	shalt  }
0x71: {  	_ =	shalt  }
0x72: {  	_ =	shalt  }
0x73: {  	_ =	shalt  }
0x74: {  	_ =	shalt  }
0x75: {  	_ =	shalt  }
0x76: {  	_ =	shalt  }
0x77: {  	_ =	shalt  }
0x78: {  	_ =	shalt  }
0x79: {  	_ =	shalt  }
0x7a: {  	_ =	shalt  }
0x7b: {  	_ =	shalt  }
0x7c: {  	_ =	shalt  }
0x7d: {  	_ =	shalt  }
0x7e: {  	_ =	shalt  }
0x7f: {  	_ =	shalt  }
0x80: {  	_ =	shalt  }
0x81: {  	_ =	shalt  }
0x82: {  	_ =	shalt  }
0x83: {  	_ =	shalt  }
0x84: {  	_ =	shalt  }
0x85: {  	_ =	shalt  }
0x86: {  	_ =	shalt  }
0x87: {  	_ =	shalt  }
.Lfunc_end0:
.L_simem_size_0:
called_computation_lowered:
.L_overlay_start_0:
0x88: {  	s2 =	sld [smem:$0x3FD9]  }
0x89: {  	s3 =	sld [smem:$0x3FFE];
	_ =	sdelay $0x1  }
0x8a: {  	s1 =	srdreg.scid  }
0x8b: {  	s0 =	sand.u32 $0x1, s1  }
0x8c: {  	s16 =	sshll.u32 s0, $0xA;
	s2 =	sadd.s32 s3, s2  }
0x8d: {  	s2 =	sadd.s32 s2, s16  }
0x8e: {  	[smem:$0x3FBC] =	sst s2  }
0x8f: {  	_ = 	snop  }
0x90: {  	(tm) =	ssettm $0x1  }
0x91: {  	s17 =	sld [smem:$0x3FFB];
	_ =	sdelay $0x3  }
0x92: {  	_ =	strace s17  }
0x93: {  	s2 =	sld [smem:$0x3FFC];
	_ =	sdelay $0x3  }
0x94: {  	_ =	strace s2  }
0x95: {  	s2 =	sld [smem:$0x3FFD];
	_ =	sdelay $0x3  }
0x96: {  	_ =	strace s2  }
0x97: {  	_ =	strace $0x8FFFFFFF  }
0x98: {  	s18 =	sld [smem:$0x3FDB];
	_ =	sdelay $0x1  }
0x99: {  	s19 =	simm.s32 $_scs_section_size  }
0x9a: {  	s4 =	simm.s32 $_size__tile_overlayer_lowered;
	s5 =	simm.s32 $_tile_overlayer_lowered  }
0x9b: {  	s22 =	simm.s32 $0x1BFF;
	s21 =	sshll.u32 s5, $0x1;
	s2 =	sadd.s32 s19, s18  }
0x9c: {  	s6 =	simm.s32 $0x0;
	s20 =	sshll.u32 s4, $0x1;
	s4 =	sadd.s32 s21, s2  }
0x9d: {  	[timem:s6], [sflag:s22] =	dma.local [hbm:s4], s20  }
0x9e: {  	_ =	swait.ge [sflag:s22], s20  }
0x9f: {  	s3 =	ssub.s32 $0x0, s20;
	[sflag:s22] =	ssyncset.done $0x0  }
0xa0: {  	[sflag:s22] =	ssyncadd.s32 s3;
	_ =	sdelay $0x1  }
0xa1: {  	s23 =	simm.s32 $0x1B8B  }
0xa2: {  	_ =	swait.ge [sflag:s23], $0x1  }
0xa3: {  	[sflag:s23] =	ssyncset.done $0x0  }
0xa4: {  	s25 =	simm.s32 $0x1B8E;
	s24 =	sld [smem:$0x3FFE];
	[sflag:s23] =	ssyncadd.s32 $0xFFFFFFFF  }
0xa5: {  	s26 =	simm.s32 $execute0_lowered;
	[smem:$0x3FD2] =	sst s25  }
0xa6: {  	s4 =	sshll.u32 s26, $0x1;
	_ =	strace $0x80000046;
	[dreg:$0x1] =	wrdreg $0xFFFFFFFF  }
0xa7: {  	s28 =	simm.s32 $_size_execute0_lowered;
	s2 =	sadd.s32 s2, s4;
	[dreg:$0x0] =	wrdreg $0x0  }
0xa8: {  	s4 =	sshll.u32 s28, $0x1;
	[dreg:$0x2] =	wrdreg s2  }
0xa9: {  	[dreg:$0x3] =	wrdreg s4  }
0xaa: {  	[dreg:$0x4] =	wrdreg $0xC0  }
0xab: {  	_ =	task [dreg:s6], $0x5FFFF  }
0xac: {  	[dreg:$0x1] =	wrdreg $0xFFFFFFFF  }
0xad: {  	[dreg:$0x0] =	wrdreg $0x60  }
0xae: {  	[dreg:$0x2] =	wrdreg s24  }
0xaf: {  	[dreg:$0x3] =	wrdreg $0x9  }
0xb0: {  	_ =	task.clear_ibuf [dreg:s6], $0x4FFFF;
	_ =	strace $0x90000046  }
0xb1: {  	s29 =	simm.s32 $0x9;
	_ =	strace $0x80000048  }
0xb2: {  	_ =	swait.ge [sflag:s29], $0x1  }
0xb3: {  	[sflag:s29] =	ssyncadd.s32 $0xFFFFFFFF  }
0xb4: {  	_ =	strace $0x90000048  }
0xb5: {  	_ =	sfence  }
0xb6: {  	s30 =	sld [smem:$0x0];
	_ =	sdelay $0x2  }
0xb7: {  	s31 =	sshll.u32 s1, $0xD;
	s1 =	sshrl.u32 s1, $0x2  }
0xb8: {  	s3 =	sand.u32 $0x4000, s31;
	s1 =	sadd.s32 s1, s30  }
0xb9: {  	s0 =	sor.u32 s3, s0;
	s1 =	sshll.u32 s1, $0x11  }
0xba: {  	s0 =	sor.u32 s1, s0  }
0xbb: {  	s0 =	sadd.s32 $0x8F2B, s0  }
0xbc: {  	[sflag:s0] =	ssyncadd.remote.s32 $0x1  }
0xbd: {  	_ =	sfence.sel $0xFFFF  }
0xbe: {  	[dreg:$0x0] =	wrdreg $0xFFFFFFFF;
	(pc) =	sbr.abs _section_cstart, $3  }
0xbf: {  	[dreg:$0x1] =	wrdreg $0xFFFFFFFF  }
0xc0: {  	_ =	task.clear_ibuf [dreg:s6], $0x2FFFF;
	_ =	strace $0x9FFFFFFF  }
0xc1: {  	(tm) =	ssettm $0x7FFFFFFF  }
tec
execute0_lowered:
.L_overlay_start_1:
0x0: {  	(tag) =	ssettag $0x1  }
0x1: {  	s6 =	rddreg [dreg:$0x0]  }
0x2: {  	s1 =	srdreg.scid;
	s0 =	rddreg [dreg:$0x1]  }
0x3: {  	s2 =	simm.s32 $0x0;
	s12 =	simm.s32 $0x1;
	s13 =	simm.s32 $0xA100  }
0x4: {  	s14 =	simm.s32 $0xA380;
	s15 =	simm.s32 $0xA600;
	s3 =	sand.u32 $0x1, s1  }
0x5: {  	s16 =	simm.s32 $0xA880;
	s1 =	stileid.u32;
	s4 =	sshll.u32 s3, $0x4  }
0x6: {  	s17 =	simm.s32 $0x0;
	[smem:$0x7FF] =	sst s2;
	s4 =	sor.u32 s1, s4  }
0x7: {  	s5 =	sadd.s32 $0x6200, s6;
	s8 =	ssub.s32 $0x2, s3;
	s7 =	smul.u32 $0x13C4, s4  }
0x8: {  	_ =	strace $0x80000047;
	s9 =	sshrl.u32 s8, $0x1;
	s4 =	smul.u32 $0x2800, s4  }
0x9: {  	v1 =	vlaneseq.u32;
	s3 =	sadd.s32 $0x2E200, s6;
	s11 =	ssub.s32 s8, s9;
	s10 =	sadd.s32 s7, s6  }
0xa: {  	v0 =	vimm.f32 $0.0e+00;
	v3 =	vand.u32 $0x3, v1;
	s6 =	sadd.s32 $0x50000, s4;
	s7 =	sadd.s32 $0xA0000, s4;
	s8 =	sadd.s32 $0xF0000, s4  }
0xb: {  	v1 =	vshrl.u32 v1, $0x2;
	v2 =	vmul.u32 $0x280, v3;
	v3 =	vmul.u32 $0x2788, v3;
	s9 =	sadd.s32 $0x38200, s10;
	s10 =	smax.u32 s11, $0x1;
	s11 =	simm.s32 $0x9E80  }
.LBB2_1:
0xc: {  	s18 =	simm.s32 $0x40;
	s19 =	simm.s32 $0x0  }
.LBB2_2:
0xd: {  	p0 =	sne.s32 s18, $0x27840;
	[tilespmem:s19+$0x0] =	vst v0;
	s19 =	smov.u32 s18;
	s18 =	sadd.s32 $0x40, s18  }
.Ltmp0:
0xe: {  	(pc) =	sbr.rel @p0 .LBB2_2-.Ltmp0, $2  }
0xf: {  	_ =	sdelay $0x2  }
0x10: {  	s19 =	sshra.s32 s19, $0x2  }
0x11: {  	[tilespmem:s19+$0x0] =	vst v0;
	s18 =	simm.s32 $0x0;
	s19 =	simm.s32 $0x0  }
.LBB2_4:
0x12: {  	s20 =	smul.u32 $0x280, s19;
	_ =	sdelay $0x1  }
0x13: {  	s21 =	sadd.s32 s4, s20  }
0x14: {  	s21 =	sshrl.u32 s21, $0x3  }
0x15: {  	s22 =	sadd.s32 s3, s21  }
0x16: {  	[tilespmem:s11], [sflag:$0x1] =	stream.linear.gather [hbm4b:s22+s18], $0x280, $0x38;
	[tilespmem:$0xAB00] =	vst v63  }
0x17: {  	_ =	swait.ge [sflag:s12], $0x280  }
0x18: {  	[sflag:s12] =	ssyncset.done $0x0  }
0x19: {  	s21 =	sadd.s32 s5, s21;
	[sflag:s12] =	ssyncadd.s32 $0xFFFFFD80  }
0x1a: {  	[tilespmem:s13], [sflag:$0x1] =	stream.linear.gather [hbm4b:s21+s18], $0x280, $0x38;
	[tilespmem:$0xAB00] =	vst v63  }
0x1b: {  	s30 =	sadd.s32 s20, s6;
	_ =	swait.ge [sflag:s12], $0x280  }
0x1c: {  	s21 =	sshrl.u32 s30, $0x3;
	[sflag:s12] =	ssyncset.done $0x0  }
0x1d: {  	s21 =	sadd.s32 s5, s21;
	[sflag:s12] =	ssyncadd.s32 $0xFFFFFD80  }
0x1e: {  	[tilespmem:s14], [sflag:$0x1] =	stream.linear.gather [hbm4b:s21+s18], $0x280, $0x38;
	[tilespmem:$0xAB00] =	vst v63  }
0x1f: {  	s31 =	sadd.s32 s20, s7;
	_ =	swait.ge [sflag:s12], $0x280  }
0x20: {  	s21 =	sshrl.u32 s31, $0x3;
	[sflag:s12] =	ssyncset.done $0x0  }
0x21: {  	s21 =	sadd.s32 s5, s21;
	[sflag:s12] =	ssyncadd.s32 $0xFFFFFD80  }
0x22: {  	[tilespmem:s15], [sflag:$0x1] =	stream.linear.gather [hbm4b:s21+s18], $0x280, $0x38;
	[tilespmem:$0xAB00] =	vst v63  }
0x23: {  	s20 =	sadd.s32 s20, s8;
	_ =	swait.ge [sflag:s12], $0x280  }
0x24: {  	s20 =	sshrl.u32 s20, $0x3;
	[sflag:s12] =	ssyncset.done $0x0  }
0x25: {  	v4 =	vor.u32 s18, v1;
	s20 =	sadd.s32 s5, s20;
	[sflag:s12] =	ssyncadd.s32 $0xFFFFFD80  }
0x26: {  	[tilespmem:s16], [sflag:$0x1] =	stream.linear.gather [hbm4b:s20+s18], $0x280, $0x38;
	[tilespmem:$0xAB00] =	vst v63  }
0x27: {  	_ =	swait.ge [sflag:s12], $0x280  }
0x28: {  	v5 =	vadd.s32 s18, v2;
	[sflag:s12] =	ssyncset.done $0x0  }
0x29: {  	v5 =	vand.u32 $0xF80, v5;
	v6 =	vand.u32 $0x7F, v4;
	[sflag:s12] =	ssyncadd.s32 $0xFFFFFD80  }
0x2a: {  	v7 =	vld.idx.msk [tilespmem:v4+s11+$0x0], $0xffff;
	v4 =	vor.u32 v6, v5;
	_ =	sdelay $0x4  }
0x2b: {  	s20 =	simm.s32 $0x4;
	v4 =	vld.idx.msk [tilespmem:v4+s13+$0x0], $0xffff;
	v6 =	vadd.s32 v3, v7  }
0x2c: {  	s21 =	simm.s32 $0x8;
	v5 =	vor.u32 s20, v1  }
.LBB2_5:
0x2d: {  	p0 =	sne.s32 s21, $0x27C;
	_ =	sdelay $0x1  }
0x2e: {  	v7 =	vadd.s32 s20, v2;
	s20 =	smov.u32 s21  }
0x2f: {  	v8 =	vand.u32 $0x7F, v5;
	v7 =	vand.u32 $0xF80, v7;
	[tilespmem:v6+s2+$0x0] =	vst.idx.add.f32.msk $0xffff, v4  }
0x30: {  	v4 =	vor.u32 v8, v7;
	v5 =	vld.idx.msk [tilespmem:v5+s11+$0x0], $0xffff;
	_ =	sdelay $0x2  }
.Ltmp1:
0x31: {  	(pc) =	sbr.rel @p0 .LBB2_5-.Ltmp1, $4  }
0x32: {  	_ = 	snop  }
0x33: {  	v4 =	vld.idx.msk [tilespmem:v4+s13+$0x0], $0xffff  }
0x34: {  	v6 =	vadd.s32 v3, v5  }
0x35: {  	s21 =	sadd.s32 $0x4, s21;
	v5 =	vor.u32 s20, v1  }
0x36: {  	_ =	sdelay $0x2  }
0x37: {  	v7 =	vadd.s32 s20, v2  }
0x38: {  	v8 =	vand.u32 $0x7F, v5;
	v7 =	vand.u32 $0xF80, v7;
	[tilespmem:v6+s2+$0x0] =	vst.idx.add.f32.msk $0xffff, v4  }
0x39: {  	v4 =	vld.idx.msk [tilespmem:v5+s11+$0x0], $0xffff;
	v5 =	vor.u32 v8, v7;
	_ =	sdelay $0x3  }
0x3a: {  	s19 =	sadd.s32 $0x1, s19  }
0x3b: {  	p0 =	sne.s32 s19, $0x10;
	v5 =	vld.idx.msk [tilespmem:v5+s13+$0x0], $0xffff;
	v4 =	vadd.s32 v3, v4  }
.Ltmp2:
0x3c: {  	_ = 	snop;
	(pc) =	sbr.rel @p0 .LBB2_4-.Ltmp2, $2  }
0x3d: {  	_ =	sdelay $0x2  }
0x3e: {  	[tilespmem:v4+s2+$0x0] =	vst.idx.add.f32.msk $0xffff, v5  }
0x3f: {  	s17 =	sadd.s32 $0x1, s17  }
0x40: {  	p0 =	sne.s32 s17, s10  }
.Ltmp3:
0x41: {  	_ = 	snop;
	(pc) =	sbr.rel @p0 .LBB2_1-.Ltmp3, $4  }
0x42: {  	[hbm4b:s9+s2] =	stream.linear.scatter [tilespmem:s2], [sflag:$0x1], $0x9E20, $0x38;
	[tilespmem:$0xAB00] =	vst v63  }
0x43: {  	_ =	swait.ge [sflag:s12], $0x9E20  }
0x44: {  	[sflag:s12] =	ssyncset.done $0x0  }
0x45: {  	[sflag:s12] =	ssyncadd.s32 $0xFFFF61E0  }
0x46: {  	_ =	sfence.sel $0x180000  }
0x47: {  	[bflag:$0x0] =	sbarrier.arrive $0xFFFF  }
0x48: {  	p0 =	sne.s32 s1, $0x0;
	_ =	strace $0x90000047  }
0x49: {  	s0 =	sadd.s32 @!p0 $0x100000, s0;
	[bflag:$0x2] =	sbarrier.arrive $0xFFFF  }
0x4a: {  	[sflag:s0] =	ssyncadd.tile.s32 @!p0 $0x1;
	_ =	shalt  }
.Lfunc_end2:
_tile_overlayer_lowered:
.L_overlay_start_2:
0x4b: {  	(tag) =	ssettag $0x2  }
0x4c: {  	s0 =	rddreg [dreg:$0x0];
	s2 =	stileid.u32  }
0x4d: {  	s1 =	rddreg [dreg:$0x1];
	p0 =	sne.s32 s2, $0x0  }
0x4e: {  	s3 =	rddreg [dreg:$0x2];
	[bflag:$0x3] =	sbarrier.arrive $0xFFFF;
	s2 =	simm.s32 @!p0 $0x1C01  }
0x4f: {  	[timem:s3], [sflag:s2] =	dma.local @!p0 [hbm:s0], s1  }
0x50: {  	s0 =	simm.s32 @!p0 $0x1  }
0x51: {  	_ =	swait.ge @!p0 [sflag:s0], s1  }
0x52: {  	s1 =	ssub.s32 @!p0 $0x0, s1;
	[sflag:s0] =	ssyncset.done @!p0 $0x0  }
0x53: {  	[sflag:s0] =	ssyncadd.s32 @!p0 s1  }
0x54: {  	[bflag:$0x3] =	sbarrier.arrive $0xFFFF  }
0x55: {  	_ =	shalt  }

// kernel: kernel.16.cloned.1.call-start
scs
__scs_entry_jumppad:
0x0: {  	(pc) =	sbr.rel $0x88, $3  }
0x1: {  	(tag) =	ssettag $0x0;
	lr =	simm.s32 $0x1  }
0x2: {  	[smem:$0x3F95] =	sst lr;
	_ =	strace $0xD0000000  }
0x3: {  	_ = 	snop  }
0x4: {  	_ = 	snop  }
0x5: {  	_ = 	snop  }
0x6: {  	_ = 	snop  }
0x7: {  	_ = 	snop  }
__scs_overlays_trampoline_lowered:
0x8: {  	[smem:$0x3FA4] =	sst s0  }
0x9: {  	[smem:$0x3FA5] =	sst s1  }
0xa: {  	[smem:$0x3FA6] =	sst s2  }
0xb: {  	[smem:$0x3FA7] =	sst s3  }
0xc: {  	[smem:$0x3FA8] =	sst s4  }
0xd: {  	[smem:$0x3FA9] =	sst s5  }
0xe: {  	[smem:$0x3FAA] =	sst s6  }
0xf: {  	[smem:$0x3FAB] =	sst s7  }
0x10: {  	[smem:$0x3FAC] =	sst s8  }
0x11: {  	[smem:$0x3FAD] =	sst s9;
	s0 =	simm.s32 @!p0 $0x0  }
0x12: {  	s1 =	sld [smem:$0x3F93];
	s0 =	simm.s32 @p0 $0x1  }
0x13: {  	[smem:$0x3FAE] =	sst s0;
	s0 =	simm.s32 @!p1 $0x0  }
0x14: {  	s2 =	sld [smem:$0x3F92];
	s0 =	simm.s32 @p1 $0x1  }
0x15: {  	[smem:$0x3FAF] =	sst s0;
	s0 =	simm.s32 @!p2 $0x0  }
0x16: {  	s3 =	sld [smem:$0x3FDB];
	s0 =	simm.s32 @p2 $0x1  }
0x17: {  	s4 =	simm.s32 $0x1BF5;
	[smem:$0x3FB1] =	sst s0  }
0x18: {  	s0 =	sld [smem:$0x3F94];
	_ =	swait.ge [sflag:s4], $0x0  }
0x19: {  	s7 =	sld [smem:$0x3F95]  }
0x1a: {  	s8 =	sadd.s32 $0xFFFFE003, lr  }
0x1b: {  	s9 =	sadd.s32 $0xFFFFFEF7, lr;
	s5 =	simm.s32 $0xFFFFFFFF;
	p2 =	slt.u32 s8, $0xFFFFF086  }
0x1c: {  	p1 =	slt.u32 s9, $0xF7A;
	s5 =	simm.s32 @!p2 $0x0  }
0x1d: {  	s5 =	simm.s32 @p1 $0x1;
	p0 =	seq.s32 s7, s2  }
0x1e: {  	s7 =	smul.u32 @!p0 $0xF7A, s2;
	p2 =	seq.s32 @!p0 s5, $0x0  }
0x1f: {  	s9 =	smul.u32 $0xF7A, s1;
	s8 =	simm.s32 @!p0 $0x1BF5;
	p2 =	por !p2, p0  }
0x20: {  	[sflag:s8] =	ssyncset.s32 @!p0 $0xFFFFF086;
	s6 =	sadd.s32 @!p0 s3, s7;
	s7 =	simm.s32 @!p0 $0x108  }
0x21: {  	s3 =	sadd.s32 s3, s9;
	s6 =	sadd.s32 @!p0 $0x88, s6;
	s7 =	simm.s32 @p2 $0x1082  }
0x22: {  	[simem:s7], [sflag:s8] =	dma.local @!p0 [hbm:s6], $0xF7A  }
0x23: {  	s9 =	sor.u32 $0xD0000000, s2;
	s6 =	simm.s32 $0x108;
	_ =	swait.ge @!p0 [sflag:s8], $0x0  }
0x24: {  	s3 =	sadd.s32 $0x88, s3;
	s6 =	simm.s32 @!p1 $0x1082;
	[sflag:s4] =	ssyncset.s32 $0xFFFFF086  }
0x25: {  	[simem:s6], [sflag:s4] =	dma.local [hbm:s3], $0xF7A  }
0x26: {  	[smem:$0x3F95] =	sst s1;
	(tag) =	ssettag s2;
	_ =	strace s9  }
0x27: {  	s1 =	sld [smem:$0x3FA5]  }
0x28: {  	s2 =	sld [smem:$0x3FA6]  }
0x29: {  	s4 =	sld [smem:$0x3FA8]  }
0x2a: {  	p0 =	seq.s32 s5, $0x0;
	s5 =	sld [smem:$0x3FA9]  }
0x2b: {  	s6 =	sld [smem:$0x3FAA]  }
0x2c: {  	s7 =	sld [smem:$0x3FAB]  }
0x2d: {  	s3 =	simm.s32 $0x108;
	s8 =	sld [smem:$0x3FAC]  }
0x2e: {  	s3 =	simm.s32 @!p0 $0x1082;
	s9 =	sld [smem:$0x3FAD]  }
0x2f: {  	lr =	sadd.s32 s0, s3;
	s0 =	sld [smem:$0x3FA4]  }
0x30: {  	s3 =	sld [smem:$0x3FA7]  }
0x31: {  	[smem:$0x3FB0] =	sst s10  }
0x32: {  	s10 =	sld [smem:$0x3FAE];
	_ =	sdelay $0x3  }
0x33: {  	p0 =	seq.s32 s10, $0x1;
	s10 =	sld [smem:$0x3FB0];
	_ =	sdelay $0x3  }
0x34: {  	[smem:$0x3FB0] =	sst s10  }
0x35: {  	s10 =	sld [smem:$0x3FAF];
	_ =	sdelay $0x3  }
0x36: {  	p1 =	seq.s32 s10, $0x1;
	s10 =	sld [smem:$0x3FB0];
	_ =	sdelay $0x3  }
0x37: {  	[smem:$0x3FB0] =	sst s10  }
0x38: {  	s10 =	sld [smem:$0x3FB1]  }
0x39: {  	_ = 	snop;
	(pc) =	sbr.ind lr, $3  }
0x3a: {  	_ = 	snop  }
0x3b: {  	_ = 	snop  }
0x3c: {  	p2 =	seq.s32 s10, $0x1;
	s10 =	sld [smem:$0x3FB0]  }
0x3d: {  	_ =	shalt  }
0x3e: {  	_ =	shalt  }
0x3f: {  	_ =	shalt  }
0x40: {  	_ =	shalt  }
0x41: {  	_ =	shalt  }
0x42: {  	_ =	shalt  }
0x43: {  	_ =	shalt  }
0x44: {  	_ =	shalt  }
0x45: {  	_ =	shalt  }
0x46: {  	_ =	shalt  }
0x47: {  	_ =	shalt  }
0x48: {  	_ =	shalt  }
0x49: {  	_ =	shalt  }
0x4a: {  	_ =	shalt  }
0x4b: {  	_ =	shalt  }
0x4c: {  	_ =	shalt  }
0x4d: {  	_ =	shalt  }
0x4e: {  	_ =	shalt  }
0x4f: {  	_ =	shalt  }
0x50: {  	_ =	shalt  }
0x51: {  	_ =	shalt  }
0x52: {  	_ =	shalt  }
0x53: {  	_ =	shalt  }
0x54: {  	_ =	shalt  }
0x55: {  	_ =	shalt  }
0x56: {  	_ =	shalt  }
0x57: {  	_ =	shalt  }
0x58: {  	_ =	shalt  }
0x59: {  	_ =	shalt  }
0x5a: {  	_ =	shalt  }
0x5b: {  	_ =	shalt  }
0x5c: {  	_ =	shalt  }
0x5d: {  	_ =	shalt  }
0x5e: {  	_ =	shalt  }
0x5f: {  	_ =	shalt  }
0x60: {  	_ =	shalt  }
0x61: {  	_ =	shalt  }
0x62: {  	_ =	shalt  }
0x63: {  	_ =	shalt  }
0x64: {  	_ =	shalt  }
0x65: {  	_ =	shalt  }
0x66: {  	_ =	shalt  }
0x67: {  	_ =	shalt  }
0x68: {  	_ =	shalt  }
0x69: {  	_ =	shalt  }
0x6a: {  	_ =	shalt  }
0x6b: {  	_ =	shalt  }
0x6c: {  	_ =	shalt  }
0x6d: {  	_ =	shalt  }
0x6e: {  	_ =	shalt  }
0x6f: {  	_ =	shalt  }
0x70: {  	_ =	shalt  }
0x71: {  	_ =	shalt  }
0x72: {  	_ =	shalt  }
0x73: {  	_ =	shalt  }
0x74: {  	_ =	shalt  }
0x75: {  	_ =	shalt  }
0x76: {  	_ =	shalt  }
0x77: {  	_ =	shalt  }
0x78: {  	_ =	shalt  }
0x79: {  	_ =	shalt  }
0x7a: {  	_ =	shalt  }
0x7b: {  	_ =	shalt  }
0x7c: {  	_ =	shalt  }
0x7d: {  	_ =	shalt  }
0x7e: {  	_ =	shalt  }
0x7f: {  	_ =	shalt  }
0x80: {  	_ =	shalt  }
0x81: {  	_ =	shalt  }
0x82: {  	_ =	shalt  }
0x83: {  	_ =	shalt  }
0x84: {  	_ =	shalt  }
0x85: {  	_ =	shalt  }
0x86: {  	_ =	shalt  }
0x87: {  	_ =	shalt  }
.Lfunc_end0:
.L_simem_size_0:
called_computation.1_lowered:
.L_overlay_start_0:
0x88: {  	s2 =	sld [smem:$0x3FD9]  }
0x89: {  	s3 =	sld [smem:$0x3FFE];
	_ =	sdelay $0x1  }
0x8a: {  	s1 =	srdreg.scid  }
0x8b: {  	s0 =	sand.u32 $0x1, s1  }
0x8c: {  	s16 =	sshll.u32 s0, $0xA;
	s2 =	sadd.s32 s3, s2  }
0x8d: {  	s2 =	sadd.s32 s2, s16  }
0x8e: {  	[smem:$0x3FBC] =	sst s2  }
0x8f: {  	_ = 	snop  }
0x90: {  	(tm) =	ssettm $0x1  }
0x91: {  	s17 =	sld [smem:$0x3FFB];
	_ =	sdelay $0x3  }
0x92: {  	_ =	strace s17  }
0x93: {  	s2 =	sld [smem:$0x3FFC];
	_ =	sdelay $0x3  }
0x94: {  	_ =	strace s2  }
0x95: {  	s2 =	sld [smem:$0x3FFD];
	_ =	sdelay $0x3  }
0x96: {  	_ =	strace s2  }
0x97: {  	_ =	strace $0x8FFFFFFF  }
0x98: {  	s18 =	sld [smem:$0x3FDB];
	_ =	sdelay $0x1  }
0x99: {  	s19 =	simm.s32 $_scs_section_size  }
0x9a: {  	s4 =	simm.s32 $_size__tile_overlayer_lowered;
	s5 =	simm.s32 $_tile_overlayer_lowered  }
0x9b: {  	s22 =	simm.s32 $0x1BFF;
	s21 =	sshll.u32 s5, $0x1;
	s2 =	sadd.s32 s19, s18  }
0x9c: {  	s6 =	simm.s32 $0x0;
	s20 =	sshll.u32 s4, $0x1;
	s4 =	sadd.s32 s21, s2  }
0x9d: {  	[timem:s6], [sflag:s22] =	dma.local [hbm:s4], s20  }
0x9e: {  	_ =	swait.ge [sflag:s22], s20  }
0x9f: {  	s3 =	ssub.s32 $0x0, s20;
	[sflag:s22] =	ssyncset.done $0x0  }
0xa0: {  	[sflag:s22] =	ssyncadd.s32 s3;
	_ =	sdelay $0x1  }
0xa1: {  	s23 =	simm.s32 $0x1B8B  }
0xa2: {  	_ =	swait.ge [sflag:s23], $0x1  }
0xa3: {  	[sflag:s23] =	ssyncset.done $0x0  }
0xa4: {  	s25 =	simm.s32 $0x1B8E;
	s24 =	sld [smem:$0x3FFE];
	[sflag:s23] =	ssyncadd.s32 $0xFFFFFFFF  }
0xa5: {  	s26 =	simm.s32 $execute0_lowered;
	[smem:$0x3FD2] =	sst s25  }
0xa6: {  	s4 =	sshll.u32 s26, $0x1;
	_ =	strace $0x80000049;
	[dreg:$0x1] =	wrdreg $0xFFFFFFFF  }
0xa7: {  	s28 =	simm.s32 $_size_execute0_lowered;
	s2 =	sadd.s32 s2, s4;
	[dreg:$0x0] =	wrdreg $0x0  }
0xa8: {  	s4 =	sshll.u32 s28, $0x1;
	[dreg:$0x2] =	wrdreg s2  }
0xa9: {  	[dreg:$0x3] =	wrdreg s4  }
0xaa: {  	[dreg:$0x4] =	wrdreg $0xC0  }
0xab: {  	_ =	task [dreg:s6], $0x5FFFF  }
0xac: {  	[dreg:$0x1] =	wrdreg $0xFFFFFFFF  }
0xad: {  	[dreg:$0x0] =	wrdreg $0x60  }
0xae: {  	[dreg:$0x2] =	wrdreg s24  }
0xaf: {  	[dreg:$0x3] =	wrdreg $0x9  }
0xb0: {  	_ =	task.clear_ibuf [dreg:s6], $0x4FFFF;
	_ =	strace $0x90000049  }
0xb1: {  	s29 =	simm.s32 $0x9;
	_ =	strace $0x8000004B  }
0xb2: {  	_ =	swait.ge [sflag:s29], $0x1  }
0xb3: {  	[sflag:s29] =	ssyncadd.s32 $0xFFFFFFFF  }
0xb4: {  	_ =	strace $0x9000004B  }
0xb5: {  	_ =	sfence  }
0xb6: {  	s30 =	sld [smem:$0x0];
	_ =	sdelay $0x2  }
0xb7: {  	s31 =	sshll.u32 s1, $0xD;
	s1 =	sshrl.u32 s1, $0x2  }
0xb8: {  	s3 =	sand.u32 $0x4000, s31;
	s1 =	sadd.s32 s1, s30  }
0xb9: {  	s0 =	sor.u32 s3, s0;
	s1 =	sshll.u32 s1, $0x11  }
0xba: {  	s0 =	sor.u32 s1, s0  }
0xbb: {  	s0 =	sadd.s32 $0x8F2B, s0  }
0xbc: {  	[sflag:s0] =	ssyncadd.remote.s32 $0x1  }
0xbd: {  	_ =	sfence.sel $0xFFFF  }
0xbe: {  	[dreg:$0x0] =	wrdreg $0xFFFFFFFF;
	(pc) =	sbr.abs _section_cstart, $3  }
0xbf: {  	[dreg:$0x1] =	wrdreg $0xFFFFFFFF  }
0xc0: {  	_ =	task.clear_ibuf [dreg:s6], $0x2FFFF;
	_ =	strace $0x9FFFFFFF  }
0xc1: {  	(tm) =	ssettm $0x7FFFFFFF  }
tec
execute0_lowered:
.L_overlay_start_1:
0x0: {  	(tag) =	ssettag $0x1  }
0x1: {  	s0 =	rddreg [dreg:$0x0]  }
0x2: {  	s1 =	srdreg.scid;
	s2 =	simm.s32 $0x0;
	s23 =	simm.s32 $0x1  }
0x3: {  	s24 =	simm.s32 $0x13D00;
	s25 =	simm.s32 $0x16500;
	s26 =	simm.s32 $0x16900  }
0x4: {  	s28 =	simm.s32 $0x16D00;
	s29 =	simm.s32 $0x0;
	s7 =	sand.u32 $0x1, s1  }
0x5: {  	[smem:$0x7FF] =	sst s2;
	s1 =	stileid.u32;
	s17 =	sadd.s32 $0x5FC00, s0  }
0x6: {  	s4 =	sadd.s32 $0xFDE00, s0;
	s5 =	sadd.s32 $0x6200, s0;
	s6 =	sadd.s32 $0x38200, s0  }
0x7: {  	s20 =	sadd.s32 $0x107E00, s0;
	s11 =	sadd.s32 $0x10200, s0;
	s3 =	sshll.u32 s7, $0x4  }
0x8: {  	s14 =	sadd.s32 $0x38BE2, s0;
	s15 =	sadd.s32 $0x1A200, s0;
	s8 =	sor.u32 s1, s3  }
0x9: {  	s19 =	sadd.s32 $0x24200, s0;
	s7 =	ssub.s32 $0x2, s7;
	s9 =	smul.u32 $0x9E20, s8  }
0xa: {  	_ =	strace $0x8000004A;
	s10 =	sshrl.u32 s7, $0x1;
	s8 =	smul.u32 $0x13C4, s8  }
0xb: {  	s3 =	sadd.s32 $0x2E200, s0;
	s21 =	ssub.s32 s7, s10;
	s10 =	sadd.s32 $0x386F1, s0  }
0xc: {  	s21 =	smax.u32 s21, $0x1;
	s18 =	sshrl.u32 s9, $0x3;
	s7 =	sadd.s32 s17, s8  }
0xd: {  	s8 =	sadd.s32 s20, s8;
	s12 =	sadd.s32 $0x27880, s18;
	s16 =	sadd.s32 $0x4F100, s18  }
0xe: {  	v1 =	vlaneseq.u32;
	s22 =	sadd.s32 $0x76980, s18;
	s18 =	sadd.s32 $0x390D3, s0;
	s9 =	sadd.s32 s17, s12  }
0xf: {  	v2 =	vand.u32 $0x3, v1;
	s12 =	sadd.s32 s20, s12;
	s13 =	sadd.s32 s17, s16;
	s16 =	sadd.s32 s20, s16  }
0x10: {  	v0 =	vimm.f32 $0.0e+00;
	v1 =	vshrl.u32 v1, $0x2;
	v2 =	vmul.u32 $0x2788, v2;
	s17 =	sadd.s32 s17, s22;
	s20 =	sadd.s32 s20, s22;
	s22 =	simm.s32 $0x9E80  }
.LBB2_1:
0x11: {  	[tilespmem:s22], [sflag:$0x1] =	stream.linear.gather [hbm4b:s7+s2], $0x9E20, $0x38;
	[tilespmem:$0x17100] =	vst v63  }
0x12: {  	_ =	swait.ge [sflag:s23], $0x9E20  }
0x13: {  	[sflag:s23] =	ssyncset.done $0x0  }
0x14: {  	[sflag:s23] =	ssyncadd.s32 $0xFFFF61E0  }
0x15: {  	[tilespmem:s24], [sflag:$0x1] =	stream.linear.gather [hbm4b:s6+s2], $0x2788, $0x38;
	[tilespmem:$0x17100] =	vst v63  }
0x16: {  	_ =	swait.ge [sflag:s23], $0x2788  }
0x17: {  	[sflag:s23] =	ssyncset.done $0x0  }
0x18: {  	s0 =	simm.s32 $0x0;
	[sflag:s23] =	ssyncadd.s32 $0xFFFFD878  }
.LBB2_2:
0x19: {  	p0 =	sne.s32 s0, $0x27840  }
.Ltmp0:
0x1a: {  	_ = 	snop;
	(pc) =	sbr.rel @p0 .LBB2_2-.Ltmp0, $3  }
0x1b: {  	_ =	sdelay $0x1  }
0x1c: {  	s30 =	sshra.s32 s0, $0x2  }
0x1d: {  	s0 =	sadd.s32 $0x40, s0;
	[tilespmem:s30+$0x0] =	vst v0  }
0x1e: {  	s30 =	simm.s32 $0x0  }
.LBB2_4:
0x1f: {  	s0 =	sshll.u32 s30, $0x7  }
0x20: {  	s31 =	sadd.s32 s3, s0  }
0x21: {  	[tilespmem:s25], [sflag:$0x1] =	stream.linear.gather [hbm4b:s31+s2], $0x400, $0x38;
	[tilespmem:$0x17100] =	vst v63  }
0x22: {  	_ =	swait.ge [sflag:s23], $0x400  }
0x23: {  	[sflag:s23] =	ssyncset.done $0x0  }
0x24: {  	s31 =	sadd.s32 s4, s0;
	[sflag:s23] =	ssyncadd.s32 $0xFFFFFC00  }
0x25: {  	[tilespmem:s26], [sflag:$0x1] =	stream.linear.gather [hbm4b:s31+s2], $0x400, $0x38;
	[tilespmem:$0x17100] =	vst v63  }
0x26: {  	_ =	swait.ge [sflag:s23], $0x400  }
0x27: {  	[sflag:s23] =	ssyncset.done $0x0  }
0x28: {  	s0 =	sadd.s32 s5, s0;
	[sflag:s23] =	ssyncadd.s32 $0xFFFFFC00  }
0x29: {  	[tilespmem:s28], [sflag:$0x1] =	stream.linear.gather [hbm4b:s0+s2], $0x400, $0x38;
	[tilespmem:$0x17100] =	vst v63  }
0x2a: {  	_ =	swait.ge [sflag:s23], $0x400  }
0x2b: {  	[sflag:s23] =	ssyncset.done $0x0  }
0x2c: {  	s31 =	simm.s32 $0x1C;
	[sflag:s23] =	ssyncadd.s32 $0xFFFFFC00  }
.LBB2_5:
0x2d: {  	s0 =	sadd.s32 $0xFFFFFFE4, s31  }
0x2e: {  	v3 =	vor.u32 s0, v1;
	_ =	sdelay $0x4  }
0x2f: {  	v4 =	vld.idx.msk [tilespmem:v3+s25+$0x0], $0xffff;
	_ =	sdelay $0x4  }
0x30: {  	v5 =	vadd.s32 v2, v4  }
0x31: {  	v6 =	vld.idx.msk [tilespmem:v3+s26+$0x0], $0xffff  }
0x32: {  	v3 =	vld.idx.msk [tilespmem:v3+s28+$0x0], $0xffff  }
0x33: {  	v4 =	vld.idx.msk [tilespmem:v4+s24+$0x0], $0xffff;
	_ =	sdelay $0x1  }
0x34: {  	v5 =	vld.idx.msk [tilespmem:v5+s22+$0x0], $0xffff;
	_ =	sdelay $0x1  }
0x35: {  	s0 =	sadd.s32 $0xFFFFFFE8, s31;
	v6 =	vadd.s32 v2, v6  }
0x36: {  	v50 =	vor.u32 s0, v1;
	v3 =	vmul.f32 v4, v3;
	_ =	sdelay $0x1  }
0x37: {  	v3 =	vmul.f32 v3, v5;
	_ =	sdelay $0x1  }
0x38: {  	[tilespmem:v6+s2+$0x0] =	vst.idx.add.f32.msk $0xffff, v3  }
0x39: {  	v3 =	vld.idx.msk [tilespmem:v50+s25+$0x0], $0xffff;
	_ =	sdelay $0x4  }
0x3a: {  	v51 =	vadd.s32 v2, v3  }
0x3b: {  	v6 =	vld.idx.msk [tilespmem:v50+s26+$0x0], $0xffff  }
0x3c: {  	v4 =	vld.idx.msk [tilespmem:v50+s28+$0x0], $0xffff  }
0x3d: {  	v3 =	vld.idx.msk [tilespmem:v3+s24+$0x0], $0xffff;
	_ =	sdelay $0x1  }
0x3e: {  	v5 =	vld.idx.msk [tilespmem:v51+s22+$0x0], $0xffff;
	_ =	sdelay $0x1  }
0x3f: {  	s0 =	sadd.s32 $0xFFFFFFEC, s31;
	v6 =	vadd.s32 v2, v6  }
0x40: {  	v52 =	vor.u32 s0, v1;
	v3 =	vmul.f32 v3, v4;
	_ =	sdelay $0x1  }
0x41: {  	v3 =	vmul.f32 v3, v5;
	_ =	sdelay $0x1  }
0x42: {  	[tilespmem:v6+s2+$0x0] =	vst.idx.add.f32.msk $0xffff, v3  }
0x43: {  	v3 =	vld.idx.msk [tilespmem:v52+s25+$0x0], $0xffff;
	_ =	sdelay $0x4  }
0x44: {  	v53 =	vadd.s32 v2, v3  }
0x45: {  	v6 =	vld.idx.msk [tilespmem:v52+s26+$0x0], $0xffff  }
0x46: {  	v4 =	vld.idx.msk [tilespmem:v52+s28+$0x0], $0xffff  }
0x47: {  	v3 =	vld.idx.msk [tilespmem:v3+s24+$0x0], $0xffff;
	_ =	sdelay $0x1  }
0x48: {  	v5 =	vld.idx.msk [tilespmem:v53+s22+$0x0], $0xffff;
	_ =	sdelay $0x1  }
0x49: {  	s0 =	sadd.s32 $0xFFFFFFF0, s31;
	v6 =	vadd.s32 v2, v6  }
0x4a: {  	v54 =	vor.u32 s0, v1;
	v3 =	vmul.f32 v3, v4;
	_ =	sdelay $0x1  }
0x4b: {  	v3 =	vmul.f32 v3, v5;
	_ =	sdelay $0x1  }
0x4c: {  	[tilespmem:v6+s2+$0x0] =	vst.idx.add.f32.msk $0xffff, v3  }
0x4d: {  	v3 =	vld.idx.msk [tilespmem:v54+s25+$0x0], $0xffff;
	_ =	sdelay $0x4  }
0x4e: {  	v55 =	vadd.s32 v2, v3  }
0x4f: {  	v6 =	vld.idx.msk [tilespmem:v54+s26+$0x0], $0xffff  }
0x50: {  	v4 =	vld.idx.msk [tilespmem:v54+s28+$0x0], $0xffff  }
0x51: {  	v3 =	vld.idx.msk [tilespmem:v3+s24+$0x0], $0xffff;
	_ =	sdelay $0x1  }
0x52: {  	v5 =	vld.idx.msk [tilespmem:v55+s22+$0x0], $0xffff;
	_ =	sdelay $0x1  }
0x53: {  	s0 =	sadd.s32 $0xFFFFFFF4, s31;
	v6 =	vadd.s32 v2, v6  }
0x54: {  	v56 =	vor.u32 s0, v1;
	v3 =	vmul.f32 v3, v4;
	_ =	sdelay $0x1  }
0x55: {  	v3 =	vmul.f32 v3, v5;
	_ =	sdelay $0x1  }
0x56: {  	[tilespmem:v6+s2+$0x0] =	vst.idx.add.f32.msk $0xffff, v3  }
0x57: {  	v3 =	vld.idx.msk [tilespmem:v56+s25+$0x0], $0xffff;
	_ =	sdelay $0x4  }
0x58: {  	v57 =	vadd.s32 v2, v3  }
0x59: {  	v6 =	vld.idx.msk [tilespmem:v56+s26+$0x0], $0xffff  }
0x5a: {  	v4 =	vld.idx.msk [tilespmem:v56+s28+$0x0], $0xffff  }
0x5b: {  	v3 =	vld.idx.msk [tilespmem:v3+s24+$0x0], $0xffff;
	_ =	sdelay $0x1  }
0x5c: {  	v5 =	vld.idx.msk [tilespmem:v57+s22+$0x0], $0xffff;
	_ =	sdelay $0x1  }
0x5d: {  	s0 =	sadd.s32 $0xFFFFFFF8, s31;
	v6 =	vadd.s32 v2, v6  }
0x5e: {  	v58 =	vor.u32 s0, v1;
	v3 =	vmul.f32 v3, v4;
	_ =	sdelay $0x1  }
0x5f: {  	v3 =	vmul.f32 v3, v5;
	_ =	sdelay $0x1  }
0x60: {  	[tilespmem:v6+s2+$0x0] =	vst.idx.add.f32.msk $0xffff, v3  }
0x61: {  	v3 =	vld.idx.msk [tilespmem:v58+s25+$0x0], $0xffff;
	_ =	sdelay $0x4  }
0x62: {  	v59 =	vadd.s32 v2, v3  }
0x63: {  	v6 =	vld.idx.msk [tilespmem:v58+s26+$0x0], $0xffff  }
0x64: {  	v4 =	vld.idx.msk [tilespmem:v58+s28+$0x0], $0xffff  }
0x65: {  	v3 =	vld.idx.msk [tilespmem:v3+s24+$0x0], $0xffff;
	_ =	sdelay $0x1  }
0x66: {  	v5 =	vld.idx.msk [tilespmem:v59+s22+$0x0], $0xffff;
	_ =	sdelay $0x1  }
0x67: {  	s0 =	sadd.s32 $0xFFFFFFFC, s31;
	v6 =	vadd.s32 v2, v6  }
0x68: {  	v60 =	vor.u32 s0, v1;
	v3 =	vmul.f32 v3, v4;
	_ =	sdelay $0x1  }
0x69: {  	v3 =	vmul.f32 v3, v5;
	_ =	sdelay $0x1  }
0x6a: {  	[tilespmem:v6+s2+$0x0] =	vst.idx.add.f32.msk $0xffff, v3  }
0x6b: {  	v3 =	vld.idx.msk [tilespmem:v60+s25+$0x0], $0xffff;
	_ =	sdelay $0x4  }
0x6c: {  	v61 =	vadd.s32 v2, v3  }
0x6d: {  	v6 =	vld.idx.msk [tilespmem:v60+s26+$0x0], $0xffff  }
0x6e: {  	v4 =	vld.idx.msk [tilespmem:v60+s28+$0x0], $0xffff  }
0x6f: {  	v3 =	vld.idx.msk [tilespmem:v3+s24+$0x0], $0xffff;
	_ =	sdelay $0x1  }
0x70: {  	v5 =	vld.idx.msk [tilespmem:v61+s22+$0x0], $0xffff;
	_ =	sdelay $0x1  }
0x71: {  	v6 =	vadd.s32 v2, v6  }
0x72: {  	v62 =	vor.u32 s31, v1;
	v3 =	vmul.f32 v3, v4;
	_ =	sdelay $0x1  }
0x73: {  	v3 =	vmul.f32 v3, v5;
	_ =	sdelay $0x1  }
0x74: {  	[tilespmem:v6+s2+$0x0] =	vst.idx.add.f32.msk $0xffff, v3  }
0x75: {  	v3 =	vld.idx.msk [tilespmem:v62+s25+$0x0], $0xffff;
	_ =	sdelay $0x4  }
0x76: {  	v63 =	vadd.s32 v2, v3  }
0x77: {  	v6 =	vld.idx.msk [tilespmem:v62+s26+$0x0], $0xffff  }
0x78: {  	v4 =	vld.idx.msk [tilespmem:v62+s28+$0x0], $0xffff  }
0x79: {  	v3 =	vld.idx.msk [tilespmem:v3+s24+$0x0], $0xffff;
	_ =	sdelay $0x1  }
0x7a: {  	v5 =	vld.idx.msk [tilespmem:v63+s22+$0x0], $0xffff;
	_ =	sdelay $0x1  }
0x7b: {  	p0 =	sne.s32 s31, $0x3FC;
	v6 =	vadd.s32 v2, v6  }
.Ltmp1:
0x7c: {  	v3 =	vmul.f32 v3, v4;
	(pc) =	sbr.rel @p0 .LBB2_5-.Ltmp1, $3  }
0x7d: {  	_ = 	snop  }
0x7e: {  	v3 =	vmul.f32 v3, v5;
	_ =	sdelay $0x1  }
0x7f: {  	s31 =	sadd.s32 $0x20, s31;
	[tilespmem:v6+s2+$0x0] =	vst.idx.add.f32.msk $0xffff, v3  }
0x80: {  	s30 =	sadd.s32 $0x1, s30  }
0x81: {  	p0 =	sne.s32 s30, $0x140  }
.Ltmp2:
0x82: {  	_ = 	snop;
	(pc) =	sbr.rel @p0 .LBB2_4-.Ltmp2, $1  }
0x83: {  	_ =	sdelay $0x3  }
0x84: {  	s30 =	simm.s32 $0x0  }
0x85: {  	[hbm4b:s8+s30] =	stream.linear.scatter [tilespmem:s30], [sflag:$0x1], $0x9E20, $0x38;
	[tilespmem:$0x17100] =	vst v63  }
0x86: {  	_ =	swait.ge [sflag:s23], $0x9E20  }
0x87: {  	[sflag:s23] =	ssyncset.done $0x0  }
0x88: {  	[sflag:s23] =	ssyncadd.s32 $0xFFFF61E0  }
0x89: {  	[tilespmem:s22], [sflag:$0x1] =	stream.linear.gather [hbm4b:s9+s30], $0x9E20, $0x38;
	[tilespmem:$0x17100] =	vst v63  }
0x8a: {  	_ =	swait.ge [sflag:s23], $0x9E20  }
0x8b: {  	[sflag:s23] =	ssyncset.done $0x0  }
0x8c: {  	[sflag:s23] =	ssyncadd.s32 $0xFFFF61E0  }
0x8d: {  	[tilespmem:s24], [sflag:$0x1] =	stream.linear.gather [hbm4b:s10+s30], $0x2788, $0x38;
	[tilespmem:$0x17100] =	vst v63  }
0x8e: {  	_ =	swait.ge [sflag:s23], $0x2788  }
0x8f: {  	[sflag:s23] =	ssyncset.done $0x0  }
0x90: {  	s31 =	simm.s32 $0x40;
	s0 =	simm.s32 $0x0;
	[sflag:s23] =	ssyncadd.s32 $0xFFFFD878  }
.LBB2_8:
0x91: {  	p0 =	sne.s32 s31, $0x27840;
	[tilespmem:s0+$0x0] =	vst v0;
	s0 =	smov.u32 s31;
	s31 =	sadd.s32 $0x40, s31  }
.Ltmp3:
0x92: {  	(pc) =	sbr.rel @p0 .LBB2_8-.Ltmp3, $2  }
0x93: {  	_ =	sdelay $0x2  }
0x94: {  	s0 =	sshra.s32 s0, $0x2  }
0x95: {  	[tilespmem:s0+$0x0] =	vst v0  }
.LBB2_10:
0x96: {  	s0 =	sshll.u32 s30, $0x7  }
0x97: {  	s31 =	sadd.s32 s3, s0  }
0x98: {  	[tilespmem:s25], [sflag:$0x1] =	stream.linear.gather [hbm4b:s31+s2], $0x400, $0x38;
	[tilespmem:$0x17100] =	vst v63  }
0x99: {  	_ =	swait.ge [sflag:s23], $0x400  }
0x9a: {  	[sflag:s23] =	ssyncset.done $0x0  }
0x9b: {  	s31 =	sadd.s32 s4, s0;
	[sflag:s23] =	ssyncadd.s32 $0xFFFFFC00  }
0x9c: {  	[tilespmem:s26], [sflag:$0x1] =	stream.linear.gather [hbm4b:s31+s2], $0x400, $0x38;
	[tilespmem:$0x17100] =	vst v63  }
0x9d: {  	_ =	swait.ge [sflag:s23], $0x400  }
0x9e: {  	[sflag:s23] =	ssyncset.done $0x0  }
0x9f: {  	s0 =	sadd.s32 s0, s11;
	[sflag:s23] =	ssyncadd.s32 $0xFFFFFC00  }
0xa0: {  	[tilespmem:s28], [sflag:$0x1] =	stream.linear.gather [hbm4b:s0+s2], $0x400, $0x38;
	[tilespmem:$0x17100] =	vst v63  }
0xa1: {  	_ =	swait.ge [sflag:s23], $0x400  }
0xa2: {  	[sflag:s23] =	ssyncset.done $0x0  }
0xa3: {  	s31 =	simm.s32 $0x1C;
	[sflag:s23] =	ssyncadd.s32 $0xFFFFFC00  }
.LBB2_11:
0xa4: {  	s0 =	sadd.s32 $0xFFFFFFE4, s31  }
0xa5: {  	v3 =	vor.u32 s0, v1;
	_ =	sdelay $0x4  }
0xa6: {  	v4 =	vld.idx.msk [tilespmem:v3+s25+$0x0], $0xffff;
	_ =	sdelay $0x4  }
0xa7: {  	v5 =	vadd.s32 v2, v4  }
0xa8: {  	v6 =	vld.idx.msk [tilespmem:v3+s26+$0x0], $0xffff  }
0xa9: {  	v3 =	vld.idx.msk [tilespmem:v3+s28+$0x0], $0xffff  }
0xaa: {  	v4 =	vld.idx.msk [tilespmem:v4+s24+$0x0], $0xffff;
	_ =	sdelay $0x1  }
0xab: {  	v5 =	vld.idx.msk [tilespmem:v5+s22+$0x0], $0xffff;
	_ =	sdelay $0x1  }
0xac: {  	s0 =	sadd.s32 $0xFFFFFFE8, s31;
	v6 =	vadd.s32 v2, v6  }
0xad: {  	v50 =	vor.u32 s0, v1;
	v3 =	vmul.f32 v4, v3;
	_ =	sdelay $0x1  }
0xae: {  	v3 =	vmul.f32 v3, v5;
	_ =	sdelay $0x1  }
0xaf: {  	[tilespmem:v6+s2+$0x0] =	vst.idx.add.f32.msk $0xffff, v3  }
0xb0: {  	v3 =	vld.idx.msk [tilespmem:v50+s25+$0x0], $0xffff;
	_ =	sdelay $0x4  }
0xb1: {  	v51 =	vadd.s32 v2, v3  }
0xb2: {  	v6 =	vld.idx.msk [tilespmem:v50+s26+$0x0], $0xffff  }
0xb3: {  	v4 =	vld.idx.msk [tilespmem:v50+s28+$0x0], $0xffff  }
0xb4: {  	v3 =	vld.idx.msk [tilespmem:v3+s24+$0x0], $0xffff;
	_ =	sdelay $0x1  }
0xb5: {  	v5 =	vld.idx.msk [tilespmem:v51+s22+$0x0], $0xffff;
	_ =	sdelay $0x1  }
0xb6: {  	s0 =	sadd.s32 $0xFFFFFFEC, s31;
	v6 =	vadd.s32 v2, v6  }
0xb7: {  	v52 =	vor.u32 s0, v1;
	v3 =	vmul.f32 v3, v4;
	_ =	sdelay $0x1  }
0xb8: {  	v3 =	vmul.f32 v3, v5;
	_ =	sdelay $0x1  }
0xb9: {  	[tilespmem:v6+s2+$0x0] =	vst.idx.add.f32.msk $0xffff, v3  }
0xba: {  	v3 =	vld.idx.msk [tilespmem:v52+s25+$0x0], $0xffff;
	_ =	sdelay $0x4  }
0xbb: {  	v53 =	vadd.s32 v2, v3  }
0xbc: {  	v6 =	vld.idx.msk [tilespmem:v52+s26+$0x0], $0xffff  }
0xbd: {  	v4 =	vld.idx.msk [tilespmem:v52+s28+$0x0], $0xffff  }
0xbe: {  	v3 =	vld.idx.msk [tilespmem:v3+s24+$0x0], $0xffff;
	_ =	sdelay $0x1  }
0xbf: {  	v5 =	vld.idx.msk [tilespmem:v53+s22+$0x0], $0xffff;
	_ =	sdelay $0x1  }
0xc0: {  	s0 =	sadd.s32 $0xFFFFFFF0, s31;
	v6 =	vadd.s32 v2, v6  }
0xc1: {  	v54 =	vor.u32 s0, v1;
	v3 =	vmul.f32 v3, v4;
	_ =	sdelay $0x1  }
0xc2: {  	v3 =	vmul.f32 v3, v5;
	_ =	sdelay $0x1  }
0xc3: {  	[tilespmem:v6+s2+$0x0] =	vst.idx.add.f32.msk $0xffff, v3  }
0xc4: {  	v3 =	vld.idx.msk [tilespmem:v54+s25+$0x0], $0xffff;
	_ =	sdelay $0x4  }
0xc5: {  	v55 =	vadd.s32 v2, v3  }
0xc6: {  	v6 =	vld.idx.msk [tilespmem:v54+s26+$0x0], $0xffff  }
0xc7: {  	v4 =	vld.idx.msk [tilespmem:v54+s28+$0x0], $0xffff  }
0xc8: {  	v3 =	vld.idx.msk [tilespmem:v3+s24+$0x0], $0xffff;
	_ =	sdelay $0x1  }
0xc9: {  	v5 =	vld.idx.msk [tilespmem:v55+s22+$0x0], $0xffff;
	_ =	sdelay $0x1  }
0xca: {  	s0 =	sadd.s32 $0xFFFFFFF4, s31;
	v6 =	vadd.s32 v2, v6  }
0xcb: {  	v56 =	vor.u32 s0, v1;
	v3 =	vmul.f32 v3, v4;
	_ =	sdelay $0x1  }
0xcc: {  	v3 =	vmul.f32 v3, v5;
	_ =	sdelay $0x1  }
0xcd: {  	[tilespmem:v6+s2+$0x0] =	vst.idx.add.f32.msk $0xffff, v3  }
0xce: {  	v3 =	vld.idx.msk [tilespmem:v56+s25+$0x0], $0xffff;
	_ =	sdelay $0x4  }
0xcf: {  	v57 =	vadd.s32 v2, v3  }
0xd0: {  	v6 =	vld.idx.msk [tilespmem:v56+s26+$0x0], $0xffff  }
0xd1: {  	v4 =	vld.idx.msk [tilespmem:v56+s28+$0x0], $0xffff  }
0xd2: {  	v3 =	vld.idx.msk [tilespmem:v3+s24+$0x0], $0xffff;
	_ =	sdelay $0x1  }
0xd3: {  	v5 =	vld.idx.msk [tilespmem:v57+s22+$0x0], $0xffff;
	_ =	sdelay $0x1  }
0xd4: {  	s0 =	sadd.s32 $0xFFFFFFF8, s31;
	v6 =	vadd.s32 v2, v6  }
0xd5: {  	v58 =	vor.u32 s0, v1;
	v3 =	vmul.f32 v3, v4;
	_ =	sdelay $0x1  }
0xd6: {  	v3 =	vmul.f32 v3, v5;
	_ =	sdelay $0x1  }
0xd7: {  	[tilespmem:v6+s2+$0x0] =	vst.idx.add.f32.msk $0xffff, v3  }
0xd8: {  	v3 =	vld.idx.msk [tilespmem:v58+s25+$0x0], $0xffff;
	_ =	sdelay $0x4  }
0xd9: {  	v59 =	vadd.s32 v2, v3  }
0xda: {  	v6 =	vld.idx.msk [tilespmem:v58+s26+$0x0], $0xffff  }
0xdb: {  	v4 =	vld.idx.msk [tilespmem:v58+s28+$0x0], $0xffff  }
0xdc: {  	v3 =	vld.idx.msk [tilespmem:v3+s24+$0x0], $0xffff;
	_ =	sdelay $0x1  }
0xdd: {  	v5 =	vld.idx.msk [tilespmem:v59+s22+$0x0], $0xffff;
	_ =	sdelay $0x1  }
0xde: {  	s0 =	sadd.s32 $0xFFFFFFFC, s31;
	v6 =	vadd.s32 v2, v6  }
0xdf: {  	v60 =	vor.u32 s0, v1;
	v3 =	vmul.f32 v3, v4;
	_ =	sdelay $0x1  }
0xe0: {  	v3 =	vmul.f32 v3, v5;
	_ =	sdelay $0x1  }
0xe1: {  	[tilespmem:v6+s2+$0x0] =	vst.idx.add.f32.msk $0xffff, v3  }
0xe2: {  	v3 =	vld.idx.msk [tilespmem:v60+s25+$0x0], $0xffff;
	_ =	sdelay $0x4  }
0xe3: {  	v61 =	vadd.s32 v2, v3  }
0xe4: {  	v6 =	vld.idx.msk [tilespmem:v60+s26+$0x0], $0xffff  }
0xe5: {  	v4 =	vld.idx.msk [tilespmem:v60+s28+$0x0], $0xffff  }
0xe6: {  	v3 =	vld.idx.msk [tilespmem:v3+s24+$0x0], $0xffff;
	_ =	sdelay $0x1  }
0xe7: {  	v5 =	vld.idx.msk [tilespmem:v61+s22+$0x0], $0xffff;
	_ =	sdelay $0x1  }
0xe8: {  	v6 =	vadd.s32 v2, v6  }
0xe9: {  	v62 =	vor.u32 s31, v1;
	v3 =	vmul.f32 v3, v4;
	_ =	sdelay $0x1  }
0xea: {  	v3 =	vmul.f32 v3, v5;
	_ =	sdelay $0x1  }
0xeb: {  	[tilespmem:v6+s2+$0x0] =	vst.idx.add.f32.msk $0xffff, v3  }
0xec: {  	v3 =	vld.idx.msk [tilespmem:v62+s25+$0x0], $0xffff;
	_ =	sdelay $0x4  }
0xed: {  	v63 =	vadd.s32 v2, v3  }
0xee: {  	v6 =	vld.idx.msk [tilespmem:v62+s26+$0x0], $0xffff  }
0xef: {  	v4 =	vld.idx.msk [tilespmem:v62+s28+$0x0], $0xffff  }
0xf0: {  	v3 =	vld.idx.msk [tilespmem:v3+s24+$0x0], $0xffff;
	_ =	sdelay $0x1  }
0xf1: {  	v5 =	vld.idx.msk [tilespmem:v63+s22+$0x0], $0xffff;
	_ =	sdelay $0x1  }
0xf2: {  	p0 =	sne.s32 s31, $0x3FC;
	v6 =	vadd.s32 v2, v6  }
.Ltmp4:
0xf3: {  	v3 =	vmul.f32 v3, v4;
	(pc) =	sbr.rel @p0 .LBB2_11-.Ltmp4, $3  }
0xf4: {  	_ = 	snop  }
0xf5: {  	v3 =	vmul.f32 v3, v5;
	_ =	sdelay $0x1  }
0xf6: {  	s31 =	sadd.s32 $0x20, s31;
	[tilespmem:v6+s2+$0x0] =	vst.idx.add.f32.msk $0xffff, v3  }
0xf7: {  	s30 =	sadd.s32 $0x1, s30  }
0xf8: {  	p0 =	sne.s32 s30, $0x140  }
.Ltmp5:
0xf9: {  	_ = 	snop;
	(pc) =	sbr.rel @p0 .LBB2_10-.Ltmp5, $1  }
0xfa: {  	_ =	sdelay $0x3  }
0xfb: {  	s30 =	simm.s32 $0x0  }
0xfc: {  	[hbm4b:s12+s30] =	stream.linear.scatter [tilespmem:s30], [sflag:$0x1], $0x9E20, $0x38;
	[tilespmem:$0x17100] =	vst v63  }
0xfd: {  	_ =	swait.ge [sflag:s23], $0x9E20  }
0xfe: {  	[sflag:s23] =	ssyncset.done $0x0  }
0xff: {  	[sflag:s23] =	ssyncadd.s32 $0xFFFF61E0  }
0x100: {  	[tilespmem:s22], [sflag:$0x1] =	stream.linear.gather [hbm4b:s13+s30], $0x9E20, $0x38;
	[tilespmem:$0x17100] =	vst v63  }
0x101: {  	_ =	swait.ge [sflag:s23], $0x9E20  }
0x102: {  	[sflag:s23] =	ssyncset.done $0x0  }
0x103: {  	[sflag:s23] =	ssyncadd.s32 $0xFFFF61E0  }
0x104: {  	[tilespmem:s24], [sflag:$0x1] =	stream.linear.gather [hbm4b:s14+s30], $0x2788, $0x38;
	[tilespmem:$0x17100] =	vst v63  }
0x105: {  	_ =	swait.ge [sflag:s23], $0x2788  }
0x106: {  	[sflag:s23] =	ssyncset.done $0x0  }
0x107: {  	s31 =	simm.s32 $0x40;
	s0 =	simm.s32 $0x0;
	[sflag:s23] =	ssyncadd.s32 $0xFFFFD878  }
.LBB2_14:
0x108: {  	p0 =	sne.s32 s31, $0x27840;
	[tilespmem:s0+$0x0] =	vst v0;
	s0 =	smov.u32 s31;
	s31 =	sadd.s32 $0x40, s31  }
.Ltmp6:
0x109: {  	(pc) =	sbr.rel @p0 .LBB2_14-.Ltmp6, $2  }
0x10a: {  	_ =	sdelay $0x2  }
0x10b: {  	s0 =	sshra.s32 s0, $0x2  }
0x10c: {  	[tilespmem:s0+$0x0] =	vst v0  }
.LBB2_16:
0x10d: {  	s0 =	sshll.u32 s30, $0x7  }
0x10e: {  	s31 =	sadd.s32 s3, s0  }
0x10f: {  	[tilespmem:s25], [sflag:$0x1] =	stream.linear.gather [hbm4b:s31+s2], $0x400, $0x38;
	[tilespmem:$0x17100] =	vst v63  }
0x110: {  	_ =	swait.ge [sflag:s23], $0x400  }
0x111: {  	[sflag:s23] =	ssyncset.done $0x0  }
0x112: {  	s31 =	sadd.s32 s4, s0;
	[sflag:s23] =	ssyncadd.s32 $0xFFFFFC00  }
0x113: {  	[tilespmem:s26], [sflag:$0x1] =	stream.linear.gather [hbm4b:s31+s2], $0x400, $0x38;
	[tilespmem:$0x17100] =	vst v63  }
0x114: {  	_ =	swait.ge [sflag:s23], $0x400  }
0x115: {  	[sflag:s23] =	ssyncset.done $0x0  }
0x116: {  	s0 =	sadd.s32 s0, s15;
	[sflag:s23] =	ssyncadd.s32 $0xFFFFFC00  }
0x117: {  	[tilespmem:s28], [sflag:$0x1] =	stream.linear.gather [hbm4b:s0+s2], $0x400, $0x38;
	[tilespmem:$0x17100] =	vst v63  }
0x118: {  	_ =	swait.ge [sflag:s23], $0x400  }
0x119: {  	[sflag:s23] =	ssyncset.done $0x0  }
0x11a: {  	s31 =	simm.s32 $0x1C;
	[sflag:s23] =	ssyncadd.s32 $0xFFFFFC00  }
.LBB2_17:
0x11b: {  	s0 =	sadd.s32 $0xFFFFFFE4, s31  }
0x11c: {  	v3 =	vor.u32 s0, v1;
	_ =	sdelay $0x4  }
0x11d: {  	v4 =	vld.idx.msk [tilespmem:v3+s25+$0x0], $0xffff;
	_ =	sdelay $0x4  }
0x11e: {  	v5 =	vadd.s32 v2, v4  }
0x11f: {  	v6 =	vld.idx.msk [tilespmem:v3+s26+$0x0], $0xffff  }
0x120: {  	v3 =	vld.idx.msk [tilespmem:v3+s28+$0x0], $0xffff  }
0x121: {  	v4 =	vld.idx.msk [tilespmem:v4+s24+$0x0], $0xffff;
	_ =	sdelay $0x1  }
0x122: {  	v5 =	vld.idx.msk [tilespmem:v5+s22+$0x0], $0xffff;
	_ =	sdelay $0x1  }
0x123: {  	s0 =	sadd.s32 $0xFFFFFFE8, s31;
	v6 =	vadd.s32 v2, v6  }
0x124: {  	v50 =	vor.u32 s0, v1;
	v3 =	vmul.f32 v4, v3;
	_ =	sdelay $0x1  }
0x125: {  	v3 =	vmul.f32 v3, v5;
	_ =	sdelay $0x1  }
0x126: {  	[tilespmem:v6+s2+$0x0] =	vst.idx.add.f32.msk $0xffff, v3  }
0x127: {  	v3 =	vld.idx.msk [tilespmem:v50+s25+$0x0], $0xffff;
	_ =	sdelay $0x4  }
0x128: {  	v51 =	vadd.s32 v2, v3  }
0x129: {  	v6 =	vld.idx.msk [tilespmem:v50+s26+$0x0], $0xffff  }
0x12a: {  	v4 =	vld.idx.msk [tilespmem:v50+s28+$0x0], $0xffff  }
0x12b: {  	v3 =	vld.idx.msk [tilespmem:v3+s24+$0x0], $0xffff;
	_ =	sdelay $0x1  }
0x12c: {  	v5 =	vld.idx.msk [tilespmem:v51+s22+$0x0], $0xffff;
	_ =	sdelay $0x1  }
0x12d: {  	s0 =	sadd.s32 $0xFFFFFFEC, s31;
	v6 =	vadd.s32 v2, v6  }
0x12e: {  	v52 =	vor.u32 s0, v1;
	v3 =	vmul.f32 v3, v4;
	_ =	sdelay $0x1  }
0x12f: {  	v3 =	vmul.f32 v3, v5;
	_ =	sdelay $0x1  }
0x130: {  	[tilespmem:v6+s2+$0x0] =	vst.idx.add.f32.msk $0xffff, v3  }
0x131: {  	v3 =	vld.idx.msk [tilespmem:v52+s25+$0x0], $0xffff;
	_ =	sdelay $0x4  }
0x132: {  	v53 =	vadd.s32 v2, v3  }
0x133: {  	v6 =	vld.idx.msk [tilespmem:v52+s26+$0x0], $0xffff  }
0x134: {  	v4 =	vld.idx.msk [tilespmem:v52+s28+$0x0], $0xffff  }
0x135: {  	v3 =	vld.idx.msk [tilespmem:v3+s24+$0x0], $0xffff;
	_ =	sdelay $0x1  }
0x136: {  	v5 =	vld.idx.msk [tilespmem:v53+s22+$0x0], $0xffff;
	_ =	sdelay $0x1  }
0x137: {  	s0 =	sadd.s32 $0xFFFFFFF0, s31;
	v6 =	vadd.s32 v2, v6  }
0x138: {  	v54 =	vor.u32 s0, v1;
	v3 =	vmul.f32 v3, v4;
	_ =	sdelay $0x1  }
0x139: {  	v3 =	vmul.f32 v3, v5;
	_ =	sdelay $0x1  }
0x13a: {  	[tilespmem:v6+s2+$0x0] =	vst.idx.add.f32.msk $0xffff, v3  }
0x13b: {  	v3 =	vld.idx.msk [tilespmem:v54+s25+$0x0], $0xffff;
	_ =	sdelay $0x4  }
0x13c: {  	v55 =	vadd.s32 v2, v3  }
0x13d: {  	v6 =	vld.idx.msk [tilespmem:v54+s26+$0x0], $0xffff  }
0x13e: {  	v4 =	vld.idx.msk [tilespmem:v54+s28+$0x0], $0xffff  }
0x13f: {  	v3 =	vld.idx.msk [tilespmem:v3+s24+$0x0], $0xffff;
	_ =	sdelay $0x1  }
0x140: {  	v5 =	vld.idx.msk [tilespmem:v55+s22+$0x0], $0xffff;
	_ =	sdelay $0x1  }
0x141: {  	s0 =	sadd.s32 $0xFFFFFFF4, s31;
	v6 =	vadd.s32 v2, v6  }
0x142: {  	v56 =	vor.u32 s0, v1;
	v3 =	vmul.f32 v3, v4;
	_ =	sdelay $0x1  }
0x143: {  	v3 =	vmul.f32 v3, v5;
	_ =	sdelay $0x1  }
0x144: {  	[tilespmem:v6+s2+$0x0] =	vst.idx.add.f32.msk $0xffff, v3  }
0x145: {  	v3 =	vld.idx.msk [tilespmem:v56+s25+$0x0], $0xffff;
	_ =	sdelay $0x4  }
0x146: {  	v57 =	vadd.s32 v2, v3  }
0x147: {  	v6 =	vld.idx.msk [tilespmem:v56+s26+$0x0], $0xffff  }
0x148: {  	v4 =	vld.idx.msk [tilespmem:v56+s28+$0x0], $0xffff  }
0x149: {  	v3 =	vld.idx.msk [tilespmem:v3+s24+$0x0], $0xffff;
	_ =	sdelay $0x1  }
0x14a: {  	v5 =	vld.idx.msk [tilespmem:v57+s22+$0x0], $0xffff;
	_ =	sdelay $0x1  }
0x14b: {  	s0 =	sadd.s32 $0xFFFFFFF8, s31;
	v6 =	vadd.s32 v2, v6  }
0x14c: {  	v58 =	vor.u32 s0, v1;
	v3 =	vmul.f32 v3, v4;
	_ =	sdelay $0x1  }
0x14d: {  	v3 =	vmul.f32 v3, v5;
	_ =	sdelay $0x1  }
0x14e: {  	[tilespmem:v6+s2+$0x0] =	vst.idx.add.f32.msk $0xffff, v3  }
0x14f: {  	v3 =	vld.idx.msk [tilespmem:v58+s25+$0x0], $0xffff;
	_ =	sdelay $0x4  }
0x150: {  	v59 =	vadd.s32 v2, v3  }
0x151: {  	v6 =	vld.idx.msk [tilespmem:v58+s26+$0x0], $0xffff  }
0x152: {  	v4 =	vld.idx.msk [tilespmem:v58+s28+$0x0], $0xffff  }
0x153: {  	v3 =	vld.idx.msk [tilespmem:v3+s24+$0x0], $0xffff;
	_ =	sdelay $0x1  }
0x154: {  	v5 =	vld.idx.msk [tilespmem:v59+s22+$0x0], $0xffff;
	_ =	sdelay $0x1  }
0x155: {  	s0 =	sadd.s32 $0xFFFFFFFC, s31;
	v6 =	vadd.s32 v2, v6  }
0x156: {  	v60 =	vor.u32 s0, v1;
	v3 =	vmul.f32 v3, v4;
	_ =	sdelay $0x1  }
0x157: {  	v3 =	vmul.f32 v3, v5;
	_ =	sdelay $0x1  }
0x158: {  	[tilespmem:v6+s2+$0x0] =	vst.idx.add.f32.msk $0xffff, v3  }
0x159: {  	v3 =	vld.idx.msk [tilespmem:v60+s25+$0x0], $0xffff;
	_ =	sdelay $0x4  }
0x15a: {  	v61 =	vadd.s32 v2, v3  }
0x15b: {  	v6 =	vld.idx.msk [tilespmem:v60+s26+$0x0], $0xffff  }
0x15c: {  	v4 =	vld.idx.msk [tilespmem:v60+s28+$0x0], $0xffff  }
0x15d: {  	v3 =	vld.idx.msk [tilespmem:v3+s24+$0x0], $0xffff;
	_ =	sdelay $0x1  }
0x15e: {  	v5 =	vld.idx.msk [tilespmem:v61+s22+$0x0], $0xffff;
	_ =	sdelay $0x1  }
0x15f: {  	v6 =	vadd.s32 v2, v6  }
0x160: {  	v62 =	vor.u32 s31, v1;
	v3 =	vmul.f32 v3, v4;
	_ =	sdelay $0x1  }
0x161: {  	v3 =	vmul.f32 v3, v5;
	_ =	sdelay $0x1  }
0x162: {  	[tilespmem:v6+s2+$0x0] =	vst.idx.add.f32.msk $0xffff, v3  }
0x163: {  	v3 =	vld.idx.msk [tilespmem:v62+s25+$0x0], $0xffff;
	_ =	sdelay $0x4  }
0x164: {  	v63 =	vadd.s32 v2, v3  }
0x165: {  	v6 =	vld.idx.msk [tilespmem:v62+s26+$0x0], $0xffff  }
0x166: {  	v4 =	vld.idx.msk [tilespmem:v62+s28+$0x0], $0xffff  }
0x167: {  	v3 =	vld.idx.msk [tilespmem:v3+s24+$0x0], $0xffff;
	_ =	sdelay $0x1  }
0x168: {  	v5 =	vld.idx.msk [tilespmem:v63+s22+$0x0], $0xffff;
	_ =	sdelay $0x1  }
0x169: {  	p0 =	sne.s32 s31, $0x3FC;
	v6 =	vadd.s32 v2, v6  }
.Ltmp7:
0x16a: {  	v3 =	vmul.f32 v3, v4;
	(pc) =	sbr.rel @p0 .LBB2_17-.Ltmp7, $3  }
0x16b: {  	_ = 	snop  }
0x16c: {  	v3 =	vmul.f32 v3, v5;
	_ =	sdelay $0x1  }
0x16d: {  	s31 =	sadd.s32 $0x20, s31;
	[tilespmem:v6+s2+$0x0] =	vst.idx.add.f32.msk $0xffff, v3  }
0x16e: {  	s30 =	sadd.s32 $0x1, s30  }
0x16f: {  	p0 =	sne.s32 s30, $0x140  }
.Ltmp8:
0x170: {  	_ = 	snop;
	(pc) =	sbr.rel @p0 .LBB2_16-.Ltmp8, $1  }
0x171: {  	_ =	sdelay $0x3  }
0x172: {  	s30 =	simm.s32 $0x0  }
0x173: {  	[hbm4b:s16+s30] =	stream.linear.scatter [tilespmem:s30], [sflag:$0x1], $0x9E20, $0x38;
	[tilespmem:$0x17100] =	vst v63  }
0x174: {  	_ =	swait.ge [sflag:s23], $0x9E20  }
0x175: {  	[sflag:s23] =	ssyncset.done $0x0  }
0x176: {  	[sflag:s23] =	ssyncadd.s32 $0xFFFF61E0  }
0x177: {  	[tilespmem:s22], [sflag:$0x1] =	stream.linear.gather [hbm4b:s17+s30], $0x9E20, $0x38;
	[tilespmem:$0x17100] =	vst v63  }
0x178: {  	_ =	swait.ge [sflag:s23], $0x9E20  }
0x179: {  	[sflag:s23] =	ssyncset.done $0x0  }
0x17a: {  	[sflag:s23] =	ssyncadd.s32 $0xFFFF61E0  }
0x17b: {  	[tilespmem:s24], [sflag:$0x1] =	stream.linear.gather [hbm4b:s18+s30], $0x2788, $0x38;
	[tilespmem:$0x17100] =	vst v63  }
0x17c: {  	_ =	swait.ge [sflag:s23], $0x2788  }
0x17d: {  	[sflag:s23] =	ssyncset.done $0x0  }
0x17e: {  	s31 =	simm.s32 $0x40;
	s0 =	simm.s32 $0x0;
	[sflag:s23] =	ssyncadd.s32 $0xFFFFD878  }
.LBB2_20:
0x17f: {  	p0 =	sne.s32 s31, $0x27840;
	[tilespmem:s0+$0x0] =	vst v0;
	s0 =	smov.u32 s31;
	s31 =	sadd.s32 $0x40, s31  }
.Ltmp9:
0x180: {  	(pc) =	sbr.rel @p0 .LBB2_20-.Ltmp9, $2  }
0x181: {  	_ =	sdelay $0x2  }
0x182: {  	s0 =	sshra.s32 s0, $0x2  }
0x183: {  	[tilespmem:s0+$0x0] =	vst v0  }
.LBB2_22:
0x184: {  	s0 =	sshll.u32 s30, $0x7  }
0x185: {  	s31 =	sadd.s32 s3, s0  }
0x186: {  	[tilespmem:s25], [sflag:$0x1] =	stream.linear.gather [hbm4b:s31+s2], $0x400, $0x38;
	[tilespmem:$0x17100] =	vst v63  }
0x187: {  	_ =	swait.ge [sflag:s23], $0x400  }
0x188: {  	[sflag:s23] =	ssyncset.done $0x0  }
0x189: {  	s31 =	sadd.s32 s4, s0;
	[sflag:s23] =	ssyncadd.s32 $0xFFFFFC00  }
0x18a: {  	[tilespmem:s26], [sflag:$0x1] =	stream.linear.gather [hbm4b:s31+s2], $0x400, $0x38;
	[tilespmem:$0x17100] =	vst v63  }
0x18b: {  	_ =	swait.ge [sflag:s23], $0x400  }
0x18c: {  	[sflag:s23] =	ssyncset.done $0x0  }
0x18d: {  	s0 =	sadd.s32 s0, s19;
	[sflag:s23] =	ssyncadd.s32 $0xFFFFFC00  }
0x18e: {  	[tilespmem:s28], [sflag:$0x1] =	stream.linear.gather [hbm4b:s0+s2], $0x400, $0x38;
	[tilespmem:$0x17100] =	vst v63  }
0x18f: {  	_ =	swait.ge [sflag:s23], $0x400  }
0x190: {  	[sflag:s23] =	ssyncset.done $0x0  }
0x191: {  	s31 =	simm.s32 $0x1C;
	[sflag:s23] =	ssyncadd.s32 $0xFFFFFC00  }
.LBB2_23:
0x192: {  	s0 =	sadd.s32 $0xFFFFFFE4, s31  }
0x193: {  	v3 =	vor.u32 s0, v1;
	_ =	sdelay $0x4  }
0x194: {  	v4 =	vld.idx.msk [tilespmem:v3+s25+$0x0], $0xffff;
	_ =	sdelay $0x4  }
0x195: {  	v5 =	vadd.s32 v2, v4  }
0x196: {  	v6 =	vld.idx.msk [tilespmem:v3+s26+$0x0], $0xffff  }
0x197: {  	v3 =	vld.idx.msk [tilespmem:v3+s28+$0x0], $0xffff  }
0x198: {  	v4 =	vld.idx.msk [tilespmem:v4+s24+$0x0], $0xffff;
	_ =	sdelay $0x1  }
0x199: {  	v5 =	vld.idx.msk [tilespmem:v5+s22+$0x0], $0xffff;
	_ =	sdelay $0x1  }
0x19a: {  	s0 =	sadd.s32 $0xFFFFFFE8, s31;
	v6 =	vadd.s32 v2, v6  }
0x19b: {  	v50 =	vor.u32 s0, v1;
	v3 =	vmul.f32 v4, v3;
	_ =	sdelay $0x1  }
0x19c: {  	v3 =	vmul.f32 v3, v5;
	_ =	sdelay $0x1  }
0x19d: {  	[tilespmem:v6+s2+$0x0] =	vst.idx.add.f32.msk $0xffff, v3  }
0x19e: {  	v3 =	vld.idx.msk [tilespmem:v50+s25+$0x0], $0xffff;
	_ =	sdelay $0x4  }
0x19f: {  	v51 =	vadd.s32 v2, v3  }
0x1a0: {  	v6 =	vld.idx.msk [tilespmem:v50+s26+$0x0], $0xffff  }
0x1a1: {  	v4 =	vld.idx.msk [tilespmem:v50+s28+$0x0], $0xffff  }
0x1a2: {  	v3 =	vld.idx.msk [tilespmem:v3+s24+$0x0], $0xffff;
	_ =	sdelay $0x1  }
0x1a3: {  	v5 =	vld.idx.msk [tilespmem:v51+s22+$0x0], $0xffff;
	_ =	sdelay $0x1  }
0x1a4: {  	s0 =	sadd.s32 $0xFFFFFFEC, s31;
	v6 =	vadd.s32 v2, v6  }
0x1a5: {  	v52 =	vor.u32 s0, v1;
	v3 =	vmul.f32 v3, v4;
	_ =	sdelay $0x1  }
0x1a6: {  	v3 =	vmul.f32 v3, v5;
	_ =	sdelay $0x1  }
0x1a7: {  	[tilespmem:v6+s2+$0x0] =	vst.idx.add.f32.msk $0xffff, v3  }
0x1a8: {  	v3 =	vld.idx.msk [tilespmem:v52+s25+$0x0], $0xffff;
	_ =	sdelay $0x4  }
0x1a9: {  	v53 =	vadd.s32 v2, v3  }
0x1aa: {  	v6 =	vld.idx.msk [tilespmem:v52+s26+$0x0], $0xffff  }
0x1ab: {  	v4 =	vld.idx.msk [tilespmem:v52+s28+$0x0], $0xffff  }
0x1ac: {  	v3 =	vld.idx.msk [tilespmem:v3+s24+$0x0], $0xffff;
	_ =	sdelay $0x1  }
0x1ad: {  	v5 =	vld.idx.msk [tilespmem:v53+s22+$0x0], $0xffff;
	_ =	sdelay $0x1  }
0x1ae: {  	s0 =	sadd.s32 $0xFFFFFFF0, s31;
	v6 =	vadd.s32 v2, v6  }
0x1af: {  	v54 =	vor.u32 s0, v1;
	v3 =	vmul.f32 v3, v4;
	_ =	sdelay $0x1  }
0x1b0: {  	v3 =	vmul.f32 v3, v5;
	_ =	sdelay $0x1  }
0x1b1: {  	[tilespmem:v6+s2+$0x0] =	vst.idx.add.f32.msk $0xffff, v3  }
0x1b2: {  	v3 =	vld.idx.msk [tilespmem:v54+s25+$0x0], $0xffff;
	_ =	sdelay $0x4  }
0x1b3: {  	v55 =	vadd.s32 v2, v3  }
0x1b4: {  	v6 =	vld.idx.msk [tilespmem:v54+s26+$0x0], $0xffff  }
0x1b5: {  	v4 =	vld.idx.msk [tilespmem:v54+s28+$0x0], $0xffff  }
0x1b6: {  	v3 =	vld.idx.msk [tilespmem:v3+s24+$0x0], $0xffff;
	_ =	sdelay $0x1  }
0x1b7: {  	v5 =	vld.idx.msk [tilespmem:v55+s22+$0x0], $0xffff;
	_ =	sdelay $0x1  }
0x1b8: {  	s0 =	sadd.s32 $0xFFFFFFF4, s31;
	v6 =	vadd.s32 v2, v6  }
0x1b9: {  	v56 =	vor.u32 s0, v1;
	v3 =	vmul.f32 v3, v4;
	_ =	sdelay $0x1  }
0x1ba: {  	v3 =	vmul.f32 v3, v5;
	_ =	sdelay $0x1  }
0x1bb: {  	[tilespmem:v6+s2+$0x0] =	vst.idx.add.f32.msk $0xffff, v3  }
0x1bc: {  	v3 =	vld.idx.msk [tilespmem:v56+s25+$0x0], $0xffff;
	_ =	sdelay $0x4  }
0x1bd: {  	v57 =	vadd.s32 v2, v3  }
0x1be: {  	v6 =	vld.idx.msk [tilespmem:v56+s26+$0x0], $0xffff  }
0x1bf: {  	v4 =	vld.idx.msk [tilespmem:v56+s28+$0x0], $0xffff  }
0x1c0: {  	v3 =	vld.idx.msk [tilespmem:v3+s24+$0x0], $0xffff;
	_ =	sdelay $0x1  }
0x1c1: {  	v5 =	vld.idx.msk [tilespmem:v57+s22+$0x0], $0xffff;
	_ =	sdelay $0x1  }
0x1c2: {  	s0 =	sadd.s32 $0xFFFFFFF8, s31;
	v6 =	vadd.s32 v2, v6  }
0x1c3: {  	v58 =	vor.u32 s0, v1;
	v3 =	vmul.f32 v3, v4;
	_ =	sdelay $0x1  }
0x1c4: {  	v3 =	vmul.f32 v3, v5;
	_ =	sdelay $0x1  }
0x1c5: {  	[tilespmem:v6+s2+$0x0] =	vst.idx.add.f32.msk $0xffff, v3  }
0x1c6: {  	v3 =	vld.idx.msk [tilespmem:v58+s25+$0x0], $0xffff;
	_ =	sdelay $0x4  }
0x1c7: {  	v59 =	vadd.s32 v2, v3  }
0x1c8: {  	v6 =	vld.idx.msk [tilespmem:v58+s26+$0x0], $0xffff  }
0x1c9: {  	v4 =	vld.idx.msk [tilespmem:v58+s28+$0x0], $0xffff  }
0x1ca: {  	v3 =	vld.idx.msk [tilespmem:v3+s24+$0x0], $0xffff;
	_ =	sdelay $0x1  }
0x1cb: {  	v5 =	vld.idx.msk [tilespmem:v59+s22+$0x0], $0xffff;
	_ =	sdelay $0x1  }
0x1cc: {  	s0 =	sadd.s32 $0xFFFFFFFC, s31;
	v6 =	vadd.s32 v2, v6  }
0x1cd: {  	v60 =	vor.u32 s0, v1;
	v3 =	vmul.f32 v3, v4;
	_ =	sdelay $0x1  }
0x1ce: {  	v3 =	vmul.f32 v3, v5;
	_ =	sdelay $0x1  }
0x1cf: {  	[tilespmem:v6+s2+$0x0] =	vst.idx.add.f32.msk $0xffff, v3  }
0x1d0: {  	v3 =	vld.idx.msk [tilespmem:v60+s25+$0x0], $0xffff;
	_ =	sdelay $0x4  }
0x1d1: {  	v61 =	vadd.s32 v2, v3  }
0x1d2: {  	v6 =	vld.idx.msk [tilespmem:v60+s26+$0x0], $0xffff  }
0x1d3: {  	v4 =	vld.idx.msk [tilespmem:v60+s28+$0x0], $0xffff  }
0x1d4: {  	v3 =	vld.idx.msk [tilespmem:v3+s24+$0x0], $0xffff;
	_ =	sdelay $0x1  }
0x1d5: {  	v5 =	vld.idx.msk [tilespmem:v61+s22+$0x0], $0xffff;
	_ =	sdelay $0x1  }
0x1d6: {  	v6 =	vadd.s32 v2, v6  }
0x1d7: {  	v62 =	vor.u32 s31, v1;
	v3 =	vmul.f32 v3, v4;
	_ =	sdelay $0x1  }
0x1d8: {  	v3 =	vmul.f32 v3, v5;
	_ =	sdelay $0x1  }
0x1d9: {  	[tilespmem:v6+s2+$0x0] =	vst.idx.add.f32.msk $0xffff, v3  }
0x1da: {  	v3 =	vld.idx.msk [tilespmem:v62+s25+$0x0], $0xffff;
	_ =	sdelay $0x4  }
0x1db: {  	v63 =	vadd.s32 v2, v3  }
0x1dc: {  	v6 =	vld.idx.msk [tilespmem:v62+s26+$0x0], $0xffff  }
0x1dd: {  	v4 =	vld.idx.msk [tilespmem:v62+s28+$0x0], $0xffff  }
0x1de: {  	v3 =	vld.idx.msk [tilespmem:v3+s24+$0x0], $0xffff;
	_ =	sdelay $0x1  }
0x1df: {  	v5 =	vld.idx.msk [tilespmem:v63+s22+$0x0], $0xffff;
	_ =	sdelay $0x1  }
0x1e0: {  	p0 =	sne.s32 s31, $0x3FC;
	v6 =	vadd.s32 v2, v6  }
.Ltmp10:
0x1e1: {  	v3 =	vmul.f32 v3, v4;
	(pc) =	sbr.rel @p0 .LBB2_23-.Ltmp10, $3  }
0x1e2: {  	_ = 	snop  }
0x1e3: {  	v3 =	vmul.f32 v3, v5;
	_ =	sdelay $0x1  }
0x1e4: {  	s31 =	sadd.s32 $0x20, s31;
	[tilespmem:v6+s2+$0x0] =	vst.idx.add.f32.msk $0xffff, v3  }
0x1e5: {  	s30 =	sadd.s32 $0x1, s30  }
0x1e6: {  	p0 =	sne.s32 s30, $0x140  }
.Ltmp11:
0x1e7: {  	_ = 	snop;
	(pc) =	sbr.rel @p0 .LBB2_22-.Ltmp11, $1  }
0x1e8: {  	_ =	sdelay $0x3  }
0x1e9: {  	s29 =	sadd.s32 $0x1, s29  }
0x1ea: {  	p0 =	sne.s32 s29, s21  }
.Ltmp12:
0x1eb: {  	_ = 	snop;
	(pc) =	sbr.rel @p0 .LBB2_1-.Ltmp12, $4  }
0x1ec: {  	[hbm4b:s20+s2] =	stream.linear.scatter [tilespmem:s2], [sflag:$0x1], $0x9E20, $0x38;
	[tilespmem:$0x17100] =	vst v63  }
0x1ed: {  	_ =	swait.ge [sflag:s23], $0x9E20  }
0x1ee: {  	[sflag:s23] =	ssyncset.done $0x0  }
0x1ef: {  	[sflag:s23] =	ssyncadd.s32 $0xFFFF61E0  }
0x1f0: {  	_ =	sfence.sel $0x180000  }
0x1f1: {  	[bflag:$0x0] =	sbarrier.arrive $0xFFFF  }
0x1f2: {  	_ =	strace $0x9000004A  }
0x1f3: {  	[bflag:$0x2] =	sbarrier.arrive $0xFFFF  }
0x1f4: {  	p0 =	sne.s32 s1, $0x0;
	s0 =	rddreg [dreg:$0x1]  }
0x1f5: {  	s0 =	sadd.s32 @!p0 $0x100000, s0  }
0x1f6: {  	[sflag:s0] =	ssyncadd.tile.s32 @!p0 $0x1;
	_ =	shalt  }
.Lfunc_end2:
_tile_overlayer_lowered:
.L_overlay_start_2:
0x1f7: {  	(tag) =	ssettag $0x2  }
0x1f8: {  	s0 =	rddreg [dreg:$0x0];
	s2 =	stileid.u32  }
0x1f9: {  	s1 =	rddreg [dreg:$0x1];
	p0 =	sne.s32 s2, $0x0  }
0x1fa: {  	s3 =	rddreg [dreg:$0x2];
	[bflag:$0x3] =	sbarrier.arrive $0xFFFF;
	s2 =	simm.s32 @!p0 $0x1C01  }
0x1fb: {  	[timem:s3], [sflag:s2] =	dma.local @!p0 [hbm:s0], s1  }
0x1fc: {  	s0 =	simm.s32 @!p0 $0x1  }
0x1fd: {  	_ =	swait.ge @!p0 [sflag:s0], s1  }
0x1fe: {  	s1 =	ssub.s32 @!p0 $0x0, s1;
	[sflag:s0] =	ssyncset.done @!p0 $0x0  }
0x1ff: {  	[sflag:s0] =	ssyncadd.s32 @!p0 s1  }
0x200: {  	[bflag:$0x3] =	sbarrier.arrive $0xFFFF  }
0x201: {  	_ =	shalt  }

// kernel: kernel.19.cloned.1.call-start
scs
__scs_entry_jumppad:
0x0: {  	(pc) =	sbr.rel $0x88, $3  }
0x1: {  	(tag) =	ssettag $0x0;
	lr =	simm.s32 $0x1  }
0x2: {  	[smem:$0x3F95] =	sst lr;
	_ =	strace $0xD0000000  }
0x3: {  	_ = 	snop  }
0x4: {  	_ = 	snop  }
0x5: {  	_ = 	snop  }
0x6: {  	_ = 	snop  }
0x7: {  	_ = 	snop  }
__scs_overlays_trampoline_lowered:
0x8: {  	[smem:$0x3FA4] =	sst s0  }
0x9: {  	[smem:$0x3FA5] =	sst s1  }
0xa: {  	[smem:$0x3FA6] =	sst s2  }
0xb: {  	[smem:$0x3FA7] =	sst s3  }
0xc: {  	[smem:$0x3FA8] =	sst s4  }
0xd: {  	[smem:$0x3FA9] =	sst s5  }
0xe: {  	[smem:$0x3FAA] =	sst s6  }
0xf: {  	[smem:$0x3FAB] =	sst s7  }
0x10: {  	[smem:$0x3FAC] =	sst s8  }
0x11: {  	[smem:$0x3FAD] =	sst s9;
	s0 =	simm.s32 @!p0 $0x0  }
0x12: {  	s1 =	sld [smem:$0x3F93];
	s0 =	simm.s32 @p0 $0x1  }
0x13: {  	[smem:$0x3FAE] =	sst s0;
	s0 =	simm.s32 @!p1 $0x0  }
0x14: {  	s2 =	sld [smem:$0x3F92];
	s0 =	simm.s32 @p1 $0x1  }
0x15: {  	[smem:$0x3FAF] =	sst s0;
	s0 =	simm.s32 @!p2 $0x0  }
0x16: {  	s3 =	sld [smem:$0x3FDB];
	s0 =	simm.s32 @p2 $0x1  }
0x17: {  	s4 =	simm.s32 $0x1BF5;
	[smem:$0x3FB1] =	sst s0  }
0x18: {  	s0 =	sld [smem:$0x3F94];
	_ =	swait.ge [sflag:s4], $0x0  }
0x19: {  	s7 =	sld [smem:$0x3F95]  }
0x1a: {  	s8 =	sadd.s32 $0xFFFFE003, lr  }
0x1b: {  	s9 =	sadd.s32 $0xFFFFFEF7, lr;
	s5 =	simm.s32 $0xFFFFFFFF;
	p2 =	slt.u32 s8, $0xFFFFF086  }
0x1c: {  	p1 =	slt.u32 s9, $0xF7A;
	s5 =	simm.s32 @!p2 $0x0  }
0x1d: {  	s5 =	simm.s32 @p1 $0x1;
	p0 =	seq.s32 s7, s2  }
0x1e: {  	s7 =	smul.u32 @!p0 $0xF7A, s2;
	p2 =	seq.s32 @!p0 s5, $0x0  }
0x1f: {  	s9 =	smul.u32 $0xF7A, s1;
	s8 =	simm.s32 @!p0 $0x1BF5;
	p2 =	por !p2, p0  }
0x20: {  	[sflag:s8] =	ssyncset.s32 @!p0 $0xFFFFF086;
	s6 =	sadd.s32 @!p0 s3, s7;
	s7 =	simm.s32 @!p0 $0x108  }
0x21: {  	s3 =	sadd.s32 s3, s9;
	s6 =	sadd.s32 @!p0 $0x88, s6;
	s7 =	simm.s32 @p2 $0x1082  }
0x22: {  	[simem:s7], [sflag:s8] =	dma.local @!p0 [hbm:s6], $0xF7A  }
0x23: {  	s9 =	sor.u32 $0xD0000000, s2;
	s6 =	simm.s32 $0x108;
	_ =	swait.ge @!p0 [sflag:s8], $0x0  }
0x24: {  	s3 =	sadd.s32 $0x88, s3;
	s6 =	simm.s32 @!p1 $0x1082;
	[sflag:s4] =	ssyncset.s32 $0xFFFFF086  }
0x25: {  	[simem:s6], [sflag:s4] =	dma.local [hbm:s3], $0xF7A  }
0x26: {  	[smem:$0x3F95] =	sst s1;
	(tag) =	ssettag s2;
	_ =	strace s9  }
0x27: {  	s1 =	sld [smem:$0x3FA5]  }
0x28: {  	s2 =	sld [smem:$0x3FA6]  }
0x29: {  	s4 =	sld [smem:$0x3FA8]  }
0x2a: {  	p0 =	seq.s32 s5, $0x0;
	s5 =	sld [smem:$0x3FA9]  }
0x2b: {  	s6 =	sld [smem:$0x3FAA]  }
0x2c: {  	s7 =	sld [smem:$0x3FAB]  }
0x2d: {  	s3 =	simm.s32 $0x108;
	s8 =	sld [smem:$0x3FAC]  }
0x2e: {  	s3 =	simm.s32 @!p0 $0x1082;
	s9 =	sld [smem:$0x3FAD]  }
0x2f: {  	lr =	sadd.s32 s0, s3;
	s0 =	sld [smem:$0x3FA4]  }
0x30: {  	s3 =	sld [smem:$0x3FA7]  }
0x31: {  	[smem:$0x3FB0] =	sst s10  }
0x32: {  	s10 =	sld [smem:$0x3FAE];
	_ =	sdelay $0x3  }
0x33: {  	p0 =	seq.s32 s10, $0x1;
	s10 =	sld [smem:$0x3FB0];
	_ =	sdelay $0x3  }
0x34: {  	[smem:$0x3FB0] =	sst s10  }
0x35: {  	s10 =	sld [smem:$0x3FAF];
	_ =	sdelay $0x3  }
0x36: {  	p1 =	seq.s32 s10, $0x1;
	s10 =	sld [smem:$0x3FB0];
	_ =	sdelay $0x3  }
0x37: {  	[smem:$0x3FB0] =	sst s10  }
0x38: {  	s10 =	sld [smem:$0x3FB1]  }
0x39: {  	_ = 	snop;
	(pc) =	sbr.ind lr, $3  }
0x3a: {  	_ = 	snop  }
0x3b: {  	_ = 	snop  }
0x3c: {  	p2 =	seq.s32 s10, $0x1;
	s10 =	sld [smem:$0x3FB0]  }
0x3d: {  	_ =	shalt  }
0x3e: {  	_ =	shalt  }
0x3f: {  	_ =	shalt  }
0x40: {  	_ =	shalt  }
0x41: {  	_ =	shalt  }
0x42: {  	_ =	shalt  }
0x43: {  	_ =	shalt  }
0x44: {  	_ =	shalt  }
0x45: {  	_ =	shalt  }
0x46: {  	_ =	shalt  }
0x47: {  	_ =	shalt  }
0x48: {  	_ =	shalt  }
0x49: {  	_ =	shalt  }
0x4a: {  	_ =	shalt  }
0x4b: {  	_ =	shalt  }
0x4c: {  	_ =	shalt  }
0x4d: {  	_ =	shalt  }
0x4e: {  	_ =	shalt  }
0x4f: {  	_ =	shalt  }
0x50: {  	_ =	shalt  }
0x51: {  	_ =	shalt  }
0x52: {  	_ =	shalt  }
0x53: {  	_ =	shalt  }
0x54: {  	_ =	shalt  }
0x55: {  	_ =	shalt  }
0x56: {  	_ =	shalt  }
0x57: {  	_ =	shalt  }
0x58: {  	_ =	shalt  }
0x59: {  	_ =	shalt  }
0x5a: {  	_ =	shalt  }
0x5b: {  	_ =	shalt  }
0x5c: {  	_ =	shalt  }
0x5d: {  	_ =	shalt  }
0x5e: {  	_ =	shalt  }
0x5f: {  	_ =	shalt  }
0x60: {  	_ =	shalt  }
0x61: {  	_ =	shalt  }
0x62: {  	_ =	shalt  }
0x63: {  	_ =	shalt  }
0x64: {  	_ =	shalt  }
0x65: {  	_ =	shalt  }
0x66: {  	_ =	shalt  }
0x67: {  	_ =	shalt  }
0x68: {  	_ =	shalt  }
0x69: {  	_ =	shalt  }
0x6a: {  	_ =	shalt  }
0x6b: {  	_ =	shalt  }
0x6c: {  	_ =	shalt  }
0x6d: {  	_ =	shalt  }
0x6e: {  	_ =	shalt  }
0x6f: {  	_ =	shalt  }
0x70: {  	_ =	shalt  }
0x71: {  	_ =	shalt  }
0x72: {  	_ =	shalt  }
0x73: {  	_ =	shalt  }
0x74: {  	_ =	shalt  }
0x75: {  	_ =	shalt  }
0x76: {  	_ =	shalt  }
0x77: {  	_ =	shalt  }
0x78: {  	_ =	shalt  }
0x79: {  	_ =	shalt  }
0x7a: {  	_ =	shalt  }
0x7b: {  	_ =	shalt  }
0x7c: {  	_ =	shalt  }
0x7d: {  	_ =	shalt  }
0x7e: {  	_ =	shalt  }
0x7f: {  	_ =	shalt  }
0x80: {  	_ =	shalt  }
0x81: {  	_ =	shalt  }
0x82: {  	_ =	shalt  }
0x83: {  	_ =	shalt  }
0x84: {  	_ =	shalt  }
0x85: {  	_ =	shalt  }
0x86: {  	_ =	shalt  }
0x87: {  	_ =	shalt  }
.Lfunc_end0:
.L_simem_size_0:
called_computation.2_lowered:
.L_overlay_start_0:
0x88: {  	s2 =	sld [smem:$0x3FD9]  }
0x89: {  	s3 =	sld [smem:$0x3FFE];
	_ =	sdelay $0x1  }
0x8a: {  	s1 =	srdreg.scid  }
0x8b: {  	s0 =	sand.u32 $0x1, s1  }
0x8c: {  	s16 =	sshll.u32 s0, $0xA;
	s2 =	sadd.s32 s3, s2  }
0x8d: {  	s2 =	sadd.s32 s2, s16  }
0x8e: {  	[smem:$0x3FBC] =	sst s2  }
0x8f: {  	_ = 	snop  }
0x90: {  	(tm) =	ssettm $0x1  }
0x91: {  	s17 =	sld [smem:$0x3FFB];
	_ =	sdelay $0x3  }
0x92: {  	_ =	strace s17  }
0x93: {  	s2 =	sld [smem:$0x3FFC];
	_ =	sdelay $0x3  }
0x94: {  	_ =	strace s2  }
0x95: {  	s2 =	sld [smem:$0x3FFD];
	_ =	sdelay $0x3  }
0x96: {  	_ =	strace s2  }
0x97: {  	_ =	strace $0x8FFFFFFF  }
0x98: {  	s18 =	sld [smem:$0x3FDB];
	_ =	sdelay $0x1  }
0x99: {  	s19 =	simm.s32 $_scs_section_size  }
0x9a: {  	s4 =	simm.s32 $_size__tile_overlayer_lowered;
	s5 =	simm.s32 $_tile_overlayer_lowered  }
0x9b: {  	s22 =	simm.s32 $0x1BFF;
	s21 =	sshll.u32 s5, $0x1;
	s2 =	sadd.s32 s19, s18  }
0x9c: {  	s6 =	simm.s32 $0x0;
	s20 =	sshll.u32 s4, $0x1;
	s4 =	sadd.s32 s21, s2  }
0x9d: {  	[timem:s6], [sflag:s22] =	dma.local [hbm:s4], s20  }
0x9e: {  	_ =	swait.ge [sflag:s22], s20  }
0x9f: {  	s3 =	ssub.s32 $0x0, s20;
	[sflag:s22] =	ssyncset.done $0x0  }
0xa0: {  	[sflag:s22] =	ssyncadd.s32 s3;
	_ =	sdelay $0x1  }
0xa1: {  	s23 =	simm.s32 $0x1B8B  }
0xa2: {  	_ =	swait.ge [sflag:s23], $0x1  }
0xa3: {  	[sflag:s23] =	ssyncset.done $0x0  }
0xa4: {  	s25 =	simm.s32 $0x1B8E;
	s24 =	sld [smem:$0x3FFE];
	[sflag:s23] =	ssyncadd.s32 $0xFFFFFFFF  }
0xa5: {  	s26 =	simm.s32 $execute0_lowered;
	[smem:$0x3FD2] =	sst s25  }
0xa6: {  	s4 =	sshll.u32 s26, $0x1;
	_ =	strace $0x8000004C;
	[dreg:$0x1] =	wrdreg $0xFFFFFFFF  }
0xa7: {  	s28 =	simm.s32 $_size_execute0_lowered;
	s2 =	sadd.s32 s2, s4;
	[dreg:$0x0] =	wrdreg $0x0  }
0xa8: {  	s4 =	sshll.u32 s28, $0x1;
	[dreg:$0x2] =	wrdreg s2  }
0xa9: {  	[dreg:$0x3] =	wrdreg s4  }
0xaa: {  	[dreg:$0x4] =	wrdreg $0xC0  }
0xab: {  	_ =	task [dreg:s6], $0x5FFFF  }
0xac: {  	[dreg:$0x1] =	wrdreg $0xFFFFFFFF  }
0xad: {  	[dreg:$0x0] =	wrdreg $0x60  }
0xae: {  	[dreg:$0x2] =	wrdreg s24  }
0xaf: {  	[dreg:$0x3] =	wrdreg $0x9  }
0xb0: {  	_ =	task.clear_ibuf [dreg:s6], $0x4FFFF;
	_ =	strace $0x9000004C  }
0xb1: {  	s29 =	simm.s32 $0x9;
	_ =	strace $0x8000004E  }
0xb2: {  	_ =	swait.ge [sflag:s29], $0x1  }
0xb3: {  	[sflag:s29] =	ssyncadd.s32 $0xFFFFFFFF  }
0xb4: {  	_ =	strace $0x9000004E  }
0xb5: {  	_ =	sfence  }
0xb6: {  	s30 =	sld [smem:$0x0];
	_ =	sdelay $0x2  }
0xb7: {  	s31 =	sshll.u32 s1, $0xD;
	s1 =	sshrl.u32 s1, $0x2  }
0xb8: {  	s3 =	sand.u32 $0x4000, s31;
	s1 =	sadd.s32 s1, s30  }
0xb9: {  	s0 =	sor.u32 s3, s0;
	s1 =	sshll.u32 s1, $0x11  }
0xba: {  	s0 =	sor.u32 s1, s0  }
0xbb: {  	s0 =	sadd.s32 $0x8F2B, s0  }
0xbc: {  	[sflag:s0] =	ssyncadd.remote.s32 $0x1  }
0xbd: {  	_ =	sfence.sel $0xFFFF  }
0xbe: {  	[dreg:$0x0] =	wrdreg $0xFFFFFFFF;
	(pc) =	sbr.abs _section_cstart, $3  }
0xbf: {  	[dreg:$0x1] =	wrdreg $0xFFFFFFFF  }
0xc0: {  	_ =	task.clear_ibuf [dreg:s6], $0x2FFFF;
	_ =	strace $0x9FFFFFFF  }
0xc1: {  	(tm) =	ssettm $0x7FFFFFFF  }
tec
execute0_lowered:
.L_overlay_start_1:
0x0: {  	(tag) =	ssettag $0x1  }
0x1: {  	s6 =	rddreg [dreg:$0x0];
	s1 =	srdreg.scid  }
0x2: {  	s0 =	rddreg [dreg:$0x1];
	s2 =	simm.s32 $0x0;
	s11 =	simm.s32 $0x1  }
0x3: {  	s12 =	simm.s32 $0x13D00;
	s13 =	simm.s32 $0x16500;
	s5 =	sand.u32 $0x1, s1  }
0x4: {  	s14 =	simm.s32 $0x16900;
	s1 =	stileid.u32;
	s3 =	sshll.u32 s5, $0x4  }
0x5: {  	s15 =	simm.s32 $0x16D00;
	s16 =	simm.s32 $0x0;
	s3 =	sor.u32 s1, s3  }
0x6: {  	[smem:$0x7FF] =	sst s2;
	s4 =	sadd.s32 $0xFDE00, s6;
	s7 =	smul.u32 $0x13C4, s3  }
0x7: {  	_ =	strace $0x8000004D;
	s8 =	ssub.s32 $0x2, s5;
	s5 =	sadd.s32 $0x39600, s6  }
0x8: {  	v1 =	vlaneseq.u32;
	s31 =	sshrl.u32 s8, $0x1;
	s3 =	sadd.s32 $0x2E200, s6;
	s9 =	sadd.s32 s7, s6  }
0x9: {  	v2 =	vand.u32 $0x3, v1;
	s10 =	ssub.s32 s8, s31;
	s6 =	sadd.s32 $0x57600, s6;
	s7 =	sadd.s32 $0x6200, s9  }
0xa: {  	v0 =	vimm.f32 $0.0e+00;
	v1 =	vshrl.u32 v1, $0x2;
	v2 =	vmul.u32 $0x2788, v2;
	s8 =	sadd.s32 $0xCF600, s9;
	s9 =	smax.u32 s10, $0x1;
	s10 =	simm.s32 $0x9E80  }
.LBB2_1:
0xb: {  	[tilespmem:s10], [sflag:$0x1] =	stream.linear.gather [hbm4b:s7+s2], $0x9E20, $0x38;
	[tilespmem:$0x17100] =	vst v63  }
0xc: {  	_ =	swait.ge [sflag:s11], $0x9E20  }
0xd: {  	[sflag:s11] =	ssyncset.done $0x0  }
0xe: {  	[sflag:s11] =	ssyncadd.s32 $0xFFFF61E0  }
0xf: {  	[tilespmem:s12], [sflag:$0x1] =	stream.linear.gather [hbm4b:s6+s2], $0x2800, $0x38;
	[tilespmem:$0x17100] =	vst v63  }
0x10: {  	_ =	swait.ge [sflag:s11], $0x2800  }
0x11: {  	[sflag:s11] =	ssyncset.done $0x0  }
0x12: {  	s17 =	simm.s32 $0x0;
	[sflag:s11] =	ssyncadd.s32 $0xFFFFD800  }
.LBB2_2:
0x13: {  	p0 =	sne.s32 s17, $0x27840  }
.Ltmp0:
0x14: {  	_ = 	snop;
	(pc) =	sbr.rel @p0 .LBB2_2-.Ltmp0, $3  }
0x15: {  	_ =	sdelay $0x1  }
0x16: {  	s18 =	sshra.s32 s17, $0x2  }
0x17: {  	s17 =	sadd.s32 $0x40, s17;
	[tilespmem:s18+$0x0] =	vst v0  }
0x18: {  	s17 =	simm.s32 $0x0  }
.LBB2_4:
0x19: {  	s18 =	sshll.u32 s17, $0x7  }
0x1a: {  	s19 =	sadd.s32 s3, s18  }
0x1b: {  	[tilespmem:s13], [sflag:$0x1] =	stream.linear.gather [hbm4b:s19+s2], $0x400, $0x38;
	[tilespmem:$0x17100] =	vst v63  }
0x1c: {  	_ =	swait.ge [sflag:s11], $0x400  }
0x1d: {  	[sflag:s11] =	ssyncset.done $0x0  }
0x1e: {  	s31 =	sadd.s32 s4, s18;
	[sflag:s11] =	ssyncadd.s32 $0xFFFFFC00  }
0x1f: {  	[tilespmem:s14], [sflag:$0x1] =	stream.linear.gather [hbm4b:s31+s2], $0x400, $0x38;
	[tilespmem:$0x17100] =	vst v63  }
0x20: {  	_ =	swait.ge [sflag:s11], $0x400  }
0x21: {  	[sflag:s11] =	ssyncset.done $0x0  }
0x22: {  	s18 =	sadd.s32 s5, s18;
	[sflag:s11] =	ssyncadd.s32 $0xFFFFFC00  }
0x23: {  	[tilespmem:s15], [sflag:$0x1] =	stream.linear.gather [hbm4b:s18+s2], $0x400, $0x38;
	[tilespmem:$0x17100] =	vst v63  }
0x24: {  	_ =	swait.ge [sflag:s11], $0x400  }
0x25: {  	[sflag:s11] =	ssyncset.done $0x0  }
0x26: {  	s18 =	simm.s32 $0x1C;
	[sflag:s11] =	ssyncadd.s32 $0xFFFFFC00  }
.LBB2_5:
0x27: {  	s19 =	sadd.s32 $0xFFFFFFE4, s18  }
0x28: {  	v3 =	vor.u32 s19, v1;
	_ =	sdelay $0x4  }
0x29: {  	v4 =	vld.idx.msk [tilespmem:v3+s13+$0x0], $0xffff;
	_ =	sdelay $0x4  }
0x2a: {  	v5 =	vadd.s32 v2, v4  }
0x2b: {  	v6 =	vld.idx.msk [tilespmem:v3+s14+$0x0], $0xffff  }
0x2c: {  	v3 =	vld.idx.msk [tilespmem:v3+s15+$0x0], $0xffff  }
0x2d: {  	v4 =	vld.idx.msk [tilespmem:v4+s12+$0x0], $0xffff;
	_ =	sdelay $0x1  }
0x2e: {  	v5 =	vld.idx.msk [tilespmem:v5+s10+$0x0], $0xffff;
	_ =	sdelay $0x1  }
0x2f: {  	s25 =	sadd.s32 $0xFFFFFFE8, s18;
	v6 =	vadd.s32 v2, v6  }
0x30: {  	v50 =	vor.u32 s25, v1;
	v3 =	vmul.f32 v4, v3;
	_ =	sdelay $0x1  }
0x31: {  	v3 =	vmul.f32 v3, v5;
	_ =	sdelay $0x1  }
0x32: {  	[tilespmem:v6+s2+$0x0] =	vst.idx.add.f32.msk $0xffff, v3  }
0x33: {  	v3 =	vld.idx.msk [tilespmem:v50+s13+$0x0], $0xffff;
	_ =	sdelay $0x4  }
0x34: {  	v51 =	vadd.s32 v2, v3  }
0x35: {  	v6 =	vld.idx.msk [tilespmem:v50+s14+$0x0], $0xffff  }
0x36: {  	v4 =	vld.idx.msk [tilespmem:v50+s15+$0x0], $0xffff  }
0x37: {  	v3 =	vld.idx.msk [tilespmem:v3+s12+$0x0], $0xffff;
	_ =	sdelay $0x1  }
0x38: {  	v5 =	vld.idx.msk [tilespmem:v51+s10+$0x0], $0xffff;
	_ =	sdelay $0x1  }
0x39: {  	s26 =	sadd.s32 $0xFFFFFFEC, s18;
	v6 =	vadd.s32 v2, v6  }
0x3a: {  	v52 =	vor.u32 s26, v1;
	v3 =	vmul.f32 v3, v4;
	_ =	sdelay $0x1  }
0x3b: {  	v3 =	vmul.f32 v3, v5;
	_ =	sdelay $0x1  }
0x3c: {  	[tilespmem:v6+s2+$0x0] =	vst.idx.add.f32.msk $0xffff, v3  }
0x3d: {  	v3 =	vld.idx.msk [tilespmem:v52+s13+$0x0], $0xffff;
	_ =	sdelay $0x4  }
0x3e: {  	v53 =	vadd.s32 v2, v3  }
0x3f: {  	v6 =	vld.idx.msk [tilespmem:v52+s14+$0x0], $0xffff  }
0x40: {  	v4 =	vld.idx.msk [tilespmem:v52+s15+$0x0], $0xffff  }
0x41: {  	v3 =	vld.idx.msk [tilespmem:v3+s12+$0x0], $0xffff;
	_ =	sdelay $0x1  }
0x42: {  	v5 =	vld.idx.msk [tilespmem:v53+s10+$0x0], $0xffff;
	_ =	sdelay $0x1  }
0x43: {  	s28 =	sadd.s32 $0xFFFFFFF0, s18;
	v6 =	vadd.s32 v2, v6  }
0x44: {  	v54 =	vor.u32 s28, v1;
	v3 =	vmul.f32 v3, v4;
	_ =	sdelay $0x1  }
0x45: {  	v3 =	vmul.f32 v3, v5;
	_ =	sdelay $0x1  }
0x46: {  	[tilespmem:v6+s2+$0x0] =	vst.idx.add.f32.msk $0xffff, v3  }
0x47: {  	v3 =	vld.idx.msk [tilespmem:v54+s13+$0x0], $0xffff;
	_ =	sdelay $0x4  }
0x48: {  	v55 =	vadd.s32 v2, v3  }
0x49: {  	v6 =	vld.idx.msk [tilespmem:v54+s14+$0x0], $0xffff  }
0x4a: {  	v4 =	vld.idx.msk [tilespmem:v54+s15+$0x0], $0xffff  }
0x4b: {  	v3 =	vld.idx.msk [tilespmem:v3+s12+$0x0], $0xffff;
	_ =	sdelay $0x1  }
0x4c: {  	v5 =	vld.idx.msk [tilespmem:v55+s10+$0x0], $0xffff;
	_ =	sdelay $0x1  }
0x4d: {  	s29 =	sadd.s32 $0xFFFFFFF4, s18;
	v6 =	vadd.s32 v2, v6  }
0x4e: {  	v56 =	vor.u32 s29, v1;
	v3 =	vmul.f32 v3, v4;
	_ =	sdelay $0x1  }
0x4f: {  	v3 =	vmul.f32 v3, v5;
	_ =	sdelay $0x1  }
0x50: {  	[tilespmem:v6+s2+$0x0] =	vst.idx.add.f32.msk $0xffff, v3  }
0x51: {  	v3 =	vld.idx.msk [tilespmem:v56+s13+$0x0], $0xffff;
	_ =	sdelay $0x4  }
0x52: {  	v57 =	vadd.s32 v2, v3  }
0x53: {  	v6 =	vld.idx.msk [tilespmem:v56+s14+$0x0], $0xffff  }
0x54: {  	v4 =	vld.idx.msk [tilespmem:v56+s15+$0x0], $0xffff  }
0x55: {  	v3 =	vld.idx.msk [tilespmem:v3+s12+$0x0], $0xffff;
	_ =	sdelay $0x1  }
0x56: {  	v5 =	vld.idx.msk [tilespmem:v57+s10+$0x0], $0xffff;
	_ =	sdelay $0x1  }
0x57: {  	s30 =	sadd.s32 $0xFFFFFFF8, s18;
	v6 =	vadd.s32 v2, v6  }
0x58: {  	v58 =	vor.u32 s30, v1;
	v3 =	vmul.f32 v3, v4;
	_ =	sdelay $0x1  }
0x59: {  	v3 =	vmul.f32 v3, v5;
	_ =	sdelay $0x1  }
0x5a: {  	[tilespmem:v6+s2+$0x0] =	vst.idx.add.f32.msk $0xffff, v3  }
0x5b: {  	v3 =	vld.idx.msk [tilespmem:v58+s13+$0x0], $0xffff;
	_ =	sdelay $0x4  }
0x5c: {  	v59 =	vadd.s32 v2, v3  }
0x5d: {  	v6 =	vld.idx.msk [tilespmem:v58+s14+$0x0], $0xffff  }
0x5e: {  	v4 =	vld.idx.msk [tilespmem:v58+s15+$0x0], $0xffff  }
0x5f: {  	v3 =	vld.idx.msk [tilespmem:v3+s12+$0x0], $0xffff;
	_ =	sdelay $0x1  }
0x60: {  	v5 =	vld.idx.msk [tilespmem:v59+s10+$0x0], $0xffff;
	_ =	sdelay $0x1  }
0x61: {  	s31 =	sadd.s32 $0xFFFFFFFC, s18;
	v6 =	vadd.s32 v2, v6  }
0x62: {  	v60 =	vor.u32 s31, v1;
	v3 =	vmul.f32 v3, v4;
	_ =	sdelay $0x1  }
0x63: {  	v3 =	vmul.f32 v3, v5;
	_ =	sdelay $0x1  }
0x64: {  	[tilespmem:v6+s2+$0x0] =	vst.idx.add.f32.msk $0xffff, v3  }
0x65: {  	v3 =	vld.idx.msk [tilespmem:v60+s13+$0x0], $0xffff;
	_ =	sdelay $0x4  }
0x66: {  	v61 =	vadd.s32 v2, v3  }
0x67: {  	v6 =	vld.idx.msk [tilespmem:v60+s14+$0x0], $0xffff  }
0x68: {  	v4 =	vld.idx.msk [tilespmem:v60+s15+$0x0], $0xffff  }
0x69: {  	v3 =	vld.idx.msk [tilespmem:v3+s12+$0x0], $0xffff;
	_ =	sdelay $0x1  }
0x6a: {  	v5 =	vld.idx.msk [tilespmem:v61+s10+$0x0], $0xffff;
	_ =	sdelay $0x1  }
0x6b: {  	v6 =	vadd.s32 v2, v6  }
0x6c: {  	v62 =	vor.u32 s18, v1;
	v3 =	vmul.f32 v3, v4;
	_ =	sdelay $0x1  }
0x6d: {  	v3 =	vmul.f32 v3, v5;
	_ =	sdelay $0x1  }
0x6e: {  	[tilespmem:v6+s2+$0x0] =	vst.idx.add.f32.msk $0xffff, v3  }
0x6f: {  	v3 =	vld.idx.msk [tilespmem:v62+s13+$0x0], $0xffff;
	_ =	sdelay $0x4  }
0x70: {  	v63 =	vadd.s32 v2, v3  }
0x71: {  	v6 =	vld.idx.msk [tilespmem:v62+s14+$0x0], $0xffff  }
0x72: {  	v4 =	vld.idx.msk [tilespmem:v62+s15+$0x0], $0xffff  }
0x73: {  	v3 =	vld.idx.msk [tilespmem:v3+s12+$0x0], $0xffff;
	_ =	sdelay $0x1  }
0x74: {  	v5 =	vld.idx.msk [tilespmem:v63+s10+$0x0], $0xffff;
	_ =	sdelay $0x1  }
0x75: {  	p0 =	sne.s32 s18, $0x3FC;
	v6 =	vadd.s32 v2, v6  }
.Ltmp1:
0x76: {  	v3 =	vmul.f32 v3, v4;
	(pc) =	sbr.rel @p0 .LBB2_5-.Ltmp1, $3  }
0x77: {  	_ = 	snop  }
0x78: {  	v3 =	vmul.f32 v3, v5;
	_ =	sdelay $0x1  }
0x79: {  	s18 =	sadd.s32 $0x20, s18;
	[tilespmem:v6+s2+$0x0] =	vst.idx.add.f32.msk $0xffff, v3  }
0x7a: {  	s17 =	sadd.s32 $0x1, s17  }
0x7b: {  	p0 =	sne.s32 s17, $0x140  }
.Ltmp2:
0x7c: {  	_ = 	snop;
	(pc) =	sbr.rel @p0 .LBB2_4-.Ltmp2, $1  }
0x7d: {  	_ =	sdelay $0x3  }
0x7e: {  	s16 =	sadd.s32 $0x1, s16  }
0x7f: {  	p0 =	sne.s32 s16, s9  }
.Ltmp3:
0x80: {  	_ = 	snop;
	(pc) =	sbr.rel @p0 .LBB2_1-.Ltmp3, $4  }
0x81: {  	[hbm4b:s8+s2] =	stream.linear.scatter [tilespmem:s2], [sflag:$0x1], $0x9E20, $0x38;
	[tilespmem:$0x17100] =	vst v63  }
0x82: {  	_ =	swait.ge [sflag:s11], $0x9E20  }
0x83: {  	[sflag:s11] =	ssyncset.done $0x0  }
0x84: {  	[sflag:s11] =	ssyncadd.s32 $0xFFFF61E0  }
0x85: {  	_ =	sfence.sel $0x180000  }
0x86: {  	[bflag:$0x0] =	sbarrier.arrive $0xFFFF  }
0x87: {  	p0 =	sne.s32 s1, $0x0;
	_ =	strace $0x9000004D  }
0x88: {  	s0 =	sadd.s32 @!p0 $0x100000, s0;
	[bflag:$0x2] =	sbarrier.arrive $0xFFFF  }
0x89: {  	[sflag:s0] =	ssyncadd.tile.s32 @!p0 $0x1;
	_ =	shalt  }
.Lfunc_end2:
_tile_overlayer_lowered:
.L_overlay_start_2:
0x8a: {  	(tag) =	ssettag $0x2  }
0x8b: {  	s0 =	rddreg [dreg:$0x0];
	s2 =	stileid.u32  }
0x8c: {  	s1 =	rddreg [dreg:$0x1];
	p0 =	sne.s32 s2, $0x0  }
0x8d: {  	s3 =	rddreg [dreg:$0x2];
	[bflag:$0x3] =	sbarrier.arrive $0xFFFF;
	s2 =	simm.s32 @!p0 $0x1C01  }
0x8e: {  	[timem:s3], [sflag:s2] =	dma.local @!p0 [hbm:s0], s1  }
0x8f: {  	s0 =	simm.s32 @!p0 $0x1  }
0x90: {  	_ =	swait.ge @!p0 [sflag:s0], s1  }
0x91: {  	s1 =	ssub.s32 @!p0 $0x0, s1;
	[sflag:s0] =	ssyncset.done @!p0 $0x0  }
0x92: {  	[sflag:s0] =	ssyncadd.s32 @!p0 s1  }
0x93: {  	[bflag:$0x3] =	sbarrier.arrive $0xFFFF  }
0x94: {  	_ =	shalt  }

// kernel: kernel.22.cloned.1.call-start
scs
__scs_entry_jumppad:
0x0: {  	(pc) =	sbr.rel $0x88, $3  }
0x1: {  	(tag) =	ssettag $0x0;
	lr =	simm.s32 $0x1  }
0x2: {  	[smem:$0x3F95] =	sst lr;
	_ =	strace $0xD0000000  }
0x3: {  	_ = 	snop  }
0x4: {  	_ = 	snop  }
0x5: {  	_ = 	snop  }
0x6: {  	_ = 	snop  }
0x7: {  	_ = 	snop  }
__scs_overlays_trampoline_lowered:
0x8: {  	[smem:$0x3FA4] =	sst s0  }
0x9: {  	[smem:$0x3FA5] =	sst s1  }
0xa: {  	[smem:$0x3FA6] =	sst s2  }
0xb: {  	[smem:$0x3FA7] =	sst s3  }
0xc: {  	[smem:$0x3FA8] =	sst s4  }
0xd: {  	[smem:$0x3FA9] =	sst s5  }
0xe: {  	[smem:$0x3FAA] =	sst s6  }
0xf: {  	[smem:$0x3FAB] =	sst s7  }
0x10: {  	[smem:$0x3FAC] =	sst s8  }
0x11: {  	[smem:$0x3FAD] =	sst s9;
	s0 =	simm.s32 @!p0 $0x0  }
0x12: {  	s1 =	sld [smem:$0x3F93];
	s0 =	simm.s32 @p0 $0x1  }
0x13: {  	[smem:$0x3FAE] =	sst s0;
	s0 =	simm.s32 @!p1 $0x0  }
0x14: {  	s2 =	sld [smem:$0x3F92];
	s0 =	simm.s32 @p1 $0x1  }
0x15: {  	[smem:$0x3FAF] =	sst s0;
	s0 =	simm.s32 @!p2 $0x0  }
0x16: {  	s3 =	sld [smem:$0x3FDB];
	s0 =	simm.s32 @p2 $0x1  }
0x17: {  	s4 =	simm.s32 $0x1BF5;
	[smem:$0x3FB1] =	sst s0  }
0x18: {  	s0 =	sld [smem:$0x3F94];
	_ =	swait.ge [sflag:s4], $0x0  }
0x19: {  	s7 =	sld [smem:$0x3F95]  }
0x1a: {  	s8 =	sadd.s32 $0xFFFFE003, lr  }
0x1b: {  	s9 =	sadd.s32 $0xFFFFFEF7, lr;
	s5 =	simm.s32 $0xFFFFFFFF;
	p2 =	slt.u32 s8, $0xFFFFF086  }
0x1c: {  	p1 =	slt.u32 s9, $0xF7A;
	s5 =	simm.s32 @!p2 $0x0  }
0x1d: {  	s5 =	simm.s32 @p1 $0x1;
	p0 =	seq.s32 s7, s2  }
0x1e: {  	s7 =	smul.u32 @!p0 $0xF7A, s2;
	p2 =	seq.s32 @!p0 s5, $0x0  }
0x1f: {  	s9 =	smul.u32 $0xF7A, s1;
	s8 =	simm.s32 @!p0 $0x1BF5;
	p2 =	por !p2, p0  }
0x20: {  	[sflag:s8] =	ssyncset.s32 @!p0 $0xFFFFF086;
	s6 =	sadd.s32 @!p0 s3, s7;
	s7 =	simm.s32 @!p0 $0x108  }
0x21: {  	s3 =	sadd.s32 s3, s9;
	s6 =	sadd.s32 @!p0 $0x88, s6;
	s7 =	simm.s32 @p2 $0x1082  }
0x22: {  	[simem:s7], [sflag:s8] =	dma.local @!p0 [hbm:s6], $0xF7A  }
0x23: {  	s9 =	sor.u32 $0xD0000000, s2;
	s6 =	simm.s32 $0x108;
	_ =	swait.ge @!p0 [sflag:s8], $0x0  }
0x24: {  	s3 =	sadd.s32 $0x88, s3;
	s6 =	simm.s32 @!p1 $0x1082;
	[sflag:s4] =	ssyncset.s32 $0xFFFFF086  }
0x25: {  	[simem:s6], [sflag:s4] =	dma.local [hbm:s3], $0xF7A  }
0x26: {  	[smem:$0x3F95] =	sst s1;
	(tag) =	ssettag s2;
	_ =	strace s9  }
0x27: {  	s1 =	sld [smem:$0x3FA5]  }
0x28: {  	s2 =	sld [smem:$0x3FA6]  }
0x29: {  	s4 =	sld [smem:$0x3FA8]  }
0x2a: {  	p0 =	seq.s32 s5, $0x0;
	s5 =	sld [smem:$0x3FA9]  }
0x2b: {  	s6 =	sld [smem:$0x3FAA]  }
0x2c: {  	s7 =	sld [smem:$0x3FAB]  }
0x2d: {  	s3 =	simm.s32 $0x108;
	s8 =	sld [smem:$0x3FAC]  }
0x2e: {  	s3 =	simm.s32 @!p0 $0x1082;
	s9 =	sld [smem:$0x3FAD]  }
0x2f: {  	lr =	sadd.s32 s0, s3;
	s0 =	sld [smem:$0x3FA4]  }
0x30: {  	s3 =	sld [smem:$0x3FA7]  }
0x31: {  	[smem:$0x3FB0] =	sst s10  }
0x32: {  	s10 =	sld [smem:$0x3FAE];
	_ =	sdelay $0x3  }
0x33: {  	p0 =	seq.s32 s10, $0x1;
	s10 =	sld [smem:$0x3FB0];
	_ =	sdelay $0x3  }
0x34: {  	[smem:$0x3FB0] =	sst s10  }
0x35: {  	s10 =	sld [smem:$0x3FAF];
	_ =	sdelay $0x3  }
0x36: {  	p1 =	seq.s32 s10, $0x1;
	s10 =	sld [smem:$0x3FB0];
	_ =	sdelay $0x3  }
0x37: {  	[smem:$0x3FB0] =	sst s10  }
0x38: {  	s10 =	sld [smem:$0x3FB1]  }
0x39: {  	_ = 	snop;
	(pc) =	sbr.ind lr, $3  }
0x3a: {  	_ = 	snop  }
0x3b: {  	_ = 	snop  }
0x3c: {  	p2 =	seq.s32 s10, $0x1;
	s10 =	sld [smem:$0x3FB0]  }
0x3d: {  	_ =	shalt  }
0x3e: {  	_ =	shalt  }
0x3f: {  	_ =	shalt  }
0x40: {  	_ =	shalt  }
0x41: {  	_ =	shalt  }
0x42: {  	_ =	shalt  }
0x43: {  	_ =	shalt  }
0x44: {  	_ =	shalt  }
0x45: {  	_ =	shalt  }
0x46: {  	_ =	shalt  }
0x47: {  	_ =	shalt  }
0x48: {  	_ =	shalt  }
0x49: {  	_ =	shalt  }
0x4a: {  	_ =	shalt  }
0x4b: {  	_ =	shalt  }
0x4c: {  	_ =	shalt  }
0x4d: {  	_ =	shalt  }
0x4e: {  	_ =	shalt  }
0x4f: {  	_ =	shalt  }
0x50: {  	_ =	shalt  }
0x51: {  	_ =	shalt  }
0x52: {  	_ =	shalt  }
0x53: {  	_ =	shalt  }
0x54: {  	_ =	shalt  }
0x55: {  	_ =	shalt  }
0x56: {  	_ =	shalt  }
0x57: {  	_ =	shalt  }
0x58: {  	_ =	shalt  }
0x59: {  	_ =	shalt  }
0x5a: {  	_ =	shalt  }
0x5b: {  	_ =	shalt  }
0x5c: {  	_ =	shalt  }
0x5d: {  	_ =	shalt  }
0x5e: {  	_ =	shalt  }
0x5f: {  	_ =	shalt  }
0x60: {  	_ =	shalt  }
0x61: {  	_ =	shalt  }
0x62: {  	_ =	shalt  }
0x63: {  	_ =	shalt  }
0x64: {  	_ =	shalt  }
0x65: {  	_ =	shalt  }
0x66: {  	_ =	shalt  }
0x67: {  	_ =	shalt  }
0x68: {  	_ =	shalt  }
0x69: {  	_ =	shalt  }
0x6a: {  	_ =	shalt  }
0x6b: {  	_ =	shalt  }
0x6c: {  	_ =	shalt  }
0x6d: {  	_ =	shalt  }
0x6e: {  	_ =	shalt  }
0x6f: {  	_ =	shalt  }
0x70: {  	_ =	shalt  }
0x71: {  	_ =	shalt  }
0x72: {  	_ =	shalt  }
0x73: {  	_ =	shalt  }
0x74: {  	_ =	shalt  }
0x75: {  	_ =	shalt  }
0x76: {  	_ =	shalt  }
0x77: {  	_ =	shalt  }
0x78: {  	_ =	shalt  }
0x79: {  	_ =	shalt  }
0x7a: {  	_ =	shalt  }
0x7b: {  	_ =	shalt  }
0x7c: {  	_ =	shalt  }
0x7d: {  	_ =	shalt  }
0x7e: {  	_ =	shalt  }
0x7f: {  	_ =	shalt  }
0x80: {  	_ =	shalt  }
0x81: {  	_ =	shalt  }
0x82: {  	_ =	shalt  }
0x83: {  	_ =	shalt  }
0x84: {  	_ =	shalt  }
0x85: {  	_ =	shalt  }
0x86: {  	_ =	shalt  }
0x87: {  	_ =	shalt  }
.Lfunc_end0:
.L_simem_size_0:
called_computation.3_lowered:
.L_overlay_start_0:
0x88: {  	s2 =	sld [smem:$0x3FD9]  }
0x89: {  	s3 =	sld [smem:$0x3FFE];
	_ =	sdelay $0x1  }
0x8a: {  	s1 =	srdreg.scid  }
0x8b: {  	s0 =	sand.u32 $0x1, s1  }
0x8c: {  	s16 =	sshll.u32 s0, $0xA;
	s2 =	sadd.s32 s3, s2  }
0x8d: {  	s2 =	sadd.s32 s2, s16  }
0x8e: {  	[smem:$0x3FBC] =	sst s2  }
0x8f: {  	_ = 	snop  }
0x90: {  	(tm) =	ssettm $0x1  }
0x91: {  	s17 =	sld [smem:$0x3FFB];
	_ =	sdelay $0x3  }
0x92: {  	_ =	strace s17  }
0x93: {  	s2 =	sld [smem:$0x3FFC];
	_ =	sdelay $0x3  }
0x94: {  	_ =	strace s2  }
0x95: {  	s2 =	sld [smem:$0x3FFD];
	_ =	sdelay $0x3  }
0x96: {  	_ =	strace s2  }
0x97: {  	_ =	strace $0x8FFFFFFF  }
0x98: {  	s18 =	sld [smem:$0x3FDB];
	_ =	sdelay $0x1  }
0x99: {  	s19 =	simm.s32 $_scs_section_size  }
0x9a: {  	s4 =	simm.s32 $_size__tile_overlayer_lowered;
	s5 =	simm.s32 $_tile_overlayer_lowered  }
0x9b: {  	s22 =	simm.s32 $0x1BFF;
	s21 =	sshll.u32 s5, $0x1;
	s2 =	sadd.s32 s19, s18  }
0x9c: {  	s6 =	simm.s32 $0x0;
	s20 =	sshll.u32 s4, $0x1;
	s4 =	sadd.s32 s21, s2  }
0x9d: {  	[timem:s6], [sflag:s22] =	dma.local [hbm:s4], s20  }
0x9e: {  	_ =	swait.ge [sflag:s22], s20  }
0x9f: {  	s3 =	ssub.s32 $0x0, s20;
	[sflag:s22] =	ssyncset.done $0x0  }
0xa0: {  	[sflag:s22] =	ssyncadd.s32 s3;
	_ =	sdelay $0x1  }
0xa1: {  	s23 =	simm.s32 $0x1B8B  }
0xa2: {  	_ =	swait.ge [sflag:s23], $0x1  }
0xa3: {  	[sflag:s23] =	ssyncset.done $0x0  }
0xa4: {  	s25 =	simm.s32 $0x1B8E;
	s24 =	sld [smem:$0x3FFE];
	[sflag:s23] =	ssyncadd.s32 $0xFFFFFFFF  }
0xa5: {  	s26 =	simm.s32 $execute0_lowered;
	[smem:$0x3FD2] =	sst s25  }
0xa6: {  	s4 =	sshll.u32 s26, $0x1;
	_ =	strace $0x8000004F;
	[dreg:$0x1] =	wrdreg $0xFFFFFFFF  }
0xa7: {  	s28 =	simm.s32 $_size_execute0_lowered;
	s2 =	sadd.s32 s2, s4;
	[dreg:$0x0] =	wrdreg $0x0  }
0xa8: {  	s4 =	sshll.u32 s28, $0x1;
	[dreg:$0x2] =	wrdreg s2  }
0xa9: {  	[dreg:$0x3] =	wrdreg s4  }
0xaa: {  	[dreg:$0x4] =	wrdreg $0xC0  }
0xab: {  	_ =	task [dreg:s6], $0x5FFFF  }
0xac: {  	[dreg:$0x1] =	wrdreg $0xFFFFFFFF  }
0xad: {  	[dreg:$0x0] =	wrdreg $0x60  }
0xae: {  	[dreg:$0x2] =	wrdreg s24  }
0xaf: {  	[dreg:$0x3] =	wrdreg $0x9  }
0xb0: {  	_ =	task.clear_ibuf [dreg:s6], $0x4FFFF;
	_ =	strace $0x9000004F  }
0xb1: {  	s29 =	simm.s32 $0x9;
	_ =	strace $0x80000051  }
0xb2: {  	_ =	swait.ge [sflag:s29], $0x1  }
0xb3: {  	[sflag:s29] =	ssyncadd.s32 $0xFFFFFFFF  }
0xb4: {  	_ =	strace $0x90000051  }
0xb5: {  	_ =	sfence  }
0xb6: {  	s30 =	sld [smem:$0x0];
	_ =	sdelay $0x2  }
0xb7: {  	s31 =	sshll.u32 s1, $0xD;
	s1 =	sshrl.u32 s1, $0x2  }
0xb8: {  	s3 =	sand.u32 $0x4000, s31;
	s1 =	sadd.s32 s1, s30  }
0xb9: {  	s0 =	sor.u32 s3, s0;
	s1 =	sshll.u32 s1, $0x11  }
0xba: {  	s0 =	sor.u32 s1, s0  }
0xbb: {  	s0 =	sadd.s32 $0x8F2B, s0  }
0xbc: {  	[sflag:s0] =	ssyncadd.remote.s32 $0x1  }
0xbd: {  	_ =	sfence.sel $0xFFFF  }
0xbe: {  	[dreg:$0x0] =	wrdreg $0xFFFFFFFF;
	(pc) =	sbr.abs _section_cstart, $3  }
0xbf: {  	[dreg:$0x1] =	wrdreg $0xFFFFFFFF  }
0xc0: {  	_ =	task.clear_ibuf [dreg:s6], $0x2FFFF;
	_ =	strace $0x9FFFFFFF  }
0xc1: {  	(tm) =	ssettm $0x7FFFFFFF  }
tec
execute0_lowered:
.L_overlay_start_1:
0x0: {  	(tag) =	ssettag $0x1  }
0x1: {  	s6 =	rddreg [dreg:$0x0];
	s1 =	srdreg.scid  }
0x2: {  	s0 =	rddreg [dreg:$0x1];
	s2 =	simm.s32 $0x0;
	s11 =	simm.s32 $0x1  }
0x3: {  	s12 =	simm.s32 $0x13D00;
	s13 =	simm.s32 $0x16500;
	s5 =	sand.u32 $0x1, s1  }
0x4: {  	s14 =	simm.s32 $0x16900;
	s1 =	stileid.u32;
	s3 =	sshll.u32 s5, $0x4  }
0x5: {  	s15 =	simm.s32 $0x16D00;
	s16 =	simm.s32 $0x0;
	s3 =	sor.u32 s1, s3  }
0x6: {  	[smem:$0x7FF] =	sst s2;
	s4 =	sadd.s32 $0xFDE00, s6;
	s7 =	smul.u32 $0x13C4, s3  }
0x7: {  	_ =	strace $0x80000050;
	s8 =	ssub.s32 $0x2, s5;
	s5 =	sadd.s32 $0x43600, s6  }
0x8: {  	v1 =	vlaneseq.u32;
	s31 =	sshrl.u32 s8, $0x1;
	s3 =	sadd.s32 $0x2E200, s6;
	s9 =	sadd.s32 s7, s6  }
0x9: {  	v2 =	vand.u32 $0x3, v1;
	s10 =	ssub.s32 s8, s31;
	s6 =	sadd.s32 $0x57C00, s6;
	s7 =	sadd.s32 $0x6200, s9  }
0xa: {  	v0 =	vimm.f32 $0.0e+00;
	v1 =	vshrl.u32 v1, $0x2;
	v2 =	vmul.u32 $0x2788, v2;
	s8 =	sadd.s32 $0xCF600, s9;
	s9 =	smax.u32 s10, $0x1;
	s10 =	simm.s32 $0x9E80  }
.LBB2_1:
0xb: {  	[tilespmem:s10], [sflag:$0x1] =	stream.linear.gather [hbm4b:s7+s2], $0x9E20, $0x38;
	[tilespmem:$0x17100] =	vst v63  }
0xc: {  	_ =	swait.ge [sflag:s11], $0x9E20  }
0xd: {  	[sflag:s11] =	ssyncset.done $0x0  }
0xe: {  	[sflag:s11] =	ssyncadd.s32 $0xFFFF61E0  }
0xf: {  	[tilespmem:s12], [sflag:$0x1] =	stream.linear.gather [hbm4b:s6+s2], $0x2800, $0x38;
	[tilespmem:$0x17100] =	vst v63  }
0x10: {  	_ =	swait.ge [sflag:s11], $0x2800  }
0x11: {  	[sflag:s11] =	ssyncset.done $0x0  }
0x12: {  	s17 =	simm.s32 $0x0;
	[sflag:s11] =	ssyncadd.s32 $0xFFFFD800  }
.LBB2_2:
0x13: {  	p0 =	sne.s32 s17, $0x27840  }
.Ltmp0:
0x14: {  	_ = 	snop;
	(pc) =	sbr.rel @p0 .LBB2_2-.Ltmp0, $3  }
0x15: {  	_ =	sdelay $0x1  }
0x16: {  	s18 =	sshra.s32 s17, $0x2  }
0x17: {  	s17 =	sadd.s32 $0x40, s17;
	[tilespmem:s18+$0x0] =	vst v0  }
0x18: {  	s17 =	simm.s32 $0x0  }
.LBB2_4:
0x19: {  	s18 =	sshll.u32 s17, $0x7  }
0x1a: {  	s19 =	sadd.s32 s3, s18  }
0x1b: {  	[tilespmem:s13], [sflag:$0x1] =	stream.linear.gather [hbm4b:s19+s2], $0x400, $0x38;
	[tilespmem:$0x17100] =	vst v63  }
0x1c: {  	_ =	swait.ge [sflag:s11], $0x400  }
0x1d: {  	[sflag:s11] =	ssyncset.done $0x0  }
0x1e: {  	s31 =	sadd.s32 s4, s18;
	[sflag:s11] =	ssyncadd.s32 $0xFFFFFC00  }
0x1f: {  	[tilespmem:s14], [sflag:$0x1] =	stream.linear.gather [hbm4b:s31+s2], $0x400, $0x38;
	[tilespmem:$0x17100] =	vst v63  }
0x20: {  	_ =	swait.ge [sflag:s11], $0x400  }
0x21: {  	[sflag:s11] =	ssyncset.done $0x0  }
0x22: {  	s18 =	sadd.s32 s5, s18;
	[sflag:s11] =	ssyncadd.s32 $0xFFFFFC00  }
0x23: {  	[tilespmem:s15], [sflag:$0x1] =	stream.linear.gather [hbm4b:s18+s2], $0x400, $0x38;
	[tilespmem:$0x17100] =	vst v63  }
0x24: {  	_ =	swait.ge [sflag:s11], $0x400  }
0x25: {  	[sflag:s11] =	ssyncset.done $0x0  }
0x26: {  	s18 =	simm.s32 $0x1C;
	[sflag:s11] =	ssyncadd.s32 $0xFFFFFC00  }
.LBB2_5:
0x27: {  	s19 =	sadd.s32 $0xFFFFFFE4, s18  }
0x28: {  	v3 =	vor.u32 s19, v1;
	_ =	sdelay $0x4  }
0x29: {  	v4 =	vld.idx.msk [tilespmem:v3+s13+$0x0], $0xffff;
	_ =	sdelay $0x4  }
0x2a: {  	v5 =	vadd.s32 v2, v4  }
0x2b: {  	v6 =	vld.idx.msk [tilespmem:v3+s14+$0x0], $0xffff  }
0x2c: {  	v3 =	vld.idx.msk [tilespmem:v3+s15+$0x0], $0xffff  }
0x2d: {  	v4 =	vld.idx.msk [tilespmem:v4+s12+$0x0], $0xffff;
	_ =	sdelay $0x1  }
0x2e: {  	v5 =	vld.idx.msk [tilespmem:v5+s10+$0x0], $0xffff;
	_ =	sdelay $0x1  }
0x2f: {  	s25 =	sadd.s32 $0xFFFFFFE8, s18;
	v6 =	vadd.s32 v2, v6  }
0x30: {  	v50 =	vor.u32 s25, v1;
	v3 =	vmul.f32 v4, v3;
	_ =	sdelay $0x1  }
0x31: {  	v3 =	vmul.f32 v3, v5;
	_ =	sdelay $0x1  }
0x32: {  	[tilespmem:v6+s2+$0x0] =	vst.idx.add.f32.msk $0xffff, v3  }
0x33: {  	v3 =	vld.idx.msk [tilespmem:v50+s13+$0x0], $0xffff;
	_ =	sdelay $0x4  }
0x34: {  	v51 =	vadd.s32 v2, v3  }
0x35: {  	v6 =	vld.idx.msk [tilespmem:v50+s14+$0x0], $0xffff  }
0x36: {  	v4 =	vld.idx.msk [tilespmem:v50+s15+$0x0], $0xffff  }
0x37: {  	v3 =	vld.idx.msk [tilespmem:v3+s12+$0x0], $0xffff;
	_ =	sdelay $0x1  }
0x38: {  	v5 =	vld.idx.msk [tilespmem:v51+s10+$0x0], $0xffff;
	_ =	sdelay $0x1  }
0x39: {  	s26 =	sadd.s32 $0xFFFFFFEC, s18;
	v6 =	vadd.s32 v2, v6  }
0x3a: {  	v52 =	vor.u32 s26, v1;
	v3 =	vmul.f32 v3, v4;
	_ =	sdelay $0x1  }
0x3b: {  	v3 =	vmul.f32 v3, v5;
	_ =	sdelay $0x1  }
0x3c: {  	[tilespmem:v6+s2+$0x0] =	vst.idx.add.f32.msk $0xffff, v3  }
0x3d: {  	v3 =	vld.idx.msk [tilespmem:v52+s13+$0x0], $0xffff;
	_ =	sdelay $0x4  }
0x3e: {  	v53 =	vadd.s32 v2, v3  }
0x3f: {  	v6 =	vld.idx.msk [tilespmem:v52+s14+$0x0], $0xffff  }
0x40: {  	v4 =	vld.idx.msk [tilespmem:v52+s15+$0x0], $0xffff  }
0x41: {  	v3 =	vld.idx.msk [tilespmem:v3+s12+$0x0], $0xffff;
	_ =	sdelay $0x1  }
0x42: {  	v5 =	vld.idx.msk [tilespmem:v53+s10+$0x0], $0xffff;
	_ =	sdelay $0x1  }
0x43: {  	s28 =	sadd.s32 $0xFFFFFFF0, s18;
	v6 =	vadd.s32 v2, v6  }
0x44: {  	v54 =	vor.u32 s28, v1;
	v3 =	vmul.f32 v3, v4;
	_ =	sdelay $0x1  }
0x45: {  	v3 =	vmul.f32 v3, v5;
	_ =	sdelay $0x1  }
0x46: {  	[tilespmem:v6+s2+$0x0] =	vst.idx.add.f32.msk $0xffff, v3  }
0x47: {  	v3 =	vld.idx.msk [tilespmem:v54+s13+$0x0], $0xffff;
	_ =	sdelay $0x4  }
0x48: {  	v55 =	vadd.s32 v2, v3  }
0x49: {  	v6 =	vld.idx.msk [tilespmem:v54+s14+$0x0], $0xffff  }
0x4a: {  	v4 =	vld.idx.msk [tilespmem:v54+s15+$0x0], $0xffff  }
0x4b: {  	v3 =	vld.idx.msk [tilespmem:v3+s12+$0x0], $0xffff;
	_ =	sdelay $0x1  }
0x4c: {  	v5 =	vld.idx.msk [tilespmem:v55+s10+$0x0], $0xffff;
	_ =	sdelay $0x1  }
0x4d: {  	s29 =	sadd.s32 $0xFFFFFFF4, s18;
	v6 =	vadd.s32 v2, v6  }
0x4e: {  	v56 =	vor.u32 s29, v1;
	v3 =	vmul.f32 v3, v4;
	_ =	sdelay $0x1  }
0x4f: {  	v3 =	vmul.f32 v3, v5;
	_ =	sdelay $0x1  }
0x50: {  	[tilespmem:v6+s2+$0x0] =	vst.idx.add.f32.msk $0xffff, v3  }
0x51: {  	v3 =	vld.idx.msk [tilespmem:v56+s13+$0x0], $0xffff;
	_ =	sdelay $0x4  }
0x52: {  	v57 =	vadd.s32 v2, v3  }
0x53: {  	v6 =	vld.idx.msk [tilespmem:v56+s14+$0x0], $0xffff  }
0x54: {  	v4 =	vld.idx.msk [tilespmem:v56+s15+$0x0], $0xffff  }
0x55: {  	v3 =	vld.idx.msk [tilespmem:v3+s12+$0x0], $0xffff;
	_ =	sdelay $0x1  }
0x56: {  	v5 =	vld.idx.msk [tilespmem:v57+s10+$0x0], $0xffff;
	_ =	sdelay $0x1  }
0x57: {  	s30 =	sadd.s32 $0xFFFFFFF8, s18;
	v6 =	vadd.s32 v2, v6  }
0x58: {  	v58 =	vor.u32 s30, v1;
	v3 =	vmul.f32 v3, v4;
	_ =	sdelay $0x1  }
0x59: {  	v3 =	vmul.f32 v3, v5;
	_ =	sdelay $0x1  }
0x5a: {  	[tilespmem:v6+s2+$0x0] =	vst.idx.add.f32.msk $0xffff, v3  }
0x5b: {  	v3 =	vld.idx.msk [tilespmem:v58+s13+$0x0], $0xffff;
	_ =	sdelay $0x4  }
0x5c: {  	v59 =	vadd.s32 v2, v3  }
0x5d: {  	v6 =	vld.idx.msk [tilespmem:v58+s14+$0x0], $0xffff  }
0x5e: {  	v4 =	vld.idx.msk [tilespmem:v58+s15+$0x0], $0xffff  }
0x5f: {  	v3 =	vld.idx.msk [tilespmem:v3+s12+$0x0], $0xffff;
	_ =	sdelay $0x1  }
0x60: {  	v5 =	vld.idx.msk [tilespmem:v59+s10+$0x0], $0xffff;
	_ =	sdelay $0x1  }
0x61: {  	s31 =	sadd.s32 $0xFFFFFFFC, s18;
	v6 =	vadd.s32 v2, v6  }
0x62: {  	v60 =	vor.u32 s31, v1;
	v3 =	vmul.f32 v3, v4;
	_ =	sdelay $0x1  }
0x63: {  	v3 =	vmul.f32 v3, v5;
	_ =	sdelay $0x1  }
0x64: {  	[tilespmem:v6+s2+$0x0] =	vst.idx.add.f32.msk $0xffff, v3  }
0x65: {  	v3 =	vld.idx.msk [tilespmem:v60+s13+$0x0], $0xffff;
	_ =	sdelay $0x4  }
0x66: {  	v61 =	vadd.s32 v2, v3  }
0x67: {  	v6 =	vld.idx.msk [tilespmem:v60+s14+$0x0], $0xffff  }
0x68: {  	v4 =	vld.idx.msk [tilespmem:v60+s15+$0x0], $0xffff  }
0x69: {  	v3 =	vld.idx.msk [tilespmem:v3+s12+$0x0], $0xffff;
	_ =	sdelay $0x1  }
0x6a: {  	v5 =	vld.idx.msk [tilespmem:v61+s10+$0x0], $0xffff;
	_ =	sdelay $0x1  }
0x6b: {  	v6 =	vadd.s32 v2, v6  }
0x6c: {  	v62 =	vor.u32 s18, v1;
	v3 =	vmul.f32 v3, v4;
	_ =	sdelay $0x1  }
0x6d: {  	v3 =	vmul.f32 v3, v5;
	_ =	sdelay $0x1  }
0x6e: {  	[tilespmem:v6+s2+$0x0] =	vst.idx.add.f32.msk $0xffff, v3  }
0x6f: {  	v3 =	vld.idx.msk [tilespmem:v62+s13+$0x0], $0xffff;
	_ =	sdelay $0x4  }
0x70: {  	v63 =	vadd.s32 v2, v3  }
0x71: {  	v6 =	vld.idx.msk [tilespmem:v62+s14+$0x0], $0xffff  }
0x72: {  	v4 =	vld.idx.msk [tilespmem:v62+s15+$0x0], $0xffff  }
0x73: {  	v3 =	vld.idx.msk [tilespmem:v3+s12+$0x0], $0xffff;
	_ =	sdelay $0x1  }
0x74: {  	v5 =	vld.idx.msk [tilespmem:v63+s10+$0x0], $0xffff;
	_ =	sdelay $0x1  }
0x75: {  	p0 =	sne.s32 s18, $0x3FC;
	v6 =	vadd.s32 v2, v6  }
.Ltmp1:
0x76: {  	v3 =	vmul.f32 v3, v4;
	(pc) =	sbr.rel @p0 .LBB2_5-.Ltmp1, $3  }
0x77: {  	_ = 	snop  }
0x78: {  	v3 =	vmul.f32 v3, v5;
	_ =	sdelay $0x1  }
0x79: {  	s18 =	sadd.s32 $0x20, s18;
	[tilespmem:v6+s2+$0x0] =	vst.idx.add.f32.msk $0xffff, v3  }
0x7a: {  	s17 =	sadd.s32 $0x1, s17  }
0x7b: {  	p0 =	sne.s32 s17, $0x140  }
.Ltmp2:
0x7c: {  	_ = 	snop;
	(pc) =	sbr.rel @p0 .LBB2_4-.Ltmp2, $1  }
0x7d: {  	_ =	sdelay $0x3  }
0x7e: {  	s16 =	sadd.s32 $0x1, s16  }
0x7f: {  	p0 =	sne.s32 s16, s9  }
.Ltmp3:
0x80: {  	_ = 	snop;
	(pc) =	sbr.rel @p0 .LBB2_1-.Ltmp3, $4  }
0x81: {  	[hbm4b:s8+s2] =	stream.linear.scatter [tilespmem:s2], [sflag:$0x1], $0x9E20, $0x38;
	[tilespmem:$0x17100] =	vst v63  }
0x82: {  	_ =	swait.ge [sflag:s11], $0x9E20  }
0x83: {  	[sflag:s11] =	ssyncset.done $0x0  }
0x84: {  	[sflag:s11] =	ssyncadd.s32 $0xFFFF61E0  }
0x85: {  	_ =	sfence.sel $0x180000  }
0x86: {  	[bflag:$0x0] =	sbarrier.arrive $0xFFFF  }
0x87: {  	p0 =	sne.s32 s1, $0x0;
	_ =	strace $0x90000050  }
0x88: {  	s0 =	sadd.s32 @!p0 $0x100000, s0;
	[bflag:$0x2] =	sbarrier.arrive $0xFFFF  }
0x89: {  	[sflag:s0] =	ssyncadd.tile.s32 @!p0 $0x1;
	_ =	shalt  }
.Lfunc_end2:
_tile_overlayer_lowered:
.L_overlay_start_2:
0x8a: {  	(tag) =	ssettag $0x2  }
0x8b: {  	s0 =	rddreg [dreg:$0x0];
	s2 =	stileid.u32  }
0x8c: {  	s1 =	rddreg [dreg:$0x1];
	p0 =	sne.s32 s2, $0x0  }
0x8d: {  	s3 =	rddreg [dreg:$0x2];
	[bflag:$0x3] =	sbarrier.arrive $0xFFFF;
	s2 =	simm.s32 @!p0 $0x1C01  }
0x8e: {  	[timem:s3], [sflag:s2] =	dma.local @!p0 [hbm:s0], s1  }
0x8f: {  	s0 =	simm.s32 @!p0 $0x1  }
0x90: {  	_ =	swait.ge @!p0 [sflag:s0], s1  }
0x91: {  	s1 =	ssub.s32 @!p0 $0x0, s1;
	[sflag:s0] =	ssyncset.done @!p0 $0x0  }
0x92: {  	[sflag:s0] =	ssyncadd.s32 @!p0 s1  }
0x93: {  	[bflag:$0x3] =	sbarrier.arrive $0xFFFF  }
0x94: {  	_ =	shalt  }

// kernel: kernel.25.cloned.1.call-start
scs
__scs_entry_jumppad:
0x0: {  	(pc) =	sbr.rel $0x88, $3  }
0x1: {  	(tag) =	ssettag $0x0;
	lr =	simm.s32 $0x1  }
0x2: {  	[smem:$0x3F95] =	sst lr;
	_ =	strace $0xD0000000  }
0x3: {  	_ = 	snop  }
0x4: {  	_ = 	snop  }
0x5: {  	_ = 	snop  }
0x6: {  	_ = 	snop  }
0x7: {  	_ = 	snop  }
__scs_overlays_trampoline_lowered:
0x8: {  	[smem:$0x3FA4] =	sst s0  }
0x9: {  	[smem:$0x3FA5] =	sst s1  }
0xa: {  	[smem:$0x3FA6] =	sst s2  }
0xb: {  	[smem:$0x3FA7] =	sst s3  }
0xc: {  	[smem:$0x3FA8] =	sst s4  }
0xd: {  	[smem:$0x3FA9] =	sst s5  }
0xe: {  	[smem:$0x3FAA] =	sst s6  }
0xf: {  	[smem:$0x3FAB] =	sst s7  }
0x10: {  	[smem:$0x3FAC] =	sst s8  }
0x11: {  	[smem:$0x3FAD] =	sst s9;
	s0 =	simm.s32 @!p0 $0x0  }
0x12: {  	s1 =	sld [smem:$0x3F93];
	s0 =	simm.s32 @p0 $0x1  }
0x13: {  	[smem:$0x3FAE] =	sst s0;
	s0 =	simm.s32 @!p1 $0x0  }
0x14: {  	s2 =	sld [smem:$0x3F92];
	s0 =	simm.s32 @p1 $0x1  }
0x15: {  	[smem:$0x3FAF] =	sst s0;
	s0 =	simm.s32 @!p2 $0x0  }
0x16: {  	s3 =	sld [smem:$0x3FDB];
	s0 =	simm.s32 @p2 $0x1  }
0x17: {  	s4 =	simm.s32 $0x1BF5;
	[smem:$0x3FB1] =	sst s0  }
0x18: {  	s0 =	sld [smem:$0x3F94];
	_ =	swait.ge [sflag:s4], $0x0  }
0x19: {  	s7 =	sld [smem:$0x3F95]  }
0x1a: {  	s8 =	sadd.s32 $0xFFFFE003, lr  }
0x1b: {  	s9 =	sadd.s32 $0xFFFFFEF7, lr;
	s5 =	simm.s32 $0xFFFFFFFF;
	p2 =	slt.u32 s8, $0xFFFFF086  }
0x1c: {  	p1 =	slt.u32 s9, $0xF7A;
	s5 =	simm.s32 @!p2 $0x0  }
0x1d: {  	s5 =	simm.s32 @p1 $0x1;
	p0 =	seq.s32 s7, s2  }
0x1e: {  	s7 =	smul.u32 @!p0 $0xF7A, s2;
	p2 =	seq.s32 @!p0 s5, $0x0  }
0x1f: {  	s9 =	smul.u32 $0xF7A, s1;
	s8 =	simm.s32 @!p0 $0x1BF5;
	p2 =	por !p2, p0  }
0x20: {  	[sflag:s8] =	ssyncset.s32 @!p0 $0xFFFFF086;
	s6 =	sadd.s32 @!p0 s3, s7;
	s7 =	simm.s32 @!p0 $0x108  }
0x21: {  	s3 =	sadd.s32 s3, s9;
	s6 =	sadd.s32 @!p0 $0x88, s6;
	s7 =	simm.s32 @p2 $0x1082  }
0x22: {  	[simem:s7], [sflag:s8] =	dma.local @!p0 [hbm:s6], $0xF7A  }
0x23: {  	s9 =	sor.u32 $0xD0000000, s2;
	s6 =	simm.s32 $0x108;
	_ =	swait.ge @!p0 [sflag:s8], $0x0  }
0x24: {  	s3 =	sadd.s32 $0x88, s3;
	s6 =	simm.s32 @!p1 $0x1082;
	[sflag:s4] =	ssyncset.s32 $0xFFFFF086  }
0x25: {  	[simem:s6], [sflag:s4] =	dma.local [hbm:s3], $0xF7A  }
0x26: {  	[smem:$0x3F95] =	sst s1;
	(tag) =	ssettag s2;
	_ =	strace s9  }
0x27: {  	s1 =	sld [smem:$0x3FA5]  }
0x28: {  	s2 =	sld [smem:$0x3FA6]  }
0x29: {  	s4 =	sld [smem:$0x3FA8]  }
0x2a: {  	p0 =	seq.s32 s5, $0x0;
	s5 =	sld [smem:$0x3FA9]  }
0x2b: {  	s6 =	sld [smem:$0x3FAA]  }
0x2c: {  	s7 =	sld [smem:$0x3FAB]  }
0x2d: {  	s3 =	simm.s32 $0x108;
	s8 =	sld [smem:$0x3FAC]  }
0x2e: {  	s3 =	simm.s32 @!p0 $0x1082;
	s9 =	sld [smem:$0x3FAD]  }
0x2f: {  	lr =	sadd.s32 s0, s3;
	s0 =	sld [smem:$0x3FA4]  }
0x30: {  	s3 =	sld [smem:$0x3FA7]  }
0x31: {  	[smem:$0x3FB0] =	sst s10  }
0x32: {  	s10 =	sld [smem:$0x3FAE];
	_ =	sdelay $0x3  }
0x33: {  	p0 =	seq.s32 s10, $0x1;
	s10 =	sld [smem:$0x3FB0];
	_ =	sdelay $0x3  }
0x34: {  	[smem:$0x3FB0] =	sst s10  }
0x35: {  	s10 =	sld [smem:$0x3FAF];
	_ =	sdelay $0x3  }
0x36: {  	p1 =	seq.s32 s10, $0x1;
	s10 =	sld [smem:$0x3FB0];
	_ =	sdelay $0x3  }
0x37: {  	[smem:$0x3FB0] =	sst s10  }
0x38: {  	s10 =	sld [smem:$0x3FB1]  }
0x39: {  	_ = 	snop;
	(pc) =	sbr.ind lr, $3  }
0x3a: {  	_ = 	snop  }
0x3b: {  	_ = 	snop  }
0x3c: {  	p2 =	seq.s32 s10, $0x1;
	s10 =	sld [smem:$0x3FB0]  }
0x3d: {  	_ =	shalt  }
0x3e: {  	_ =	shalt  }
0x3f: {  	_ =	shalt  }
0x40: {  	_ =	shalt  }
0x41: {  	_ =	shalt  }
0x42: {  	_ =	shalt  }
0x43: {  	_ =	shalt  }
0x44: {  	_ =	shalt  }
0x45: {  	_ =	shalt  }
0x46: {  	_ =	shalt  }
0x47: {  	_ =	shalt  }
0x48: {  	_ =	shalt  }
0x49: {  	_ =	shalt  }
0x4a: {  	_ =	shalt  }
0x4b: {  	_ =	shalt  }
0x4c: {  	_ =	shalt  }
0x4d: {  	_ =	shalt  }
0x4e: {  	_ =	shalt  }
0x4f: {  	_ =	shalt  }
0x50: {  	_ =	shalt  }
0x51: {  	_ =	shalt  }
0x52: {  	_ =	shalt  }
0x53: {  	_ =	shalt  }
0x54: {  	_ =	shalt  }
0x55: {  	_ =	shalt  }
0x56: {  	_ =	shalt  }
0x57: {  	_ =	shalt  }
0x58: {  	_ =	shalt  }
0x59: {  	_ =	shalt  }
0x5a: {  	_ =	shalt  }
0x5b: {  	_ =	shalt  }
0x5c: {  	_ =	shalt  }
0x5d: {  	_ =	shalt  }
0x5e: {  	_ =	shalt  }
0x5f: {  	_ =	shalt  }
0x60: {  	_ =	shalt  }
0x61: {  	_ =	shalt  }
0x62: {  	_ =	shalt  }
0x63: {  	_ =	shalt  }
0x64: {  	_ =	shalt  }
0x65: {  	_ =	shalt  }
0x66: {  	_ =	shalt  }
0x67: {  	_ =	shalt  }
0x68: {  	_ =	shalt  }
0x69: {  	_ =	shalt  }
0x6a: {  	_ =	shalt  }
0x6b: {  	_ =	shalt  }
0x6c: {  	_ =	shalt  }
0x6d: {  	_ =	shalt  }
0x6e: {  	_ =	shalt  }
0x6f: {  	_ =	shalt  }
0x70: {  	_ =	shalt  }
0x71: {  	_ =	shalt  }
0x72: {  	_ =	shalt  }
0x73: {  	_ =	shalt  }
0x74: {  	_ =	shalt  }
0x75: {  	_ =	shalt  }
0x76: {  	_ =	shalt  }
0x77: {  	_ =	shalt  }
0x78: {  	_ =	shalt  }
0x79: {  	_ =	shalt  }
0x7a: {  	_ =	shalt  }
0x7b: {  	_ =	shalt  }
0x7c: {  	_ =	shalt  }
0x7d: {  	_ =	shalt  }
0x7e: {  	_ =	shalt  }
0x7f: {  	_ =	shalt  }
0x80: {  	_ =	shalt  }
0x81: {  	_ =	shalt  }
0x82: {  	_ =	shalt  }
0x83: {  	_ =	shalt  }
0x84: {  	_ =	shalt  }
0x85: {  	_ =	shalt  }
0x86: {  	_ =	shalt  }
0x87: {  	_ =	shalt  }
.Lfunc_end0:
.L_simem_size_0:
called_computation.4_lowered:
.L_overlay_start_0:
0x88: {  	s2 =	sld [smem:$0x3FD9]  }
0x89: {  	s3 =	sld [smem:$0x3FFE];
	_ =	sdelay $0x1  }
0x8a: {  	s1 =	srdreg.scid  }
0x8b: {  	s0 =	sand.u32 $0x1, s1  }
0x8c: {  	s16 =	sshll.u32 s0, $0xA;
	s2 =	sadd.s32 s3, s2  }
0x8d: {  	s2 =	sadd.s32 s2, s16  }
0x8e: {  	[smem:$0x3FBC] =	sst s2  }
0x8f: {  	_ = 	snop  }
0x90: {  	(tm) =	ssettm $0x1  }
0x91: {  	s17 =	sld [smem:$0x3FFB];
	_ =	sdelay $0x3  }
0x92: {  	_ =	strace s17  }
0x93: {  	s2 =	sld [smem:$0x3FFC];
	_ =	sdelay $0x3  }
0x94: {  	_ =	strace s2  }
0x95: {  	s2 =	sld [smem:$0x3FFD];
	_ =	sdelay $0x3  }
0x96: {  	_ =	strace s2  }
0x97: {  	_ =	strace $0x8FFFFFFF  }
0x98: {  	s18 =	sld [smem:$0x3FDB];
	_ =	sdelay $0x1  }
0x99: {  	s19 =	simm.s32 $_scs_section_size  }
0x9a: {  	s4 =	simm.s32 $_size__tile_overlayer_lowered;
	s5 =	simm.s32 $_tile_overlayer_lowered  }
0x9b: {  	s22 =	simm.s32 $0x1BFF;
	s21 =	sshll.u32 s5, $0x1;
	s2 =	sadd.s32 s19, s18  }
0x9c: {  	s6 =	simm.s32 $0x0;
	s20 =	sshll.u32 s4, $0x1;
	s4 =	sadd.s32 s21, s2  }
0x9d: {  	[timem:s6], [sflag:s22] =	dma.local [hbm:s4], s20  }
0x9e: {  	_ =	swait.ge [sflag:s22], s20  }
0x9f: {  	s3 =	ssub.s32 $0x0, s20;
	[sflag:s22] =	ssyncset.done $0x0  }
0xa0: {  	[sflag:s22] =	ssyncadd.s32 s3;
	_ =	sdelay $0x1  }
0xa1: {  	s23 =	simm.s32 $0x1B8B  }
0xa2: {  	_ =	swait.ge [sflag:s23], $0x1  }
0xa3: {  	[sflag:s23] =	ssyncset.done $0x0  }
0xa4: {  	s25 =	simm.s32 $0x1B8E;
	s24 =	sld [smem:$0x3FFE];
	[sflag:s23] =	ssyncadd.s32 $0xFFFFFFFF  }
0xa5: {  	s26 =	simm.s32 $execute0_lowered;
	[smem:$0x3FD2] =	sst s25  }
0xa6: {  	s4 =	sshll.u32 s26, $0x1;
	_ =	strace $0x80000052;
	[dreg:$0x1] =	wrdreg $0xFFFFFFFF  }
0xa7: {  	s28 =	simm.s32 $_size_execute0_lowered;
	s2 =	sadd.s32 s2, s4;
	[dreg:$0x0] =	wrdreg $0x0  }
0xa8: {  	s4 =	sshll.u32 s28, $0x1;
	[dreg:$0x2] =	wrdreg s2  }
0xa9: {  	[dreg:$0x3] =	wrdreg s4  }
0xaa: {  	[dreg:$0x4] =	wrdreg $0xC0  }
0xab: {  	_ =	task [dreg:s6], $0x5FFFF  }
0xac: {  	[dreg:$0x1] =	wrdreg $0xFFFFFFFF  }
0xad: {  	[dreg:$0x0] =	wrdreg $0x60  }
0xae: {  	[dreg:$0x2] =	wrdreg s24  }
0xaf: {  	[dreg:$0x3] =	wrdreg $0x9  }
0xb0: {  	_ =	task.clear_ibuf [dreg:s6], $0x4FFFF;
	_ =	strace $0x90000052  }
0xb1: {  	s29 =	simm.s32 $0x9;
	_ =	strace $0x80000054  }
0xb2: {  	_ =	swait.ge [sflag:s29], $0x1  }
0xb3: {  	[sflag:s29] =	ssyncadd.s32 $0xFFFFFFFF  }
0xb4: {  	_ =	strace $0x90000054  }
0xb5: {  	_ =	sfence  }
0xb6: {  	s30 =	sld [smem:$0x0];
	_ =	sdelay $0x2  }
0xb7: {  	s31 =	sshll.u32 s1, $0xD;
	s1 =	sshrl.u32 s1, $0x2  }
0xb8: {  	s3 =	sand.u32 $0x4000, s31;
	s1 =	sadd.s32 s1, s30  }
0xb9: {  	s0 =	sor.u32 s3, s0;
	s1 =	sshll.u32 s1, $0x11  }
0xba: {  	s0 =	sor.u32 s1, s0  }
0xbb: {  	s0 =	sadd.s32 $0x8F2B, s0  }
0xbc: {  	[sflag:s0] =	ssyncadd.remote.s32 $0x1  }
0xbd: {  	_ =	sfence.sel $0xFFFF  }
0xbe: {  	[dreg:$0x0] =	wrdreg $0xFFFFFFFF;
	(pc) =	sbr.abs _section_cstart, $3  }
0xbf: {  	[dreg:$0x1] =	wrdreg $0xFFFFFFFF  }
0xc0: {  	_ =	task.clear_ibuf [dreg:s6], $0x2FFFF;
	_ =	strace $0x9FFFFFFF  }
0xc1: {  	(tm) =	ssettm $0x7FFFFFFF  }
tec
execute0_lowered:
.L_overlay_start_1:
0x0: {  	(tag) =	ssettag $0x1  }
0x1: {  	s6 =	rddreg [dreg:$0x0];
	s1 =	srdreg.scid  }
0x2: {  	s0 =	rddreg [dreg:$0x1];
	s2 =	simm.s32 $0x0;
	s11 =	simm.s32 $0x1  }
0x3: {  	s12 =	simm.s32 $0x13D00;
	s13 =	simm.s32 $0x16500;
	s5 =	sand.u32 $0x1, s1  }
0x4: {  	s14 =	simm.s32 $0x16900;
	s1 =	stileid.u32;
	s3 =	sshll.u32 s5, $0x4  }
0x5: {  	s15 =	simm.s32 $0x16D00;
	s16 =	simm.s32 $0x0;
	s3 =	sor.u32 s1, s3  }
0x6: {  	[smem:$0x7FF] =	sst s2;
	s4 =	sadd.s32 $0xFDE00, s6;
	s7 =	smul.u32 $0x13C4, s3  }
0x7: {  	_ =	strace $0x80000053;
	s8 =	ssub.s32 $0x2, s5;
	s5 =	sadd.s32 $0x4D600, s6  }
0x8: {  	v1 =	vlaneseq.u32;
	s31 =	sshrl.u32 s8, $0x1;
	s3 =	sadd.s32 $0x2E200, s6;
	s9 =	sadd.s32 s7, s6  }
0x9: {  	v2 =	vand.u32 $0x3, v1;
	s10 =	ssub.s32 s8, s31;
	s6 =	sadd.s32 $0x58200, s6;
	s7 =	sadd.s32 $0xCF600, s9  }
0xa: {  	v0 =	vimm.f32 $0.0e+00;
	v1 =	vshrl.u32 v1, $0x2;
	v2 =	vmul.u32 $0x2788, v2;
	s8 =	sadd.s32 $0x58800, s9;
	s9 =	smax.u32 s10, $0x1;
	s10 =	simm.s32 $0x9E80  }
.LBB2_1:
0xb: {  	[tilespmem:s10], [sflag:$0x1] =	stream.linear.gather [hbm4b:s7+s2], $0x9E20, $0x38;
	[tilespmem:$0x17100] =	vst v63  }
0xc: {  	_ =	swait.ge [sflag:s11], $0x9E20  }
0xd: {  	[sflag:s11] =	ssyncset.done $0x0  }
0xe: {  	[sflag:s11] =	ssyncadd.s32 $0xFFFF61E0  }
0xf: {  	[tilespmem:s12], [sflag:$0x1] =	stream.linear.gather [hbm4b:s6+s2], $0x2800, $0x38;
	[tilespmem:$0x17100] =	vst v63  }
0x10: {  	_ =	swait.ge [sflag:s11], $0x2800  }
0x11: {  	[sflag:s11] =	ssyncset.done $0x0  }
0x12: {  	s17 =	simm.s32 $0x0;
	[sflag:s11] =	ssyncadd.s32 $0xFFFFD800  }
.LBB2_2:
0x13: {  	p0 =	sne.s32 s17, $0x27840  }
.Ltmp0:
0x14: {  	_ = 	snop;
	(pc) =	sbr.rel @p0 .LBB2_2-.Ltmp0, $3  }
0x15: {  	_ =	sdelay $0x1  }
0x16: {  	s18 =	sshra.s32 s17, $0x2  }
0x17: {  	s17 =	sadd.s32 $0x40, s17;
	[tilespmem:s18+$0x0] =	vst v0  }
0x18: {  	s17 =	simm.s32 $0x0  }
.LBB2_4:
0x19: {  	s18 =	sshll.u32 s17, $0x7  }
0x1a: {  	s19 =	sadd.s32 s3, s18  }
0x1b: {  	[tilespmem:s13], [sflag:$0x1] =	stream.linear.gather [hbm4b:s19+s2], $0x400, $0x38;
	[tilespmem:$0x17100] =	vst v63  }
0x1c: {  	_ =	swait.ge [sflag:s11], $0x400  }
0x1d: {  	[sflag:s11] =	ssyncset.done $0x0  }
0x1e: {  	s31 =	sadd.s32 s4, s18;
	[sflag:s11] =	ssyncadd.s32 $0xFFFFFC00  }
0x1f: {  	[tilespmem:s14], [sflag:$0x1] =	stream.linear.gather [hbm4b:s31+s2], $0x400, $0x38;
	[tilespmem:$0x17100] =	vst v63  }
0x20: {  	_ =	swait.ge [sflag:s11], $0x400  }
0x21: {  	[sflag:s11] =	ssyncset.done $0x0  }
0x22: {  	s18 =	sadd.s32 s5, s18;
	[sflag:s11] =	ssyncadd.s32 $0xFFFFFC00  }
0x23: {  	[tilespmem:s15], [sflag:$0x1] =	stream.linear.gather [hbm4b:s18+s2], $0x400, $0x38;
	[tilespmem:$0x17100] =	vst v63  }
0x24: {  	_ =	swait.ge [sflag:s11], $0x400  }
0x25: {  	[sflag:s11] =	ssyncset.done $0x0  }
0x26: {  	s18 =	simm.s32 $0x1C;
	[sflag:s11] =	ssyncadd.s32 $0xFFFFFC00  }
.LBB2_5:
0x27: {  	s19 =	sadd.s32 $0xFFFFFFE4, s18  }
0x28: {  	v3 =	vor.u32 s19, v1;
	_ =	sdelay $0x4  }
0x29: {  	v4 =	vld.idx.msk [tilespmem:v3+s13+$0x0], $0xffff;
	_ =	sdelay $0x4  }
0x2a: {  	v5 =	vadd.s32 v2, v4  }
0x2b: {  	v6 =	vld.idx.msk [tilespmem:v3+s14+$0x0], $0xffff  }
0x2c: {  	v3 =	vld.idx.msk [tilespmem:v3+s15+$0x0], $0xffff  }
0x2d: {  	v4 =	vld.idx.msk [tilespmem:v4+s12+$0x0], $0xffff;
	_ =	sdelay $0x1  }
0x2e: {  	v5 =	vld.idx.msk [tilespmem:v5+s10+$0x0], $0xffff;
	_ =	sdelay $0x1  }
0x2f: {  	s25 =	sadd.s32 $0xFFFFFFE8, s18;
	v6 =	vadd.s32 v2, v6  }
0x30: {  	v50 =	vor.u32 s25, v1;
	v3 =	vmul.f32 v4, v3;
	_ =	sdelay $0x1  }
0x31: {  	v3 =	vmul.f32 v3, v5;
	_ =	sdelay $0x1  }
0x32: {  	[tilespmem:v6+s2+$0x0] =	vst.idx.add.f32.msk $0xffff, v3  }
0x33: {  	v3 =	vld.idx.msk [tilespmem:v50+s13+$0x0], $0xffff;
	_ =	sdelay $0x4  }
0x34: {  	v51 =	vadd.s32 v2, v3  }
0x35: {  	v6 =	vld.idx.msk [tilespmem:v50+s14+$0x0], $0xffff  }
0x36: {  	v4 =	vld.idx.msk [tilespmem:v50+s15+$0x0], $0xffff  }
0x37: {  	v3 =	vld.idx.msk [tilespmem:v3+s12+$0x0], $0xffff;
	_ =	sdelay $0x1  }
0x38: {  	v5 =	vld.idx.msk [tilespmem:v51+s10+$0x0], $0xffff;
	_ =	sdelay $0x1  }
0x39: {  	s26 =	sadd.s32 $0xFFFFFFEC, s18;
	v6 =	vadd.s32 v2, v6  }
0x3a: {  	v52 =	vor.u32 s26, v1;
	v3 =	vmul.f32 v3, v4;
	_ =	sdelay $0x1  }
0x3b: {  	v3 =	vmul.f32 v3, v5;
	_ =	sdelay $0x1  }
0x3c: {  	[tilespmem:v6+s2+$0x0] =	vst.idx.add.f32.msk $0xffff, v3  }
0x3d: {  	v3 =	vld.idx.msk [tilespmem:v52+s13+$0x0], $0xffff;
	_ =	sdelay $0x4  }
0x3e: {  	v53 =	vadd.s32 v2, v3  }
0x3f: {  	v6 =	vld.idx.msk [tilespmem:v52+s14+$0x0], $0xffff  }
0x40: {  	v4 =	vld.idx.msk [tilespmem:v52+s15+$0x0], $0xffff  }
0x41: {  	v3 =	vld.idx.msk [tilespmem:v3+s12+$0x0], $0xffff;
	_ =	sdelay $0x1  }
0x42: {  	v5 =	vld.idx.msk [tilespmem:v53+s10+$0x0], $0xffff;
	_ =	sdelay $0x1  }
0x43: {  	s28 =	sadd.s32 $0xFFFFFFF0, s18;
	v6 =	vadd.s32 v2, v6  }
0x44: {  	v54 =	vor.u32 s28, v1;
	v3 =	vmul.f32 v3, v4;
	_ =	sdelay $0x1  }
0x45: {  	v3 =	vmul.f32 v3, v5;
	_ =	sdelay $0x1  }
0x46: {  	[tilespmem:v6+s2+$0x0] =	vst.idx.add.f32.msk $0xffff, v3  }
0x47: {  	v3 =	vld.idx.msk [tilespmem:v54+s13+$0x0], $0xffff;
	_ =	sdelay $0x4  }
0x48: {  	v55 =	vadd.s32 v2, v3  }
0x49: {  	v6 =	vld.idx.msk [tilespmem:v54+s14+$0x0], $0xffff  }
0x4a: {  	v4 =	vld.idx.msk [tilespmem:v54+s15+$0x0], $0xffff  }
0x4b: {  	v3 =	vld.idx.msk [tilespmem:v3+s12+$0x0], $0xffff;
	_ =	sdelay $0x1  }
0x4c: {  	v5 =	vld.idx.msk [tilespmem:v55+s10+$0x0], $0xffff;
	_ =	sdelay $0x1  }
0x4d: {  	s29 =	sadd.s32 $0xFFFFFFF4, s18;
	v6 =	vadd.s32 v2, v6  }
0x4e: {  	v56 =	vor.u32 s29, v1;
	v3 =	vmul.f32 v3, v4;
	_ =	sdelay $0x1  }
0x4f: {  	v3 =	vmul.f32 v3, v5;
	_ =	sdelay $0x1  }
0x50: {  	[tilespmem:v6+s2+$0x0] =	vst.idx.add.f32.msk $0xffff, v3  }
0x51: {  	v3 =	vld.idx.msk [tilespmem:v56+s13+$0x0], $0xffff;
	_ =	sdelay $0x4  }
0x52: {  	v57 =	vadd.s32 v2, v3  }
0x53: {  	v6 =	vld.idx.msk [tilespmem:v56+s14+$0x0], $0xffff  }
0x54: {  	v4 =	vld.idx.msk [tilespmem:v56+s15+$0x0], $0xffff  }
0x55: {  	v3 =	vld.idx.msk [tilespmem:v3+s12+$0x0], $0xffff;
	_ =	sdelay $0x1  }
0x56: {  	v5 =	vld.idx.msk [tilespmem:v57+s10+$0x0], $0xffff;
	_ =	sdelay $0x1  }
0x57: {  	s30 =	sadd.s32 $0xFFFFFFF8, s18;
	v6 =	vadd.s32 v2, v6  }
0x58: {  	v58 =	vor.u32 s30, v1;
	v3 =	vmul.f32 v3, v4;
	_ =	sdelay $0x1  }
0x59: {  	v3 =	vmul.f32 v3, v5;
	_ =	sdelay $0x1  }
0x5a: {  	[tilespmem:v6+s2+$0x0] =	vst.idx.add.f32.msk $0xffff, v3  }
0x5b: {  	v3 =	vld.idx.msk [tilespmem:v58+s13+$0x0], $0xffff;
	_ =	sdelay $0x4  }
0x5c: {  	v59 =	vadd.s32 v2, v3  }
0x5d: {  	v6 =	vld.idx.msk [tilespmem:v58+s14+$0x0], $0xffff  }
0x5e: {  	v4 =	vld.idx.msk [tilespmem:v58+s15+$0x0], $0xffff  }
0x5f: {  	v3 =	vld.idx.msk [tilespmem:v3+s12+$0x0], $0xffff;
	_ =	sdelay $0x1  }
0x60: {  	v5 =	vld.idx.msk [tilespmem:v59+s10+$0x0], $0xffff;
	_ =	sdelay $0x1  }
0x61: {  	s31 =	sadd.s32 $0xFFFFFFFC, s18;
	v6 =	vadd.s32 v2, v6  }
0x62: {  	v60 =	vor.u32 s31, v1;
	v3 =	vmul.f32 v3, v4;
	_ =	sdelay $0x1  }
0x63: {  	v3 =	vmul.f32 v3, v5;
	_ =	sdelay $0x1  }
0x64: {  	[tilespmem:v6+s2+$0x0] =	vst.idx.add.f32.msk $0xffff, v3  }
0x65: {  	v3 =	vld.idx.msk [tilespmem:v60+s13+$0x0], $0xffff;
	_ =	sdelay $0x4  }
0x66: {  	v61 =	vadd.s32 v2, v3  }
0x67: {  	v6 =	vld.idx.msk [tilespmem:v60+s14+$0x0], $0xffff  }
0x68: {  	v4 =	vld.idx.msk [tilespmem:v60+s15+$0x0], $0xffff  }
0x69: {  	v3 =	vld.idx.msk [tilespmem:v3+s12+$0x0], $0xffff;
	_ =	sdelay $0x1  }
0x6a: {  	v5 =	vld.idx.msk [tilespmem:v61+s10+$0x0], $0xffff;
	_ =	sdelay $0x1  }
0x6b: {  	v6 =	vadd.s32 v2, v6  }
0x6c: {  	v62 =	vor.u32 s18, v1;
	v3 =	vmul.f32 v3, v4;
	_ =	sdelay $0x1  }
0x6d: {  	v3 =	vmul.f32 v3, v5;
	_ =	sdelay $0x1  }
0x6e: {  	[tilespmem:v6+s2+$0x0] =	vst.idx.add.f32.msk $0xffff, v3  }
0x6f: {  	v3 =	vld.idx.msk [tilespmem:v62+s13+$0x0], $0xffff;
	_ =	sdelay $0x4  }
0x70: {  	v63 =	vadd.s32 v2, v3  }
0x71: {  	v6 =	vld.idx.msk [tilespmem:v62+s14+$0x0], $0xffff  }
0x72: {  	v4 =	vld.idx.msk [tilespmem:v62+s15+$0x0], $0xffff  }
0x73: {  	v3 =	vld.idx.msk [tilespmem:v3+s12+$0x0], $0xffff;
	_ =	sdelay $0x1  }
0x74: {  	v5 =	vld.idx.msk [tilespmem:v63+s10+$0x0], $0xffff;
	_ =	sdelay $0x1  }
0x75: {  	p0 =	sne.s32 s18, $0x3FC;
	v6 =	vadd.s32 v2, v6  }
.Ltmp1:
0x76: {  	v3 =	vmul.f32 v3, v4;
	(pc) =	sbr.rel @p0 .LBB2_5-.Ltmp1, $3  }
0x77: {  	_ = 	snop  }
0x78: {  	v3 =	vmul.f32 v3, v5;
	_ =	sdelay $0x1  }
0x79: {  	s18 =	sadd.s32 $0x20, s18;
	[tilespmem:v6+s2+$0x0] =	vst.idx.add.f32.msk $0xffff, v3  }
0x7a: {  	s17 =	sadd.s32 $0x1, s17  }
0x7b: {  	p0 =	sne.s32 s17, $0x140  }
.Ltmp2:
0x7c: {  	_ = 	snop;
	(pc) =	sbr.rel @p0 .LBB2_4-.Ltmp2, $1  }
0x7d: {  	_ =	sdelay $0x3  }
0x7e: {  	s16 =	sadd.s32 $0x1, s16  }
0x7f: {  	p0 =	sne.s32 s16, s9  }
.Ltmp3:
0x80: {  	_ = 	snop;
	(pc) =	sbr.rel @p0 .LBB2_1-.Ltmp3, $4  }
0x81: {  	[hbm4b:s8+s2] =	stream.linear.scatter [tilespmem:s2], [sflag:$0x1], $0x9E20, $0x38;
	[tilespmem:$0x17100] =	vst v63  }
0x82: {  	_ =	swait.ge [sflag:s11], $0x9E20  }
0x83: {  	[sflag:s11] =	ssyncset.done $0x0  }
0x84: {  	[sflag:s11] =	ssyncadd.s32 $0xFFFF61E0  }
0x85: {  	_ =	sfence.sel $0x180000  }
0x86: {  	[bflag:$0x0] =	sbarrier.arrive $0xFFFF  }
0x87: {  	p0 =	sne.s32 s1, $0x0;
	_ =	strace $0x90000053  }
0x88: {  	s0 =	sadd.s32 @!p0 $0x100000, s0;
	[bflag:$0x2] =	sbarrier.arrive $0xFFFF  }
0x89: {  	[sflag:s0] =	ssyncadd.tile.s32 @!p0 $0x1;
	_ =	shalt  }
.Lfunc_end2:
_tile_overlayer_lowered:
.L_overlay_start_2:
0x8a: {  	(tag) =	ssettag $0x2  }
0x8b: {  	s0 =	rddreg [dreg:$0x0];
	s2 =	stileid.u32  }
0x8c: {  	s1 =	rddreg [dreg:$0x1];
	p0 =	sne.s32 s2, $0x0  }
0x8d: {  	s3 =	rddreg [dreg:$0x2];
	[bflag:$0x3] =	sbarrier.arrive $0xFFFF;
	s2 =	simm.s32 @!p0 $0x1C01  }
0x8e: {  	[timem:s3], [sflag:s2] =	dma.local @!p0 [hbm:s0], s1  }
0x8f: {  	s0 =	simm.s32 @!p0 $0x1  }
0x90: {  	_ =	swait.ge @!p0 [sflag:s0], s1  }
0x91: {  	s1 =	ssub.s32 @!p0 $0x0, s1;
	[sflag:s0] =	ssyncset.done @!p0 $0x0  }
0x92: {  	[sflag:s0] =	ssyncadd.s32 @!p0 s1  }
0x93: {  	[bflag:$0x3] =	sbarrier.arrive $0xFFFF  }
0x94: {  	_ =	shalt  }

</sc_bundles>
